<compile_context>
chip_gen: v7x
topology: tpu7x:2x2x1
jax: 0.10.2.dev20260603
libtpu: 0.0.44.dev20260713+nightly
codegen_flags: <defaults>
</compile_context>

<pallas_src>
import jax
import jax.numpy as jnp
from jax import lax
from jax.experimental import pallas as pl
from jax.experimental.pallas import tpu as pltpu
from jax.experimental.pallas import tpu_sc as plsc

N = 10000
E = 320000
HID = 128
NC = 2
NS = 16
NPAD = 10240
NPS = NPAD // NS
C = 80
NCH = 250
EPT = NCH * C
EPAD = NS * EPT
L = 16
G = 25
NG = NCH // G


def _rsqrt_newton(d):
    i = plsc.bitcast(d, jnp.int32)
    i = jnp.int32(0x5F3759DF) - (i >> 1)
    y = plsc.bitcast(i, jnp.float32)
    for _ in range(4):
        y = y * (1.5 - 0.5 * d * y * y)
    return jnp.where(d > 0, y, 0.0)


def _sc_body(vsplit, e4, w4, out, degparts, dinvall, srcg, dstg, wg,
             nodebuf, redb, rowb, rowb2, dloc, sadjA, sadjB,
             normA, normB, accsh, sem, gsemA, gsemB, ssem):
    ci = lax.axis_index("c")
    si = lax.axis_index("s")

    def _zero_deg(k, _):
        nodebuf[pl.ds(k * L, L)] = jnp.zeros((L,), jnp.float32)
        return 0
    lax.fori_loop(0, NPAD // L, _zero_deg, 0)

    def _deg_group(g, _):
        d1 = pltpu.async_copy(e4.at[0, si, g], srcg, sem)
        d2 = pltpu.async_copy(w4.at[si, g], wg, sem)
        d1.wait(); d2.wait()

        def _deg_chunk(ch, _):
            for j in range(C // L):
                sidx = srcg[ch, pl.ds(j * L, L)]
                wval = wg[ch, pl.ds(j * L, L)]
                plsc.addupdate_scatter(nodebuf, [sidx], wval)
            return 0
        lax.fori_loop(0, G, _deg_chunk, 0)
        return 0
    lax.fori_loop(0, NG, _deg_group, 0)

    pltpu.sync_copy(nodebuf, degparts.at[ci, si])
    plsc.subcore_barrier()

    STR = 128
    for t in range(NPS // STR):
        pltpu.sync_copy(
            degparts.at[ci, :, pl.ds(si * NPS + t * STR, STR)], redb)

        def _dinv_vec(j, _):
            d = redb[0, pl.ds(j * L, L)]
            for p in range(1, NS):
                d = d + redb[p, pl.ds(j * L, L)]
            dloc[pl.ds(j * L, L)] = _rsqrt_newton(d)
            return 0
        lax.fori_loop(0, STR // L, _dinv_vec, 0)
        pltpu.sync_copy(dloc,
                        dinvall.at[ci, pl.ds(si * NPS + t * STR, STR)])
    plsc.subcore_barrier()
    pltpu.sync_copy(dinvall.at[ci], nodebuf)

    def _zero_row(r, _):
        for j in range(HID // L):
            rowb[r, pl.ds(j * L, L)] = jnp.zeros((L,), jnp.float32)
            rowb2[r, pl.ds(j * L, L)] = jnp.zeros((L,), jnp.float32)
        return 0
    lax.fori_loop(0, C, _zero_row, 0)
    ZR = 80
    zdescs = []
    for t in range(NPS // ZR):
        zb = rowb if t % 2 == 0 else rowb2
        zdescs.append(pltpu.async_copy(
            zb.at[pl.ds(0, ZR), :],
            accsh.at[pl.ds(si * NPS + t * ZR, ZR), :], sem))
    for d in zdescs:
        d.wait()
    plsc.subcore_barrier()

    coff = ci * N
    bufs = (rowb, rowb2)
    sadjs = (sadjA, sadjB)
    norms = (normA, normB)
    gsems = (gsemA, gsemB)

    def _prep(ch, sadj, normb):
        for j in range(C // L):
            sidx = srcg[ch, pl.ds(j * L, L)]
            didx = dstg[ch, pl.ds(j * L, L)]
            wval = wg[ch, pl.ds(j * L, L)]
            nsrc = plsc.load_gather(nodebuf, [sidx])
            ndst = plsc.load_gather(nodebuf, [didx])
            normb[pl.ds(j * L, L)] = -(nsrc * wval * ndst)
            sadj[pl.ds(j * L, L)] = sidx + coff

    def _gather(k):
        pltpu.async_copy(vsplit.at[sadjs[k]], bufs[k], gsems[k])

    def _drain_g(k):
        pltpu.make_async_copy(vsplit.at[pl.ds(0, C)], rowb, gsems[k]).wait()

    def _scale(k):
        rb = bufs[k]
        normb = norms[k]

        @plsc.parallel_loop(0, C, unroll=4)
        def _row(r):
            nb = plsc.load_gather(normb, [jnp.full((L,), r, jnp.int32)])
            for j in range(HID // L):
                rb[r, pl.ds(j * L, L)] = rb[r, pl.ds(j * L, L)] * nb

    def _scatter(k, ch):
        pltpu.async_copy(bufs[k], accsh.at[dstg.at[ch]], ssem, add=True)

    def _drain_s():
        pltpu.make_async_copy(vsplit.at[pl.ds(0, C)], rowb, ssem).wait()

    def _group(g, _):
        c1 = pltpu.async_copy(e4.at[0, si, g], srcg, sem)
        c2 = pltpu.async_copy(e4.at[1, si, g], dstg, sem)
        c3 = pltpu.async_copy(w4.at[si, g], wg, sem)
        c1.wait(); c2.wait(); c3.wait()

        _prep(0, sadjA, normA)
        _gather(0)
        _prep(1, sadjB, normB)
        _gather(1)

        def _pair(p, _):
            c0 = 2 * p
            _drain_g(0)
            _scale(0)
            _scatter(0, c0)
            _prep(c0 + 2, sadjA, normA)
            _drain_s()
            _gather(0)

            _drain_g(1)
            _scale(1)
            _scatter(1, c0 + 1)

            @pl.when(p < (G - 3) // 2)
            def _():
                _prep(c0 + 3, sadjB, normB)
                _drain_s()
                _gather(1)
            return 0
        lax.fori_loop(0, (G - 1) // 2, _pair, 0)

        _drain_g(0)
        _scale(0)
        _scatter(0, G - 1)
        _drain_s()
        _drain_s()
        return 0
    lax.fori_loop(0, NG, _group, 0)

    plsc.subcore_barrier()
    pltpu.sync_copy(accsh.at[pl.ds(si * NPS, NPS), :],
                    out.at[ci, pl.ds(si * NPS, NPS), :])


def _sc_aggregate(x, h, edge_index, w):
    vsplit = jnp.concatenate([x, h], axis=0)
    pad = EPAD - E
    pidx = jnp.arange(pad, dtype=jnp.int32) % N
    ep = jnp.concatenate([edge_index, jnp.stack([pidx, pidx])], axis=1)
    wp = jnp.concatenate([w, jnp.zeros((pad,), jnp.float32)])
    e4 = ep.reshape(2, NS, NG, G, C)
    w4 = wp.reshape(NS, NG, G, C)
    mesh = plsc.VectorSubcoreMesh(core_axis_name="c", subcore_axis_name="s",
                                  num_cores=NC, num_subcores=NS)
    f = pl.kernel(
        _sc_body,
        out_type=[
            jax.ShapeDtypeStruct((NC, NPAD, HID), jnp.float32),
            jax.ShapeDtypeStruct((NC, NS, NPAD), jnp.float32),
            jax.ShapeDtypeStruct((NC, NPAD), jnp.float32),
        ],
        mesh=mesh,
        scratch_types=[
            pltpu.VMEM((G, C), jnp.int32),
            pltpu.VMEM((G, C), jnp.int32),
            pltpu.VMEM((G, C), jnp.float32),
            pltpu.VMEM((NPAD,), jnp.float32),
            pltpu.VMEM((NS, 128), jnp.float32),
            pltpu.VMEM((C, HID), jnp.float32),
            pltpu.VMEM((C, HID), jnp.float32),
            pltpu.VMEM((128,), jnp.float32),
            pltpu.VMEM((C,), jnp.int32),
            pltpu.VMEM((C,), jnp.int32),
            pltpu.VMEM((C,), jnp.float32),
            pltpu.VMEM((C,), jnp.float32),
            pltpu.VMEM_SHARED((NPAD, HID), jnp.float32),
            pltpu.SemaphoreType.DMA,
            pltpu.SemaphoreType.DMA,
            pltpu.SemaphoreType.DMA,
            pltpu.SemaphoreType.DMA,
        ],
        compiler_params=pltpu.CompilerParams(needs_layout_passes=False),
    )
    S, _, _ = f(vsplit, e4, w4)
    return S


R = 2000


def _tc_body(x_ref, h_ref, s_ref, w_ref, b_ref, wp_ref, c_ref, hn_ref, cn_ref):
    W = w_ref[...]
    g = (jnp.dot(x_ref[...], W[0:HID], preferred_element_type=jnp.float32)
         + jnp.dot(h_ref[...], W[HID:2 * HID], preferred_element_type=jnp.float32)
         + jnp.dot(s_ref[0], W[2 * HID:3 * HID], preferred_element_type=jnp.float32)
         + jnp.dot(s_ref[1], W[3 * HID:4 * HID], preferred_element_type=jnp.float32)
         + b_ref[...])
    cc = c_ref[...]
    gi = jax.nn.sigmoid(g[:, 0:HID] + wp_ref[0:1, :] * cc)
    gf = jax.nn.sigmoid(g[:, HID:2 * HID] + wp_ref[1:2, :] * cc)
    gt = jnp.tanh(g[:, 2 * HID:3 * HID])
    cn = gf * cc + gi * gt
    go = jax.nn.sigmoid(g[:, 3 * HID:4 * HID] + wp_ref[2:3, :] * cn)
    hn_ref[...] = go * jnp.tanh(cn)
    cn_ref[...] = cn


def _tc_gates(x, h, S, Wbig, bias, w_peep, c):
    hn, cn = pl.pallas_call(
        _tc_body,
        grid=(N // R,),
        in_specs=[
            pl.BlockSpec((R, HID), lambda i: (i, 0)),
            pl.BlockSpec((R, HID), lambda i: (i, 0)),
            pl.BlockSpec((2, R, HID), lambda i: (0, i, 0)),
            pl.BlockSpec((4 * HID, 4 * HID), lambda i: (0, 0)),
            pl.BlockSpec((1, 4 * HID), lambda i: (0, 0)),
            pl.BlockSpec((3, HID), lambda i: (0, 0)),
            pl.BlockSpec((R, HID), lambda i: (i, 0)),
        ],
        out_specs=[
            pl.BlockSpec((R, HID), lambda i: (i, 0)),
            pl.BlockSpec((R, HID), lambda i: (i, 0)),
        ],
        out_shape=[
            jax.ShapeDtypeStruct((N, HID), jnp.float32),
            jax.ShapeDtypeStruct((N, HID), jnp.float32),
        ],
    )(x, h, S, Wbig, bias, w_peep, c)
    return hn, cn


def kernel(x, edge_index, edge_weight, h, c, Wx, bx, Wh, bh, w_peep, b_gate):
    S = _sc_aggregate(x, h, edge_index, edge_weight)

    Wbig = jnp.concatenate([Wx[:, 0], Wh[:, 0], Wx[:, 1], Wh[:, 1]],
                           axis=1)
    Wbig = jnp.transpose(Wbig, (1, 0, 2)).reshape(4 * HID, 4 * HID)
    bias = (bx + bh + b_gate).reshape(1, 4 * HID)

    hn, cn = _tc_gates(x, h, S, Wbig, bias, w_peep, c)
    return (hn, hn, cn)

# --- scband reference (transcript-rebuilt; emitter-appended) ---
"""Pipeline reference for scband-temporal-gnn-35459249996211 (READ-ONLY COPY).

The authoritative reference and input builder live on the scoring server;
editing this copy changes nothing except your own understanding.
"""

import jax, jax.numpy as jnp
import numpy as np

N = 10000
E = 320000
F_IN = 128
HID = 128
K = 2


def setup_inputs(seed: int = 0) -> dict:
    key = jax.random.key(seed)
    ks = jax.random.split(key, 12)
    x = jax.random.normal(ks[0], (N, F_IN), dtype=jnp.float32)
    edge_index = jax.random.randint(ks[1], (2, E), 0, N, dtype=jnp.int32)
    edge_weight = jax.random.uniform(ks[2], (E,), dtype=jnp.float32)
    h = jax.random.normal(ks[3], (N, HID), dtype=jnp.float32) * 0.1
    c = jax.random.normal(ks[4], (N, HID), dtype=jnp.float32) * 0.1
    scale = 1.0 / np.sqrt(F_IN)
    # ChebConv weights for the 4 gates (i, f, c, o): x-convs and h-convs, K=2 hops each
    Wx = jax.random.uniform(ks[5], (4, K, F_IN, HID), minval=-scale, maxval=scale, dtype=jnp.float32)
    bx = jnp.zeros((4, HID), dtype=jnp.float32)
    Wh = jax.random.uniform(ks[6], (4, K, HID, HID), minval=-scale, maxval=scale, dtype=jnp.float32)
    bh = jnp.zeros((4, HID), dtype=jnp.float32)
    # peephole weights w_c_i, w_c_f, w_c_o and gate biases b_i, b_f, b_c, b_o
    w_peep = jax.random.uniform(ks[7], (3, HID), minval=-scale, maxval=scale, dtype=jnp.float32)
    b_gate = jnp.zeros((4, HID), dtype=jnp.float32)
    return dict(x=x, edge_index=edge_index, edge_weight=edge_weight, h=h, c=c,
                Wx=Wx, bx=bx, Wh=Wh, bh=bh, w_peep=w_peep, b_gate=b_gate)


def _cheb(inp, W, b, src, dst, norm, n):
    # ChebConv with K=2, normalization='sym', lambda_max=2.0 => L_hat = L - I = -D^{-1/2} A D^{-1/2}
    Tx0 = inp
    out = Tx0 @ W[0]
    Tx1 = jax.ops.segment_sum(norm[:, None] * Tx0[src], dst, num_segments=n)
    out = out + Tx1 @ W[1]
    return out + b


def reference(x, edge_index, edge_weight, h, c, Wx, bx, Wh, bh, w_peep, b_gate):
    n = x.shape[0]
    src = edge_index[0]
    dst = edge_index[1]
    deg = jax.ops.segment_sum(edge_weight, src, num_segments=n)
    dinv = jnp.where(deg > 0, jax.lax.rsqrt(jnp.maximum(deg, 1e-12)), 0.0)
    norm = -dinv[src] * edge_weight * dinv[dst]

    def gate(idx, inp_x, inp_h):
        return (_cheb(inp_x, Wx[idx], bx[idx], src, dst, norm, n)
                + _cheb(inp_h, Wh[idx], bh[idx], src, dst, norm, n))

    I = jax.nn.sigmoid(gate(0, x, h) + w_peep[0] * c + b_gate[0])
    Fg = jax.nn.sigmoid(gate(1, x, h) + w_peep[1] * c + b_gate[1])
    T = jnp.tanh(gate(2, x, h) + b_gate[2])
    Cn = Fg * c + I * T
    O = jax.nn.sigmoid(gate(3, x, h) + w_peep[2] * Cn + b_gate[3])
    Hn = O * jnp.tanh(Cn)
    return (Hn, Hn, Cn)

if __name__ == "__main__":
    import jax
    _d = setup_inputs()
    print(jax.jit(kernel)(*tuple(_d.values())))

</pallas_src>

<mosaic_0001>
#map = affine_map<(d0, d1) -> (0, 0)>
#map1 = affine_map<(d0, d1) -> (0, 0, 0, 0, 0)>
#map2 = affine_map<(d0, d1) -> (0, 0, 0, 0)>
#map3 = affine_map<(d0, d1) -> (0, 0, 0)>
module attributes {stable_mosaic.version = 14 : i64} {
  func.func @_sc_body(%arg0: i32, %arg1: i32, %arg2: memref<20000x128xf32, #tpu.memory_space<hbm>>, %arg3: memref<2x16x10x25x80xi32, #tpu.memory_space<hbm>>, %arg4: memref<16x10x25x80xf32, #tpu.memory_space<hbm>>, %arg5: memref<2x10240x128xf32, #tpu.memory_space<hbm>>, %arg6: memref<2x16x10240xf32, #tpu.memory_space<hbm>>, %arg7: memref<2x10240xf32, #tpu.memory_space<hbm>>, %arg8: memref<25x80xi32, #tpu.memory_space<vmem>>, %arg9: memref<25x80xi32, #tpu.memory_space<vmem>>, %arg10: memref<25x80xf32, #tpu.memory_space<vmem>>, %arg11: memref<10240xf32, #tpu.memory_space<vmem>>, %arg12: memref<16x128xf32, #tpu.memory_space<vmem>>, %arg13: memref<80x128xf32, #tpu.memory_space<vmem>>, %arg14: memref<80x128xf32, #tpu.memory_space<vmem>>, %arg15: memref<128xf32, #tpu.memory_space<vmem>>, %arg16: memref<80xi32, #tpu.memory_space<vmem>>, %arg17: memref<80xi32, #tpu.memory_space<vmem>>, %arg18: memref<80xf32, #tpu.memory_space<vmem>>, %arg19: memref<80xf32, #tpu.memory_space<vmem>>, %arg20: memref<10240x128xf32, #tpu.memory_space<vmem_shared>>, %arg21: memref<!tpu.dma_semaphore, #tpu.memory_space<semaphore_mem>>, %arg22: memref<!tpu.dma_semaphore, #tpu.memory_space<semaphore_mem>>, %arg23: memref<!tpu.dma_semaphore, #tpu.memory_space<semaphore_mem>>, %arg24: memref<!tpu.dma_semaphore, #tpu.memory_space<semaphore_mem>>) attributes {dimension_semantics = [#tpu.dimension_semantics<core_parallel>, #tpu.dimension_semantics<subcore_parallel>], iteration_bounds = array<i64: 2, 16>, scalar_prefetch = 0 : i64, scratch_operands = 17 : i64, tpu.core_type = #tpu.core_type<sc_vector_subcore>, window_params = [{transform_indices = #map}, {transform_indices = #map1}, {transform_indices = #map2}, {transform_indices = #map3}, {transform_indices = #map3}, {transform_indices = #map}]} {
    %scan3A = arith.constant 0 : i32
    %scan3A_0 = arith.constant 0 : i32
    %scan3A_1 = arith.constant 640 : i32
    %scan3A_2 = arith.addi %scan3A_0, %scan3A_1 : i32
    %scan3A_3 = arith.constant 1 : i32
    %scan3A_4 = scf.for %scan3A_299 = %scan3A_0 to %scan3A_2 step %scan3A_3 iter_args(%scan3A_300 = %scan3A) -> (i32)  : i32 {
      %broadcast_in_dim3A = arith.constant 0.000000e+00 : f32
      %broadcast_in_dim3A_301 = vector.broadcast %broadcast_in_dim3A : f32 to vector<16xf32>
      %mul3A_302 = arith.constant 16 : i32
      %mul3A_303 = arith.muli %scan3A_299, %mul3A_302 : i32
      %swap3A = arith.index_cast %mul3A_303 : i32 to index
      %swap3A_304 = tpu.vector_load %arg11[%swap3A] {strides = array<i32>} : memref<10240xf32, #tpu.memory_space<vmem>>, vector<16xf32>,
      tpu.vector_store %arg11[%swap3A], %broadcast_in_dim3A_301 {strides = array<i32>} : memref<10240xf32, #tpu.memory_space<vmem>>, vector<16xf32>,
      %scan3A_305 = arith.constant 0 : i32
      scf.yield %scan3A_305 : i32
    }
    %scan3A_5 = arith.constant 640 : i32
    %scan3A_6 = arith.constant 0 : i32
    %scan3A_7 = arith.constant 0 : i32
    %scan3A_8 = arith.constant 10 : i32
    %scan3A_9 = arith.addi %scan3A_7, %scan3A_8 : i32
    %scan3A_10 = arith.constant 1 : i32
    %scan3A_11 = scf.for %scan3A_299 = %scan3A_7 to %scan3A_9 step %scan3A_10 iter_args(%scan3A_300 = %scan3A_6) -> (i32)  : i32 {
      %dma_start3A_301 = arith.constant 0 : i32
      %dma_start3A_302 = arith.constant 0 : i32
      %dma_start3A_303 = arith.constant 0 : i32
      %dma_start3A_304 = tpu.memref_slice %arg3[%dma_start3A_301, %arg1, %scan3A_299, %dma_start3A_302, %dma_start3A_303] : memref<2x16x10x25x80xi32, #tpu.memory_space<hbm>> -> memref<1x1x1x25x80xi32, #tpu.memory_space<hbm>>
      %dma_start3A_305 = tpu.memref_squeeze %dma_start3A_304 : memref<1x1x1x25x80xi32, #tpu.memory_space<hbm>> -> memref<25x80xi32, #tpu.memory_space<hbm>>
      %dma_start3A_306 = arith.constant 0 : i32
      %dma_start3A_307 = arith.constant 0 : i32
      %dma_start3A_308 = tpu.memref_slice %arg3[%dma_start3A_301, %arg1, %scan3A_299, %dma_start3A_306, %dma_start3A_307] : memref<2x16x10x25x80xi32, #tpu.memory_space<hbm>> -> memref<1x1x1x25x80xi32, #tpu.memory_space<hbm>>
      %dma_start3A_309 = tpu.memref_squeeze %dma_start3A_308 : memref<1x1x1x25x80xi32, #tpu.memory_space<hbm>> -> memref<25x80xi32, #tpu.memory_space<hbm>>
      tpu.enqueue_dma source(%dma_start3A_309 : memref<25x80xi32, #tpu.memory_space<hbm>>) target(%arg8 : memref<25x80xi32, #tpu.memory_space<vmem>>) target_semaphore(%arg21 : memref<!tpu.dma_semaphore, #tpu.memory_space<semaphore_mem>>)
      %dma_start3A_310 = arith.constant 0 : i32
      %dma_start3A_311 = arith.constant 0 : i32
      %dma_start3A_312 = tpu.memref_slice %arg4[%arg1, %scan3A_299, %dma_start3A_310, %dma_start3A_311] : memref<16x10x25x80xf32, #tpu.memory_space<hbm>> -> memref<1x1x25x80xf32, #tpu.memory_space<hbm>>
      %dma_start3A_313 = tpu.memref_squeeze %dma_start3A_312 : memref<1x1x25x80xf32, #tpu.memory_space<hbm>> -> memref<25x80xf32, #tpu.memory_space<hbm>>
      %dma_start3A_314 = arith.constant 0 : i32
      %dma_start3A_315 = arith.constant 0 : i32
      %dma_start3A_316 = tpu.memref_slice %arg4[%arg1, %scan3A_299, %dma_start3A_314, %dma_start3A_315] : memref<16x10x25x80xf32, #tpu.memory_space<hbm>> -> memref<1x1x25x80xf32, #tpu.memory_space<hbm>>
      %dma_start3A_317 = tpu.memref_squeeze %dma_start3A_316 : memref<1x1x25x80xf32, #tpu.memory_space<hbm>> -> memref<25x80xf32, #tpu.memory_space<hbm>>
      tpu.enqueue_dma source(%dma_start3A_317 : memref<25x80xf32, #tpu.memory_space<hbm>>) target(%arg10 : memref<25x80xf32, #tpu.memory_space<vmem>>) target_semaphore(%arg21 : memref<!tpu.dma_semaphore, #tpu.memory_space<semaphore_mem>>)
      %dma_wait3A_318 = arith.constant 0 : i32
      %dma_wait3A_319 = arith.constant 0 : i32
      %dma_wait3A_320 = arith.constant 0 : i32
      %dma_wait3A_321 = tpu.memref_slice %arg3[%dma_wait3A_318, %arg1, %scan3A_299, %dma_wait3A_319, %dma_wait3A_320] : memref<2x16x10x25x80xi32, #tpu.memory_space<hbm>> -> memref<1x1x1x25x80xi32, #tpu.memory_space<hbm>>
      %dma_wait3A_322 = tpu.memref_squeeze %dma_wait3A_321 : memref<1x1x1x25x80xi32, #tpu.memory_space<hbm>> -> memref<25x80xi32, #tpu.memory_space<hbm>>
      %dma_wait3A_323 = arith.constant 0 : i32
      %dma_wait3A_324 = arith.constant 0 : i32
      %dma_wait3A_325 = tpu.memref_slice %arg3[%dma_wait3A_318, %arg1, %scan3A_299, %dma_wait3A_323, %dma_wait3A_324] : memref<2x16x10x25x80xi32, #tpu.memory_space<hbm>> -> memref<1x1x1x25x80xi32, #tpu.memory_space<hbm>>
      %dma_wait3A_326 = tpu.memref_squeeze %dma_wait3A_325 : memref<1x1x1x25x80xi32, #tpu.memory_space<hbm>> -> memref<25x80xi32, #tpu.memory_space<hbm>>
      tpu.wait_dma2 semaphore(%arg21 : memref<!tpu.dma_semaphore, #tpu.memory_space<semaphore_mem>>) src(%dma_wait3A_326 : memref<25x80xi32, #tpu.memory_space<hbm>>) dst(%arg8 : memref<25x80xi32, #tpu.memory_space<vmem>>)
      %dma_wait3A_327 = arith.constant 0 : i32
      %dma_wait3A_328 = arith.constant 0 : i32
      %dma_wait3A_329 = tpu.memref_slice %arg4[%arg1, %scan3A_299, %dma_wait3A_327, %dma_wait3A_328] : memref<16x10x25x80xf32, #tpu.memory_space<hbm>> -> memref<1x1x25x80xf32, #tpu.memory_space<hbm>>
      %dma_wait3A_330 = tpu.memref_squeeze %dma_wait3A_329 : memref<1x1x25x80xf32, #tpu.memory_space<hbm>> -> memref<25x80xf32, #tpu.memory_space<hbm>>
      %dma_wait3A_331 = arith.constant 0 : i32
      %dma_wait3A_332 = arith.constant 0 : i32
      %dma_wait3A_333 = tpu.memref_slice %arg4[%arg1, %scan3A_299, %dma_wait3A_331, %dma_wait3A_332] : memref<16x10x25x80xf32, #tpu.memory_space<hbm>> -> memref<1x1x25x80xf32, #tpu.memory_space<hbm>>
      %dma_wait3A_334 = tpu.memref_squeeze %dma_wait3A_333 : memref<1x1x25x80xf32, #tpu.memory_space<hbm>> -> memref<25x80xf32, #tpu.memory_space<hbm>>
      tpu.wait_dma2 semaphore(%arg21 : memref<!tpu.dma_semaphore, #tpu.memory_space<semaphore_mem>>) src(%dma_wait3A_334 : memref<25x80xf32, #tpu.memory_space<hbm>>) dst(%arg10 : memref<25x80xf32, #tpu.memory_space<vmem>>)
      %scan3A_335 = arith.constant 0 : i32
      %scan3A_336 = arith.constant 0 : i32
      %scan3A_337 = arith.constant 25 : i32
      %scan3A_338 = arith.addi %scan3A_336, %scan3A_337 : i32
      %scan3A_339 = arith.constant 1 : i32
      %scan3A_340 = scf.for %scan3A_343 = %scan3A_336 to %scan3A_338 step %scan3A_339 iter_args(%scan3A_344 = %scan3A_335) -> (i32)  : i32 {
        %get3A = arith.index_cast %scan3A_343 : i32 to index
        %get3A_345 = arith.constant 0 : index
        %get3A_346 = tpu.vector_load %arg8[%get3A, %get3A_345] {strides = array<i32>} : memref<25x80xi32, #tpu.memory_space<vmem>>, vector<16xi32>,
        %get3A_347 = arith.index_cast %scan3A_343 : i32 to index
        %get3A_348 = arith.constant 0 : index
        %get3A_349 = tpu.vector_load %arg10[%get3A_347, %get3A_348] {strides = array<i32>} : memref<25x80xf32, #tpu.memory_space<vmem>>, vector<16xf32>,
        tpu.vector_store_idx %arg11[%get3A_346], %get3A_349 {add = true} : memref<10240xf32, #tpu.memory_space<vmem>>[vector<16xi32>], vector<16xf32>,
        %get3A_350 = arith.index_cast %scan3A_343 : i32 to index
        %get3A_351 = arith.constant 16 : index
        %get3A_352 = tpu.vector_load %arg8[%get3A_350, %get3A_351] {strides = array<i32>} : memref<25x80xi32, #tpu.memory_space<vmem>>, vector<16xi32>,
        %get3A_353 = arith.index_cast %scan3A_343 : i32 to index
        %get3A_354 = arith.constant 16 : index
        %get3A_355 = tpu.vector_load %arg10[%get3A_353, %get3A_354] {strides = array<i32>} : memref<25x80xf32, #tpu.memory_space<vmem>>, vector<16xf32>,
        tpu.vector_store_idx %arg11[%get3A_352], %get3A_355 {add = true} : memref<10240xf32, #tpu.memory_space<vmem>>[vector<16xi32>], vector<16xf32>,
        %get3A_356 = arith.index_cast %scan3A_343 : i32 to index
        %get3A_357 = arith.constant 32 : index
        %get3A_358 = tpu.vector_load %arg8[%get3A_356, %get3A_357] {strides = array<i32>} : memref<25x80xi32, #tpu.memory_space<vmem>>, vector<16xi32>,
        %get3A_359 = arith.index_cast %scan3A_343 : i32 to index
        %get3A_360 = arith.constant 32 : index
        %get3A_361 = tpu.vector_load %arg10[%get3A_359, %get3A_360] {strides = array<i32>} : memref<25x80xf32, #tpu.memory_space<vmem>>, vector<16xf32>,
        tpu.vector_store_idx %arg11[%get3A_358], %get3A_361 {add = true} : memref<10240xf32, #tpu.memory_space<vmem>>[vector<16xi32>], vector<16xf32>,
        %get3A_362 = arith.index_cast %scan3A_343 : i32 to index
        %get3A_363 = arith.constant 48 : index
        %get3A_364 = tpu.vector_load %arg8[%get3A_362, %get3A_363] {strides = array<i32>} : memref<25x80xi32, #tpu.memory_space<vmem>>, vector<16xi32>,
        %get3A_365 = arith.index_cast %scan3A_343 : i32 to index
        %get3A_366 = arith.constant 48 : index
        %get3A_367 = tpu.vector_load %arg10[%get3A_365, %get3A_366] {strides = array<i32>} : memref<25x80xf32, #tpu.memory_space<vmem>>, vector<16xf32>,
        tpu.vector_store_idx %arg11[%get3A_364], %get3A_367 {add = true} : memref<10240xf32, #tpu.memory_space<vmem>>[vector<16xi32>], vector<16xf32>,
        %get3A_368 = arith.index_cast %scan3A_343 : i32 to index
        %get3A_369 = arith.constant 64 : index
        %get3A_370 = tpu.vector_load %arg8[%get3A_368, %get3A_369] {strides = array<i32>} : memref<25x80xi32, #tpu.memory_space<vmem>>, vector<16xi32>,
        %get3A_371 = arith.index_cast %scan3A_343 : i32 to index
        %get3A_372 = arith.constant 64 : index
        %get3A_373 = tpu.vector_load %arg10[%get3A_371, %get3A_372] {strides = array<i32>} : memref<25x80xf32, #tpu.memory_space<vmem>>, vector<16xf32>,
        tpu.vector_store_idx %arg11[%get3A_370], %get3A_373 {add = true} : memref<10240xf32, #tpu.memory_space<vmem>>[vector<16xi32>], vector<16xf32>,
        %scan3A_374 = arith.constant 0 : i32
        scf.yield %scan3A_374 : i32
      }
      %scan3A_341 = arith.constant 25 : i32
      %scan3A_342 = arith.constant 0 : i32
      scf.yield %scan3A_342 : i32
    }
    %scan3A_12 = arith.constant 10 : i32
    "tpu.region"() ({
      %run_scoped3A = tpu.sem_alloc : memref<!tpu.dma_semaphore, #tpu.memory_space<semaphore_mem>>
      %dma_start3A_299 = arith.constant 0 : i32
      %dma_start3A_300 = tpu.memref_slice %arg6[%arg0, %arg1, %dma_start3A_299] : memref<2x16x10240xf32, #tpu.memory_space<hbm>> -> memref<1x1x10240xf32, #tpu.memory_space<hbm>>
      %dma_start3A_301 = tpu.memref_squeeze %dma_start3A_300 : memref<1x1x10240xf32, #tpu.memory_space<hbm>> -> memref<10240xf32, #tpu.memory_space<hbm>>
      %dma_start3A_302 = arith.constant 0 : i32
      %dma_start3A_303 = tpu.memref_slice %arg6[%arg0, %arg1, %dma_start3A_302] : memref<2x16x10240xf32, #tpu.memory_space<hbm>> -> memref<1x1x10240xf32, #tpu.memory_space<hbm>>
      %dma_start3A_304 = tpu.memref_squeeze %dma_start3A_303 : memref<1x1x10240xf32, #tpu.memory_space<hbm>> -> memref<10240xf32, #tpu.memory_space<hbm>>
      tpu.enqueue_dma source(%arg11 : memref<10240xf32, #tpu.memory_space<vmem>>) target(%dma_start3A_304 : memref<10240xf32, #tpu.memory_space<hbm>>) target_semaphore(%run_scoped3A : memref<!tpu.dma_semaphore, #tpu.memory_space<semaphore_mem>>)
      %dma_wait3A_305 = arith.constant 0 : i32
      %dma_wait3A_306 = tpu.memref_slice %arg6[%arg0, %arg1, %dma_wait3A_305] : memref<2x16x10240xf32, #tpu.memory_space<hbm>> -> memref<1x1x10240xf32, #tpu.memory_space<hbm>>
      %dma_wait3A_307 = tpu.memref_squeeze %dma_wait3A_306 : memref<1x1x10240xf32, #tpu.memory_space<hbm>> -> memref<10240xf32, #tpu.memory_space<hbm>>
      %dma_wait3A_308 = arith.constant 0 : i32
      %dma_wait3A_309 = tpu.memref_slice %arg6[%arg0, %arg1, %dma_wait3A_308] : memref<2x16x10240xf32, #tpu.memory_space<hbm>> -> memref<1x1x10240xf32, #tpu.memory_space<hbm>>
      %dma_wait3A_310 = tpu.memref_squeeze %dma_wait3A_309 : memref<1x1x10240xf32, #tpu.memory_space<hbm>> -> memref<10240xf32, #tpu.memory_space<hbm>>
      tpu.wait_dma2 semaphore(%run_scoped3A : memref<!tpu.dma_semaphore, #tpu.memory_space<semaphore_mem>>) src(%arg11 : memref<10240xf32, #tpu.memory_space<vmem>>) dst(%dma_wait3A_310 : memref<10240xf32, #tpu.memory_space<hbm>>)
      tpu.yield
    }) : () -> ()
    %barrier3A = arith.constant 0 : index
    tpu.barrier barrier_id(%barrier3A)
    %mul3A = arith.constant 640 : i32
    %mul3A_13 = arith.muli %arg1, %mul3A : i32
    %add3A = arith.constant 0 : i32
    %add3A_14 = arith.addi %mul3A_13, %add3A : i32
    "tpu.region"() ({
      %run_scoped3A = tpu.sem_alloc : memref<!tpu.dma_semaphore, #tpu.memory_space<semaphore_mem>>
      %dma_start3A_299 = arith.constant 0 : i32
      %dma_start3A_300 = tpu.memref_slice %arg6[%arg0, %dma_start3A_299, %add3A_14] : memref<2x16x10240xf32, #tpu.memory_space<hbm>> -> memref<1x16x128xf32, #tpu.memory_space<hbm>>
      %dma_start3A_301 = tpu.memref_squeeze %dma_start3A_300 : memref<1x16x128xf32, #tpu.memory_space<hbm>> -> memref<16x128xf32, #tpu.memory_space<hbm>>
      %dma_start3A_302 = arith.constant 0 : i32
      %dma_start3A_303 = tpu.memref_slice %arg6[%arg0, %dma_start3A_302, %add3A_14] : memref<2x16x10240xf32, #tpu.memory_space<hbm>> -> memref<1x16x128xf32, #tpu.memory_space<hbm>>
      %dma_start3A_304 = tpu.memref_squeeze %dma_start3A_303 : memref<1x16x128xf32, #tpu.memory_space<hbm>> -> memref<16x128xf32, #tpu.memory_space<hbm>>
      tpu.enqueue_dma source(%dma_start3A_304 : memref<16x128xf32, #tpu.memory_space<hbm>>) target(%arg12 : memref<16x128xf32, #tpu.memory_space<vmem>>) target_semaphore(%run_scoped3A : memref<!tpu.dma_semaphore, #tpu.memory_space<semaphore_mem>>)
      %dma_wait3A_305 = arith.constant 0 : i32
      %dma_wait3A_306 = tpu.memref_slice %arg6[%arg0, %dma_wait3A_305, %add3A_14] : memref<2x16x10240xf32, #tpu.memory_space<hbm>> -> memref<1x16x128xf32, #tpu.memory_space<hbm>>
      %dma_wait3A_307 = tpu.memref_squeeze %dma_wait3A_306 : memref<1x16x128xf32, #tpu.memory_space<hbm>> -> memref<16x128xf32, #tpu.memory_space<hbm>>
      %dma_wait3A_308 = arith.constant 0 : i32
      %dma_wait3A_309 = tpu.memref_slice %arg6[%arg0, %dma_wait3A_308, %add3A_14] : memref<2x16x10240xf32, #tpu.memory_space<hbm>> -> memref<1x16x128xf32, #tpu.memory_space<hbm>>
      %dma_wait3A_310 = tpu.memref_squeeze %dma_wait3A_309 : memref<1x16x128xf32, #tpu.memory_space<hbm>> -> memref<16x128xf32, #tpu.memory_space<hbm>>
      tpu.wait_dma2 semaphore(%run_scoped3A : memref<!tpu.dma_semaphore, #tpu.memory_space<semaphore_mem>>) src(%dma_wait3A_310 : memref<16x128xf32, #tpu.memory_space<hbm>>) dst(%arg12 : memref<16x128xf32, #tpu.memory_space<vmem>>)
      tpu.yield
    }) : () -> ()
    %scan3A_15 = arith.constant 0 : i32
    %scan3A_16 = arith.constant 0 : i32
    %scan3A_17 = arith.constant 8 : i32
    %scan3A_18 = arith.addi %scan3A_16, %scan3A_17 : i32
    %scan3A_19 = arith.constant 1 : i32
    %scan3A_20 = scf.for %scan3A_299 = %scan3A_16 to %scan3A_18 step %scan3A_19 iter_args(%scan3A_300 = %scan3A_15) -> (i32)  : i32 {
      %mul3A_301 = arith.constant 16 : i32
      %mul3A_302 = arith.muli %scan3A_299, %mul3A_301 : i32
      %get3A = arith.constant 0 : i32
      %get3A_303 = arith.index_cast %get3A : i32 to index
      %get3A_304 = arith.index_cast %mul3A_302 : i32 to index
      %get3A_305 = tpu.vector_load %arg12[%get3A_303, %get3A_304] {strides = array<i32>} : memref<16x128xf32, #tpu.memory_space<vmem>>, vector<16xf32>,
      %mul3A_306 = arith.constant 16 : i32
      %mul3A_307 = arith.muli %scan3A_299, %mul3A_306 : i32
      %get3A_308 = arith.constant 1 : i32
      %get3A_309 = arith.index_cast %get3A_308 : i32 to index
      %get3A_310 = arith.index_cast %mul3A_307 : i32 to index
      %get3A_311 = tpu.vector_load %arg12[%get3A_309, %get3A_310] {strides = array<i32>} : memref<16x128xf32, #tpu.memory_space<vmem>>, vector<16xf32>,
      %add3A_312 = arith.addf %get3A_305, %get3A_311 : vector<16xf32>
      %mul3A_313 = arith.constant 16 : i32
      %mul3A_314 = arith.muli %scan3A_299, %mul3A_313 : i32
      %get3A_315 = arith.constant 2 : i32
      %get3A_316 = arith.index_cast %get3A_315 : i32 to index
      %get3A_317 = arith.index_cast %mul3A_314 : i32 to index
      %get3A_318 = tpu.vector_load %arg12[%get3A_316, %get3A_317] {strides = array<i32>} : memref<16x128xf32, #tpu.memory_space<vmem>>, vector<16xf32>,
      %add3A_319 = arith.addf %add3A_312, %get3A_318 : vector<16xf32>
      %mul3A_320 = arith.constant 16 : i32
      %mul3A_321 = arith.muli %scan3A_299, %mul3A_320 : i32
      %get3A_322 = arith.constant 3 : i32
      %get3A_323 = arith.index_cast %get3A_322 : i32 to index
      %get3A_324 = arith.index_cast %mul3A_321 : i32 to index
      %get3A_325 = tpu.vector_load %arg12[%get3A_323, %get3A_324] {strides = array<i32>} : memref<16x128xf32, #tpu.memory_space<vmem>>, vector<16xf32>,
      %add3A_326 = arith.addf %add3A_319, %get3A_325 : vector<16xf32>
      %mul3A_327 = arith.constant 16 : i32
      %mul3A_328 = arith.muli %scan3A_299, %mul3A_327 : i32
      %get3A_329 = arith.constant 4 : i32
      %get3A_330 = arith.index_cast %get3A_329 : i32 to index
      %get3A_331 = arith.index_cast %mul3A_328 : i32 to index
      %get3A_332 = tpu.vector_load %arg12[%get3A_330, %get3A_331] {strides = array<i32>} : memref<16x128xf32, #tpu.memory_space<vmem>>, vector<16xf32>,
      %add3A_333 = arith.addf %add3A_326, %get3A_332 : vector<16xf32>
      %mul3A_334 = arith.constant 16 : i32
      %mul3A_335 = arith.muli %scan3A_299, %mul3A_334 : i32
      %get3A_336 = arith.constant 5 : i32
      %get3A_337 = arith.index_cast %get3A_336 : i32 to index
      %get3A_338 = arith.index_cast %mul3A_335 : i32 to index
      %get3A_339 = tpu.vector_load %arg12[%get3A_337, %get3A_338] {strides = array<i32>} : memref<16x128xf32, #tpu.memory_space<vmem>>, vector<16xf32>,
      %add3A_340 = arith.addf %add3A_333, %get3A_339 : vector<16xf32>
      %mul3A_341 = arith.constant 16 : i32
      %mul3A_342 = arith.muli %scan3A_299, %mul3A_341 : i32
      %get3A_343 = arith.constant 6 : i32
      %get3A_344 = arith.index_cast %get3A_343 : i32 to index
      %get3A_345 = arith.index_cast %mul3A_342 : i32 to index
      %get3A_346 = tpu.vector_load %arg12[%get3A_344, %get3A_345] {strides = array<i32>} : memref<16x128xf32, #tpu.memory_space<vmem>>, vector<16xf32>,
      %add3A_347 = arith.addf %add3A_340, %get3A_346 : vector<16xf32>
      %mul3A_348 = arith.constant 16 : i32
      %mul3A_349 = arith.muli %scan3A_299, %mul3A_348 : i32
      %get3A_350 = arith.constant 7 : i32
      %get3A_351 = arith.index_cast %get3A_350 : i32 to index
      %get3A_352 = arith.index_cast %mul3A_349 : i32 to index
      %get3A_353 = tpu.vector_load %arg12[%get3A_351, %get3A_352] {strides = array<i32>} : memref<16x128xf32, #tpu.memory_space<vmem>>, vector<16xf32>,
      %add3A_354 = arith.addf %add3A_347, %get3A_353 : vector<16xf32>
      %mul3A_355 = arith.constant 16 : i32
      %mul3A_356 = arith.muli %scan3A_299, %mul3A_355 : i32
      %get3A_357 = arith.constant 8 : i32
      %get3A_358 = arith.index_cast %get3A_357 : i32 to index
      %get3A_359 = arith.index_cast %mul3A_356 : i32 to index
      %get3A_360 = tpu.vector_load %arg12[%get3A_358, %get3A_359] {strides = array<i32>} : memref<16x128xf32, #tpu.memory_space<vmem>>, vector<16xf32>,
      %add3A_361 = arith.addf %add3A_354, %get3A_360 : vector<16xf32>
      %mul3A_362 = arith.constant 16 : i32
      %mul3A_363 = arith.muli %scan3A_299, %mul3A_362 : i32
      %get3A_364 = arith.constant 9 : i32
      %get3A_365 = arith.index_cast %get3A_364 : i32 to index
      %get3A_366 = arith.index_cast %mul3A_363 : i32 to index
      %get3A_367 = tpu.vector_load %arg12[%get3A_365, %get3A_366] {strides = array<i32>} : memref<16x128xf32, #tpu.memory_space<vmem>>, vector<16xf32>,
      %add3A_368 = arith.addf %add3A_361, %get3A_367 : vector<16xf32>
      %mul3A_369 = arith.constant 16 : i32
      %mul3A_370 = arith.muli %scan3A_299, %mul3A_369 : i32
      %get3A_371 = arith.constant 10 : i32
      %get3A_372 = arith.index_cast %get3A_371 : i32 to index
      %get3A_373 = arith.index_cast %mul3A_370 : i32 to index
      %get3A_374 = tpu.vector_load %arg12[%get3A_372, %get3A_373] {strides = array<i32>} : memref<16x128xf32, #tpu.memory_space<vmem>>, vector<16xf32>,
      %add3A_375 = arith.addf %add3A_368, %get3A_374 : vector<16xf32>
      %mul3A_376 = arith.constant 16 : i32
      %mul3A_377 = arith.muli %scan3A_299, %mul3A_376 : i32
      %get3A_378 = arith.constant 11 : i32
      %get3A_379 = arith.index_cast %get3A_378 : i32 to index
      %get3A_380 = arith.index_cast %mul3A_377 : i32 to index
      %get3A_381 = tpu.vector_load %arg12[%get3A_379, %get3A_380] {strides = array<i32>} : memref<16x128xf32, #tpu.memory_space<vmem>>, vector<16xf32>,
      %add3A_382 = arith.addf %add3A_375, %get3A_381 : vector<16xf32>
      %mul3A_383 = arith.constant 16 : i32
      %mul3A_384 = arith.muli %scan3A_299, %mul3A_383 : i32
      %get3A_385 = arith.constant 12 : i32
      %get3A_386 = arith.index_cast %get3A_385 : i32 to index
      %get3A_387 = arith.index_cast %mul3A_384 : i32 to index
      %get3A_388 = tpu.vector_load %arg12[%get3A_386, %get3A_387] {strides = array<i32>} : memref<16x128xf32, #tpu.memory_space<vmem>>, vector<16xf32>,
      %add3A_389 = arith.addf %add3A_382, %get3A_388 : vector<16xf32>
      %mul3A_390 = arith.constant 16 : i32
      %mul3A_391 = arith.muli %scan3A_299, %mul3A_390 : i32
      %get3A_392 = arith.constant 13 : i32
      %get3A_393 = arith.index_cast %get3A_392 : i32 to index
      %get3A_394 = arith.index_cast %mul3A_391 : i32 to index
      %get3A_395 = tpu.vector_load %arg12[%get3A_393, %get3A_394] {strides = array<i32>} : memref<16x128xf32, #tpu.memory_space<vmem>>, vector<16xf32>,
      %add3A_396 = arith.addf %add3A_389, %get3A_395 : vector<16xf32>
      %mul3A_397 = arith.constant 16 : i32
      %mul3A_398 = arith.muli %scan3A_299, %mul3A_397 : i32
      %get3A_399 = arith.constant 14 : i32
      %get3A_400 = arith.index_cast %get3A_399 : i32 to index
      %get3A_401 = arith.index_cast %mul3A_398 : i32 to index
      %get3A_402 = tpu.vector_load %arg12[%get3A_400, %get3A_401] {strides = array<i32>} : memref<16x128xf32, #tpu.memory_space<vmem>>, vector<16xf32>,
      %add3A_403 = arith.addf %add3A_396, %get3A_402 : vector<16xf32>
      %mul3A_404 = arith.constant 16 : i32
      %mul3A_405 = arith.muli %scan3A_299, %mul3A_404 : i32
      %get3A_406 = arith.constant 15 : i32
      %get3A_407 = arith.index_cast %get3A_406 : i32 to index
      %get3A_408 = arith.index_cast %mul3A_405 : i32 to index
      %get3A_409 = tpu.vector_load %arg12[%get3A_407, %get3A_408] {strides = array<i32>} : memref<16x128xf32, #tpu.memory_space<vmem>>, vector<16xf32>,
      %add3A_410 = arith.addf %add3A_403, %get3A_409 : vector<16xf32>
      %bitcast3A = vector.bitcast %add3A_410 : vector<16xf32> to vector<16xi32>
      %shift_right_arithmetic3A = arith.constant 1 : i32
      %shift_right_arithmetic3A_411 = vector.broadcast %shift_right_arithmetic3A : i32 to vector<16xi32>
      %shift_right_arithmetic3A_412 = arith.shrsi %bitcast3A, %shift_right_arithmetic3A_411 : vector<16xi32>
      %sub3A = arith.constant 1597463007 : i32
      %sub3A_413 = vector.broadcast %sub3A : i32 to vector<16xi32>
      %sub3A_414 = arith.subi %sub3A_413, %shift_right_arithmetic3A_412 : vector<16xi32>
      %bitcast3A_415 = vector.bitcast %sub3A_414 : vector<16xi32> to vector<16xf32>
      %mul3A_416 = arith.constant 5.000000e-01 : f32
      %mul3A_417 = vector.broadcast %mul3A_416 : f32 to vector<16xf32>
      %mul3A_418 = arith.mulf %mul3A_417, %add3A_410 : vector<16xf32>
      %mul3A_419 = arith.mulf %mul3A_418, %bitcast3A_415 : vector<16xf32>
      %mul3A_420 = arith.mulf %mul3A_419, %bitcast3A_415 : vector<16xf32>
      %sub3A_421 = arith.constant 1.500000e+00 : f32
      %sub3A_422 = vector.broadcast %sub3A_421 : f32 to vector<16xf32>
      %sub3A_423 = arith.subf %sub3A_422, %mul3A_420 : vector<16xf32>
      %mul3A_424 = arith.mulf %bitcast3A_415, %sub3A_423 : vector<16xf32>
      %mul3A_425 = arith.constant 5.000000e-01 : f32
      %mul3A_426 = vector.broadcast %mul3A_425 : f32 to vector<16xf32>
      %mul3A_427 = arith.mulf %mul3A_426, %add3A_410 : vector<16xf32>
      %mul3A_428 = arith.mulf %mul3A_427, %mul3A_424 : vector<16xf32>
      %mul3A_429 = arith.mulf %mul3A_428, %mul3A_424 : vector<16xf32>
      %sub3A_430 = arith.constant 1.500000e+00 : f32
      %sub3A_431 = vector.broadcast %sub3A_430 : f32 to vector<16xf32>
      %sub3A_432 = arith.subf %sub3A_431, %mul3A_429 : vector<16xf32>
      %mul3A_433 = arith.mulf %mul3A_424, %sub3A_432 : vector<16xf32>
      %mul3A_434 = arith.constant 5.000000e-01 : f32
      %mul3A_435 = vector.broadcast %mul3A_434 : f32 to vector<16xf32>
      %mul3A_436 = arith.mulf %mul3A_435, %add3A_410 : vector<16xf32>
      %mul3A_437 = arith.mulf %mul3A_436, %mul3A_433 : vector<16xf32>
      %mul3A_438 = arith.mulf %mul3A_437, %mul3A_433 : vector<16xf32>
      %sub3A_439 = arith.constant 1.500000e+00 : f32
      %sub3A_440 = vector.broadcast %sub3A_439 : f32 to vector<16xf32>
      %sub3A_441 = arith.subf %sub3A_440, %mul3A_438 : vector<16xf32>
      %mul3A_442 = arith.mulf %mul3A_433, %sub3A_441 : vector<16xf32>
      %mul3A_443 = arith.constant 5.000000e-01 : f32
      %mul3A_444 = vector.broadcast %mul3A_443 : f32 to vector<16xf32>
      %mul3A_445 = arith.mulf %mul3A_444, %add3A_410 : vector<16xf32>
      %mul3A_446 = arith.mulf %mul3A_445, %mul3A_442 : vector<16xf32>
      %mul3A_447 = arith.mulf %mul3A_446, %mul3A_442 : vector<16xf32>
      %sub3A_448 = arith.constant 1.500000e+00 : f32
      %sub3A_449 = vector.broadcast %sub3A_448 : f32 to vector<16xf32>
      %sub3A_450 = arith.subf %sub3A_449, %mul3A_447 : vector<16xf32>
      %mul3A_451 = arith.mulf %mul3A_442, %sub3A_450 : vector<16xf32>
      %gt3A = arith.constant 0.000000e+00 : f32
      %gt3A_452 = vector.broadcast %gt3A : f32 to vector<16xf32>
      %gt3A_453 = arith.cmpf ogt, %add3A_410, %gt3A_452 : vector<16xf32>
      %jit3A = arith.constant 0.000000e+00 : f32
      %broadcast_in_dim3A = vector.broadcast %jit3A : f32 to vector<16xf32>
      %select_n3A = arith.select %gt3A_453, %mul3A_451, %broadcast_in_dim3A : vector<16xi1>, vector<16xf32>
      %mul3A_454 = arith.constant 16 : i32
      %mul3A_455 = arith.muli %scan3A_299, %mul3A_454 : i32
      %swap3A = arith.index_cast %mul3A_455 : i32 to index
      %swap3A_456 = tpu.vector_load %arg15[%swap3A] {strides = array<i32>} : memref<128xf32, #tpu.memory_space<vmem>>, vector<16xf32>,
      tpu.vector_store %arg15[%swap3A], %select_n3A {strides = array<i32>} : memref<128xf32, #tpu.memory_space<vmem>>, vector<16xf32>,
      %scan3A_457 = arith.constant 0 : i32
      scf.yield %scan3A_457 : i32
    }
    %scan3A_21 = arith.constant 8 : i32
    %mul3A_22 = arith.constant 640 : i32
    %mul3A_23 = arith.muli %arg1, %mul3A_22 : i32
    %add3A_24 = arith.constant 0 : i32
    %add3A_25 = arith.addi %mul3A_23, %add3A_24 : i32
    "tpu.region"() ({
      %run_scoped3A = tpu.sem_alloc : memref<!tpu.dma_semaphore, #tpu.memory_space<semaphore_mem>>
      %dma_start3A_299 = tpu.memref_slice %arg7[%arg0, %add3A_25] : memref<2x10240xf32, #tpu.memory_space<hbm>> -> memref<1x128xf32, #tpu.memory_space<hbm>>
      %dma_start3A_300 = tpu.memref_squeeze %dma_start3A_299 : memref<1x128xf32, #tpu.memory_space<hbm>> -> memref<128xf32, #tpu.memory_space<hbm>>
      %dma_start3A_301 = tpu.memref_slice %arg7[%arg0, %add3A_25] : memref<2x10240xf32, #tpu.memory_space<hbm>> -> memref<1x128xf32, #tpu.memory_space<hbm>>
      %dma_start3A_302 = tpu.memref_squeeze %dma_start3A_301 : memref<1x128xf32, #tpu.memory_space<hbm>> -> memref<128xf32, #tpu.memory_space<hbm>>
      tpu.enqueue_dma source(%arg15 : memref<128xf32, #tpu.memory_space<vmem>>) target(%dma_start3A_302 : memref<128xf32, #tpu.memory_space<hbm>>) target_semaphore(%run_scoped3A : memref<!tpu.dma_semaphore, #tpu.memory_space<semaphore_mem>>)
      %dma_wait3A_303 = tpu.memref_slice %arg7[%arg0, %add3A_25] : memref<2x10240xf32, #tpu.memory_space<hbm>> -> memref<1x128xf32, #tpu.memory_space<hbm>>
      %dma_wait3A_304 = tpu.memref_squeeze %dma_wait3A_303 : memref<1x128xf32, #tpu.memory_space<hbm>> -> memref<128xf32, #tpu.memory_space<hbm>>
      %dma_wait3A_305 = tpu.memref_slice %arg7[%arg0, %add3A_25] : memref<2x10240xf32, #tpu.memory_space<hbm>> -> memref<1x128xf32, #tpu.memory_space<hbm>>
      %dma_wait3A_306 = tpu.memref_squeeze %dma_wait3A_305 : memref<1x128xf32, #tpu.memory_space<hbm>> -> memref<128xf32, #tpu.memory_space<hbm>>
      tpu.wait_dma2 semaphore(%run_scoped3A : memref<!tpu.dma_semaphore, #tpu.memory_space<semaphore_mem>>) src(%arg15 : memref<128xf32, #tpu.memory_space<vmem>>) dst(%dma_wait3A_306 : memref<128xf32, #tpu.memory_space<hbm>>)
      tpu.yield
    }) : () -> ()
    %mul3A_26 = arith.constant 640 : i32
    %mul3A_27 = arith.muli %arg1, %mul3A_26 : i32
    %add3A_28 = arith.constant 128 : i32
    %add3A_29 = arith.addi %mul3A_27, %add3A_28 : i32
    "tpu.region"() ({
      %run_scoped3A = tpu.sem_alloc : memref<!tpu.dma_semaphore, #tpu.memory_space<semaphore_mem>>
      %dma_start3A_299 = arith.constant 0 : i32
      %dma_start3A_300 = tpu.memref_slice %arg6[%arg0, %dma_start3A_299, %add3A_29] : memref<2x16x10240xf32, #tpu.memory_space<hbm>> -> memref<1x16x128xf32, #tpu.memory_space<hbm>>
      %dma_start3A_301 = tpu.memref_squeeze %dma_start3A_300 : memref<1x16x128xf32, #tpu.memory_space<hbm>> -> memref<16x128xf32, #tpu.memory_space<hbm>>
      %dma_start3A_302 = arith.constant 0 : i32
      %dma_start3A_303 = tpu.memref_slice %arg6[%arg0, %dma_start3A_302, %add3A_29] : memref<2x16x10240xf32, #tpu.memory_space<hbm>> -> memref<1x16x128xf32, #tpu.memory_space<hbm>>
      %dma_start3A_304 = tpu.memref_squeeze %dma_start3A_303 : memref<1x16x128xf32, #tpu.memory_space<hbm>> -> memref<16x128xf32, #tpu.memory_space<hbm>>
      tpu.enqueue_dma source(%dma_start3A_304 : memref<16x128xf32, #tpu.memory_space<hbm>>) target(%arg12 : memref<16x128xf32, #tpu.memory_space<vmem>>) target_semaphore(%run_scoped3A : memref<!tpu.dma_semaphore, #tpu.memory_space<semaphore_mem>>)
      %dma_wait3A_305 = arith.constant 0 : i32
      %dma_wait3A_306 = tpu.memref_slice %arg6[%arg0, %dma_wait3A_305, %add3A_29] : memref<2x16x10240xf32, #tpu.memory_space<hbm>> -> memref<1x16x128xf32, #tpu.memory_space<hbm>>
      %dma_wait3A_307 = tpu.memref_squeeze %dma_wait3A_306 : memref<1x16x128xf32, #tpu.memory_space<hbm>> -> memref<16x128xf32, #tpu.memory_space<hbm>>
      %dma_wait3A_308 = arith.constant 0 : i32
      %dma_wait3A_309 = tpu.memref_slice %arg6[%arg0, %dma_wait3A_308, %add3A_29] : memref<2x16x10240xf32, #tpu.memory_space<hbm>> -> memref<1x16x128xf32, #tpu.memory_space<hbm>>
      %dma_wait3A_310 = tpu.memref_squeeze %dma_wait3A_309 : memref<1x16x128xf32, #tpu.memory_space<hbm>> -> memref<16x128xf32, #tpu.memory_space<hbm>>
      tpu.wait_dma2 semaphore(%run_scoped3A : memref<!tpu.dma_semaphore, #tpu.memory_space<semaphore_mem>>) src(%dma_wait3A_310 : memref<16x128xf32, #tpu.memory_space<hbm>>) dst(%arg12 : memref<16x128xf32, #tpu.memory_space<vmem>>)
      tpu.yield
    }) : () -> ()
    %scan3A_30 = arith.constant 0 : i32
    %scan3A_31 = arith.constant 0 : i32
    %scan3A_32 = arith.constant 8 : i32
    %scan3A_33 = arith.addi %scan3A_31, %scan3A_32 : i32
    %scan3A_34 = arith.constant 1 : i32
    %scan3A_35 = scf.for %scan3A_299 = %scan3A_31 to %scan3A_33 step %scan3A_34 iter_args(%scan3A_300 = %scan3A_30) -> (i32)  : i32 {
      %mul3A_301 = arith.constant 16 : i32
      %mul3A_302 = arith.muli %scan3A_299, %mul3A_301 : i32
      %get3A = arith.constant 0 : i32
      %get3A_303 = arith.index_cast %get3A : i32 to index
      %get3A_304 = arith.index_cast %mul3A_302 : i32 to index
      %get3A_305 = tpu.vector_load %arg12[%get3A_303, %get3A_304] {strides = array<i32>} : memref<16x128xf32, #tpu.memory_space<vmem>>, vector<16xf32>,
      %mul3A_306 = arith.constant 16 : i32
      %mul3A_307 = arith.muli %scan3A_299, %mul3A_306 : i32
      %get3A_308 = arith.constant 1 : i32
      %get3A_309 = arith.index_cast %get3A_308 : i32 to index
      %get3A_310 = arith.index_cast %mul3A_307 : i32 to index
      %get3A_311 = tpu.vector_load %arg12[%get3A_309, %get3A_310] {strides = array<i32>} : memref<16x128xf32, #tpu.memory_space<vmem>>, vector<16xf32>,
      %add3A_312 = arith.addf %get3A_305, %get3A_311 : vector<16xf32>
      %mul3A_313 = arith.constant 16 : i32
      %mul3A_314 = arith.muli %scan3A_299, %mul3A_313 : i32
      %get3A_315 = arith.constant 2 : i32
      %get3A_316 = arith.index_cast %get3A_315 : i32 to index
      %get3A_317 = arith.index_cast %mul3A_314 : i32 to index
      %get3A_318 = tpu.vector_load %arg12[%get3A_316, %get3A_317] {strides = array<i32>} : memref<16x128xf32, #tpu.memory_space<vmem>>, vector<16xf32>,
      %add3A_319 = arith.addf %add3A_312, %get3A_318 : vector<16xf32>
      %mul3A_320 = arith.constant 16 : i32
      %mul3A_321 = arith.muli %scan3A_299, %mul3A_320 : i32
      %get3A_322 = arith.constant 3 : i32
      %get3A_323 = arith.index_cast %get3A_322 : i32 to index
      %get3A_324 = arith.index_cast %mul3A_321 : i32 to index
      %get3A_325 = tpu.vector_load %arg12[%get3A_323, %get3A_324] {strides = array<i32>} : memref<16x128xf32, #tpu.memory_space<vmem>>, vector<16xf32>,
      %add3A_326 = arith.addf %add3A_319, %get3A_325 : vector<16xf32>
      %mul3A_327 = arith.constant 16 : i32
      %mul3A_328 = arith.muli %scan3A_299, %mul3A_327 : i32
      %get3A_329 = arith.constant 4 : i32
      %get3A_330 = arith.index_cast %get3A_329 : i32 to index
      %get3A_331 = arith.index_cast %mul3A_328 : i32 to index
      %get3A_332 = tpu.vector_load %arg12[%get3A_330, %get3A_331] {strides = array<i32>} : memref<16x128xf32, #tpu.memory_space<vmem>>, vector<16xf32>,
      %add3A_333 = arith.addf %add3A_326, %get3A_332 : vector<16xf32>
      %mul3A_334 = arith.constant 16 : i32
      %mul3A_335 = arith.muli %scan3A_299, %mul3A_334 : i32
      %get3A_336 = arith.constant 5 : i32
      %get3A_337 = arith.index_cast %get3A_336 : i32 to index
      %get3A_338 = arith.index_cast %mul3A_335 : i32 to index
      %get3A_339 = tpu.vector_load %arg12[%get3A_337, %get3A_338] {strides = array<i32>} : memref<16x128xf32, #tpu.memory_space<vmem>>, vector<16xf32>,
      %add3A_340 = arith.addf %add3A_333, %get3A_339 : vector<16xf32>
      %mul3A_341 = arith.constant 16 : i32
      %mul3A_342 = arith.muli %scan3A_299, %mul3A_341 : i32
      %get3A_343 = arith.constant 6 : i32
      %get3A_344 = arith.index_cast %get3A_343 : i32 to index
      %get3A_345 = arith.index_cast %mul3A_342 : i32 to index
      %get3A_346 = tpu.vector_load %arg12[%get3A_344, %get3A_345] {strides = array<i32>} : memref<16x128xf32, #tpu.memory_space<vmem>>, vector<16xf32>,
      %add3A_347 = arith.addf %add3A_340, %get3A_346 : vector<16xf32>
      %mul3A_348 = arith.constant 16 : i32
      %mul3A_349 = arith.muli %scan3A_299, %mul3A_348 : i32
      %get3A_350 = arith.constant 7 : i32
      %get3A_351 = arith.index_cast %get3A_350 : i32 to index
      %get3A_352 = arith.index_cast %mul3A_349 : i32 to index
      %get3A_353 = tpu.vector_load %arg12[%get3A_351, %get3A_352] {strides = array<i32>} : memref<16x128xf32, #tpu.memory_space<vmem>>, vector<16xf32>,
      %add3A_354 = arith.addf %add3A_347, %get3A_353 : vector<16xf32>
      %mul3A_355 = arith.constant 16 : i32
      %mul3A_356 = arith.muli %scan3A_299, %mul3A_355 : i32
      %get3A_357 = arith.constant 8 : i32
      %get3A_358 = arith.index_cast %get3A_357 : i32 to index
      %get3A_359 = arith.index_cast %mul3A_356 : i32 to index
      %get3A_360 = tpu.vector_load %arg12[%get3A_358, %get3A_359] {strides = array<i32>} : memref<16x128xf32, #tpu.memory_space<vmem>>, vector<16xf32>,
      %add3A_361 = arith.addf %add3A_354, %get3A_360 : vector<16xf32>
      %mul3A_362 = arith.constant 16 : i32
      %mul3A_363 = arith.muli %scan3A_299, %mul3A_362 : i32
      %get3A_364 = arith.constant 9 : i32
      %get3A_365 = arith.index_cast %get3A_364 : i32 to index
      %get3A_366 = arith.index_cast %mul3A_363 : i32 to index
      %get3A_367 = tpu.vector_load %arg12[%get3A_365, %get3A_366] {strides = array<i32>} : memref<16x128xf32, #tpu.memory_space<vmem>>, vector<16xf32>,
      %add3A_368 = arith.addf %add3A_361, %get3A_367 : vector<16xf32>
      %mul3A_369 = arith.constant 16 : i32
      %mul3A_370 = arith.muli %scan3A_299, %mul3A_369 : i32
      %get3A_371 = arith.constant 10 : i32
      %get3A_372 = arith.index_cast %get3A_371 : i32 to index
      %get3A_373 = arith.index_cast %mul3A_370 : i32 to index
      %get3A_374 = tpu.vector_load %arg12[%get3A_372, %get3A_373] {strides = array<i32>} : memref<16x128xf32, #tpu.memory_space<vmem>>, vector<16xf32>,
      %add3A_375 = arith.addf %add3A_368, %get3A_374 : vector<16xf32>
      %mul3A_376 = arith.constant 16 : i32
      %mul3A_377 = arith.muli %scan3A_299, %mul3A_376 : i32
      %get3A_378 = arith.constant 11 : i32
      %get3A_379 = arith.index_cast %get3A_378 : i32 to index
      %get3A_380 = arith.index_cast %mul3A_377 : i32 to index
      %get3A_381 = tpu.vector_load %arg12[%get3A_379, %get3A_380] {strides = array<i32>} : memref<16x128xf32, #tpu.memory_space<vmem>>, vector<16xf32>,
      %add3A_382 = arith.addf %add3A_375, %get3A_381 : vector<16xf32>
      %mul3A_383 = arith.constant 16 : i32
      %mul3A_384 = arith.muli %scan3A_299, %mul3A_383 : i32
      %get3A_385 = arith.constant 12 : i32
      %get3A_386 = arith.index_cast %get3A_385 : i32 to index
      %get3A_387 = arith.index_cast %mul3A_384 : i32 to index
      %get3A_388 = tpu.vector_load %arg12[%get3A_386, %get3A_387] {strides = array<i32>} : memref<16x128xf32, #tpu.memory_space<vmem>>, vector<16xf32>,
      %add3A_389 = arith.addf %add3A_382, %get3A_388 : vector<16xf32>
      %mul3A_390 = arith.constant 16 : i32
      %mul3A_391 = arith.muli %scan3A_299, %mul3A_390 : i32
      %get3A_392 = arith.constant 13 : i32
      %get3A_393 = arith.index_cast %get3A_392 : i32 to index
      %get3A_394 = arith.index_cast %mul3A_391 : i32 to index
      %get3A_395 = tpu.vector_load %arg12[%get3A_393, %get3A_394] {strides = array<i32>} : memref<16x128xf32, #tpu.memory_space<vmem>>, vector<16xf32>,
      %add3A_396 = arith.addf %add3A_389, %get3A_395 : vector<16xf32>
      %mul3A_397 = arith.constant 16 : i32
      %mul3A_398 = arith.muli %scan3A_299, %mul3A_397 : i32
      %get3A_399 = arith.constant 14 : i32
      %get3A_400 = arith.index_cast %get3A_399 : i32 to index
      %get3A_401 = arith.index_cast %mul3A_398 : i32 to index
      %get3A_402 = tpu.vector_load %arg12[%get3A_400, %get3A_401] {strides = array<i32>} : memref<16x128xf32, #tpu.memory_space<vmem>>, vector<16xf32>,
      %add3A_403 = arith.addf %add3A_396, %get3A_402 : vector<16xf32>
      %mul3A_404 = arith.constant 16 : i32
      %mul3A_405 = arith.muli %scan3A_299, %mul3A_404 : i32
      %get3A_406 = arith.constant 15 : i32
      %get3A_407 = arith.index_cast %get3A_406 : i32 to index
      %get3A_408 = arith.index_cast %mul3A_405 : i32 to index
      %get3A_409 = tpu.vector_load %arg12[%get3A_407, %get3A_408] {strides = array<i32>} : memref<16x128xf32, #tpu.memory_space<vmem>>, vector<16xf32>,
      %add3A_410 = arith.addf %add3A_403, %get3A_409 : vector<16xf32>
      %bitcast3A = vector.bitcast %add3A_410 : vector<16xf32> to vector<16xi32>
      %shift_right_arithmetic3A = arith.constant 1 : i32
      %shift_right_arithmetic3A_411 = vector.broadcast %shift_right_arithmetic3A : i32 to vector<16xi32>
      %shift_right_arithmetic3A_412 = arith.shrsi %bitcast3A, %shift_right_arithmetic3A_411 : vector<16xi32>
      %sub3A = arith.constant 1597463007 : i32
      %sub3A_413 = vector.broadcast %sub3A : i32 to vector<16xi32>
      %sub3A_414 = arith.subi %sub3A_413, %shift_right_arithmetic3A_412 : vector<16xi32>
      %bitcast3A_415 = vector.bitcast %sub3A_414 : vector<16xi32> to vector<16xf32>
      %mul3A_416 = arith.constant 5.000000e-01 : f32
      %mul3A_417 = vector.broadcast %mul3A_416 : f32 to vector<16xf32>
      %mul3A_418 = arith.mulf %mul3A_417, %add3A_410 : vector<16xf32>
      %mul3A_419 = arith.mulf %mul3A_418, %bitcast3A_415 : vector<16xf32>
      %mul3A_420 = arith.mulf %mul3A_419, %bitcast3A_415 : vector<16xf32>
      %sub3A_421 = arith.constant 1.500000e+00 : f32
      %sub3A_422 = vector.broadcast %sub3A_421 : f32 to vector<16xf32>
      %sub3A_423 = arith.subf %sub3A_422, %mul3A_420 : vector<16xf32>
      %mul3A_424 = arith.mulf %bitcast3A_415, %sub3A_423 : vector<16xf32>
      %mul3A_425 = arith.constant 5.000000e-01 : f32
      %mul3A_426 = vector.broadcast %mul3A_425 : f32 to vector<16xf32>
      %mul3A_427 = arith.mulf %mul3A_426, %add3A_410 : vector<16xf32>
      %mul3A_428 = arith.mulf %mul3A_427, %mul3A_424 : vector<16xf32>
      %mul3A_429 = arith.mulf %mul3A_428, %mul3A_424 : vector<16xf32>
      %sub3A_430 = arith.constant 1.500000e+00 : f32
      %sub3A_431 = vector.broadcast %sub3A_430 : f32 to vector<16xf32>
      %sub3A_432 = arith.subf %sub3A_431, %mul3A_429 : vector<16xf32>
      %mul3A_433 = arith.mulf %mul3A_424, %sub3A_432 : vector<16xf32>
      %mul3A_434 = arith.constant 5.000000e-01 : f32
      %mul3A_435 = vector.broadcast %mul3A_434 : f32 to vector<16xf32>
      %mul3A_436 = arith.mulf %mul3A_435, %add3A_410 : vector<16xf32>
      %mul3A_437 = arith.mulf %mul3A_436, %mul3A_433 : vector<16xf32>
      %mul3A_438 = arith.mulf %mul3A_437, %mul3A_433 : vector<16xf32>
      %sub3A_439 = arith.constant 1.500000e+00 : f32
      %sub3A_440 = vector.broadcast %sub3A_439 : f32 to vector<16xf32>
      %sub3A_441 = arith.subf %sub3A_440, %mul3A_438 : vector<16xf32>
      %mul3A_442 = arith.mulf %mul3A_433, %sub3A_441 : vector<16xf32>
      %mul3A_443 = arith.constant 5.000000e-01 : f32
      %mul3A_444 = vector.broadcast %mul3A_443 : f32 to vector<16xf32>
      %mul3A_445 = arith.mulf %mul3A_444, %add3A_410 : vector<16xf32>
      %mul3A_446 = arith.mulf %mul3A_445, %mul3A_442 : vector<16xf32>
      %mul3A_447 = arith.mulf %mul3A_446, %mul3A_442 : vector<16xf32>
      %sub3A_448 = arith.constant 1.500000e+00 : f32
      %sub3A_449 = vector.broadcast %sub3A_448 : f32 to vector<16xf32>
      %sub3A_450 = arith.subf %sub3A_449, %mul3A_447 : vector<16xf32>
      %mul3A_451 = arith.mulf %mul3A_442, %sub3A_450 : vector<16xf32>
      %gt3A = arith.constant 0.000000e+00 : f32
      %gt3A_452 = vector.broadcast %gt3A : f32 to vector<16xf32>
      %gt3A_453 = arith.cmpf ogt, %add3A_410, %gt3A_452 : vector<16xf32>
      %jit3A = arith.constant 0.000000e+00 : f32
      %broadcast_in_dim3A = vector.broadcast %jit3A : f32 to vector<16xf32>
      %select_n3A = arith.select %gt3A_453, %mul3A_451, %broadcast_in_dim3A : vector<16xi1>, vector<16xf32>
      %mul3A_454 = arith.constant 16 : i32
      %mul3A_455 = arith.muli %scan3A_299, %mul3A_454 : i32
      %swap3A = arith.index_cast %mul3A_455 : i32 to index
      %swap3A_456 = tpu.vector_load %arg15[%swap3A] {strides = array<i32>} : memref<128xf32, #tpu.memory_space<vmem>>, vector<16xf32>,
      tpu.vector_store %arg15[%swap3A], %select_n3A {strides = array<i32>} : memref<128xf32, #tpu.memory_space<vmem>>, vector<16xf32>,
      %scan3A_457 = arith.constant 0 : i32
      scf.yield %scan3A_457 : i32
    }
    %scan3A_36 = arith.constant 8 : i32
    %mul3A_37 = arith.constant 640 : i32
    %mul3A_38 = arith.muli %arg1, %mul3A_37 : i32
    %add3A_39 = arith.constant 128 : i32
    %add3A_40 = arith.addi %mul3A_38, %add3A_39 : i32
    "tpu.region"() ({
      %run_scoped3A = tpu.sem_alloc : memref<!tpu.dma_semaphore, #tpu.memory_space<semaphore_mem>>
      %dma_start3A_299 = tpu.memref_slice %arg7[%arg0, %add3A_40] : memref<2x10240xf32, #tpu.memory_space<hbm>> -> memref<1x128xf32, #tpu.memory_space<hbm>>
      %dma_start3A_300 = tpu.memref_squeeze %dma_start3A_299 : memref<1x128xf32, #tpu.memory_space<hbm>> -> memref<128xf32, #tpu.memory_space<hbm>>
      %dma_start3A_301 = tpu.memref_slice %arg7[%arg0, %add3A_40] : memref<2x10240xf32, #tpu.memory_space<hbm>> -> memref<1x128xf32, #tpu.memory_space<hbm>>
      %dma_start3A_302 = tpu.memref_squeeze %dma_start3A_301 : memref<1x128xf32, #tpu.memory_space<hbm>> -> memref<128xf32, #tpu.memory_space<hbm>>
      tpu.enqueue_dma source(%arg15 : memref<128xf32, #tpu.memory_space<vmem>>) target(%dma_start3A_302 : memref<128xf32, #tpu.memory_space<hbm>>) target_semaphore(%run_scoped3A : memref<!tpu.dma_semaphore, #tpu.memory_space<semaphore_mem>>)
      %dma_wait3A_303 = tpu.memref_slice %arg7[%arg0, %add3A_40] : memref<2x10240xf32, #tpu.memory_space<hbm>> -> memref<1x128xf32, #tpu.memory_space<hbm>>
      %dma_wait3A_304 = tpu.memref_squeeze %dma_wait3A_303 : memref<1x128xf32, #tpu.memory_space<hbm>> -> memref<128xf32, #tpu.memory_space<hbm>>
      %dma_wait3A_305 = tpu.memref_slice %arg7[%arg0, %add3A_40] : memref<2x10240xf32, #tpu.memory_space<hbm>> -> memref<1x128xf32, #tpu.memory_space<hbm>>
      %dma_wait3A_306 = tpu.memref_squeeze %dma_wait3A_305 : memref<1x128xf32, #tpu.memory_space<hbm>> -> memref<128xf32, #tpu.memory_space<hbm>>
      tpu.wait_dma2 semaphore(%run_scoped3A : memref<!tpu.dma_semaphore, #tpu.memory_space<semaphore_mem>>) src(%arg15 : memref<128xf32, #tpu.memory_space<vmem>>) dst(%dma_wait3A_306 : memref<128xf32, #tpu.memory_space<hbm>>)
      tpu.yield
    }) : () -> ()
    %mul3A_41 = arith.constant 640 : i32
    %mul3A_42 = arith.muli %arg1, %mul3A_41 : i32
    %add3A_43 = arith.constant 256 : i32
    %add3A_44 = arith.addi %mul3A_42, %add3A_43 : i32
    "tpu.region"() ({
      %run_scoped3A = tpu.sem_alloc : memref<!tpu.dma_semaphore, #tpu.memory_space<semaphore_mem>>
      %dma_start3A_299 = arith.constant 0 : i32
      %dma_start3A_300 = tpu.memref_slice %arg6[%arg0, %dma_start3A_299, %add3A_44] : memref<2x16x10240xf32, #tpu.memory_space<hbm>> -> memref<1x16x128xf32, #tpu.memory_space<hbm>>
      %dma_start3A_301 = tpu.memref_squeeze %dma_start3A_300 : memref<1x16x128xf32, #tpu.memory_space<hbm>> -> memref<16x128xf32, #tpu.memory_space<hbm>>
      %dma_start3A_302 = arith.constant 0 : i32
      %dma_start3A_303 = tpu.memref_slice %arg6[%arg0, %dma_start3A_302, %add3A_44] : memref<2x16x10240xf32, #tpu.memory_space<hbm>> -> memref<1x16x128xf32, #tpu.memory_space<hbm>>
      %dma_start3A_304 = tpu.memref_squeeze %dma_start3A_303 : memref<1x16x128xf32, #tpu.memory_space<hbm>> -> memref<16x128xf32, #tpu.memory_space<hbm>>
      tpu.enqueue_dma source(%dma_start3A_304 : memref<16x128xf32, #tpu.memory_space<hbm>>) target(%arg12 : memref<16x128xf32, #tpu.memory_space<vmem>>) target_semaphore(%run_scoped3A : memref<!tpu.dma_semaphore, #tpu.memory_space<semaphore_mem>>)
      %dma_wait3A_305 = arith.constant 0 : i32
      %dma_wait3A_306 = tpu.memref_slice %arg6[%arg0, %dma_wait3A_305, %add3A_44] : memref<2x16x10240xf32, #tpu.memory_space<hbm>> -> memref<1x16x128xf32, #tpu.memory_space<hbm>>
      %dma_wait3A_307 = tpu.memref_squeeze %dma_wait3A_306 : memref<1x16x128xf32, #tpu.memory_space<hbm>> -> memref<16x128xf32, #tpu.memory_space<hbm>>
      %dma_wait3A_308 = arith.constant 0 : i32
      %dma_wait3A_309 = tpu.memref_slice %arg6[%arg0, %dma_wait3A_308, %add3A_44] : memref<2x16x10240xf32, #tpu.memory_space<hbm>> -> memref<1x16x128xf32, #tpu.memory_space<hbm>>
      %dma_wait3A_310 = tpu.memref_squeeze %dma_wait3A_309 : memref<1x16x128xf32, #tpu.memory_space<hbm>> -> memref<16x128xf32, #tpu.memory_space<hbm>>
      tpu.wait_dma2 semaphore(%run_scoped3A : memref<!tpu.dma_semaphore, #tpu.memory_space<semaphore_mem>>) src(%dma_wait3A_310 : memref<16x128xf32, #tpu.memory_space<hbm>>) dst(%arg12 : memref<16x128xf32, #tpu.memory_space<vmem>>)
      tpu.yield
    }) : () -> ()
    %scan3A_45 = arith.constant 0 : i32
    %scan3A_46 = arith.constant 0 : i32
    %scan3A_47 = arith.constant 8 : i32
    %scan3A_48 = arith.addi %scan3A_46, %scan3A_47 : i32
    %scan3A_49 = arith.constant 1 : i32
    %scan3A_50 = scf.for %scan3A_299 = %scan3A_46 to %scan3A_48 step %scan3A_49 iter_args(%scan3A_300 = %scan3A_45) -> (i32)  : i32 {
      %mul3A_301 = arith.constant 16 : i32
      %mul3A_302 = arith.muli %scan3A_299, %mul3A_301 : i32
      %get3A = arith.constant 0 : i32
      %get3A_303 = arith.index_cast %get3A : i32 to index
      %get3A_304 = arith.index_cast %mul3A_302 : i32 to index
      %get3A_305 = tpu.vector_load %arg12[%get3A_303, %get3A_304] {strides = array<i32>} : memref<16x128xf32, #tpu.memory_space<vmem>>, vector<16xf32>,
      %mul3A_306 = arith.constant 16 : i32
      %mul3A_307 = arith.muli %scan3A_299, %mul3A_306 : i32
      %get3A_308 = arith.constant 1 : i32
      %get3A_309 = arith.index_cast %get3A_308 : i32 to index
      %get3A_310 = arith.index_cast %mul3A_307 : i32 to index
      %get3A_311 = tpu.vector_load %arg12[%get3A_309, %get3A_310] {strides = array<i32>} : memref<16x128xf32, #tpu.memory_space<vmem>>, vector<16xf32>,
      %add3A_312 = arith.addf %get3A_305, %get3A_311 : vector<16xf32>
      %mul3A_313 = arith.constant 16 : i32
      %mul3A_314 = arith.muli %scan3A_299, %mul3A_313 : i32
      %get3A_315 = arith.constant 2 : i32
      %get3A_316 = arith.index_cast %get3A_315 : i32 to index
      %get3A_317 = arith.index_cast %mul3A_314 : i32 to index
      %get3A_318 = tpu.vector_load %arg12[%get3A_316, %get3A_317] {strides = array<i32>} : memref<16x128xf32, #tpu.memory_space<vmem>>, vector<16xf32>,
      %add3A_319 = arith.addf %add3A_312, %get3A_318 : vector<16xf32>
      %mul3A_320 = arith.constant 16 : i32
      %mul3A_321 = arith.muli %scan3A_299, %mul3A_320 : i32
      %get3A_322 = arith.constant 3 : i32
      %get3A_323 = arith.index_cast %get3A_322 : i32 to index
      %get3A_324 = arith.index_cast %mul3A_321 : i32 to index
      %get3A_325 = tpu.vector_load %arg12[%get3A_323, %get3A_324] {strides = array<i32>} : memref<16x128xf32, #tpu.memory_space<vmem>>, vector<16xf32>,
      %add3A_326 = arith.addf %add3A_319, %get3A_325 : vector<16xf32>
      %mul3A_327 = arith.constant 16 : i32
      %mul3A_328 = arith.muli %scan3A_299, %mul3A_327 : i32
      %get3A_329 = arith.constant 4 : i32
      %get3A_330 = arith.index_cast %get3A_329 : i32 to index
      %get3A_331 = arith.index_cast %mul3A_328 : i32 to index
      %get3A_332 = tpu.vector_load %arg12[%get3A_330, %get3A_331] {strides = array<i32>} : memref<16x128xf32, #tpu.memory_space<vmem>>, vector<16xf32>,
      %add3A_333 = arith.addf %add3A_326, %get3A_332 : vector<16xf32>
      %mul3A_334 = arith.constant 16 : i32
      %mul3A_335 = arith.muli %scan3A_299, %mul3A_334 : i32
      %get3A_336 = arith.constant 5 : i32
      %get3A_337 = arith.index_cast %get3A_336 : i32 to index
      %get3A_338 = arith.index_cast %mul3A_335 : i32 to index
      %get3A_339 = tpu.vector_load %arg12[%get3A_337, %get3A_338] {strides = array<i32>} : memref<16x128xf32, #tpu.memory_space<vmem>>, vector<16xf32>,
      %add3A_340 = arith.addf %add3A_333, %get3A_339 : vector<16xf32>
      %mul3A_341 = arith.constant 16 : i32
      %mul3A_342 = arith.muli %scan3A_299, %mul3A_341 : i32
      %get3A_343 = arith.constant 6 : i32
      %get3A_344 = arith.index_cast %get3A_343 : i32 to index
      %get3A_345 = arith.index_cast %mul3A_342 : i32 to index
      %get3A_346 = tpu.vector_load %arg12[%get3A_344, %get3A_345] {strides = array<i32>} : memref<16x128xf32, #tpu.memory_space<vmem>>, vector<16xf32>,
      %add3A_347 = arith.addf %add3A_340, %get3A_346 : vector<16xf32>
      %mul3A_348 = arith.constant 16 : i32
      %mul3A_349 = arith.muli %scan3A_299, %mul3A_348 : i32
      %get3A_350 = arith.constant 7 : i32
      %get3A_351 = arith.index_cast %get3A_350 : i32 to index
      %get3A_352 = arith.index_cast %mul3A_349 : i32 to index
      %get3A_353 = tpu.vector_load %arg12[%get3A_351, %get3A_352] {strides = array<i32>} : memref<16x128xf32, #tpu.memory_space<vmem>>, vector<16xf32>,
      %add3A_354 = arith.addf %add3A_347, %get3A_353 : vector<16xf32>
      %mul3A_355 = arith.constant 16 : i32
      %mul3A_356 = arith.muli %scan3A_299, %mul3A_355 : i32
      %get3A_357 = arith.constant 8 : i32
      %get3A_358 = arith.index_cast %get3A_357 : i32 to index
      %get3A_359 = arith.index_cast %mul3A_356 : i32 to index
      %get3A_360 = tpu.vector_load %arg12[%get3A_358, %get3A_359] {strides = array<i32>} : memref<16x128xf32, #tpu.memory_space<vmem>>, vector<16xf32>,
      %add3A_361 = arith.addf %add3A_354, %get3A_360 : vector<16xf32>
      %mul3A_362 = arith.constant 16 : i32
      %mul3A_363 = arith.muli %scan3A_299, %mul3A_362 : i32
      %get3A_364 = arith.constant 9 : i32
      %get3A_365 = arith.index_cast %get3A_364 : i32 to index
      %get3A_366 = arith.index_cast %mul3A_363 : i32 to index
      %get3A_367 = tpu.vector_load %arg12[%get3A_365, %get3A_366] {strides = array<i32>} : memref<16x128xf32, #tpu.memory_space<vmem>>, vector<16xf32>,
      %add3A_368 = arith.addf %add3A_361, %get3A_367 : vector<16xf32>
      %mul3A_369 = arith.constant 16 : i32
      %mul3A_370 = arith.muli %scan3A_299, %mul3A_369 : i32
      %get3A_371 = arith.constant 10 : i32
      %get3A_372 = arith.index_cast %get3A_371 : i32 to index
      %get3A_373 = arith.index_cast %mul3A_370 : i32 to index
      %get3A_374 = tpu.vector_load %arg12[%get3A_372, %get3A_373] {strides = array<i32>} : memref<16x128xf32, #tpu.memory_space<vmem>>, vector<16xf32>,
      %add3A_375 = arith.addf %add3A_368, %get3A_374 : vector<16xf32>
      %mul3A_376 = arith.constant 16 : i32
      %mul3A_377 = arith.muli %scan3A_299, %mul3A_376 : i32
      %get3A_378 = arith.constant 11 : i32
      %get3A_379 = arith.index_cast %get3A_378 : i32 to index
      %get3A_380 = arith.index_cast %mul3A_377 : i32 to index
      %get3A_381 = tpu.vector_load %arg12[%get3A_379, %get3A_380] {strides = array<i32>} : memref<16x128xf32, #tpu.memory_space<vmem>>, vector<16xf32>,
      %add3A_382 = arith.addf %add3A_375, %get3A_381 : vector<16xf32>
      %mul3A_383 = arith.constant 16 : i32
      %mul3A_384 = arith.muli %scan3A_299, %mul3A_383 : i32
      %get3A_385 = arith.constant 12 : i32
      %get3A_386 = arith.index_cast %get3A_385 : i32 to index
      %get3A_387 = arith.index_cast %mul3A_384 : i32 to index
      %get3A_388 = tpu.vector_load %arg12[%get3A_386, %get3A_387] {strides = array<i32>} : memref<16x128xf32, #tpu.memory_space<vmem>>, vector<16xf32>,
      %add3A_389 = arith.addf %add3A_382, %get3A_388 : vector<16xf32>
      %mul3A_390 = arith.constant 16 : i32
      %mul3A_391 = arith.muli %scan3A_299, %mul3A_390 : i32
      %get3A_392 = arith.constant 13 : i32
      %get3A_393 = arith.index_cast %get3A_392 : i32 to index
      %get3A_394 = arith.index_cast %mul3A_391 : i32 to index
      %get3A_395 = tpu.vector_load %arg12[%get3A_393, %get3A_394] {strides = array<i32>} : memref<16x128xf32, #tpu.memory_space<vmem>>, vector<16xf32>,
      %add3A_396 = arith.addf %add3A_389, %get3A_395 : vector<16xf32>
      %mul3A_397 = arith.constant 16 : i32
      %mul3A_398 = arith.muli %scan3A_299, %mul3A_397 : i32
      %get3A_399 = arith.constant 14 : i32
      %get3A_400 = arith.index_cast %get3A_399 : i32 to index
      %get3A_401 = arith.index_cast %mul3A_398 : i32 to index
      %get3A_402 = tpu.vector_load %arg12[%get3A_400, %get3A_401] {strides = array<i32>} : memref<16x128xf32, #tpu.memory_space<vmem>>, vector<16xf32>,
      %add3A_403 = arith.addf %add3A_396, %get3A_402 : vector<16xf32>
      %mul3A_404 = arith.constant 16 : i32
      %mul3A_405 = arith.muli %scan3A_299, %mul3A_404 : i32
      %get3A_406 = arith.constant 15 : i32
      %get3A_407 = arith.index_cast %get3A_406 : i32 to index
      %get3A_408 = arith.index_cast %mul3A_405 : i32 to index
      %get3A_409 = tpu.vector_load %arg12[%get3A_407, %get3A_408] {strides = array<i32>} : memref<16x128xf32, #tpu.memory_space<vmem>>, vector<16xf32>,
      %add3A_410 = arith.addf %add3A_403, %get3A_409 : vector<16xf32>
      %bitcast3A = vector.bitcast %add3A_410 : vector<16xf32> to vector<16xi32>
      %shift_right_arithmetic3A = arith.constant 1 : i32
      %shift_right_arithmetic3A_411 = vector.broadcast %shift_right_arithmetic3A : i32 to vector<16xi32>
      %shift_right_arithmetic3A_412 = arith.shrsi %bitcast3A, %shift_right_arithmetic3A_411 : vector<16xi32>
      %sub3A = arith.constant 1597463007 : i32
      %sub3A_413 = vector.broadcast %sub3A : i32 to vector<16xi32>
      %sub3A_414 = arith.subi %sub3A_413, %shift_right_arithmetic3A_412 : vector<16xi32>
      %bitcast3A_415 = vector.bitcast %sub3A_414 : vector<16xi32> to vector<16xf32>
      %mul3A_416 = arith.constant 5.000000e-01 : f32
      %mul3A_417 = vector.broadcast %mul3A_416 : f32 to vector<16xf32>
      %mul3A_418 = arith.mulf %mul3A_417, %add3A_410 : vector<16xf32>
      %mul3A_419 = arith.mulf %mul3A_418, %bitcast3A_415 : vector<16xf32>
      %mul3A_420 = arith.mulf %mul3A_419, %bitcast3A_415 : vector<16xf32>
      %sub3A_421 = arith.constant 1.500000e+00 : f32
      %sub3A_422 = vector.broadcast %sub3A_421 : f32 to vector<16xf32>
      %sub3A_423 = arith.subf %sub3A_422, %mul3A_420 : vector<16xf32>
      %mul3A_424 = arith.mulf %bitcast3A_415, %sub3A_423 : vector<16xf32>
      %mul3A_425 = arith.constant 5.000000e-01 : f32
      %mul3A_426 = vector.broadcast %mul3A_425 : f32 to vector<16xf32>
      %mul3A_427 = arith.mulf %mul3A_426, %add3A_410 : vector<16xf32>
      %mul3A_428 = arith.mulf %mul3A_427, %mul3A_424 : vector<16xf32>
      %mul3A_429 = arith.mulf %mul3A_428, %mul3A_424 : vector<16xf32>
      %sub3A_430 = arith.constant 1.500000e+00 : f32
      %sub3A_431 = vector.broadcast %sub3A_430 : f32 to vector<16xf32>
      %sub3A_432 = arith.subf %sub3A_431, %mul3A_429 : vector<16xf32>
      %mul3A_433 = arith.mulf %mul3A_424, %sub3A_432 : vector<16xf32>
      %mul3A_434 = arith.constant 5.000000e-01 : f32
      %mul3A_435 = vector.broadcast %mul3A_434 : f32 to vector<16xf32>
      %mul3A_436 = arith.mulf %mul3A_435, %add3A_410 : vector<16xf32>
      %mul3A_437 = arith.mulf %mul3A_436, %mul3A_433 : vector<16xf32>
      %mul3A_438 = arith.mulf %mul3A_437, %mul3A_433 : vector<16xf32>
      %sub3A_439 = arith.constant 1.500000e+00 : f32
      %sub3A_440 = vector.broadcast %sub3A_439 : f32 to vector<16xf32>
      %sub3A_441 = arith.subf %sub3A_440, %mul3A_438 : vector<16xf32>
      %mul3A_442 = arith.mulf %mul3A_433, %sub3A_441 : vector<16xf32>
      %mul3A_443 = arith.constant 5.000000e-01 : f32
      %mul3A_444 = vector.broadcast %mul3A_443 : f32 to vector<16xf32>
      %mul3A_445 = arith.mulf %mul3A_444, %add3A_410 : vector<16xf32>
      %mul3A_446 = arith.mulf %mul3A_445, %mul3A_442 : vector<16xf32>
      %mul3A_447 = arith.mulf %mul3A_446, %mul3A_442 : vector<16xf32>
      %sub3A_448 = arith.constant 1.500000e+00 : f32
      %sub3A_449 = vector.broadcast %sub3A_448 : f32 to vector<16xf32>
      %sub3A_450 = arith.subf %sub3A_449, %mul3A_447 : vector<16xf32>
      %mul3A_451 = arith.mulf %mul3A_442, %sub3A_450 : vector<16xf32>
      %gt3A = arith.constant 0.000000e+00 : f32
      %gt3A_452 = vector.broadcast %gt3A : f32 to vector<16xf32>
      %gt3A_453 = arith.cmpf ogt, %add3A_410, %gt3A_452 : vector<16xf32>
      %jit3A = arith.constant 0.000000e+00 : f32
      %broadcast_in_dim3A = vector.broadcast %jit3A : f32 to vector<16xf32>
      %select_n3A = arith.select %gt3A_453, %mul3A_451, %broadcast_in_dim3A : vector<16xi1>, vector<16xf32>
      %mul3A_454 = arith.constant 16 : i32
      %mul3A_455 = arith.muli %scan3A_299, %mul3A_454 : i32
      %swap3A = arith.index_cast %mul3A_455 : i32 to index
      %swap3A_456 = tpu.vector_load %arg15[%swap3A] {strides = array<i32>} : memref<128xf32, #tpu.memory_space<vmem>>, vector<16xf32>,
      tpu.vector_store %arg15[%swap3A], %select_n3A {strides = array<i32>} : memref<128xf32, #tpu.memory_space<vmem>>, vector<16xf32>,
      %scan3A_457 = arith.constant 0 : i32
      scf.yield %scan3A_457 : i32
    }
    %scan3A_51 = arith.constant 8 : i32
    %mul3A_52 = arith.constant 640 : i32
    %mul3A_53 = arith.muli %arg1, %mul3A_52 : i32
    %add3A_54 = arith.constant 256 : i32
    %add3A_55 = arith.addi %mul3A_53, %add3A_54 : i32
    "tpu.region"() ({
      %run_scoped3A = tpu.sem_alloc : memref<!tpu.dma_semaphore, #tpu.memory_space<semaphore_mem>>
      %dma_start3A_299 = tpu.memref_slice %arg7[%arg0, %add3A_55] : memref<2x10240xf32, #tpu.memory_space<hbm>> -> memref<1x128xf32, #tpu.memory_space<hbm>>
      %dma_start3A_300 = tpu.memref_squeeze %dma_start3A_299 : memref<1x128xf32, #tpu.memory_space<hbm>> -> memref<128xf32, #tpu.memory_space<hbm>>
      %dma_start3A_301 = tpu.memref_slice %arg7[%arg0, %add3A_55] : memref<2x10240xf32, #tpu.memory_space<hbm>> -> memref<1x128xf32, #tpu.memory_space<hbm>>
      %dma_start3A_302 = tpu.memref_squeeze %dma_start3A_301 : memref<1x128xf32, #tpu.memory_space<hbm>> -> memref<128xf32, #tpu.memory_space<hbm>>
      tpu.enqueue_dma source(%arg15 : memref<128xf32, #tpu.memory_space<vmem>>) target(%dma_start3A_302 : memref<128xf32, #tpu.memory_space<hbm>>) target_semaphore(%run_scoped3A : memref<!tpu.dma_semaphore, #tpu.memory_space<semaphore_mem>>)
      %dma_wait3A_303 = tpu.memref_slice %arg7[%arg0, %add3A_55] : memref<2x10240xf32, #tpu.memory_space<hbm>> -> memref<1x128xf32, #tpu.memory_space<hbm>>
      %dma_wait3A_304 = tpu.memref_squeeze %dma_wait3A_303 : memref<1x128xf32, #tpu.memory_space<hbm>> -> memref<128xf32, #tpu.memory_space<hbm>>
      %dma_wait3A_305 = tpu.memref_slice %arg7[%arg0, %add3A_55] : memref<2x10240xf32, #tpu.memory_space<hbm>> -> memref<1x128xf32, #tpu.memory_space<hbm>>
      %dma_wait3A_306 = tpu.memref_squeeze %dma_wait3A_305 : memref<1x128xf32, #tpu.memory_space<hbm>> -> memref<128xf32, #tpu.memory_space<hbm>>
      tpu.wait_dma2 semaphore(%run_scoped3A : memref<!tpu.dma_semaphore, #tpu.memory_space<semaphore_mem>>) src(%arg15 : memref<128xf32, #tpu.memory_space<vmem>>) dst(%dma_wait3A_306 : memref<128xf32, #tpu.memory_space<hbm>>)
      tpu.yield
    }) : () -> ()
    %mul3A_56 = arith.constant 640 : i32
    %mul3A_57 = arith.muli %arg1, %mul3A_56 : i32
    %add3A_58 = arith.constant 384 : i32
    %add3A_59 = arith.addi %mul3A_57, %add3A_58 : i32
    "tpu.region"() ({
      %run_scoped3A = tpu.sem_alloc : memref<!tpu.dma_semaphore, #tpu.memory_space<semaphore_mem>>
      %dma_start3A_299 = arith.constant 0 : i32
      %dma_start3A_300 = tpu.memref_slice %arg6[%arg0, %dma_start3A_299, %add3A_59] : memref<2x16x10240xf32, #tpu.memory_space<hbm>> -> memref<1x16x128xf32, #tpu.memory_space<hbm>>
      %dma_start3A_301 = tpu.memref_squeeze %dma_start3A_300 : memref<1x16x128xf32, #tpu.memory_space<hbm>> -> memref<16x128xf32, #tpu.memory_space<hbm>>
      %dma_start3A_302 = arith.constant 0 : i32
      %dma_start3A_303 = tpu.memref_slice %arg6[%arg0, %dma_start3A_302, %add3A_59] : memref<2x16x10240xf32, #tpu.memory_space<hbm>> -> memref<1x16x128xf32, #tpu.memory_space<hbm>>
      %dma_start3A_304 = tpu.memref_squeeze %dma_start3A_303 : memref<1x16x128xf32, #tpu.memory_space<hbm>> -> memref<16x128xf32, #tpu.memory_space<hbm>>
      tpu.enqueue_dma source(%dma_start3A_304 : memref<16x128xf32, #tpu.memory_space<hbm>>) target(%arg12 : memref<16x128xf32, #tpu.memory_space<vmem>>) target_semaphore(%run_scoped3A : memref<!tpu.dma_semaphore, #tpu.memory_space<semaphore_mem>>)
      %dma_wait3A_305 = arith.constant 0 : i32
      %dma_wait3A_306 = tpu.memref_slice %arg6[%arg0, %dma_wait3A_305, %add3A_59] : memref<2x16x10240xf32, #tpu.memory_space<hbm>> -> memref<1x16x128xf32, #tpu.memory_space<hbm>>
      %dma_wait3A_307 = tpu.memref_squeeze %dma_wait3A_306 : memref<1x16x128xf32, #tpu.memory_space<hbm>> -> memref<16x128xf32, #tpu.memory_space<hbm>>
      %dma_wait3A_308 = arith.constant 0 : i32
      %dma_wait3A_309 = tpu.memref_slice %arg6[%arg0, %dma_wait3A_308, %add3A_59] : memref<2x16x10240xf32, #tpu.memory_space<hbm>> -> memref<1x16x128xf32, #tpu.memory_space<hbm>>
      %dma_wait3A_310 = tpu.memref_squeeze %dma_wait3A_309 : memref<1x16x128xf32, #tpu.memory_space<hbm>> -> memref<16x128xf32, #tpu.memory_space<hbm>>
      tpu.wait_dma2 semaphore(%run_scoped3A : memref<!tpu.dma_semaphore, #tpu.memory_space<semaphore_mem>>) src(%dma_wait3A_310 : memref<16x128xf32, #tpu.memory_space<hbm>>) dst(%arg12 : memref<16x128xf32, #tpu.memory_space<vmem>>)
      tpu.yield
    }) : () -> ()
    %scan3A_60 = arith.constant 0 : i32
    %scan3A_61 = arith.constant 0 : i32
    %scan3A_62 = arith.constant 8 : i32
    %scan3A_63 = arith.addi %scan3A_61, %scan3A_62 : i32
    %scan3A_64 = arith.constant 1 : i32
    %scan3A_65 = scf.for %scan3A_299 = %scan3A_61 to %scan3A_63 step %scan3A_64 iter_args(%scan3A_300 = %scan3A_60) -> (i32)  : i32 {
      %mul3A_301 = arith.constant 16 : i32
      %mul3A_302 = arith.muli %scan3A_299, %mul3A_301 : i32
      %get3A = arith.constant 0 : i32
      %get3A_303 = arith.index_cast %get3A : i32 to index
      %get3A_304 = arith.index_cast %mul3A_302 : i32 to index
      %get3A_305 = tpu.vector_load %arg12[%get3A_303, %get3A_304] {strides = array<i32>} : memref<16x128xf32, #tpu.memory_space<vmem>>, vector<16xf32>,
      %mul3A_306 = arith.constant 16 : i32
      %mul3A_307 = arith.muli %scan3A_299, %mul3A_306 : i32
      %get3A_308 = arith.constant 1 : i32
      %get3A_309 = arith.index_cast %get3A_308 : i32 to index
      %get3A_310 = arith.index_cast %mul3A_307 : i32 to index
      %get3A_311 = tpu.vector_load %arg12[%get3A_309, %get3A_310] {strides = array<i32>} : memref<16x128xf32, #tpu.memory_space<vmem>>, vector<16xf32>,
      %add3A_312 = arith.addf %get3A_305, %get3A_311 : vector<16xf32>
      %mul3A_313 = arith.constant 16 : i32
      %mul3A_314 = arith.muli %scan3A_299, %mul3A_313 : i32
      %get3A_315 = arith.constant 2 : i32
      %get3A_316 = arith.index_cast %get3A_315 : i32 to index
      %get3A_317 = arith.index_cast %mul3A_314 : i32 to index
      %get3A_318 = tpu.vector_load %arg12[%get3A_316, %get3A_317] {strides = array<i32>} : memref<16x128xf32, #tpu.memory_space<vmem>>, vector<16xf32>,
      %add3A_319 = arith.addf %add3A_312, %get3A_318 : vector<16xf32>
      %mul3A_320 = arith.constant 16 : i32
      %mul3A_321 = arith.muli %scan3A_299, %mul3A_320 : i32
      %get3A_322 = arith.constant 3 : i32
      %get3A_323 = arith.index_cast %get3A_322 : i32 to index
      %get3A_324 = arith.index_cast %mul3A_321 : i32 to index
      %get3A_325 = tpu.vector_load %arg12[%get3A_323, %get3A_324] {strides = array<i32>} : memref<16x128xf32, #tpu.memory_space<vmem>>, vector<16xf32>,
      %add3A_326 = arith.addf %add3A_319, %get3A_325 : vector<16xf32>
      %mul3A_327 = arith.constant 16 : i32
      %mul3A_328 = arith.muli %scan3A_299, %mul3A_327 : i32
      %get3A_329 = arith.constant 4 : i32
      %get3A_330 = arith.index_cast %get3A_329 : i32 to index
      %get3A_331 = arith.index_cast %mul3A_328 : i32 to index
      %get3A_332 = tpu.vector_load %arg12[%get3A_330, %get3A_331] {strides = array<i32>} : memref<16x128xf32, #tpu.memory_space<vmem>>, vector<16xf32>,
      %add3A_333 = arith.addf %add3A_326, %get3A_332 : vector<16xf32>
      %mul3A_334 = arith.constant 16 : i32
      %mul3A_335 = arith.muli %scan3A_299, %mul3A_334 : i32
      %get3A_336 = arith.constant 5 : i32
      %get3A_337 = arith.index_cast %get3A_336 : i32 to index
      %get3A_338 = arith.index_cast %mul3A_335 : i32 to index
      %get3A_339 = tpu.vector_load %arg12[%get3A_337, %get3A_338] {strides = array<i32>} : memref<16x128xf32, #tpu.memory_space<vmem>>, vector<16xf32>,
      %add3A_340 = arith.addf %add3A_333, %get3A_339 : vector<16xf32>
      %mul3A_341 = arith.constant 16 : i32
      %mul3A_342 = arith.muli %scan3A_299, %mul3A_341 : i32
      %get3A_343 = arith.constant 6 : i32
      %get3A_344 = arith.index_cast %get3A_343 : i32 to index
      %get3A_345 = arith.index_cast %mul3A_342 : i32 to index
      %get3A_346 = tpu.vector_load %arg12[%get3A_344, %get3A_345] {strides = array<i32>} : memref<16x128xf32, #tpu.memory_space<vmem>>, vector<16xf32>,
      %add3A_347 = arith.addf %add3A_340, %get3A_346 : vector<16xf32>
      %mul3A_348 = arith.constant 16 : i32
      %mul3A_349 = arith.muli %scan3A_299, %mul3A_348 : i32
      %get3A_350 = arith.constant 7 : i32
      %get3A_351 = arith.index_cast %get3A_350 : i32 to index
      %get3A_352 = arith.index_cast %mul3A_349 : i32 to index
      %get3A_353 = tpu.vector_load %arg12[%get3A_351, %get3A_352] {strides = array<i32>} : memref<16x128xf32, #tpu.memory_space<vmem>>, vector<16xf32>,
      %add3A_354 = arith.addf %add3A_347, %get3A_353 : vector<16xf32>
      %mul3A_355 = arith.constant 16 : i32
      %mul3A_356 = arith.muli %scan3A_299, %mul3A_355 : i32
      %get3A_357 = arith.constant 8 : i32
      %get3A_358 = arith.index_cast %get3A_357 : i32 to index
      %get3A_359 = arith.index_cast %mul3A_356 : i32 to index
      %get3A_360 = tpu.vector_load %arg12[%get3A_358, %get3A_359] {strides = array<i32>} : memref<16x128xf32, #tpu.memory_space<vmem>>, vector<16xf32>,
      %add3A_361 = arith.addf %add3A_354, %get3A_360 : vector<16xf32>
      %mul3A_362 = arith.constant 16 : i32
      %mul3A_363 = arith.muli %scan3A_299, %mul3A_362 : i32
      %get3A_364 = arith.constant 9 : i32
      %get3A_365 = arith.index_cast %get3A_364 : i32 to index
      %get3A_366 = arith.index_cast %mul3A_363 : i32 to index
      %get3A_367 = tpu.vector_load %arg12[%get3A_365, %get3A_366] {strides = array<i32>} : memref<16x128xf32, #tpu.memory_space<vmem>>, vector<16xf32>,
      %add3A_368 = arith.addf %add3A_361, %get3A_367 : vector<16xf32>
      %mul3A_369 = arith.constant 16 : i32
      %mul3A_370 = arith.muli %scan3A_299, %mul3A_369 : i32
      %get3A_371 = arith.constant 10 : i32
      %get3A_372 = arith.index_cast %get3A_371 : i32 to index
      %get3A_373 = arith.index_cast %mul3A_370 : i32 to index
      %get3A_374 = tpu.vector_load %arg12[%get3A_372, %get3A_373] {strides = array<i32>} : memref<16x128xf32, #tpu.memory_space<vmem>>, vector<16xf32>,
      %add3A_375 = arith.addf %add3A_368, %get3A_374 : vector<16xf32>
      %mul3A_376 = arith.constant 16 : i32
      %mul3A_377 = arith.muli %scan3A_299, %mul3A_376 : i32
      %get3A_378 = arith.constant 11 : i32
      %get3A_379 = arith.index_cast %get3A_378 : i32 to index
      %get3A_380 = arith.index_cast %mul3A_377 : i32 to index
      %get3A_381 = tpu.vector_load %arg12[%get3A_379, %get3A_380] {strides = array<i32>} : memref<16x128xf32, #tpu.memory_space<vmem>>, vector<16xf32>,
      %add3A_382 = arith.addf %add3A_375, %get3A_381 : vector<16xf32>
      %mul3A_383 = arith.constant 16 : i32
      %mul3A_384 = arith.muli %scan3A_299, %mul3A_383 : i32
      %get3A_385 = arith.constant 12 : i32
      %get3A_386 = arith.index_cast %get3A_385 : i32 to index
      %get3A_387 = arith.index_cast %mul3A_384 : i32 to index
      %get3A_388 = tpu.vector_load %arg12[%get3A_386, %get3A_387] {strides = array<i32>} : memref<16x128xf32, #tpu.memory_space<vmem>>, vector<16xf32>,
      %add3A_389 = arith.addf %add3A_382, %get3A_388 : vector<16xf32>
      %mul3A_390 = arith.constant 16 : i32
      %mul3A_391 = arith.muli %scan3A_299, %mul3A_390 : i32
      %get3A_392 = arith.constant 13 : i32
      %get3A_393 = arith.index_cast %get3A_392 : i32 to index
      %get3A_394 = arith.index_cast %mul3A_391 : i32 to index
      %get3A_395 = tpu.vector_load %arg12[%get3A_393, %get3A_394] {strides = array<i32>} : memref<16x128xf32, #tpu.memory_space<vmem>>, vector<16xf32>,
      %add3A_396 = arith.addf %add3A_389, %get3A_395 : vector<16xf32>
      %mul3A_397 = arith.constant 16 : i32
      %mul3A_398 = arith.muli %scan3A_299, %mul3A_397 : i32
      %get3A_399 = arith.constant 14 : i32
      %get3A_400 = arith.index_cast %get3A_399 : i32 to index
      %get3A_401 = arith.index_cast %mul3A_398 : i32 to index
      %get3A_402 = tpu.vector_load %arg12[%get3A_400, %get3A_401] {strides = array<i32>} : memref<16x128xf32, #tpu.memory_space<vmem>>, vector<16xf32>,
      %add3A_403 = arith.addf %add3A_396, %get3A_402 : vector<16xf32>
      %mul3A_404 = arith.constant 16 : i32
      %mul3A_405 = arith.muli %scan3A_299, %mul3A_404 : i32
      %get3A_406 = arith.constant 15 : i32
      %get3A_407 = arith.index_cast %get3A_406 : i32 to index
      %get3A_408 = arith.index_cast %mul3A_405 : i32 to index
      %get3A_409 = tpu.vector_load %arg12[%get3A_407, %get3A_408] {strides = array<i32>} : memref<16x128xf32, #tpu.memory_space<vmem>>, vector<16xf32>,
      %add3A_410 = arith.addf %add3A_403, %get3A_409 : vector<16xf32>
      %bitcast3A = vector.bitcast %add3A_410 : vector<16xf32> to vector<16xi32>
      %shift_right_arithmetic3A = arith.constant 1 : i32
      %shift_right_arithmetic3A_411 = vector.broadcast %shift_right_arithmetic3A : i32 to vector<16xi32>
      %shift_right_arithmetic3A_412 = arith.shrsi %bitcast3A, %shift_right_arithmetic3A_411 : vector<16xi32>
      %sub3A = arith.constant 1597463007 : i32
      %sub3A_413 = vector.broadcast %sub3A : i32 to vector<16xi32>
      %sub3A_414 = arith.subi %sub3A_413, %shift_right_arithmetic3A_412 : vector<16xi32>
      %bitcast3A_415 = vector.bitcast %sub3A_414 : vector<16xi32> to vector<16xf32>
      %mul3A_416 = arith.constant 5.000000e-01 : f32
      %mul3A_417 = vector.broadcast %mul3A_416 : f32 to vector<16xf32>
      %mul3A_418 = arith.mulf %mul3A_417, %add3A_410 : vector<16xf32>
      %mul3A_419 = arith.mulf %mul3A_418, %bitcast3A_415 : vector<16xf32>
      %mul3A_420 = arith.mulf %mul3A_419, %bitcast3A_415 : vector<16xf32>
      %sub3A_421 = arith.constant 1.500000e+00 : f32
      %sub3A_422 = vector.broadcast %sub3A_421 : f32 to vector<16xf32>
      %sub3A_423 = arith.subf %sub3A_422, %mul3A_420 : vector<16xf32>
      %mul3A_424 = arith.mulf %bitcast3A_415, %sub3A_423 : vector<16xf32>
      %mul3A_425 = arith.constant 5.000000e-01 : f32
      %mul3A_426 = vector.broadcast %mul3A_425 : f32 to vector<16xf32>
      %mul3A_427 = arith.mulf %mul3A_426, %add3A_410 : vector<16xf32>
      %mul3A_428 = arith.mulf %mul3A_427, %mul3A_424 : vector<16xf32>
      %mul3A_429 = arith.mulf %mul3A_428, %mul3A_424 : vector<16xf32>
      %sub3A_430 = arith.constant 1.500000e+00 : f32
      %sub3A_431 = vector.broadcast %sub3A_430 : f32 to vector<16xf32>
      %sub3A_432 = arith.subf %sub3A_431, %mul3A_429 : vector<16xf32>
      %mul3A_433 = arith.mulf %mul3A_424, %sub3A_432 : vector<16xf32>
      %mul3A_434 = arith.constant 5.000000e-01 : f32
      %mul3A_435 = vector.broadcast %mul3A_434 : f32 to vector<16xf32>
      %mul3A_436 = arith.mulf %mul3A_435, %add3A_410 : vector<16xf32>
      %mul3A_437 = arith.mulf %mul3A_436, %mul3A_433 : vector<16xf32>
      %mul3A_438 = arith.mulf %mul3A_437, %mul3A_433 : vector<16xf32>
      %sub3A_439 = arith.constant 1.500000e+00 : f32
      %sub3A_440 = vector.broadcast %sub3A_439 : f32 to vector<16xf32>
      %sub3A_441 = arith.subf %sub3A_440, %mul3A_438 : vector<16xf32>
      %mul3A_442 = arith.mulf %mul3A_433, %sub3A_441 : vector<16xf32>
      %mul3A_443 = arith.constant 5.000000e-01 : f32
      %mul3A_444 = vector.broadcast %mul3A_443 : f32 to vector<16xf32>
      %mul3A_445 = arith.mulf %mul3A_444, %add3A_410 : vector<16xf32>
      %mul3A_446 = arith.mulf %mul3A_445, %mul3A_442 : vector<16xf32>
      %mul3A_447 = arith.mulf %mul3A_446, %mul3A_442 : vector<16xf32>
      %sub3A_448 = arith.constant 1.500000e+00 : f32
      %sub3A_449 = vector.broadcast %sub3A_448 : f32 to vector<16xf32>
      %sub3A_450 = arith.subf %sub3A_449, %mul3A_447 : vector<16xf32>
      %mul3A_451 = arith.mulf %mul3A_442, %sub3A_450 : vector<16xf32>
      %gt3A = arith.constant 0.000000e+00 : f32
      %gt3A_452 = vector.broadcast %gt3A : f32 to vector<16xf32>
      %gt3A_453 = arith.cmpf ogt, %add3A_410, %gt3A_452 : vector<16xf32>
      %jit3A = arith.constant 0.000000e+00 : f32
      %broadcast_in_dim3A = vector.broadcast %jit3A : f32 to vector<16xf32>
      %select_n3A = arith.select %gt3A_453, %mul3A_451, %broadcast_in_dim3A : vector<16xi1>, vector<16xf32>
      %mul3A_454 = arith.constant 16 : i32
      %mul3A_455 = arith.muli %scan3A_299, %mul3A_454 : i32
      %swap3A = arith.index_cast %mul3A_455 : i32 to index
      %swap3A_456 = tpu.vector_load %arg15[%swap3A] {strides = array<i32>} : memref<128xf32, #tpu.memory_space<vmem>>, vector<16xf32>,
      tpu.vector_store %arg15[%swap3A], %select_n3A {strides = array<i32>} : memref<128xf32, #tpu.memory_space<vmem>>, vector<16xf32>,
      %scan3A_457 = arith.constant 0 : i32
      scf.yield %scan3A_457 : i32
    }
    %scan3A_66 = arith.constant 8 : i32
    %mul3A_67 = arith.constant 640 : i32
    %mul3A_68 = arith.muli %arg1, %mul3A_67 : i32
    %add3A_69 = arith.constant 384 : i32
    %add3A_70 = arith.addi %mul3A_68, %add3A_69 : i32
    "tpu.region"() ({
      %run_scoped3A = tpu.sem_alloc : memref<!tpu.dma_semaphore, #tpu.memory_space<semaphore_mem>>
      %dma_start3A_299 = tpu.memref_slice %arg7[%arg0, %add3A_70] : memref<2x10240xf32, #tpu.memory_space<hbm>> -> memref<1x128xf32, #tpu.memory_space<hbm>>
      %dma_start3A_300 = tpu.memref_squeeze %dma_start3A_299 : memref<1x128xf32, #tpu.memory_space<hbm>> -> memref<128xf32, #tpu.memory_space<hbm>>
      %dma_start3A_301 = tpu.memref_slice %arg7[%arg0, %add3A_70] : memref<2x10240xf32, #tpu.memory_space<hbm>> -> memref<1x128xf32, #tpu.memory_space<hbm>>
      %dma_start3A_302 = tpu.memref_squeeze %dma_start3A_301 : memref<1x128xf32, #tpu.memory_space<hbm>> -> memref<128xf32, #tpu.memory_space<hbm>>
      tpu.enqueue_dma source(%arg15 : memref<128xf32, #tpu.memory_space<vmem>>) target(%dma_start3A_302 : memref<128xf32, #tpu.memory_space<hbm>>) target_semaphore(%run_scoped3A : memref<!tpu.dma_semaphore, #tpu.memory_space<semaphore_mem>>)
      %dma_wait3A_303 = tpu.memref_slice %arg7[%arg0, %add3A_70] : memref<2x10240xf32, #tpu.memory_space<hbm>> -> memref<1x128xf32, #tpu.memory_space<hbm>>
      %dma_wait3A_304 = tpu.memref_squeeze %dma_wait3A_303 : memref<1x128xf32, #tpu.memory_space<hbm>> -> memref<128xf32, #tpu.memory_space<hbm>>
      %dma_wait3A_305 = tpu.memref_slice %arg7[%arg0, %add3A_70] : memref<2x10240xf32, #tpu.memory_space<hbm>> -> memref<1x128xf32, #tpu.memory_space<hbm>>
      %dma_wait3A_306 = tpu.memref_squeeze %dma_wait3A_305 : memref<1x128xf32, #tpu.memory_space<hbm>> -> memref<128xf32, #tpu.memory_space<hbm>>
      tpu.wait_dma2 semaphore(%run_scoped3A : memref<!tpu.dma_semaphore, #tpu.memory_space<semaphore_mem>>) src(%arg15 : memref<128xf32, #tpu.memory_space<vmem>>) dst(%dma_wait3A_306 : memref<128xf32, #tpu.memory_space<hbm>>)
      tpu.yield
    }) : () -> ()
    %mul3A_71 = arith.constant 640 : i32
    %mul3A_72 = arith.muli %arg1, %mul3A_71 : i32
    %add3A_73 = arith.constant 512 : i32
    %add3A_74 = arith.addi %mul3A_72, %add3A_73 : i32
    "tpu.region"() ({
      %run_scoped3A = tpu.sem_alloc : memref<!tpu.dma_semaphore, #tpu.memory_space<semaphore_mem>>
      %dma_start3A_299 = arith.constant 0 : i32
      %dma_start3A_300 = tpu.memref_slice %arg6[%arg0, %dma_start3A_299, %add3A_74] : memref<2x16x10240xf32, #tpu.memory_space<hbm>> -> memref<1x16x128xf32, #tpu.memory_space<hbm>>
      %dma_start3A_301 = tpu.memref_squeeze %dma_start3A_300 : memref<1x16x128xf32, #tpu.memory_space<hbm>> -> memref<16x128xf32, #tpu.memory_space<hbm>>
      %dma_start3A_302 = arith.constant 0 : i32
      %dma_start3A_303 = tpu.memref_slice %arg6[%arg0, %dma_start3A_302, %add3A_74] : memref<2x16x10240xf32, #tpu.memory_space<hbm>> -> memref<1x16x128xf32, #tpu.memory_space<hbm>>
      %dma_start3A_304 = tpu.memref_squeeze %dma_start3A_303 : memref<1x16x128xf32, #tpu.memory_space<hbm>> -> memref<16x128xf32, #tpu.memory_space<hbm>>
      tpu.enqueue_dma source(%dma_start3A_304 : memref<16x128xf32, #tpu.memory_space<hbm>>) target(%arg12 : memref<16x128xf32, #tpu.memory_space<vmem>>) target_semaphore(%run_scoped3A : memref<!tpu.dma_semaphore, #tpu.memory_space<semaphore_mem>>)
      %dma_wait3A_305 = arith.constant 0 : i32
      %dma_wait3A_306 = tpu.memref_slice %arg6[%arg0, %dma_wait3A_305, %add3A_74] : memref<2x16x10240xf32, #tpu.memory_space<hbm>> -> memref<1x16x128xf32, #tpu.memory_space<hbm>>
      %dma_wait3A_307 = tpu.memref_squeeze %dma_wait3A_306 : memref<1x16x128xf32, #tpu.memory_space<hbm>> -> memref<16x128xf32, #tpu.memory_space<hbm>>
      %dma_wait3A_308 = arith.constant 0 : i32
      %dma_wait3A_309 = tpu.memref_slice %arg6[%arg0, %dma_wait3A_308, %add3A_74] : memref<2x16x10240xf32, #tpu.memory_space<hbm>> -> memref<1x16x128xf32, #tpu.memory_space<hbm>>
      %dma_wait3A_310 = tpu.memref_squeeze %dma_wait3A_309 : memref<1x16x128xf32, #tpu.memory_space<hbm>> -> memref<16x128xf32, #tpu.memory_space<hbm>>
      tpu.wait_dma2 semaphore(%run_scoped3A : memref<!tpu.dma_semaphore, #tpu.memory_space<semaphore_mem>>) src(%dma_wait3A_310 : memref<16x128xf32, #tpu.memory_space<hbm>>) dst(%arg12 : memref<16x128xf32, #tpu.memory_space<vmem>>)
      tpu.yield
    }) : () -> ()
    %scan3A_75 = arith.constant 0 : i32
    %scan3A_76 = arith.constant 0 : i32
    %scan3A_77 = arith.constant 8 : i32
    %scan3A_78 = arith.addi %scan3A_76, %scan3A_77 : i32
    %scan3A_79 = arith.constant 1 : i32
    %scan3A_80 = scf.for %scan3A_299 = %scan3A_76 to %scan3A_78 step %scan3A_79 iter_args(%scan3A_300 = %scan3A_75) -> (i32)  : i32 {
      %mul3A_301 = arith.constant 16 : i32
      %mul3A_302 = arith.muli %scan3A_299, %mul3A_301 : i32
      %get3A = arith.constant 0 : i32
      %get3A_303 = arith.index_cast %get3A : i32 to index
      %get3A_304 = arith.index_cast %mul3A_302 : i32 to index
      %get3A_305 = tpu.vector_load %arg12[%get3A_303, %get3A_304] {strides = array<i32>} : memref<16x128xf32, #tpu.memory_space<vmem>>, vector<16xf32>,
      %mul3A_306 = arith.constant 16 : i32
      %mul3A_307 = arith.muli %scan3A_299, %mul3A_306 : i32
      %get3A_308 = arith.constant 1 : i32
      %get3A_309 = arith.index_cast %get3A_308 : i32 to index
      %get3A_310 = arith.index_cast %mul3A_307 : i32 to index
      %get3A_311 = tpu.vector_load %arg12[%get3A_309, %get3A_310] {strides = array<i32>} : memref<16x128xf32, #tpu.memory_space<vmem>>, vector<16xf32>,
      %add3A_312 = arith.addf %get3A_305, %get3A_311 : vector<16xf32>
      %mul3A_313 = arith.constant 16 : i32
      %mul3A_314 = arith.muli %scan3A_299, %mul3A_313 : i32
      %get3A_315 = arith.constant 2 : i32
      %get3A_316 = arith.index_cast %get3A_315 : i32 to index
      %get3A_317 = arith.index_cast %mul3A_314 : i32 to index
      %get3A_318 = tpu.vector_load %arg12[%get3A_316, %get3A_317] {strides = array<i32>} : memref<16x128xf32, #tpu.memory_space<vmem>>, vector<16xf32>,
      %add3A_319 = arith.addf %add3A_312, %get3A_318 : vector<16xf32>
      %mul3A_320 = arith.constant 16 : i32
      %mul3A_321 = arith.muli %scan3A_299, %mul3A_320 : i32
      %get3A_322 = arith.constant 3 : i32
      %get3A_323 = arith.index_cast %get3A_322 : i32 to index
      %get3A_324 = arith.index_cast %mul3A_321 : i32 to index
      %get3A_325 = tpu.vector_load %arg12[%get3A_323, %get3A_324] {strides = array<i32>} : memref<16x128xf32, #tpu.memory_space<vmem>>, vector<16xf32>,
      %add3A_326 = arith.addf %add3A_319, %get3A_325 : vector<16xf32>
      %mul3A_327 = arith.constant 16 : i32
      %mul3A_328 = arith.muli %scan3A_299, %mul3A_327 : i32
      %get3A_329 = arith.constant 4 : i32
      %get3A_330 = arith.index_cast %get3A_329 : i32 to index
      %get3A_331 = arith.index_cast %mul3A_328 : i32 to index
      %get3A_332 = tpu.vector_load %arg12[%get3A_330, %get3A_331] {strides = array<i32>} : memref<16x128xf32, #tpu.memory_space<vmem>>, vector<16xf32>,
      %add3A_333 = arith.addf %add3A_326, %get3A_332 : vector<16xf32>
      %mul3A_334 = arith.constant 16 : i32
      %mul3A_335 = arith.muli %scan3A_299, %mul3A_334 : i32
      %get3A_336 = arith.constant 5 : i32
      %get3A_337 = arith.index_cast %get3A_336 : i32 to index
      %get3A_338 = arith.index_cast %mul3A_335 : i32 to index
      %get3A_339 = tpu.vector_load %arg12[%get3A_337, %get3A_338] {strides = array<i32>} : memref<16x128xf32, #tpu.memory_space<vmem>>, vector<16xf32>,
      %add3A_340 = arith.addf %add3A_333, %get3A_339 : vector<16xf32>
      %mul3A_341 = arith.constant 16 : i32
      %mul3A_342 = arith.muli %scan3A_299, %mul3A_341 : i32
      %get3A_343 = arith.constant 6 : i32
      %get3A_344 = arith.index_cast %get3A_343 : i32 to index
      %get3A_345 = arith.index_cast %mul3A_342 : i32 to index
      %get3A_346 = tpu.vector_load %arg12[%get3A_344, %get3A_345] {strides = array<i32>} : memref<16x128xf32, #tpu.memory_space<vmem>>, vector<16xf32>,
      %add3A_347 = arith.addf %add3A_340, %get3A_346 : vector<16xf32>
      %mul3A_348 = arith.constant 16 : i32
      %mul3A_349 = arith.muli %scan3A_299, %mul3A_348 : i32
      %get3A_350 = arith.constant 7 : i32
      %get3A_351 = arith.index_cast %get3A_350 : i32 to index
      %get3A_352 = arith.index_cast %mul3A_349 : i32 to index
      %get3A_353 = tpu.vector_load %arg12[%get3A_351, %get3A_352] {strides = array<i32>} : memref<16x128xf32, #tpu.memory_space<vmem>>, vector<16xf32>,
      %add3A_354 = arith.addf %add3A_347, %get3A_353 : vector<16xf32>
      %mul3A_355 = arith.constant 16 : i32
      %mul3A_356 = arith.muli %scan3A_299, %mul3A_355 : i32
      %get3A_357 = arith.constant 8 : i32
      %get3A_358 = arith.index_cast %get3A_357 : i32 to index
      %get3A_359 = arith.index_cast %mul3A_356 : i32 to index
      %get3A_360 = tpu.vector_load %arg12[%get3A_358, %get3A_359] {strides = array<i32>} : memref<16x128xf32, #tpu.memory_space<vmem>>, vector<16xf32>,
      %add3A_361 = arith.addf %add3A_354, %get3A_360 : vector<16xf32>
      %mul3A_362 = arith.constant 16 : i32
      %mul3A_363 = arith.muli %scan3A_299, %mul3A_362 : i32
      %get3A_364 = arith.constant 9 : i32
      %get3A_365 = arith.index_cast %get3A_364 : i32 to index
      %get3A_366 = arith.index_cast %mul3A_363 : i32 to index
      %get3A_367 = tpu.vector_load %arg12[%get3A_365, %get3A_366] {strides = array<i32>} : memref<16x128xf32, #tpu.memory_space<vmem>>, vector<16xf32>,
      %add3A_368 = arith.addf %add3A_361, %get3A_367 : vector<16xf32>
      %mul3A_369 = arith.constant 16 : i32
      %mul3A_370 = arith.muli %scan3A_299, %mul3A_369 : i32
      %get3A_371 = arith.constant 10 : i32
      %get3A_372 = arith.index_cast %get3A_371 : i32 to index
      %get3A_373 = arith.index_cast %mul3A_370 : i32 to index
      %get3A_374 = tpu.vector_load %arg12[%get3A_372, %get3A_373] {strides = array<i32>} : memref<16x128xf32, #tpu.memory_space<vmem>>, vector<16xf32>,
      %add3A_375 = arith.addf %add3A_368, %get3A_374 : vector<16xf32>
      %mul3A_376 = arith.constant 16 : i32
      %mul3A_377 = arith.muli %scan3A_299, %mul3A_376 : i32
      %get3A_378 = arith.constant 11 : i32
      %get3A_379 = arith.index_cast %get3A_378 : i32 to index
      %get3A_380 = arith.index_cast %mul3A_377 : i32 to index
      %get3A_381 = tpu.vector_load %arg12[%get3A_379, %get3A_380] {strides = array<i32>} : memref<16x128xf32, #tpu.memory_space<vmem>>, vector<16xf32>,
      %add3A_382 = arith.addf %add3A_375, %get3A_381 : vector<16xf32>
      %mul3A_383 = arith.constant 16 : i32
      %mul3A_384 = arith.muli %scan3A_299, %mul3A_383 : i32
      %get3A_385 = arith.constant 12 : i32
      %get3A_386 = arith.index_cast %get3A_385 : i32 to index
      %get3A_387 = arith.index_cast %mul3A_384 : i32 to index
      %get3A_388 = tpu.vector_load %arg12[%get3A_386, %get3A_387] {strides = array<i32>} : memref<16x128xf32, #tpu.memory_space<vmem>>, vector<16xf32>,
      %add3A_389 = arith.addf %add3A_382, %get3A_388 : vector<16xf32>
      %mul3A_390 = arith.constant 16 : i32
      %mul3A_391 = arith.muli %scan3A_299, %mul3A_390 : i32
      %get3A_392 = arith.constant 13 : i32
      %get3A_393 = arith.index_cast %get3A_392 : i32 to index
      %get3A_394 = arith.index_cast %mul3A_391 : i32 to index
      %get3A_395 = tpu.vector_load %arg12[%get3A_393, %get3A_394] {strides = array<i32>} : memref<16x128xf32, #tpu.memory_space<vmem>>, vector<16xf32>,
      %add3A_396 = arith.addf %add3A_389, %get3A_395 : vector<16xf32>
      %mul3A_397 = arith.constant 16 : i32
      %mul3A_398 = arith.muli %scan3A_299, %mul3A_397 : i32
      %get3A_399 = arith.constant 14 : i32
      %get3A_400 = arith.index_cast %get3A_399 : i32 to index
      %get3A_401 = arith.index_cast %mul3A_398 : i32 to index
      %get3A_402 = tpu.vector_load %arg12[%get3A_400, %get3A_401] {strides = array<i32>} : memref<16x128xf32, #tpu.memory_space<vmem>>, vector<16xf32>,
      %add3A_403 = arith.addf %add3A_396, %get3A_402 : vector<16xf32>
      %mul3A_404 = arith.constant 16 : i32
      %mul3A_405 = arith.muli %scan3A_299, %mul3A_404 : i32
      %get3A_406 = arith.constant 15 : i32
      %get3A_407 = arith.index_cast %get3A_406 : i32 to index
      %get3A_408 = arith.index_cast %mul3A_405 : i32 to index
      %get3A_409 = tpu.vector_load %arg12[%get3A_407, %get3A_408] {strides = array<i32>} : memref<16x128xf32, #tpu.memory_space<vmem>>, vector<16xf32>,
      %add3A_410 = arith.addf %add3A_403, %get3A_409 : vector<16xf32>
      %bitcast3A = vector.bitcast %add3A_410 : vector<16xf32> to vector<16xi32>
      %shift_right_arithmetic3A = arith.constant 1 : i32
      %shift_right_arithmetic3A_411 = vector.broadcast %shift_right_arithmetic3A : i32 to vector<16xi32>
      %shift_right_arithmetic3A_412 = arith.shrsi %bitcast3A, %shift_right_arithmetic3A_411 : vector<16xi32>
      %sub3A = arith.constant 1597463007 : i32
      %sub3A_413 = vector.broadcast %sub3A : i32 to vector<16xi32>
      %sub3A_414 = arith.subi %sub3A_413, %shift_right_arithmetic3A_412 : vector<16xi32>
      %bitcast3A_415 = vector.bitcast %sub3A_414 : vector<16xi32> to vector<16xf32>
      %mul3A_416 = arith.constant 5.000000e-01 : f32
      %mul3A_417 = vector.broadcast %mul3A_416 : f32 to vector<16xf32>
      %mul3A_418 = arith.mulf %mul3A_417, %add3A_410 : vector<16xf32>
      %mul3A_419 = arith.mulf %mul3A_418, %bitcast3A_415 : vector<16xf32>
      %mul3A_420 = arith.mulf %mul3A_419, %bitcast3A_415 : vector<16xf32>
      %sub3A_421 = arith.constant 1.500000e+00 : f32
      %sub3A_422 = vector.broadcast %sub3A_421 : f32 to vector<16xf32>
      %sub3A_423 = arith.subf %sub3A_422, %mul3A_420 : vector<16xf32>
      %mul3A_424 = arith.mulf %bitcast3A_415, %sub3A_423 : vector<16xf32>
      %mul3A_425 = arith.constant 5.000000e-01 : f32
      %mul3A_426 = vector.broadcast %mul3A_425 : f32 to vector<16xf32>
      %mul3A_427 = arith.mulf %mul3A_426, %add3A_410 : vector<16xf32>
      %mul3A_428 = arith.mulf %mul3A_427, %mul3A_424 : vector<16xf32>
      %mul3A_429 = arith.mulf %mul3A_428, %mul3A_424 : vector<16xf32>
      %sub3A_430 = arith.constant 1.500000e+00 : f32
      %sub3A_431 = vector.broadcast %sub3A_430 : f32 to vector<16xf32>
      %sub3A_432 = arith.subf %sub3A_431, %mul3A_429 : vector<16xf32>
      %mul3A_433 = arith.mulf %mul3A_424, %sub3A_432 : vector<16xf32>
      %mul3A_434 = arith.constant 5.000000e-01 : f32
      %mul3A_435 = vector.broadcast %mul3A_434 : f32 to vector<16xf32>
      %mul3A_436 = arith.mulf %mul3A_435, %add3A_410 : vector<16xf32>
      %mul3A_437 = arith.mulf %mul3A_436, %mul3A_433 : vector<16xf32>
      %mul3A_438 = arith.mulf %mul3A_437, %mul3A_433 : vector<16xf32>
      %sub3A_439 = arith.constant 1.500000e+00 : f32
      %sub3A_440 = vector.broadcast %sub3A_439 : f32 to vector<16xf32>
      %sub3A_441 = arith.subf %sub3A_440, %mul3A_438 : vector<16xf32>
      %mul3A_442 = arith.mulf %mul3A_433, %sub3A_441 : vector<16xf32>
      %mul3A_443 = arith.constant 5.000000e-01 : f32
      %mul3A_444 = vector.broadcast %mul3A_443 : f32 to vector<16xf32>
      %mul3A_445 = arith.mulf %mul3A_444, %add3A_410 : vector<16xf32>
      %mul3A_446 = arith.mulf %mul3A_445, %mul3A_442 : vector<16xf32>
      %mul3A_447 = arith.mulf %mul3A_446, %mul3A_442 : vector<16xf32>
      %sub3A_448 = arith.constant 1.500000e+00 : f32
      %sub3A_449 = vector.broadcast %sub3A_448 : f32 to vector<16xf32>
      %sub3A_450 = arith.subf %sub3A_449, %mul3A_447 : vector<16xf32>
      %mul3A_451 = arith.mulf %mul3A_442, %sub3A_450 : vector<16xf32>
      %gt3A = arith.constant 0.000000e+00 : f32
      %gt3A_452 = vector.broadcast %gt3A : f32 to vector<16xf32>
      %gt3A_453 = arith.cmpf ogt, %add3A_410, %gt3A_452 : vector<16xf32>
      %jit3A = arith.constant 0.000000e+00 : f32
      %broadcast_in_dim3A = vector.broadcast %jit3A : f32 to vector<16xf32>
      %select_n3A = arith.select %gt3A_453, %mul3A_451, %broadcast_in_dim3A : vector<16xi1>, vector<16xf32>
      %mul3A_454 = arith.constant 16 : i32
      %mul3A_455 = arith.muli %scan3A_299, %mul3A_454 : i32
      %swap3A = arith.index_cast %mul3A_455 : i32 to index
      %swap3A_456 = tpu.vector_load %arg15[%swap3A] {strides = array<i32>} : memref<128xf32, #tpu.memory_space<vmem>>, vector<16xf32>,
      tpu.vector_store %arg15[%swap3A], %select_n3A {strides = array<i32>} : memref<128xf32, #tpu.memory_space<vmem>>, vector<16xf32>,
      %scan3A_457 = arith.constant 0 : i32
      scf.yield %scan3A_457 : i32
    }
    %scan3A_81 = arith.constant 8 : i32
    %mul3A_82 = arith.constant 640 : i32
    %mul3A_83 = arith.muli %arg1, %mul3A_82 : i32
    %add3A_84 = arith.constant 512 : i32
    %add3A_85 = arith.addi %mul3A_83, %add3A_84 : i32
    "tpu.region"() ({
      %run_scoped3A = tpu.sem_alloc : memref<!tpu.dma_semaphore, #tpu.memory_space<semaphore_mem>>
      %dma_start3A_299 = tpu.memref_slice %arg7[%arg0, %add3A_85] : memref<2x10240xf32, #tpu.memory_space<hbm>> -> memref<1x128xf32, #tpu.memory_space<hbm>>
      %dma_start3A_300 = tpu.memref_squeeze %dma_start3A_299 : memref<1x128xf32, #tpu.memory_space<hbm>> -> memref<128xf32, #tpu.memory_space<hbm>>
      %dma_start3A_301 = tpu.memref_slice %arg7[%arg0, %add3A_85] : memref<2x10240xf32, #tpu.memory_space<hbm>> -> memref<1x128xf32, #tpu.memory_space<hbm>>
      %dma_start3A_302 = tpu.memref_squeeze %dma_start3A_301 : memref<1x128xf32, #tpu.memory_space<hbm>> -> memref<128xf32, #tpu.memory_space<hbm>>
      tpu.enqueue_dma source(%arg15 : memref<128xf32, #tpu.memory_space<vmem>>) target(%dma_start3A_302 : memref<128xf32, #tpu.memory_space<hbm>>) target_semaphore(%run_scoped3A : memref<!tpu.dma_semaphore, #tpu.memory_space<semaphore_mem>>)
      %dma_wait3A_303 = tpu.memref_slice %arg7[%arg0, %add3A_85] : memref<2x10240xf32, #tpu.memory_space<hbm>> -> memref<1x128xf32, #tpu.memory_space<hbm>>
      %dma_wait3A_304 = tpu.memref_squeeze %dma_wait3A_303 : memref<1x128xf32, #tpu.memory_space<hbm>> -> memref<128xf32, #tpu.memory_space<hbm>>
      %dma_wait3A_305 = tpu.memref_slice %arg7[%arg0, %add3A_85] : memref<2x10240xf32, #tpu.memory_space<hbm>> -> memref<1x128xf32, #tpu.memory_space<hbm>>
      %dma_wait3A_306 = tpu.memref_squeeze %dma_wait3A_305 : memref<1x128xf32, #tpu.memory_space<hbm>> -> memref<128xf32, #tpu.memory_space<hbm>>
      tpu.wait_dma2 semaphore(%run_scoped3A : memref<!tpu.dma_semaphore, #tpu.memory_space<semaphore_mem>>) src(%arg15 : memref<128xf32, #tpu.memory_space<vmem>>) dst(%dma_wait3A_306 : memref<128xf32, #tpu.memory_space<hbm>>)
      tpu.yield
    }) : () -> ()
    %barrier3A_86 = arith.constant 0 : index
    tpu.barrier barrier_id(%barrier3A_86)
    "tpu.region"() ({
      %run_scoped3A = tpu.sem_alloc : memref<!tpu.dma_semaphore, #tpu.memory_space<semaphore_mem>>
      %dma_start3A_299 = arith.constant 0 : i32
      %dma_start3A_300 = tpu.memref_slice %arg7[%arg0, %dma_start3A_299] : memref<2x10240xf32, #tpu.memory_space<hbm>> -> memref<1x10240xf32, #tpu.memory_space<hbm>>
      %dma_start3A_301 = tpu.memref_squeeze %dma_start3A_300 : memref<1x10240xf32, #tpu.memory_space<hbm>> -> memref<10240xf32, #tpu.memory_space<hbm>>
      %dma_start3A_302 = arith.constant 0 : i32
      %dma_start3A_303 = tpu.memref_slice %arg7[%arg0, %dma_start3A_302] : memref<2x10240xf32, #tpu.memory_space<hbm>> -> memref<1x10240xf32, #tpu.memory_space<hbm>>
      %dma_start3A_304 = tpu.memref_squeeze %dma_start3A_303 : memref<1x10240xf32, #tpu.memory_space<hbm>> -> memref<10240xf32, #tpu.memory_space<hbm>>
      tpu.enqueue_dma source(%dma_start3A_304 : memref<10240xf32, #tpu.memory_space<hbm>>) target(%arg11 : memref<10240xf32, #tpu.memory_space<vmem>>) target_semaphore(%run_scoped3A : memref<!tpu.dma_semaphore, #tpu.memory_space<semaphore_mem>>)
      %dma_wait3A_305 = arith.constant 0 : i32
      %dma_wait3A_306 = tpu.memref_slice %arg7[%arg0, %dma_wait3A_305] : memref<2x10240xf32, #tpu.memory_space<hbm>> -> memref<1x10240xf32, #tpu.memory_space<hbm>>
      %dma_wait3A_307 = tpu.memref_squeeze %dma_wait3A_306 : memref<1x10240xf32, #tpu.memory_space<hbm>> -> memref<10240xf32, #tpu.memory_space<hbm>>
      %dma_wait3A_308 = arith.constant 0 : i32
      %dma_wait3A_309 = tpu.memref_slice %arg7[%arg0, %dma_wait3A_308] : memref<2x10240xf32, #tpu.memory_space<hbm>> -> memref<1x10240xf32, #tpu.memory_space<hbm>>
      %dma_wait3A_310 = tpu.memref_squeeze %dma_wait3A_309 : memref<1x10240xf32, #tpu.memory_space<hbm>> -> memref<10240xf32, #tpu.memory_space<hbm>>
      tpu.wait_dma2 semaphore(%run_scoped3A : memref<!tpu.dma_semaphore, #tpu.memory_space<semaphore_mem>>) src(%dma_wait3A_310 : memref<10240xf32, #tpu.memory_space<hbm>>) dst(%arg11 : memref<10240xf32, #tpu.memory_space<vmem>>)
      tpu.yield
    }) : () -> ()
    %scan3A_87 = arith.constant 0 : i32
    %scan3A_88 = arith.constant 0 : i32
    %scan3A_89 = arith.constant 80 : i32
    %scan3A_90 = arith.addi %scan3A_88, %scan3A_89 : i32
    %scan3A_91 = arith.constant 1 : i32
    %scan3A_92 = scf.for %scan3A_299 = %scan3A_88 to %scan3A_90 step %scan3A_91 iter_args(%scan3A_300 = %scan3A_87) -> (i32)  : i32 {
      %broadcast_in_dim3A = arith.constant 0.000000e+00 : f32
      %broadcast_in_dim3A_301 = vector.broadcast %broadcast_in_dim3A : f32 to vector<16xf32>
      %swap3A = arith.index_cast %scan3A_299 : i32 to index
      %swap3A_302 = arith.constant 0 : index
      %swap3A_303 = tpu.vector_load %arg13[%swap3A, %swap3A_302] {strides = array<i32>} : memref<80x128xf32, #tpu.memory_space<vmem>>, vector<16xf32>,
      tpu.vector_store %arg13[%swap3A, %swap3A_302], %broadcast_in_dim3A_301 {strides = array<i32>} : memref<80x128xf32, #tpu.memory_space<vmem>>, vector<16xf32>,
      %broadcast_in_dim3A_304 = arith.constant 0.000000e+00 : f32
      %broadcast_in_dim3A_305 = vector.broadcast %broadcast_in_dim3A_304 : f32 to vector<16xf32>
      %swap3A_306 = arith.index_cast %scan3A_299 : i32 to index
      %swap3A_307 = arith.constant 0 : index
      %swap3A_308 = tpu.vector_load %arg14[%swap3A_306, %swap3A_307] {strides = array<i32>} : memref<80x128xf32, #tpu.memory_space<vmem>>, vector<16xf32>,
      tpu.vector_store %arg14[%swap3A_306, %swap3A_307], %broadcast_in_dim3A_305 {strides = array<i32>} : memref<80x128xf32, #tpu.memory_space<vmem>>, vector<16xf32>,
      %broadcast_in_dim3A_309 = arith.constant 0.000000e+00 : f32
      %broadcast_in_dim3A_310 = vector.broadcast %broadcast_in_dim3A_309 : f32 to vector<16xf32>
      %swap3A_311 = arith.index_cast %scan3A_299 : i32 to index
      %swap3A_312 = arith.constant 16 : index
      %swap3A_313 = tpu.vector_load %arg13[%swap3A_311, %swap3A_312] {strides = array<i32>} : memref<80x128xf32, #tpu.memory_space<vmem>>, vector<16xf32>,
      tpu.vector_store %arg13[%swap3A_311, %swap3A_312], %broadcast_in_dim3A_310 {strides = array<i32>} : memref<80x128xf32, #tpu.memory_space<vmem>>, vector<16xf32>,
      %broadcast_in_dim3A_314 = arith.constant 0.000000e+00 : f32
      %broadcast_in_dim3A_315 = vector.broadcast %broadcast_in_dim3A_314 : f32 to vector<16xf32>
      %swap3A_316 = arith.index_cast %scan3A_299 : i32 to index
      %swap3A_317 = arith.constant 16 : index
      %swap3A_318 = tpu.vector_load %arg14[%swap3A_316, %swap3A_317] {strides = array<i32>} : memref<80x128xf32, #tpu.memory_space<vmem>>, vector<16xf32>,
      tpu.vector_store %arg14[%swap3A_316, %swap3A_317], %broadcast_in_dim3A_315 {strides = array<i32>} : memref<80x128xf32, #tpu.memory_space<vmem>>, vector<16xf32>,
      %broadcast_in_dim3A_319 = arith.constant 0.000000e+00 : f32
      %broadcast_in_dim3A_320 = vector.broadcast %broadcast_in_dim3A_319 : f32 to vector<16xf32>
      %swap3A_321 = arith.index_cast %scan3A_299 : i32 to index
      %swap3A_322 = arith.constant 32 : index
      %swap3A_323 = tpu.vector_load %arg13[%swap3A_321, %swap3A_322] {strides = array<i32>} : memref<80x128xf32, #tpu.memory_space<vmem>>, vector<16xf32>,
      tpu.vector_store %arg13[%swap3A_321, %swap3A_322], %broadcast_in_dim3A_320 {strides = array<i32>} : memref<80x128xf32, #tpu.memory_space<vmem>>, vector<16xf32>,
      %broadcast_in_dim3A_324 = arith.constant 0.000000e+00 : f32
      %broadcast_in_dim3A_325 = vector.broadcast %broadcast_in_dim3A_324 : f32 to vector<16xf32>
      %swap3A_326 = arith.index_cast %scan3A_299 : i32 to index
      %swap3A_327 = arith.constant 32 : index
      %swap3A_328 = tpu.vector_load %arg14[%swap3A_326, %swap3A_327] {strides = array<i32>} : memref<80x128xf32, #tpu.memory_space<vmem>>, vector<16xf32>,
      tpu.vector_store %arg14[%swap3A_326, %swap3A_327], %broadcast_in_dim3A_325 {strides = array<i32>} : memref<80x128xf32, #tpu.memory_space<vmem>>, vector<16xf32>,
      %broadcast_in_dim3A_329 = arith.constant 0.000000e+00 : f32
      %broadcast_in_dim3A_330 = vector.broadcast %broadcast_in_dim3A_329 : f32 to vector<16xf32>
      %swap3A_331 = arith.index_cast %scan3A_299 : i32 to index
      %swap3A_332 = arith.constant 48 : index
      %swap3A_333 = tpu.vector_load %arg13[%swap3A_331, %swap3A_332] {strides = array<i32>} : memref<80x128xf32, #tpu.memory_space<vmem>>, vector<16xf32>,
      tpu.vector_store %arg13[%swap3A_331, %swap3A_332], %broadcast_in_dim3A_330 {strides = array<i32>} : memref<80x128xf32, #tpu.memory_space<vmem>>, vector<16xf32>,
      %broadcast_in_dim3A_334 = arith.constant 0.000000e+00 : f32
      %broadcast_in_dim3A_335 = vector.broadcast %broadcast_in_dim3A_334 : f32 to vector<16xf32>
      %swap3A_336 = arith.index_cast %scan3A_299 : i32 to index
      %swap3A_337 = arith.constant 48 : index
      %swap3A_338 = tpu.vector_load %arg14[%swap3A_336, %swap3A_337] {strides = array<i32>} : memref<80x128xf32, #tpu.memory_space<vmem>>, vector<16xf32>,
      tpu.vector_store %arg14[%swap3A_336, %swap3A_337], %broadcast_in_dim3A_335 {strides = array<i32>} : memref<80x128xf32, #tpu.memory_space<vmem>>, vector<16xf32>,
      %broadcast_in_dim3A_339 = arith.constant 0.000000e+00 : f32
      %broadcast_in_dim3A_340 = vector.broadcast %broadcast_in_dim3A_339 : f32 to vector<16xf32>
      %swap3A_341 = arith.index_cast %scan3A_299 : i32 to index
      %swap3A_342 = arith.constant 64 : index
      %swap3A_343 = tpu.vector_load %arg13[%swap3A_341, %swap3A_342] {strides = array<i32>} : memref<80x128xf32, #tpu.memory_space<vmem>>, vector<16xf32>,
      tpu.vector_store %arg13[%swap3A_341, %swap3A_342], %broadcast_in_dim3A_340 {strides = array<i32>} : memref<80x128xf32, #tpu.memory_space<vmem>>, vector<16xf32>,
      %broadcast_in_dim3A_344 = arith.constant 0.000000e+00 : f32
      %broadcast_in_dim3A_345 = vector.broadcast %broadcast_in_dim3A_344 : f32 to vector<16xf32>
      %swap3A_346 = arith.index_cast %scan3A_299 : i32 to index
      %swap3A_347 = arith.constant 64 : index
      %swap3A_348 = tpu.vector_load %arg14[%swap3A_346, %swap3A_347] {strides = array<i32>} : memref<80x128xf32, #tpu.memory_space<vmem>>, vector<16xf32>,
      tpu.vector_store %arg14[%swap3A_346, %swap3A_347], %broadcast_in_dim3A_345 {strides = array<i32>} : memref<80x128xf32, #tpu.memory_space<vmem>>, vector<16xf32>,
      %broadcast_in_dim3A_349 = arith.constant 0.000000e+00 : f32
      %broadcast_in_dim3A_350 = vector.broadcast %broadcast_in_dim3A_349 : f32 to vector<16xf32>
      %swap3A_351 = arith.index_cast %scan3A_299 : i32 to index
      %swap3A_352 = arith.constant 80 : index
      %swap3A_353 = tpu.vector_load %arg13[%swap3A_351, %swap3A_352] {strides = array<i32>} : memref<80x128xf32, #tpu.memory_space<vmem>>, vector<16xf32>,
      tpu.vector_store %arg13[%swap3A_351, %swap3A_352], %broadcast_in_dim3A_350 {strides = array<i32>} : memref<80x128xf32, #tpu.memory_space<vmem>>, vector<16xf32>,
      %broadcast_in_dim3A_354 = arith.constant 0.000000e+00 : f32
      %broadcast_in_dim3A_355 = vector.broadcast %broadcast_in_dim3A_354 : f32 to vector<16xf32>
      %swap3A_356 = arith.index_cast %scan3A_299 : i32 to index
      %swap3A_357 = arith.constant 80 : index
      %swap3A_358 = tpu.vector_load %arg14[%swap3A_356, %swap3A_357] {strides = array<i32>} : memref<80x128xf32, #tpu.memory_space<vmem>>, vector<16xf32>,
      tpu.vector_store %arg14[%swap3A_356, %swap3A_357], %broadcast_in_dim3A_355 {strides = array<i32>} : memref<80x128xf32, #tpu.memory_space<vmem>>, vector<16xf32>,
      %broadcast_in_dim3A_359 = arith.constant 0.000000e+00 : f32
      %broadcast_in_dim3A_360 = vector.broadcast %broadcast_in_dim3A_359 : f32 to vector<16xf32>
      %swap3A_361 = arith.index_cast %scan3A_299 : i32 to index
      %swap3A_362 = arith.constant 96 : index
      %swap3A_363 = tpu.vector_load %arg13[%swap3A_361, %swap3A_362] {strides = array<i32>} : memref<80x128xf32, #tpu.memory_space<vmem>>, vector<16xf32>,
      tpu.vector_store %arg13[%swap3A_361, %swap3A_362], %broadcast_in_dim3A_360 {strides = array<i32>} : memref<80x128xf32, #tpu.memory_space<vmem>>, vector<16xf32>,
      %broadcast_in_dim3A_364 = arith.constant 0.000000e+00 : f32
      %broadcast_in_dim3A_365 = vector.broadcast %broadcast_in_dim3A_364 : f32 to vector<16xf32>
      %swap3A_366 = arith.index_cast %scan3A_299 : i32 to index
      %swap3A_367 = arith.constant 96 : index
      %swap3A_368 = tpu.vector_load %arg14[%swap3A_366, %swap3A_367] {strides = array<i32>} : memref<80x128xf32, #tpu.memory_space<vmem>>, vector<16xf32>,
      tpu.vector_store %arg14[%swap3A_366, %swap3A_367], %broadcast_in_dim3A_365 {strides = array<i32>} : memref<80x128xf32, #tpu.memory_space<vmem>>, vector<16xf32>,
      %broadcast_in_dim3A_369 = arith.constant 0.000000e+00 : f32
      %broadcast_in_dim3A_370 = vector.broadcast %broadcast_in_dim3A_369 : f32 to vector<16xf32>
      %swap3A_371 = arith.index_cast %scan3A_299 : i32 to index
      %swap3A_372 = arith.constant 112 : index
      %swap3A_373 = tpu.vector_load %arg13[%swap3A_371, %swap3A_372] {strides = array<i32>} : memref<80x128xf32, #tpu.memory_space<vmem>>, vector<16xf32>,
      tpu.vector_store %arg13[%swap3A_371, %swap3A_372], %broadcast_in_dim3A_370 {strides = array<i32>} : memref<80x128xf32, #tpu.memory_space<vmem>>, vector<16xf32>,
      %broadcast_in_dim3A_374 = arith.constant 0.000000e+00 : f32
      %broadcast_in_dim3A_375 = vector.broadcast %broadcast_in_dim3A_374 : f32 to vector<16xf32>
      %swap3A_376 = arith.index_cast %scan3A_299 : i32 to index
      %swap3A_377 = arith.constant 112 : index
      %swap3A_378 = tpu.vector_load %arg14[%swap3A_376, %swap3A_377] {strides = array<i32>} : memref<80x128xf32, #tpu.memory_space<vmem>>, vector<16xf32>,
      tpu.vector_store %arg14[%swap3A_376, %swap3A_377], %broadcast_in_dim3A_375 {strides = array<i32>} : memref<80x128xf32, #tpu.memory_space<vmem>>, vector<16xf32>,
      %scan3A_379 = arith.constant 0 : i32
      scf.yield %scan3A_379 : i32
    }
    %scan3A_93 = arith.constant 80 : i32
    %mul3A_94 = arith.constant 640 : i32
    %mul3A_95 = arith.muli %arg1, %mul3A_94 : i32
    %add3A_96 = arith.constant 0 : i32
    %add3A_97 = arith.addi %mul3A_95, %add3A_96 : i32
    %dma_start3A = arith.constant 0 : i32
    %dma_start3A_98 = arith.constant 0 : i32
    %dma_start3A_99 = tpu.memref_slice %arg13[%dma_start3A, %dma_start3A_98] : memref<80x128xf32, #tpu.memory_space<vmem>> -> memref<80x128xf32, #tpu.memory_space<vmem>>
    %dma_start3A_100 = arith.constant 0 : i32
    %dma_start3A_101 = tpu.memref_slice %arg20[%add3A_97, %dma_start3A_100] : memref<10240x128xf32, #tpu.memory_space<vmem_shared>> -> memref<80x128xf32, #tpu.memory_space<vmem_shared>>
    %dma_start3A_102 = arith.constant 0 : i32
    %dma_start3A_103 = tpu.memref_slice %arg20[%add3A_97, %dma_start3A_102] : memref<10240x128xf32, #tpu.memory_space<vmem_shared>> -> memref<80x128xf32, #tpu.memory_space<vmem_shared>>
    %dma_start3A_104 = arith.constant 0 : i32
    %dma_start3A_105 = arith.constant 0 : i32
    %dma_start3A_106 = tpu.memref_slice %arg13[%dma_start3A_104, %dma_start3A_105] : memref<80x128xf32, #tpu.memory_space<vmem>> -> memref<80x128xf32, #tpu.memory_space<vmem>>
    tpu.enqueue_dma source(%dma_start3A_106 : memref<80x128xf32, #tpu.memory_space<vmem>>) target(%dma_start3A_103 : memref<80x128xf32, #tpu.memory_space<vmem_shared>>) target_semaphore(%arg21 : memref<!tpu.dma_semaphore, #tpu.memory_space<semaphore_mem>>)
    %mul3A_107 = arith.constant 640 : i32
    %mul3A_108 = arith.muli %arg1, %mul3A_107 : i32
    %add3A_109 = arith.constant 80 : i32
    %add3A_110 = arith.addi %mul3A_108, %add3A_109 : i32
    %dma_start3A_111 = arith.constant 0 : i32
    %dma_start3A_112 = arith.constant 0 : i32
    %dma_start3A_113 = tpu.memref_slice %arg14[%dma_start3A_111, %dma_start3A_112] : memref<80x128xf32, #tpu.memory_space<vmem>> -> memref<80x128xf32, #tpu.memory_space<vmem>>
    %dma_start3A_114 = arith.constant 0 : i32
    %dma_start3A_115 = tpu.memref_slice %arg20[%add3A_110, %dma_start3A_114] : memref<10240x128xf32, #tpu.memory_space<vmem_shared>> -> memref<80x128xf32, #tpu.memory_space<vmem_shared>>
    %dma_start3A_116 = arith.constant 0 : i32
    %dma_start3A_117 = tpu.memref_slice %arg20[%add3A_110, %dma_start3A_116] : memref<10240x128xf32, #tpu.memory_space<vmem_shared>> -> memref<80x128xf32, #tpu.memory_space<vmem_shared>>
    %dma_start3A_118 = arith.constant 0 : i32
    %dma_start3A_119 = arith.constant 0 : i32
    %dma_start3A_120 = tpu.memref_slice %arg14[%dma_start3A_118, %dma_start3A_119] : memref<80x128xf32, #tpu.memory_space<vmem>> -> memref<80x128xf32, #tpu.memory_space<vmem>>
    tpu.enqueue_dma source(%dma_start3A_120 : memref<80x128xf32, #tpu.memory_space<vmem>>) target(%dma_start3A_117 : memref<80x128xf32, #tpu.memory_space<vmem_shared>>) target_semaphore(%arg21 : memref<!tpu.dma_semaphore, #tpu.memory_space<semaphore_mem>>)
    %mul3A_121 = arith.constant 640 : i32
    %mul3A_122 = arith.muli %arg1, %mul3A_121 : i32
    %add3A_123 = arith.constant 160 : i32
    %add3A_124 = arith.addi %mul3A_122, %add3A_123 : i32
    %dma_start3A_125 = arith.constant 0 : i32
    %dma_start3A_126 = arith.constant 0 : i32
    %dma_start3A_127 = tpu.memref_slice %arg13[%dma_start3A_125, %dma_start3A_126] : memref<80x128xf32, #tpu.memory_space<vmem>> -> memref<80x128xf32, #tpu.memory_space<vmem>>
    %dma_start3A_128 = arith.constant 0 : i32
    %dma_start3A_129 = tpu.memref_slice %arg20[%add3A_124, %dma_start3A_128] : memref<10240x128xf32, #tpu.memory_space<vmem_shared>> -> memref<80x128xf32, #tpu.memory_space<vmem_shared>>
    %dma_start3A_130 = arith.constant 0 : i32
    %dma_start3A_131 = tpu.memref_slice %arg20[%add3A_124, %dma_start3A_130] : memref<10240x128xf32, #tpu.memory_space<vmem_shared>> -> memref<80x128xf32, #tpu.memory_space<vmem_shared>>
    %dma_start3A_132 = arith.constant 0 : i32
    %dma_start3A_133 = arith.constant 0 : i32
    %dma_start3A_134 = tpu.memref_slice %arg13[%dma_start3A_132, %dma_start3A_133] : memref<80x128xf32, #tpu.memory_space<vmem>> -> memref<80x128xf32, #tpu.memory_space<vmem>>
    tpu.enqueue_dma source(%dma_start3A_134 : memref<80x128xf32, #tpu.memory_space<vmem>>) target(%dma_start3A_131 : memref<80x128xf32, #tpu.memory_space<vmem_shared>>) target_semaphore(%arg21 : memref<!tpu.dma_semaphore, #tpu.memory_space<semaphore_mem>>)
    %mul3A_135 = arith.constant 640 : i32
    %mul3A_136 = arith.muli %arg1, %mul3A_135 : i32
    %add3A_137 = arith.constant 240 : i32
    %add3A_138 = arith.addi %mul3A_136, %add3A_137 : i32
    %dma_start3A_139 = arith.constant 0 : i32
    %dma_start3A_140 = arith.constant 0 : i32
    %dma_start3A_141 = tpu.memref_slice %arg14[%dma_start3A_139, %dma_start3A_140] : memref<80x128xf32, #tpu.memory_space<vmem>> -> memref<80x128xf32, #tpu.memory_space<vmem>>
    %dma_start3A_142 = arith.constant 0 : i32
    %dma_start3A_143 = tpu.memref_slice %arg20[%add3A_138, %dma_start3A_142] : memref<10240x128xf32, #tpu.memory_space<vmem_shared>> -> memref<80x128xf32, #tpu.memory_space<vmem_shared>>
    %dma_start3A_144 = arith.constant 0 : i32
    %dma_start3A_145 = tpu.memref_slice %arg20[%add3A_138, %dma_start3A_144] : memref<10240x128xf32, #tpu.memory_space<vmem_shared>> -> memref<80x128xf32, #tpu.memory_space<vmem_shared>>
    %dma_start3A_146 = arith.constant 0 : i32
    %dma_start3A_147 = arith.constant 0 : i32
    %dma_start3A_148 = tpu.memref_slice %arg14[%dma_start3A_146, %dma_start3A_147] : memref<80x128xf32, #tpu.memory_space<vmem>> -> memref<80x128xf32, #tpu.memory_space<vmem>>
    tpu.enqueue_dma source(%dma_start3A_148 : memref<80x128xf32, #tpu.memory_space<vmem>>) target(%dma_start3A_145 : memref<80x128xf32, #tpu.memory_space<vmem_shared>>) target_semaphore(%arg21 : memref<!tpu.dma_semaphore, #tpu.memory_space<semaphore_mem>>)
    %mul3A_149 = arith.constant 640 : i32
    %mul3A_150 = arith.muli %arg1, %mul3A_149 : i32
    %add3A_151 = arith.constant 320 : i32
    %add3A_152 = arith.addi %mul3A_150, %add3A_151 : i32
    %dma_start3A_153 = arith.constant 0 : i32
    %dma_start3A_154 = arith.constant 0 : i32
    %dma_start3A_155 = tpu.memref_slice %arg13[%dma_start3A_153, %dma_start3A_154] : memref<80x128xf32, #tpu.memory_space<vmem>> -> memref<80x128xf32, #tpu.memory_space<vmem>>
    %dma_start3A_156 = arith.constant 0 : i32
    %dma_start3A_157 = tpu.memref_slice %arg20[%add3A_152, %dma_start3A_156] : memref<10240x128xf32, #tpu.memory_space<vmem_shared>> -> memref<80x128xf32, #tpu.memory_space<vmem_shared>>
    %dma_start3A_158 = arith.constant 0 : i32
    %dma_start3A_159 = tpu.memref_slice %arg20[%add3A_152, %dma_start3A_158] : memref<10240x128xf32, #tpu.memory_space<vmem_shared>> -> memref<80x128xf32, #tpu.memory_space<vmem_shared>>
    %dma_start3A_160 = arith.constant 0 : i32
    %dma_start3A_161 = arith.constant 0 : i32
    %dma_start3A_162 = tpu.memref_slice %arg13[%dma_start3A_160, %dma_start3A_161] : memref<80x128xf32, #tpu.memory_space<vmem>> -> memref<80x128xf32, #tpu.memory_space<vmem>>
    tpu.enqueue_dma source(%dma_start3A_162 : memref<80x128xf32, #tpu.memory_space<vmem>>) target(%dma_start3A_159 : memref<80x128xf32, #tpu.memory_space<vmem_shared>>) target_semaphore(%arg21 : memref<!tpu.dma_semaphore, #tpu.memory_space<semaphore_mem>>)
    %mul3A_163 = arith.constant 640 : i32
    %mul3A_164 = arith.muli %arg1, %mul3A_163 : i32
    %add3A_165 = arith.constant 400 : i32
    %add3A_166 = arith.addi %mul3A_164, %add3A_165 : i32
    %dma_start3A_167 = arith.constant 0 : i32
    %dma_start3A_168 = arith.constant 0 : i32
    %dma_start3A_169 = tpu.memref_slice %arg14[%dma_start3A_167, %dma_start3A_168] : memref<80x128xf32, #tpu.memory_space<vmem>> -> memref<80x128xf32, #tpu.memory_space<vmem>>
    %dma_start3A_170 = arith.constant 0 : i32
    %dma_start3A_171 = tpu.memref_slice %arg20[%add3A_166, %dma_start3A_170] : memref<10240x128xf32, #tpu.memory_space<vmem_shared>> -> memref<80x128xf32, #tpu.memory_space<vmem_shared>>
    %dma_start3A_172 = arith.constant 0 : i32
    %dma_start3A_173 = tpu.memref_slice %arg20[%add3A_166, %dma_start3A_172] : memref<10240x128xf32, #tpu.memory_space<vmem_shared>> -> memref<80x128xf32, #tpu.memory_space<vmem_shared>>
    %dma_start3A_174 = arith.constant 0 : i32
    %dma_start3A_175 = arith.constant 0 : i32
    %dma_start3A_176 = tpu.memref_slice %arg14[%dma_start3A_174, %dma_start3A_175] : memref<80x128xf32, #tpu.memory_space<vmem>> -> memref<80x128xf32, #tpu.memory_space<vmem>>
    tpu.enqueue_dma source(%dma_start3A_176 : memref<80x128xf32, #tpu.memory_space<vmem>>) target(%dma_start3A_173 : memref<80x128xf32, #tpu.memory_space<vmem_shared>>) target_semaphore(%arg21 : memref<!tpu.dma_semaphore, #tpu.memory_space<semaphore_mem>>)
    %mul3A_177 = arith.constant 640 : i32
    %mul3A_178 = arith.muli %arg1, %mul3A_177 : i32
    %add3A_179 = arith.constant 480 : i32
    %add3A_180 = arith.addi %mul3A_178, %add3A_179 : i32
    %dma_start3A_181 = arith.constant 0 : i32
    %dma_start3A_182 = arith.constant 0 : i32
    %dma_start3A_183 = tpu.memref_slice %arg13[%dma_start3A_181, %dma_start3A_182] : memref<80x128xf32, #tpu.memory_space<vmem>> -> memref<80x128xf32, #tpu.memory_space<vmem>>
    %dma_start3A_184 = arith.constant 0 : i32
    %dma_start3A_185 = tpu.memref_slice %arg20[%add3A_180, %dma_start3A_184] : memref<10240x128xf32, #tpu.memory_space<vmem_shared>> -> memref<80x128xf32, #tpu.memory_space<vmem_shared>>
    %dma_start3A_186 = arith.constant 0 : i32
    %dma_start3A_187 = tpu.memref_slice %arg20[%add3A_180, %dma_start3A_186] : memref<10240x128xf32, #tpu.memory_space<vmem_shared>> -> memref<80x128xf32, #tpu.memory_space<vmem_shared>>
    %dma_start3A_188 = arith.constant 0 : i32
    %dma_start3A_189 = arith.constant 0 : i32
    %dma_start3A_190 = tpu.memref_slice %arg13[%dma_start3A_188, %dma_start3A_189] : memref<80x128xf32, #tpu.memory_space<vmem>> -> memref<80x128xf32, #tpu.memory_space<vmem>>
    tpu.enqueue_dma source(%dma_start3A_190 : memref<80x128xf32, #tpu.memory_space<vmem>>) target(%dma_start3A_187 : memref<80x128xf32, #tpu.memory_space<vmem_shared>>) target_semaphore(%arg21 : memref<!tpu.dma_semaphore, #tpu.memory_space<semaphore_mem>>)
    %mul3A_191 = arith.constant 640 : i32
    %mul3A_192 = arith.muli %arg1, %mul3A_191 : i32
    %add3A_193 = arith.constant 560 : i32
    %add3A_194 = arith.addi %mul3A_192, %add3A_193 : i32
    %dma_start3A_195 = arith.constant 0 : i32
    %dma_start3A_196 = arith.constant 0 : i32
    %dma_start3A_197 = tpu.memref_slice %arg14[%dma_start3A_195, %dma_start3A_196] : memref<80x128xf32, #tpu.memory_space<vmem>> -> memref<80x128xf32, #tpu.memory_space<vmem>>
    %dma_start3A_198 = arith.constant 0 : i32
    %dma_start3A_199 = tpu.memref_slice %arg20[%add3A_194, %dma_start3A_198] : memref<10240x128xf32, #tpu.memory_space<vmem_shared>> -> memref<80x128xf32, #tpu.memory_space<vmem_shared>>
    %dma_start3A_200 = arith.constant 0 : i32
    %dma_start3A_201 = tpu.memref_slice %arg20[%add3A_194, %dma_start3A_200] : memref<10240x128xf32, #tpu.memory_space<vmem_shared>> -> memref<80x128xf32, #tpu.memory_space<vmem_shared>>
    %dma_start3A_202 = arith.constant 0 : i32
    %dma_start3A_203 = arith.constant 0 : i32
    %dma_start3A_204 = tpu.memref_slice %arg14[%dma_start3A_202, %dma_start3A_203] : memref<80x128xf32, #tpu.memory_space<vmem>> -> memref<80x128xf32, #tpu.memory_space<vmem>>
    tpu.enqueue_dma source(%dma_start3A_204 : memref<80x128xf32, #tpu.memory_space<vmem>>) target(%dma_start3A_201 : memref<80x128xf32, #tpu.memory_space<vmem_shared>>) target_semaphore(%arg21 : memref<!tpu.dma_semaphore, #tpu.memory_space<semaphore_mem>>)
    %dma_wait3A = arith.constant 0 : i32
    %dma_wait3A_205 = arith.constant 0 : i32
    %dma_wait3A_206 = tpu.memref_slice %arg13[%dma_wait3A, %dma_wait3A_205] : memref<80x128xf32, #tpu.memory_space<vmem>> -> memref<80x128xf32, #tpu.memory_space<vmem>>
    %dma_wait3A_207 = arith.constant 0 : i32
    %dma_wait3A_208 = tpu.memref_slice %arg20[%add3A_97, %dma_wait3A_207] : memref<10240x128xf32, #tpu.memory_space<vmem_shared>> -> memref<80x128xf32, #tpu.memory_space<vmem_shared>>
    %dma_wait3A_209 = arith.constant 0 : i32
    %dma_wait3A_210 = tpu.memref_slice %arg20[%add3A_97, %dma_wait3A_209] : memref<10240x128xf32, #tpu.memory_space<vmem_shared>> -> memref<80x128xf32, #tpu.memory_space<vmem_shared>>
    %dma_wait3A_211 = arith.constant 0 : i32
    %dma_wait3A_212 = arith.constant 0 : i32
    %dma_wait3A_213 = tpu.memref_slice %arg13[%dma_wait3A_211, %dma_wait3A_212] : memref<80x128xf32, #tpu.memory_space<vmem>> -> memref<80x128xf32, #tpu.memory_space<vmem>>
    tpu.wait_dma2 semaphore(%arg21 : memref<!tpu.dma_semaphore, #tpu.memory_space<semaphore_mem>>) src(%dma_wait3A_213 : memref<80x128xf32, #tpu.memory_space<vmem>>) dst(%dma_wait3A_210 : memref<80x128xf32, #tpu.memory_space<vmem_shared>>)
    %dma_wait3A_214 = arith.constant 0 : i32
    %dma_wait3A_215 = arith.constant 0 : i32
    %dma_wait3A_216 = tpu.memref_slice %arg14[%dma_wait3A_214, %dma_wait3A_215] : memref<80x128xf32, #tpu.memory_space<vmem>> -> memref<80x128xf32, #tpu.memory_space<vmem>>
    %dma_wait3A_217 = arith.constant 0 : i32
    %dma_wait3A_218 = tpu.memref_slice %arg20[%add3A_110, %dma_wait3A_217] : memref<10240x128xf32, #tpu.memory_space<vmem_shared>> -> memref<80x128xf32, #tpu.memory_space<vmem_shared>>
    %dma_wait3A_219 = arith.constant 0 : i32
    %dma_wait3A_220 = tpu.memref_slice %arg20[%add3A_110, %dma_wait3A_219] : memref<10240x128xf32, #tpu.memory_space<vmem_shared>> -> memref<80x128xf32, #tpu.memory_space<vmem_shared>>
    %dma_wait3A_221 = arith.constant 0 : i32
    %dma_wait3A_222 = arith.constant 0 : i32
    %dma_wait3A_223 = tpu.memref_slice %arg14[%dma_wait3A_221, %dma_wait3A_222] : memref<80x128xf32, #tpu.memory_space<vmem>> -> memref<80x128xf32, #tpu.memory_space<vmem>>
    tpu.wait_dma2 semaphore(%arg21 : memref<!tpu.dma_semaphore, #tpu.memory_space<semaphore_mem>>) src(%dma_wait3A_223 : memref<80x128xf32, #tpu.memory_space<vmem>>) dst(%dma_wait3A_220 : memref<80x128xf32, #tpu.memory_space<vmem_shared>>)
    %dma_wait3A_224 = arith.constant 0 : i32
    %dma_wait3A_225 = arith.constant 0 : i32
    %dma_wait3A_226 = tpu.memref_slice %arg13[%dma_wait3A_224, %dma_wait3A_225] : memref<80x128xf32, #tpu.memory_space<vmem>> -> memref<80x128xf32, #tpu.memory_space<vmem>>
    %dma_wait3A_227 = arith.constant 0 : i32
    %dma_wait3A_228 = tpu.memref_slice %arg20[%add3A_124, %dma_wait3A_227] : memref<10240x128xf32, #tpu.memory_space<vmem_shared>> -> memref<80x128xf32, #tpu.memory_space<vmem_shared>>
    %dma_wait3A_229 = arith.constant 0 : i32
    %dma_wait3A_230 = tpu.memref_slice %arg20[%add3A_124, %dma_wait3A_229] : memref<10240x128xf32, #tpu.memory_space<vmem_shared>> -> memref<80x128xf32, #tpu.memory_space<vmem_shared>>
    %dma_wait3A_231 = arith.constant 0 : i32
    %dma_wait3A_232 = arith.constant 0 : i32
    %dma_wait3A_233 = tpu.memref_slice %arg13[%dma_wait3A_231, %dma_wait3A_232] : memref<80x128xf32, #tpu.memory_space<vmem>> -> memref<80x128xf32, #tpu.memory_space<vmem>>
    tpu.wait_dma2 semaphore(%arg21 : memref<!tpu.dma_semaphore, #tpu.memory_space<semaphore_mem>>) src(%dma_wait3A_233 : memref<80x128xf32, #tpu.memory_space<vmem>>) dst(%dma_wait3A_230 : memref<80x128xf32, #tpu.memory_space<vmem_shared>>)
    %dma_wait3A_234 = arith.constant 0 : i32
    %dma_wait3A_235 = arith.constant 0 : i32
    %dma_wait3A_236 = tpu.memref_slice %arg14[%dma_wait3A_234, %dma_wait3A_235] : memref<80x128xf32, #tpu.memory_space<vmem>> -> memref<80x128xf32, #tpu.memory_space<vmem>>
    %dma_wait3A_237 = arith.constant 0 : i32
    %dma_wait3A_238 = tpu.memref_slice %arg20[%add3A_138, %dma_wait3A_237] : memref<10240x128xf32, #tpu.memory_space<vmem_shared>> -> memref<80x128xf32, #tpu.memory_space<vmem_shared>>
    %dma_wait3A_239 = arith.constant 0 : i32
    %dma_wait3A_240 = tpu.memref_slice %arg20[%add3A_138, %dma_wait3A_239] : memref<10240x128xf32, #tpu.memory_space<vmem_shared>> -> memref<80x128xf32, #tpu.memory_space<vmem_shared>>
    %dma_wait3A_241 = arith.constant 0 : i32
    %dma_wait3A_242 = arith.constant 0 : i32
    %dma_wait3A_243 = tpu.memref_slice %arg14[%dma_wait3A_241, %dma_wait3A_242] : memref<80x128xf32, #tpu.memory_space<vmem>> -> memref<80x128xf32, #tpu.memory_space<vmem>>
    tpu.wait_dma2 semaphore(%arg21 : memref<!tpu.dma_semaphore, #tpu.memory_space<semaphore_mem>>) src(%dma_wait3A_243 : memref<80x128xf32, #tpu.memory_space<vmem>>) dst(%dma_wait3A_240 : memref<80x128xf32, #tpu.memory_space<vmem_shared>>)
    %dma_wait3A_244 = arith.constant 0 : i32
    %dma_wait3A_245 = arith.constant 0 : i32
    %dma_wait3A_246 = tpu.memref_slice %arg13[%dma_wait3A_244, %dma_wait3A_245] : memref<80x128xf32, #tpu.memory_space<vmem>> -> memref<80x128xf32, #tpu.memory_space<vmem>>
    %dma_wait3A_247 = arith.constant 0 : i32
    %dma_wait3A_248 = tpu.memref_slice %arg20[%add3A_152, %dma_wait3A_247] : memref<10240x128xf32, #tpu.memory_space<vmem_shared>> -> memref<80x128xf32, #tpu.memory_space<vmem_shared>>
    %dma_wait3A_249 = arith.constant 0 : i32
    %dma_wait3A_250 = tpu.memref_slice %arg20[%add3A_152, %dma_wait3A_249] : memref<10240x128xf32, #tpu.memory_space<vmem_shared>> -> memref<80x128xf32, #tpu.memory_space<vmem_shared>>
    %dma_wait3A_251 = arith.constant 0 : i32
    %dma_wait3A_252 = arith.constant 0 : i32
    %dma_wait3A_253 = tpu.memref_slice %arg13[%dma_wait3A_251, %dma_wait3A_252] : memref<80x128xf32, #tpu.memory_space<vmem>> -> memref<80x128xf32, #tpu.memory_space<vmem>>
    tpu.wait_dma2 semaphore(%arg21 : memref<!tpu.dma_semaphore, #tpu.memory_space<semaphore_mem>>) src(%dma_wait3A_253 : memref<80x128xf32, #tpu.memory_space<vmem>>) dst(%dma_wait3A_250 : memref<80x128xf32, #tpu.memory_space<vmem_shared>>)
    %dma_wait3A_254 = arith.constant 0 : i32
    %dma_wait3A_255 = arith.constant 0 : i32
    %dma_wait3A_256 = tpu.memref_slice %arg14[%dma_wait3A_254, %dma_wait3A_255] : memref<80x128xf32, #tpu.memory_space<vmem>> -> memref<80x128xf32, #tpu.memory_space<vmem>>
    %dma_wait3A_257 = arith.constant 0 : i32
    %dma_wait3A_258 = tpu.memref_slice %arg20[%add3A_166, %dma_wait3A_257] : memref<10240x128xf32, #tpu.memory_space<vmem_shared>> -> memref<80x128xf32, #tpu.memory_space<vmem_shared>>
    %dma_wait3A_259 = arith.constant 0 : i32
    %dma_wait3A_260 = tpu.memref_slice %arg20[%add3A_166, %dma_wait3A_259] : memref<10240x128xf32, #tpu.memory_space<vmem_shared>> -> memref<80x128xf32, #tpu.memory_space<vmem_shared>>
    %dma_wait3A_261 = arith.constant 0 : i32
    %dma_wait3A_262 = arith.constant 0 : i32
    %dma_wait3A_263 = tpu.memref_slice %arg14[%dma_wait3A_261, %dma_wait3A_262] : memref<80x128xf32, #tpu.memory_space<vmem>> -> memref<80x128xf32, #tpu.memory_space<vmem>>
    tpu.wait_dma2 semaphore(%arg21 : memref<!tpu.dma_semaphore, #tpu.memory_space<semaphore_mem>>) src(%dma_wait3A_263 : memref<80x128xf32, #tpu.memory_space<vmem>>) dst(%dma_wait3A_260 : memref<80x128xf32, #tpu.memory_space<vmem_shared>>)
    %dma_wait3A_264 = arith.constant 0 : i32
    %dma_wait3A_265 = arith.constant 0 : i32
    %dma_wait3A_266 = tpu.memref_slice %arg13[%dma_wait3A_264, %dma_wait3A_265] : memref<80x128xf32, #tpu.memory_space<vmem>> -> memref<80x128xf32, #tpu.memory_space<vmem>>
    %dma_wait3A_267 = arith.constant 0 : i32
    %dma_wait3A_268 = tpu.memref_slice %arg20[%add3A_180, %dma_wait3A_267] : memref<10240x128xf32, #tpu.memory_space<vmem_shared>> -> memref<80x128xf32, #tpu.memory_space<vmem_shared>>
    %dma_wait3A_269 = arith.constant 0 : i32
    %dma_wait3A_270 = tpu.memref_slice %arg20[%add3A_180, %dma_wait3A_269] : memref<10240x128xf32, #tpu.memory_space<vmem_shared>> -> memref<80x128xf32, #tpu.memory_space<vmem_shared>>
    %dma_wait3A_271 = arith.constant 0 : i32
    %dma_wait3A_272 = arith.constant 0 : i32
    %dma_wait3A_273 = tpu.memref_slice %arg13[%dma_wait3A_271, %dma_wait3A_272] : memref<80x128xf32, #tpu.memory_space<vmem>> -> memref<80x128xf32, #tpu.memory_space<vmem>>
    tpu.wait_dma2 semaphore(%arg21 : memref<!tpu.dma_semaphore, #tpu.memory_space<semaphore_mem>>) src(%dma_wait3A_273 : memref<80x128xf32, #tpu.memory_space<vmem>>) dst(%dma_wait3A_270 : memref<80x128xf32, #tpu.memory_space<vmem_shared>>)
    %dma_wait3A_274 = arith.constant 0 : i32
    %dma_wait3A_275 = arith.constant 0 : i32
    %dma_wait3A_276 = tpu.memref_slice %arg14[%dma_wait3A_274, %dma_wait3A_275] : memref<80x128xf32, #tpu.memory_space<vmem>> -> memref<80x128xf32, #tpu.memory_space<vmem>>
    %dma_wait3A_277 = arith.constant 0 : i32
    %dma_wait3A_278 = tpu.memref_slice %arg20[%add3A_194, %dma_wait3A_277] : memref<10240x128xf32, #tpu.memory_space<vmem_shared>> -> memref<80x128xf32, #tpu.memory_space<vmem_shared>>
    %dma_wait3A_279 = arith.constant 0 : i32
    %dma_wait3A_280 = tpu.memref_slice %arg20[%add3A_194, %dma_wait3A_279] : memref<10240x128xf32, #tpu.memory_space<vmem_shared>> -> memref<80x128xf32, #tpu.memory_space<vmem_shared>>
    %dma_wait3A_281 = arith.constant 0 : i32
    %dma_wait3A_282 = arith.constant 0 : i32
    %dma_wait3A_283 = tpu.memref_slice %arg14[%dma_wait3A_281, %dma_wait3A_282] : memref<80x128xf32, #tpu.memory_space<vmem>> -> memref<80x128xf32, #tpu.memory_space<vmem>>
    tpu.wait_dma2 semaphore(%arg21 : memref<!tpu.dma_semaphore, #tpu.memory_space<semaphore_mem>>) src(%dma_wait3A_283 : memref<80x128xf32, #tpu.memory_space<vmem>>) dst(%dma_wait3A_280 : memref<80x128xf32, #tpu.memory_space<vmem_shared>>)
    %barrier3A_284 = arith.constant 0 : index
    tpu.barrier barrier_id(%barrier3A_284)
    %mul3A_285 = arith.constant 10000 : i32
    %mul3A_286 = arith.muli %arg0, %mul3A_285 : i32
    %scan3A_287 = arith.constant 0 : i32
    %scan3A_288 = arith.constant 0 : i32
    %scan3A_289 = arith.constant 10 : i32
    %scan3A_290 = arith.addi %scan3A_288, %scan3A_289 : i32
    %scan3A_291 = arith.constant 1 : i32
    %scan3A_292 = scf.for %scan3A_299 = %scan3A_288 to %scan3A_290 step %scan3A_291 iter_args(%scan3A_300 = %scan3A_287) -> (i32)  : i32 {
      %dma_start3A_301 = arith.constant 0 : i32
      %dma_start3A_302 = arith.constant 0 : i32
      %dma_start3A_303 = arith.constant 0 : i32
      %dma_start3A_304 = tpu.memref_slice %arg3[%dma_start3A_301, %arg1, %scan3A_299, %dma_start3A_302, %dma_start3A_303] : memref<2x16x10x25x80xi32, #tpu.memory_space<hbm>> -> memref<1x1x1x25x80xi32, #tpu.memory_space<hbm>>
      %dma_start3A_305 = tpu.memref_squeeze %dma_start3A_304 : memref<1x1x1x25x80xi32, #tpu.memory_space<hbm>> -> memref<25x80xi32, #tpu.memory_space<hbm>>
      %dma_start3A_306 = arith.constant 0 : i32
      %dma_start3A_307 = arith.constant 0 : i32
      %dma_start3A_308 = tpu.memref_slice %arg3[%dma_start3A_301, %arg1, %scan3A_299, %dma_start3A_306, %dma_start3A_307] : memref<2x16x10x25x80xi32, #tpu.memory_space<hbm>> -> memref<1x1x1x25x80xi32, #tpu.memory_space<hbm>>
      %dma_start3A_309 = tpu.memref_squeeze %dma_start3A_308 : memref<1x1x1x25x80xi32, #tpu.memory_space<hbm>> -> memref<25x80xi32, #tpu.memory_space<hbm>>
      tpu.enqueue_dma source(%dma_start3A_309 : memref<25x80xi32, #tpu.memory_space<hbm>>) target(%arg8 : memref<25x80xi32, #tpu.memory_space<vmem>>) target_semaphore(%arg21 : memref<!tpu.dma_semaphore, #tpu.memory_space<semaphore_mem>>)
      %dma_start3A_310 = arith.constant 1 : i32
      %dma_start3A_311 = arith.constant 0 : i32
      %dma_start3A_312 = arith.constant 0 : i32
      %dma_start3A_313 = tpu.memref_slice %arg3[%dma_start3A_310, %arg1, %scan3A_299, %dma_start3A_311, %dma_start3A_312] : memref<2x16x10x25x80xi32, #tpu.memory_space<hbm>> -> memref<1x1x1x25x80xi32, #tpu.memory_space<hbm>>
      %dma_start3A_314 = tpu.memref_squeeze %dma_start3A_313 : memref<1x1x1x25x80xi32, #tpu.memory_space<hbm>> -> memref<25x80xi32, #tpu.memory_space<hbm>>
      %dma_start3A_315 = arith.constant 0 : i32
      %dma_start3A_316 = arith.constant 0 : i32
      %dma_start3A_317 = tpu.memref_slice %arg3[%dma_start3A_310, %arg1, %scan3A_299, %dma_start3A_315, %dma_start3A_316] : memref<2x16x10x25x80xi32, #tpu.memory_space<hbm>> -> memref<1x1x1x25x80xi32, #tpu.memory_space<hbm>>
      %dma_start3A_318 = tpu.memref_squeeze %dma_start3A_317 : memref<1x1x1x25x80xi32, #tpu.memory_space<hbm>> -> memref<25x80xi32, #tpu.memory_space<hbm>>
      tpu.enqueue_dma source(%dma_start3A_318 : memref<25x80xi32, #tpu.memory_space<hbm>>) target(%arg9 : memref<25x80xi32, #tpu.memory_space<vmem>>) target_semaphore(%arg21 : memref<!tpu.dma_semaphore, #tpu.memory_space<semaphore_mem>>)
      %dma_start3A_319 = arith.constant 0 : i32
      %dma_start3A_320 = arith.constant 0 : i32
      %dma_start3A_321 = tpu.memref_slice %arg4[%arg1, %scan3A_299, %dma_start3A_319, %dma_start3A_320] : memref<16x10x25x80xf32, #tpu.memory_space<hbm>> -> memref<1x1x25x80xf32, #tpu.memory_space<hbm>>
      %dma_start3A_322 = tpu.memref_squeeze %dma_start3A_321 : memref<1x1x25x80xf32, #tpu.memory_space<hbm>> -> memref<25x80xf32, #tpu.memory_space<hbm>>
      %dma_start3A_323 = arith.constant 0 : i32
      %dma_start3A_324 = arith.constant 0 : i32
      %dma_start3A_325 = tpu.memref_slice %arg4[%arg1, %scan3A_299, %dma_start3A_323, %dma_start3A_324] : memref<16x10x25x80xf32, #tpu.memory_space<hbm>> -> memref<1x1x25x80xf32, #tpu.memory_space<hbm>>
      %dma_start3A_326 = tpu.memref_squeeze %dma_start3A_325 : memref<1x1x25x80xf32, #tpu.memory_space<hbm>> -> memref<25x80xf32, #tpu.memory_space<hbm>>
      tpu.enqueue_dma source(%dma_start3A_326 : memref<25x80xf32, #tpu.memory_space<hbm>>) target(%arg10 : memref<25x80xf32, #tpu.memory_space<vmem>>) target_semaphore(%arg21 : memref<!tpu.dma_semaphore, #tpu.memory_space<semaphore_mem>>)
      %dma_wait3A_327 = arith.constant 0 : i32
      %dma_wait3A_328 = arith.constant 0 : i32
      %dma_wait3A_329 = arith.constant 0 : i32
      %dma_wait3A_330 = tpu.memref_slice %arg3[%dma_wait3A_327, %arg1, %scan3A_299, %dma_wait3A_328, %dma_wait3A_329] : memref<2x16x10x25x80xi32, #tpu.memory_space<hbm>> -> memref<1x1x1x25x80xi32, #tpu.memory_space<hbm>>
      %dma_wait3A_331 = tpu.memref_squeeze %dma_wait3A_330 : memref<1x1x1x25x80xi32, #tpu.memory_space<hbm>> -> memref<25x80xi32, #tpu.memory_space<hbm>>
      %dma_wait3A_332 = arith.constant 0 : i32
      %dma_wait3A_333 = arith.constant 0 : i32
      %dma_wait3A_334 = tpu.memref_slice %arg3[%dma_wait3A_327, %arg1, %scan3A_299, %dma_wait3A_332, %dma_wait3A_333] : memref<2x16x10x25x80xi32, #tpu.memory_space<hbm>> -> memref<1x1x1x25x80xi32, #tpu.memory_space<hbm>>
      %dma_wait3A_335 = tpu.memref_squeeze %dma_wait3A_334 : memref<1x1x1x25x80xi32, #tpu.memory_space<hbm>> -> memref<25x80xi32, #tpu.memory_space<hbm>>
      tpu.wait_dma2 semaphore(%arg21 : memref<!tpu.dma_semaphore, #tpu.memory_space<semaphore_mem>>) src(%dma_wait3A_335 : memref<25x80xi32, #tpu.memory_space<hbm>>) dst(%arg8 : memref<25x80xi32, #tpu.memory_space<vmem>>)
      %dma_wait3A_336 = arith.constant 1 : i32
      %dma_wait3A_337 = arith.constant 0 : i32
      %dma_wait3A_338 = arith.constant 0 : i32
      %dma_wait3A_339 = tpu.memref_slice %arg3[%dma_wait3A_336, %arg1, %scan3A_299, %dma_wait3A_337, %dma_wait3A_338] : memref<2x16x10x25x80xi32, #tpu.memory_space<hbm>> -> memref<1x1x1x25x80xi32, #tpu.memory_space<hbm>>
      %dma_wait3A_340 = tpu.memref_squeeze %dma_wait3A_339 : memref<1x1x1x25x80xi32, #tpu.memory_space<hbm>> -> memref<25x80xi32, #tpu.memory_space<hbm>>
      %dma_wait3A_341 = arith.constant 0 : i32
      %dma_wait3A_342 = arith.constant 0 : i32
      %dma_wait3A_343 = tpu.memref_slice %arg3[%dma_wait3A_336, %arg1, %scan3A_299, %dma_wait3A_341, %dma_wait3A_342] : memref<2x16x10x25x80xi32, #tpu.memory_space<hbm>> -> memref<1x1x1x25x80xi32, #tpu.memory_space<hbm>>
      %dma_wait3A_344 = tpu.memref_squeeze %dma_wait3A_343 : memref<1x1x1x25x80xi32, #tpu.memory_space<hbm>> -> memref<25x80xi32, #tpu.memory_space<hbm>>
      tpu.wait_dma2 semaphore(%arg21 : memref<!tpu.dma_semaphore, #tpu.memory_space<semaphore_mem>>) src(%dma_wait3A_344 : memref<25x80xi32, #tpu.memory_space<hbm>>) dst(%arg9 : memref<25x80xi32, #tpu.memory_space<vmem>>)
      %dma_wait3A_345 = arith.constant 0 : i32
      %dma_wait3A_346 = arith.constant 0 : i32
      %dma_wait3A_347 = tpu.memref_slice %arg4[%arg1, %scan3A_299, %dma_wait3A_345, %dma_wait3A_346] : memref<16x10x25x80xf32, #tpu.memory_space<hbm>> -> memref<1x1x25x80xf32, #tpu.memory_space<hbm>>
      %dma_wait3A_348 = tpu.memref_squeeze %dma_wait3A_347 : memref<1x1x25x80xf32, #tpu.memory_space<hbm>> -> memref<25x80xf32, #tpu.memory_space<hbm>>
      %dma_wait3A_349 = arith.constant 0 : i32
      %dma_wait3A_350 = arith.constant 0 : i32
      %dma_wait3A_351 = tpu.memref_slice %arg4[%arg1, %scan3A_299, %dma_wait3A_349, %dma_wait3A_350] : memref<16x10x25x80xf32, #tpu.memory_space<hbm>> -> memref<1x1x25x80xf32, #tpu.memory_space<hbm>>
      %dma_wait3A_352 = tpu.memref_squeeze %dma_wait3A_351 : memref<1x1x25x80xf32, #tpu.memory_space<hbm>> -> memref<25x80xf32, #tpu.memory_space<hbm>>
      tpu.wait_dma2 semaphore(%arg21 : memref<!tpu.dma_semaphore, #tpu.memory_space<semaphore_mem>>) src(%dma_wait3A_352 : memref<25x80xf32, #tpu.memory_space<hbm>>) dst(%arg10 : memref<25x80xf32, #tpu.memory_space<vmem>>)
      %get3A = arith.constant 0 : i32
      %get3A_353 = arith.index_cast %get3A : i32 to index
      %get3A_354 = arith.constant 0 : index
      %get3A_355 = tpu.vector_load %arg8[%get3A_353, %get3A_354] {strides = array<i32>} : memref<25x80xi32, #tpu.memory_space<vmem>>, vector<16xi32>,
      %get3A_356 = arith.constant 0 : i32
      %get3A_357 = arith.index_cast %get3A_356 : i32 to index
      %get3A_358 = arith.constant 0 : index
      %get3A_359 = tpu.vector_load %arg9[%get3A_357, %get3A_358] {strides = array<i32>} : memref<25x80xi32, #tpu.memory_space<vmem>>, vector<16xi32>,
      %get3A_360 = arith.constant 0 : i32
      %get3A_361 = arith.index_cast %get3A_360 : i32 to index
      %get3A_362 = arith.constant 0 : index
      %get3A_363 = tpu.vector_load %arg10[%get3A_361, %get3A_362] {strides = array<i32>} : memref<25x80xf32, #tpu.memory_space<vmem>>, vector<16xf32>,
      %gather3A = tpu.vector_load_idx %arg11[%get3A_355] : memref<10240xf32, #tpu.memory_space<vmem>>[vector<16xi32>], vector<16xf32>,
      %gather3A_364 = tpu.vector_load_idx %arg11[%get3A_359] : memref<10240xf32, #tpu.memory_space<vmem>>[vector<16xi32>], vector<16xf32>,
      %mul3A_365 = arith.mulf %gather3A, %get3A_363 : vector<16xf32>
      %mul3A_366 = arith.mulf %mul3A_365, %gather3A_364 : vector<16xf32>
      %neg3A = arith.constant 0.000000e+00 : f32
      %neg3A_367 = vector.broadcast %neg3A : f32 to vector<16xf32>
      %neg3A_368 = arith.subf %neg3A_367, %mul3A_366 : vector<16xf32>
      %swap3A = arith.constant 0 : index
      %swap3A_369 = tpu.vector_load %arg18[%swap3A] {strides = array<i32>} : memref<80xf32, #tpu.memory_space<vmem>>, vector<16xf32>,
      tpu.vector_store %arg18[%swap3A], %neg3A_368 {strides = array<i32>} : memref<80xf32, #tpu.memory_space<vmem>>, vector<16xf32>,
      %add3A_370 = vector.broadcast %mul3A_286 : i32 to vector<16xi32>
      %add3A_371 = arith.addi %get3A_355, %add3A_370 : vector<16xi32>
      %swap3A_372 = arith.constant 0 : index
      %swap3A_373 = tpu.vector_load %arg16[%swap3A_372] {strides = array<i32>} : memref<80xi32, #tpu.memory_space<vmem>>, vector<16xi32>,
      tpu.vector_store %arg16[%swap3A_372], %add3A_371 {strides = array<i32>} : memref<80xi32, #tpu.memory_space<vmem>>, vector<16xi32>,
      %get3A_374 = arith.constant 0 : i32
      %get3A_375 = arith.index_cast %get3A_374 : i32 to index
      %get3A_376 = arith.constant 16 : index
      %get3A_377 = tpu.vector_load %arg8[%get3A_375, %get3A_376] {strides = array<i32>} : memref<25x80xi32, #tpu.memory_space<vmem>>, vector<16xi32>,
      %get3A_378 = arith.constant 0 : i32
      %get3A_379 = arith.index_cast %get3A_378 : i32 to index
      %get3A_380 = arith.constant 16 : index
      %get3A_381 = tpu.vector_load %arg9[%get3A_379, %get3A_380] {strides = array<i32>} : memref<25x80xi32, #tpu.memory_space<vmem>>, vector<16xi32>,
      %get3A_382 = arith.constant 0 : i32
      %get3A_383 = arith.index_cast %get3A_382 : i32 to index
      %get3A_384 = arith.constant 16 : index
      %get3A_385 = tpu.vector_load %arg10[%get3A_383, %get3A_384] {strides = array<i32>} : memref<25x80xf32, #tpu.memory_space<vmem>>, vector<16xf32>,
      %gather3A_386 = tpu.vector_load_idx %arg11[%get3A_377] : memref<10240xf32, #tpu.memory_space<vmem>>[vector<16xi32>], vector<16xf32>,
      %gather3A_387 = tpu.vector_load_idx %arg11[%get3A_381] : memref<10240xf32, #tpu.memory_space<vmem>>[vector<16xi32>], vector<16xf32>,
      %mul3A_388 = arith.mulf %gather3A_386, %get3A_385 : vector<16xf32>
      %mul3A_389 = arith.mulf %mul3A_388, %gather3A_387 : vector<16xf32>
      %neg3A_390 = arith.constant 0.000000e+00 : f32
      %neg3A_391 = vector.broadcast %neg3A_390 : f32 to vector<16xf32>
      %neg3A_392 = arith.subf %neg3A_391, %mul3A_389 : vector<16xf32>
      %swap3A_393 = arith.constant 16 : index
      %swap3A_394 = tpu.vector_load %arg18[%swap3A_393] {strides = array<i32>} : memref<80xf32, #tpu.memory_space<vmem>>, vector<16xf32>,
      tpu.vector_store %arg18[%swap3A_393], %neg3A_392 {strides = array<i32>} : memref<80xf32, #tpu.memory_space<vmem>>, vector<16xf32>,
      %add3A_395 = vector.broadcast %mul3A_286 : i32 to vector<16xi32>
      %add3A_396 = arith.addi %get3A_377, %add3A_395 : vector<16xi32>
      %swap3A_397 = arith.constant 16 : index
      %swap3A_398 = tpu.vector_load %arg16[%swap3A_397] {strides = array<i32>} : memref<80xi32, #tpu.memory_space<vmem>>, vector<16xi32>,
      tpu.vector_store %arg16[%swap3A_397], %add3A_396 {strides = array<i32>} : memref<80xi32, #tpu.memory_space<vmem>>, vector<16xi32>,
      %get3A_399 = arith.constant 0 : i32
      %get3A_400 = arith.index_cast %get3A_399 : i32 to index
      %get3A_401 = arith.constant 32 : index
      %get3A_402 = tpu.vector_load %arg8[%get3A_400, %get3A_401] {strides = array<i32>} : memref<25x80xi32, #tpu.memory_space<vmem>>, vector<16xi32>,
      %get3A_403 = arith.constant 0 : i32
      %get3A_404 = arith.index_cast %get3A_403 : i32 to index
      %get3A_405 = arith.constant 32 : index
      %get3A_406 = tpu.vector_load %arg9[%get3A_404, %get3A_405] {strides = array<i32>} : memref<25x80xi32, #tpu.memory_space<vmem>>, vector<16xi32>,
      %get3A_407 = arith.constant 0 : i32
      %get3A_408 = arith.index_cast %get3A_407 : i32 to index
      %get3A_409 = arith.constant 32 : index
      %get3A_410 = tpu.vector_load %arg10[%get3A_408, %get3A_409] {strides = array<i32>} : memref<25x80xf32, #tpu.memory_space<vmem>>, vector<16xf32>,
      %gather3A_411 = tpu.vector_load_idx %arg11[%get3A_402] : memref<10240xf32, #tpu.memory_space<vmem>>[vector<16xi32>], vector<16xf32>,
      %gather3A_412 = tpu.vector_load_idx %arg11[%get3A_406] : memref<10240xf32, #tpu.memory_space<vmem>>[vector<16xi32>], vector<16xf32>,
      %mul3A_413 = arith.mulf %gather3A_411, %get3A_410 : vector<16xf32>
      %mul3A_414 = arith.mulf %mul3A_413, %gather3A_412 : vector<16xf32>
      %neg3A_415 = arith.constant 0.000000e+00 : f32
      %neg3A_416 = vector.broadcast %neg3A_415 : f32 to vector<16xf32>
      %neg3A_417 = arith.subf %neg3A_416, %mul3A_414 : vector<16xf32>
      %swap3A_418 = arith.constant 32 : index
      %swap3A_419 = tpu.vector_load %arg18[%swap3A_418] {strides = array<i32>} : memref<80xf32, #tpu.memory_space<vmem>>, vector<16xf32>,
      tpu.vector_store %arg18[%swap3A_418], %neg3A_417 {strides = array<i32>} : memref<80xf32, #tpu.memory_space<vmem>>, vector<16xf32>,
      %add3A_420 = vector.broadcast %mul3A_286 : i32 to vector<16xi32>
      %add3A_421 = arith.addi %get3A_402, %add3A_420 : vector<16xi32>
      %swap3A_422 = arith.constant 32 : index
      %swap3A_423 = tpu.vector_load %arg16[%swap3A_422] {strides = array<i32>} : memref<80xi32, #tpu.memory_space<vmem>>, vector<16xi32>,
      tpu.vector_store %arg16[%swap3A_422], %add3A_421 {strides = array<i32>} : memref<80xi32, #tpu.memory_space<vmem>>, vector<16xi32>,
      %get3A_424 = arith.constant 0 : i32
      %get3A_425 = arith.index_cast %get3A_424 : i32 to index
      %get3A_426 = arith.constant 48 : index
      %get3A_427 = tpu.vector_load %arg8[%get3A_425, %get3A_426] {strides = array<i32>} : memref<25x80xi32, #tpu.memory_space<vmem>>, vector<16xi32>,
      %get3A_428 = arith.constant 0 : i32
      %get3A_429 = arith.index_cast %get3A_428 : i32 to index
      %get3A_430 = arith.constant 48 : index
      %get3A_431 = tpu.vector_load %arg9[%get3A_429, %get3A_430] {strides = array<i32>} : memref<25x80xi32, #tpu.memory_space<vmem>>, vector<16xi32>,
      %get3A_432 = arith.constant 0 : i32
      %get3A_433 = arith.index_cast %get3A_432 : i32 to index
      %get3A_434 = arith.constant 48 : index
      %get3A_435 = tpu.vector_load %arg10[%get3A_433, %get3A_434] {strides = array<i32>} : memref<25x80xf32, #tpu.memory_space<vmem>>, vector<16xf32>,
      %gather3A_436 = tpu.vector_load_idx %arg11[%get3A_427] : memref<10240xf32, #tpu.memory_space<vmem>>[vector<16xi32>], vector<16xf32>,
      %gather3A_437 = tpu.vector_load_idx %arg11[%get3A_431] : memref<10240xf32, #tpu.memory_space<vmem>>[vector<16xi32>], vector<16xf32>,
      %mul3A_438 = arith.mulf %gather3A_436, %get3A_435 : vector<16xf32>
      %mul3A_439 = arith.mulf %mul3A_438, %gather3A_437 : vector<16xf32>
      %neg3A_440 = arith.constant 0.000000e+00 : f32
      %neg3A_441 = vector.broadcast %neg3A_440 : f32 to vector<16xf32>
      %neg3A_442 = arith.subf %neg3A_441, %mul3A_439 : vector<16xf32>
      %swap3A_443 = arith.constant 48 : index
      %swap3A_444 = tpu.vector_load %arg18[%swap3A_443] {strides = array<i32>} : memref<80xf32, #tpu.memory_space<vmem>>, vector<16xf32>,
      tpu.vector_store %arg18[%swap3A_443], %neg3A_442 {strides = array<i32>} : memref<80xf32, #tpu.memory_space<vmem>>, vector<16xf32>,
      %add3A_445 = vector.broadcast %mul3A_286 : i32 to vector<16xi32>
      %add3A_446 = arith.addi %get3A_427, %add3A_445 : vector<16xi32>
      %swap3A_447 = arith.constant 48 : index
      %swap3A_448 = tpu.vector_load %arg16[%swap3A_447] {strides = array<i32>} : memref<80xi32, #tpu.memory_space<vmem>>, vector<16xi32>,
      tpu.vector_store %arg16[%swap3A_447], %add3A_446 {strides = array<i32>} : memref<80xi32, #tpu.memory_space<vmem>>, vector<16xi32>,
      %get3A_449 = arith.constant 0 : i32
      %get3A_450 = arith.index_cast %get3A_449 : i32 to index
      %get3A_451 = arith.constant 64 : index
      %get3A_452 = tpu.vector_load %arg8[%get3A_450, %get3A_451] {strides = array<i32>} : memref<25x80xi32, #tpu.memory_space<vmem>>, vector<16xi32>,
      %get3A_453 = arith.constant 0 : i32
      %get3A_454 = arith.index_cast %get3A_453 : i32 to index
      %get3A_455 = arith.constant 64 : index
      %get3A_456 = tpu.vector_load %arg9[%get3A_454, %get3A_455] {strides = array<i32>} : memref<25x80xi32, #tpu.memory_space<vmem>>, vector<16xi32>,
      %get3A_457 = arith.constant 0 : i32
      %get3A_458 = arith.index_cast %get3A_457 : i32 to index
      %get3A_459 = arith.constant 64 : index
      %get3A_460 = tpu.vector_load %arg10[%get3A_458, %get3A_459] {strides = array<i32>} : memref<25x80xf32, #tpu.memory_space<vmem>>, vector<16xf32>,
      %gather3A_461 = tpu.vector_load_idx %arg11[%get3A_452] : memref<10240xf32, #tpu.memory_space<vmem>>[vector<16xi32>], vector<16xf32>,
      %gather3A_462 = tpu.vector_load_idx %arg11[%get3A_456] : memref<10240xf32, #tpu.memory_space<vmem>>[vector<16xi32>], vector<16xf32>,
      %mul3A_463 = arith.mulf %gather3A_461, %get3A_460 : vector<16xf32>
      %mul3A_464 = arith.mulf %mul3A_463, %gather3A_462 : vector<16xf32>
      %neg3A_465 = arith.constant 0.000000e+00 : f32
      %neg3A_466 = vector.broadcast %neg3A_465 : f32 to vector<16xf32>
      %neg3A_467 = arith.subf %neg3A_466, %mul3A_464 : vector<16xf32>
      %swap3A_468 = arith.constant 64 : index
      %swap3A_469 = tpu.vector_load %arg18[%swap3A_468] {strides = array<i32>} : memref<80xf32, #tpu.memory_space<vmem>>, vector<16xf32>,
      tpu.vector_store %arg18[%swap3A_468], %neg3A_467 {strides = array<i32>} : memref<80xf32, #tpu.memory_space<vmem>>, vector<16xf32>,
      %add3A_470 = vector.broadcast %mul3A_286 : i32 to vector<16xi32>
      %add3A_471 = arith.addi %get3A_452, %add3A_470 : vector<16xi32>
      %swap3A_472 = arith.constant 64 : index
      %swap3A_473 = tpu.vector_load %arg16[%swap3A_472] {strides = array<i32>} : memref<80xi32, #tpu.memory_space<vmem>>, vector<16xi32>,
      tpu.vector_store %arg16[%swap3A_472], %add3A_471 {strides = array<i32>} : memref<80xi32, #tpu.memory_space<vmem>>, vector<16xi32>,
      %dma_start3A_474 = arith.constant 0 : i32
      %dma_start3A_475 = arith.constant 0 : i32
      %dma_start3A_476 = tpu.memref_slice %arg2[%dma_start3A_474, %dma_start3A_475] : memref<20000x128xf32, #tpu.memory_space<hbm>> -> memref<20000x128xf32, #tpu.memory_space<hbm>>
      tpu.enqueue_indirect_dma source(%dma_start3A_476 : memref<20000x128xf32, #tpu.memory_space<hbm>>) target(%arg13 : memref<80x128xf32, #tpu.memory_space<vmem>>) offsets(%arg16 : memref<80xi32, #tpu.memory_space<vmem>>) semaphore(%arg22 : memref<!tpu.dma_semaphore, #tpu.memory_space<semaphore_mem>>)
      %get3A_477 = arith.constant 1 : i32
      %get3A_478 = arith.index_cast %get3A_477 : i32 to index
      %get3A_479 = arith.constant 0 : index
      %get3A_480 = tpu.vector_load %arg8[%get3A_478, %get3A_479] {strides = array<i32>} : memref<25x80xi32, #tpu.memory_space<vmem>>, vector<16xi32>,
      %get3A_481 = arith.constant 1 : i32
      %get3A_482 = arith.index_cast %get3A_481 : i32 to index
      %get3A_483 = arith.constant 0 : index
      %get3A_484 = tpu.vector_load %arg9[%get3A_482, %get3A_483] {strides = array<i32>} : memref<25x80xi32, #tpu.memory_space<vmem>>, vector<16xi32>,
      %get3A_485 = arith.constant 1 : i32
      %get3A_486 = arith.index_cast %get3A_485 : i32 to index
      %get3A_487 = arith.constant 0 : index
      %get3A_488 = tpu.vector_load %arg10[%get3A_486, %get3A_487] {strides = array<i32>} : memref<25x80xf32, #tpu.memory_space<vmem>>, vector<16xf32>,
      %gather3A_489 = tpu.vector_load_idx %arg11[%get3A_480] : memref<10240xf32, #tpu.memory_space<vmem>>[vector<16xi32>], vector<16xf32>,
      %gather3A_490 = tpu.vector_load_idx %arg11[%get3A_484] : memref<10240xf32, #tpu.memory_space<vmem>>[vector<16xi32>], vector<16xf32>,
      %mul3A_491 = arith.mulf %gather3A_489, %get3A_488 : vector<16xf32>
      %mul3A_492 = arith.mulf %mul3A_491, %gather3A_490 : vector<16xf32>
      %neg3A_493 = arith.constant 0.000000e+00 : f32
      %neg3A_494 = vector.broadcast %neg3A_493 : f32 to vector<16xf32>
      %neg3A_495 = arith.subf %neg3A_494, %mul3A_492 : vector<16xf32>
      %swap3A_496 = arith.constant 0 : index
      %swap3A_497 = tpu.vector_load %arg19[%swap3A_496] {strides = array<i32>} : memref<80xf32, #tpu.memory_space<vmem>>, vector<16xf32>,
      tpu.vector_store %arg19[%swap3A_496], %neg3A_495 {strides = array<i32>} : memref<80xf32, #tpu.memory_space<vmem>>, vector<16xf32>,
      %add3A_498 = vector.broadcast %mul3A_286 : i32 to vector<16xi32>
      %add3A_499 = arith.addi %get3A_480, %add3A_498 : vector<16xi32>
      %swap3A_500 = arith.constant 0 : index
      %swap3A_501 = tpu.vector_load %arg17[%swap3A_500] {strides = array<i32>} : memref<80xi32, #tpu.memory_space<vmem>>, vector<16xi32>,
      tpu.vector_store %arg17[%swap3A_500], %add3A_499 {strides = array<i32>} : memref<80xi32, #tpu.memory_space<vmem>>, vector<16xi32>,
      %get3A_502 = arith.constant 1 : i32
      %get3A_503 = arith.index_cast %get3A_502 : i32 to index
      %get3A_504 = arith.constant 16 : index
      %get3A_505 = tpu.vector_load %arg8[%get3A_503, %get3A_504] {strides = array<i32>} : memref<25x80xi32, #tpu.memory_space<vmem>>, vector<16xi32>,
      %get3A_506 = arith.constant 1 : i32
      %get3A_507 = arith.index_cast %get3A_506 : i32 to index
      %get3A_508 = arith.constant 16 : index
      %get3A_509 = tpu.vector_load %arg9[%get3A_507, %get3A_508] {strides = array<i32>} : memref<25x80xi32, #tpu.memory_space<vmem>>, vector<16xi32>,
      %get3A_510 = arith.constant 1 : i32
      %get3A_511 = arith.index_cast %get3A_510 : i32 to index
      %get3A_512 = arith.constant 16 : index
      %get3A_513 = tpu.vector_load %arg10[%get3A_511, %get3A_512] {strides = array<i32>} : memref<25x80xf32, #tpu.memory_space<vmem>>, vector<16xf32>,
      %gather3A_514 = tpu.vector_load_idx %arg11[%get3A_505] : memref<10240xf32, #tpu.memory_space<vmem>>[vector<16xi32>], vector<16xf32>,
      %gather3A_515 = tpu.vector_load_idx %arg11[%get3A_509] : memref<10240xf32, #tpu.memory_space<vmem>>[vector<16xi32>], vector<16xf32>,
      %mul3A_516 = arith.mulf %gather3A_514, %get3A_513 : vector<16xf32>
      %mul3A_517 = arith.mulf %mul3A_516, %gather3A_515 : vector<16xf32>
      %neg3A_518 = arith.constant 0.000000e+00 : f32
      %neg3A_519 = vector.broadcast %neg3A_518 : f32 to vector<16xf32>
      %neg3A_520 = arith.subf %neg3A_519, %mul3A_517 : vector<16xf32>
      %swap3A_521 = arith.constant 16 : index
      %swap3A_522 = tpu.vector_load %arg19[%swap3A_521] {strides = array<i32>} : memref<80xf32, #tpu.memory_space<vmem>>, vector<16xf32>,
      tpu.vector_store %arg19[%swap3A_521], %neg3A_520 {strides = array<i32>} : memref<80xf32, #tpu.memory_space<vmem>>, vector<16xf32>,
      %add3A_523 = vector.broadcast %mul3A_286 : i32 to vector<16xi32>
      %add3A_524 = arith.addi %get3A_505, %add3A_523 : vector<16xi32>
      %swap3A_525 = arith.constant 16 : index
      %swap3A_526 = tpu.vector_load %arg17[%swap3A_525] {strides = array<i32>} : memref<80xi32, #tpu.memory_space<vmem>>, vector<16xi32>,
      tpu.vector_store %arg17[%swap3A_525], %add3A_524 {strides = array<i32>} : memref<80xi32, #tpu.memory_space<vmem>>, vector<16xi32>,
      %get3A_527 = arith.constant 1 : i32
      %get3A_528 = arith.index_cast %get3A_527 : i32 to index
      %get3A_529 = arith.constant 32 : index
      %get3A_530 = tpu.vector_load %arg8[%get3A_528, %get3A_529] {strides = array<i32>} : memref<25x80xi32, #tpu.memory_space<vmem>>, vector<16xi32>,
      %get3A_531 = arith.constant 1 : i32
      %get3A_532 = arith.index_cast %get3A_531 : i32 to index
      %get3A_533 = arith.constant 32 : index
      %get3A_534 = tpu.vector_load %arg9[%get3A_532, %get3A_533] {strides = array<i32>} : memref<25x80xi32, #tpu.memory_space<vmem>>, vector<16xi32>,
      %get3A_535 = arith.constant 1 : i32
      %get3A_536 = arith.index_cast %get3A_535 : i32 to index
      %get3A_537 = arith.constant 32 : index
      %get3A_538 = tpu.vector_load %arg10[%get3A_536, %get3A_537] {strides = array<i32>} : memref<25x80xf32, #tpu.memory_space<vmem>>, vector<16xf32>,
      %gather3A_539 = tpu.vector_load_idx %arg11[%get3A_530] : memref<10240xf32, #tpu.memory_space<vmem>>[vector<16xi32>], vector<16xf32>,
      %gather3A_540 = tpu.vector_load_idx %arg11[%get3A_534] : memref<10240xf32, #tpu.memory_space<vmem>>[vector<16xi32>], vector<16xf32>,
      %mul3A_541 = arith.mulf %gather3A_539, %get3A_538 : vector<16xf32>
      %mul3A_542 = arith.mulf %mul3A_541, %gather3A_540 : vector<16xf32>
      %neg3A_543 = arith.constant 0.000000e+00 : f32
      %neg3A_544 = vector.broadcast %neg3A_543 : f32 to vector<16xf32>
      %neg3A_545 = arith.subf %neg3A_544, %mul3A_542 : vector<16xf32>
      %swap3A_546 = arith.constant 32 : index
      %swap3A_547 = tpu.vector_load %arg19[%swap3A_546] {strides = array<i32>} : memref<80xf32, #tpu.memory_space<vmem>>, vector<16xf32>,
      tpu.vector_store %arg19[%swap3A_546], %neg3A_545 {strides = array<i32>} : memref<80xf32, #tpu.memory_space<vmem>>, vector<16xf32>,
      %add3A_548 = vector.broadcast %mul3A_286 : i32 to vector<16xi32>
      %add3A_549 = arith.addi %get3A_530, %add3A_548 : vector<16xi32>
      %swap3A_550 = arith.constant 32 : index
      %swap3A_551 = tpu.vector_load %arg17[%swap3A_550] {strides = array<i32>} : memref<80xi32, #tpu.memory_space<vmem>>, vector<16xi32>,
      tpu.vector_store %arg17[%swap3A_550], %add3A_549 {strides = array<i32>} : memref<80xi32, #tpu.memory_space<vmem>>, vector<16xi32>,
      %get3A_552 = arith.constant 1 : i32
      %get3A_553 = arith.index_cast %get3A_552 : i32 to index
      %get3A_554 = arith.constant 48 : index
      %get3A_555 = tpu.vector_load %arg8[%get3A_553, %get3A_554] {strides = array<i32>} : memref<25x80xi32, #tpu.memory_space<vmem>>, vector<16xi32>,
      %get3A_556 = arith.constant 1 : i32
      %get3A_557 = arith.index_cast %get3A_556 : i32 to index
      %get3A_558 = arith.constant 48 : index
      %get3A_559 = tpu.vector_load %arg9[%get3A_557, %get3A_558] {strides = array<i32>} : memref<25x80xi32, #tpu.memory_space<vmem>>, vector<16xi32>,
      %get3A_560 = arith.constant 1 : i32
      %get3A_561 = arith.index_cast %get3A_560 : i32 to index
      %get3A_562 = arith.constant 48 : index
      %get3A_563 = tpu.vector_load %arg10[%get3A_561, %get3A_562] {strides = array<i32>} : memref<25x80xf32, #tpu.memory_space<vmem>>, vector<16xf32>,
      %gather3A_564 = tpu.vector_load_idx %arg11[%get3A_555] : memref<10240xf32, #tpu.memory_space<vmem>>[vector<16xi32>], vector<16xf32>,
      %gather3A_565 = tpu.vector_load_idx %arg11[%get3A_559] : memref<10240xf32, #tpu.memory_space<vmem>>[vector<16xi32>], vector<16xf32>,
      %mul3A_566 = arith.mulf %gather3A_564, %get3A_563 : vector<16xf32>
      %mul3A_567 = arith.mulf %mul3A_566, %gather3A_565 : vector<16xf32>
      %neg3A_568 = arith.constant 0.000000e+00 : f32
      %neg3A_569 = vector.broadcast %neg3A_568 : f32 to vector<16xf32>
      %neg3A_570 = arith.subf %neg3A_569, %mul3A_567 : vector<16xf32>
      %swap3A_571 = arith.constant 48 : index
      %swap3A_572 = tpu.vector_load %arg19[%swap3A_571] {strides = array<i32>} : memref<80xf32, #tpu.memory_space<vmem>>, vector<16xf32>,
      tpu.vector_store %arg19[%swap3A_571], %neg3A_570 {strides = array<i32>} : memref<80xf32, #tpu.memory_space<vmem>>, vector<16xf32>,
      %add3A_573 = vector.broadcast %mul3A_286 : i32 to vector<16xi32>
      %add3A_574 = arith.addi %get3A_555, %add3A_573 : vector<16xi32>
      %swap3A_575 = arith.constant 48 : index
      %swap3A_576 = tpu.vector_load %arg17[%swap3A_575] {strides = array<i32>} : memref<80xi32, #tpu.memory_space<vmem>>, vector<16xi32>,
      tpu.vector_store %arg17[%swap3A_575], %add3A_574 {strides = array<i32>} : memref<80xi32, #tpu.memory_space<vmem>>, vector<16xi32>,
      %get3A_577 = arith.constant 1 : i32
      %get3A_578 = arith.index_cast %get3A_577 : i32 to index
      %get3A_579 = arith.constant 64 : index
      %get3A_580 = tpu.vector_load %arg8[%get3A_578, %get3A_579] {strides = array<i32>} : memref<25x80xi32, #tpu.memory_space<vmem>>, vector<16xi32>,
      %get3A_581 = arith.constant 1 : i32
      %get3A_582 = arith.index_cast %get3A_581 : i32 to index
      %get3A_583 = arith.constant 64 : index
      %get3A_584 = tpu.vector_load %arg9[%get3A_582, %get3A_583] {strides = array<i32>} : memref<25x80xi32, #tpu.memory_space<vmem>>, vector<16xi32>,
      %get3A_585 = arith.constant 1 : i32
      %get3A_586 = arith.index_cast %get3A_585 : i32 to index
      %get3A_587 = arith.constant 64 : index
      %get3A_588 = tpu.vector_load %arg10[%get3A_586, %get3A_587] {strides = array<i32>} : memref<25x80xf32, #tpu.memory_space<vmem>>, vector<16xf32>,
      %gather3A_589 = tpu.vector_load_idx %arg11[%get3A_580] : memref<10240xf32, #tpu.memory_space<vmem>>[vector<16xi32>], vector<16xf32>,
      %gather3A_590 = tpu.vector_load_idx %arg11[%get3A_584] : memref<10240xf32, #tpu.memory_space<vmem>>[vector<16xi32>], vector<16xf32>,
      %mul3A_591 = arith.mulf %gather3A_589, %get3A_588 : vector<16xf32>
      %mul3A_592 = arith.mulf %mul3A_591, %gather3A_590 : vector<16xf32>
      %neg3A_593 = arith.constant 0.000000e+00 : f32
      %neg3A_594 = vector.broadcast %neg3A_593 : f32 to vector<16xf32>
      %neg3A_595 = arith.subf %neg3A_594, %mul3A_592 : vector<16xf32>
      %swap3A_596 = arith.constant 64 : index
      %swap3A_597 = tpu.vector_load %arg19[%swap3A_596] {strides = array<i32>} : memref<80xf32, #tpu.memory_space<vmem>>, vector<16xf32>,
      tpu.vector_store %arg19[%swap3A_596], %neg3A_595 {strides = array<i32>} : memref<80xf32, #tpu.memory_space<vmem>>, vector<16xf32>,
      %add3A_598 = vector.broadcast %mul3A_286 : i32 to vector<16xi32>
      %add3A_599 = arith.addi %get3A_580, %add3A_598 : vector<16xi32>
      %swap3A_600 = arith.constant 64 : index
      %swap3A_601 = tpu.vector_load %arg17[%swap3A_600] {strides = array<i32>} : memref<80xi32, #tpu.memory_space<vmem>>, vector<16xi32>,
      tpu.vector_store %arg17[%swap3A_600], %add3A_599 {strides = array<i32>} : memref<80xi32, #tpu.memory_space<vmem>>, vector<16xi32>,
      %dma_start3A_602 = arith.constant 0 : i32
      %dma_start3A_603 = arith.constant 0 : i32
      %dma_start3A_604 = tpu.memref_slice %arg2[%dma_start3A_602, %dma_start3A_603] : memref<20000x128xf32, #tpu.memory_space<hbm>> -> memref<20000x128xf32, #tpu.memory_space<hbm>>
      tpu.enqueue_indirect_dma source(%dma_start3A_604 : memref<20000x128xf32, #tpu.memory_space<hbm>>) target(%arg14 : memref<80x128xf32, #tpu.memory_space<vmem>>) offsets(%arg17 : memref<80xi32, #tpu.memory_space<vmem>>) semaphore(%arg23 : memref<!tpu.dma_semaphore, #tpu.memory_space<semaphore_mem>>)
      %scan3A_605 = arith.constant 0 : i32
      %scan3A_606 = arith.constant 0 : i32
      %scan3A_607 = arith.constant 12 : i32
      %scan3A_608 = arith.addi %scan3A_606, %scan3A_607 : i32
      %scan3A_609 = arith.constant 1 : i32
      %scan3A_610 = scf.for %scan3A_640 = %scan3A_606 to %scan3A_608 step %scan3A_609 iter_args(%scan3A_641 = %scan3A_605) -> (i32)  : i32 {
        %mul3A_642 = arith.constant 2 : i32
        %mul3A_643 = arith.muli %mul3A_642, %scan3A_640 : i32
        %dma_wait3A_644 = arith.constant 0 : i32
        %dma_wait3A_645 = arith.constant 0 : i32
        %dma_wait3A_646 = tpu.memref_slice %arg2[%dma_wait3A_644, %dma_wait3A_645] : memref<20000x128xf32, #tpu.memory_space<hbm>> -> memref<80x128xf32, #tpu.memory_space<hbm>>
        %dma_wait3A_647 = arith.constant 0 : i32
        %dma_wait3A_648 = arith.constant 0 : i32
        %dma_wait3A_649 = tpu.memref_slice %arg2[%dma_wait3A_647, %dma_wait3A_648] : memref<20000x128xf32, #tpu.memory_space<hbm>> -> memref<80x128xf32, #tpu.memory_space<hbm>>
        tpu.wait_dma2 semaphore(%arg22 : memref<!tpu.dma_semaphore, #tpu.memory_space<semaphore_mem>>) src(%dma_wait3A_649 : memref<80x128xf32, #tpu.memory_space<hbm>>) dst(%arg13 : memref<80x128xf32, #tpu.memory_space<vmem>>)
        %parallel_loop3A_650 = arith.constant 0 : i32
        %parallel_loop3A_651 = arith.constant 80 : i32
        %parallel_loop3A_652 = arith.constant 1 : i32
        scf.for %parallel_loop3A_800 = %parallel_loop3A_650 to %parallel_loop3A_651 step %parallel_loop3A_652  : i32 {
          %parallel_loop3A_801 = vector.broadcast %parallel_loop3A_800 : i32 to vector<16xi32>
          %parallel_loop3A_802 = tpu.vector_load_idx %arg18[%parallel_loop3A_801] : memref<80xf32, #tpu.memory_space<vmem>>[vector<16xi32>], vector<16xf32>,
          %parallel_loop3A_803 = arith.index_cast %parallel_loop3A_800 : i32 to index
          %parallel_loop3A_804 = arith.constant 0 : index
          %parallel_loop3A_805 = tpu.vector_load %arg13[%parallel_loop3A_803, %parallel_loop3A_804] {strides = array<i32>} : memref<80x128xf32, #tpu.memory_space<vmem>>, vector<16xf32>,
          %parallel_loop3A_806 = arith.mulf %parallel_loop3A_805, %parallel_loop3A_802 : vector<16xf32>
          %parallel_loop3A_807 = arith.index_cast %parallel_loop3A_800 : i32 to index
          %parallel_loop3A_808 = arith.constant 0 : index
          %parallel_loop3A_809 = tpu.vector_load %arg13[%parallel_loop3A_807, %parallel_loop3A_808] {strides = array<i32>} : memref<80x128xf32, #tpu.memory_space<vmem>>, vector<16xf32>,
          tpu.vector_store %arg13[%parallel_loop3A_807, %parallel_loop3A_808], %parallel_loop3A_806 {strides = array<i32>} : memref<80x128xf32, #tpu.memory_space<vmem>>, vector<16xf32>,
          %parallel_loop3A_810 = arith.index_cast %parallel_loop3A_800 : i32 to index
          %parallel_loop3A_811 = arith.constant 16 : index
          %parallel_loop3A_812 = tpu.vector_load %arg13[%parallel_loop3A_810, %parallel_loop3A_811] {strides = array<i32>} : memref<80x128xf32, #tpu.memory_space<vmem>>, vector<16xf32>,
          %parallel_loop3A_813 = arith.mulf %parallel_loop3A_812, %parallel_loop3A_802 : vector<16xf32>
          %parallel_loop3A_814 = arith.index_cast %parallel_loop3A_800 : i32 to index
          %parallel_loop3A_815 = arith.constant 16 : index
          %parallel_loop3A_816 = tpu.vector_load %arg13[%parallel_loop3A_814, %parallel_loop3A_815] {strides = array<i32>} : memref<80x128xf32, #tpu.memory_space<vmem>>, vector<16xf32>,
          tpu.vector_store %arg13[%parallel_loop3A_814, %parallel_loop3A_815], %parallel_loop3A_813 {strides = array<i32>} : memref<80x128xf32, #tpu.memory_space<vmem>>, vector<16xf32>,
          %parallel_loop3A_817 = arith.index_cast %parallel_loop3A_800 : i32 to index
          %parallel_loop3A_818 = arith.constant 32 : index
          %parallel_loop3A_819 = tpu.vector_load %arg13[%parallel_loop3A_817, %parallel_loop3A_818] {strides = array<i32>} : memref<80x128xf32, #tpu.memory_space<vmem>>, vector<16xf32>,
          %parallel_loop3A_820 = arith.mulf %parallel_loop3A_819, %parallel_loop3A_802 : vector<16xf32>
          %parallel_loop3A_821 = arith.index_cast %parallel_loop3A_800 : i32 to index
          %parallel_loop3A_822 = arith.constant 32 : index
          %parallel_loop3A_823 = tpu.vector_load %arg13[%parallel_loop3A_821, %parallel_loop3A_822] {strides = array<i32>} : memref<80x128xf32, #tpu.memory_space<vmem>>, vector<16xf32>,
          tpu.vector_store %arg13[%parallel_loop3A_821, %parallel_loop3A_822], %parallel_loop3A_820 {strides = array<i32>} : memref<80x128xf32, #tpu.memory_space<vmem>>, vector<16xf32>,
          %parallel_loop3A_824 = arith.index_cast %parallel_loop3A_800 : i32 to index
          %parallel_loop3A_825 = arith.constant 48 : index
          %parallel_loop3A_826 = tpu.vector_load %arg13[%parallel_loop3A_824, %parallel_loop3A_825] {strides = array<i32>} : memref<80x128xf32, #tpu.memory_space<vmem>>, vector<16xf32>,
          %parallel_loop3A_827 = arith.mulf %parallel_loop3A_826, %parallel_loop3A_802 : vector<16xf32>
          %parallel_loop3A_828 = arith.index_cast %parallel_loop3A_800 : i32 to index
          %parallel_loop3A_829 = arith.constant 48 : index
          %parallel_loop3A_830 = tpu.vector_load %arg13[%parallel_loop3A_828, %parallel_loop3A_829] {strides = array<i32>} : memref<80x128xf32, #tpu.memory_space<vmem>>, vector<16xf32>,
          tpu.vector_store %arg13[%parallel_loop3A_828, %parallel_loop3A_829], %parallel_loop3A_827 {strides = array<i32>} : memref<80x128xf32, #tpu.memory_space<vmem>>, vector<16xf32>,
          %parallel_loop3A_831 = arith.index_cast %parallel_loop3A_800 : i32 to index
          %parallel_loop3A_832 = arith.constant 64 : index
          %parallel_loop3A_833 = tpu.vector_load %arg13[%parallel_loop3A_831, %parallel_loop3A_832] {strides = array<i32>} : memref<80x128xf32, #tpu.memory_space<vmem>>, vector<16xf32>,
          %parallel_loop3A_834 = arith.mulf %parallel_loop3A_833, %parallel_loop3A_802 : vector<16xf32>
          %parallel_loop3A_835 = arith.index_cast %parallel_loop3A_800 : i32 to index
          %parallel_loop3A_836 = arith.constant 64 : index
          %parallel_loop3A_837 = tpu.vector_load %arg13[%parallel_loop3A_835, %parallel_loop3A_836] {strides = array<i32>} : memref<80x128xf32, #tpu.memory_space<vmem>>, vector<16xf32>,
          tpu.vector_store %arg13[%parallel_loop3A_835, %parallel_loop3A_836], %parallel_loop3A_834 {strides = array<i32>} : memref<80x128xf32, #tpu.memory_space<vmem>>, vector<16xf32>,
          %parallel_loop3A_838 = arith.index_cast %parallel_loop3A_800 : i32 to index
          %parallel_loop3A_839 = arith.constant 80 : index
          %parallel_loop3A_840 = tpu.vector_load %arg13[%parallel_loop3A_838, %parallel_loop3A_839] {strides = array<i32>} : memref<80x128xf32, #tpu.memory_space<vmem>>, vector<16xf32>,
          %parallel_loop3A_841 = arith.mulf %parallel_loop3A_840, %parallel_loop3A_802 : vector<16xf32>
          %parallel_loop3A_842 = arith.index_cast %parallel_loop3A_800 : i32 to index
          %parallel_loop3A_843 = arith.constant 80 : index
          %parallel_loop3A_844 = tpu.vector_load %arg13[%parallel_loop3A_842, %parallel_loop3A_843] {strides = array<i32>} : memref<80x128xf32, #tpu.memory_space<vmem>>, vector<16xf32>,
          tpu.vector_store %arg13[%parallel_loop3A_842, %parallel_loop3A_843], %parallel_loop3A_841 {strides = array<i32>} : memref<80x128xf32, #tpu.memory_space<vmem>>, vector<16xf32>,
          %parallel_loop3A_845 = arith.index_cast %parallel_loop3A_800 : i32 to index
          %parallel_loop3A_846 = arith.constant 96 : index
          %parallel_loop3A_847 = tpu.vector_load %arg13[%parallel_loop3A_845, %parallel_loop3A_846] {strides = array<i32>} : memref<80x128xf32, #tpu.memory_space<vmem>>, vector<16xf32>,
          %parallel_loop3A_848 = arith.mulf %parallel_loop3A_847, %parallel_loop3A_802 : vector<16xf32>
          %parallel_loop3A_849 = arith.index_cast %parallel_loop3A_800 : i32 to index
          %parallel_loop3A_850 = arith.constant 96 : index
          %parallel_loop3A_851 = tpu.vector_load %arg13[%parallel_loop3A_849, %parallel_loop3A_850] {strides = array<i32>} : memref<80x128xf32, #tpu.memory_space<vmem>>, vector<16xf32>,
          tpu.vector_store %arg13[%parallel_loop3A_849, %parallel_loop3A_850], %parallel_loop3A_848 {strides = array<i32>} : memref<80x128xf32, #tpu.memory_space<vmem>>, vector<16xf32>,
          %parallel_loop3A_852 = arith.index_cast %parallel_loop3A_800 : i32 to index
          %parallel_loop3A_853 = arith.constant 112 : index
          %parallel_loop3A_854 = tpu.vector_load %arg13[%parallel_loop3A_852, %parallel_loop3A_853] {strides = array<i32>} : memref<80x128xf32, #tpu.memory_space<vmem>>, vector<16xf32>,
          %parallel_loop3A_855 = arith.mulf %parallel_loop3A_854, %parallel_loop3A_802 : vector<16xf32>
          %parallel_loop3A_856 = arith.index_cast %parallel_loop3A_800 : i32 to index
          %parallel_loop3A_857 = arith.constant 112 : index
          %parallel_loop3A_858 = tpu.vector_load %arg13[%parallel_loop3A_856, %parallel_loop3A_857] {strides = array<i32>} : memref<80x128xf32, #tpu.memory_space<vmem>>, vector<16xf32>,
          tpu.vector_store %arg13[%parallel_loop3A_856, %parallel_loop3A_857], %parallel_loop3A_855 {strides = array<i32>} : memref<80x128xf32, #tpu.memory_space<vmem>>, vector<16xf32>,
        } {sc.loop_unroll_factor = 4 : i64, sc.parallel_access}
        %dma_start3A_653 = arith.constant 0 : i32
        %dma_start3A_654 = tpu.memref_slice %arg9[%mul3A_643, %dma_start3A_653] : memref<25x80xi32, #tpu.memory_space<vmem>> -> memref<1x80xi32, #tpu.memory_space<vmem>>
        %dma_start3A_655 = tpu.memref_squeeze %dma_start3A_654 : memref<1x80xi32, #tpu.memory_space<vmem>> -> memref<80xi32, #tpu.memory_space<vmem>>
        %dma_start3A_656 = arith.constant 0 : i32
        %dma_start3A_657 = arith.constant 0 : i32
        %dma_start3A_658 = tpu.memref_slice %arg20[%dma_start3A_656, %dma_start3A_657] : memref<10240x128xf32, #tpu.memory_space<vmem_shared>> -> memref<10240x128xf32, #tpu.memory_space<vmem_shared>>
        tpu.enqueue_indirect_dma source(%arg13 : memref<80x128xf32, #tpu.memory_space<vmem>>) target(%dma_start3A_658 : memref<10240x128xf32, #tpu.memory_space<vmem_shared>>) offsets(%dma_start3A_655 : memref<80xi32, #tpu.memory_space<vmem>>) semaphore(%arg24 : memref<!tpu.dma_semaphore, #tpu.memory_space<semaphore_mem>>) {add = true}
        %add3A_659 = arith.constant 2 : i32
        %add3A_660 = arith.addi %mul3A_643, %add3A_659 : i32
        %get3A_661 = arith.index_cast %add3A_660 : i32 to index
        %get3A_662 = arith.constant 0 : index
        %get3A_663 = tpu.vector_load %arg8[%get3A_661, %get3A_662] {strides = array<i32>} : memref<25x80xi32, #tpu.memory_space<vmem>>, vector<16xi32>,
        %get3A_664 = arith.index_cast %add3A_660 : i32 to index
        %get3A_665 = arith.constant 0 : index
        %get3A_666 = tpu.vector_load %arg9[%get3A_664, %get3A_665] {strides = array<i32>} : memref<25x80xi32, #tpu.memory_space<vmem>>, vector<16xi32>,
        %get3A_667 = arith.index_cast %add3A_660 : i32 to index
        %get3A_668 = arith.constant 0 : index
        %get3A_669 = tpu.vector_load %arg10[%get3A_667, %get3A_668] {strides = array<i32>} : memref<25x80xf32, #tpu.memory_space<vmem>>, vector<16xf32>,
        %gather3A_670 = tpu.vector_load_idx %arg11[%get3A_663] : memref<10240xf32, #tpu.memory_space<vmem>>[vector<16xi32>], vector<16xf32>,
        %gather3A_671 = tpu.vector_load_idx %arg11[%get3A_666] : memref<10240xf32, #tpu.memory_space<vmem>>[vector<16xi32>], vector<16xf32>,
        %mul3A_672 = arith.mulf %gather3A_670, %get3A_669 : vector<16xf32>
        %mul3A_673 = arith.mulf %mul3A_672, %gather3A_671 : vector<16xf32>
        %neg3A_674 = arith.constant 0.000000e+00 : f32
        %neg3A_675 = vector.broadcast %neg3A_674 : f32 to vector<16xf32>
        %neg3A_676 = arith.subf %neg3A_675, %mul3A_673 : vector<16xf32>
        %swap3A_677 = arith.constant 0 : index
        %swap3A_678 = tpu.vector_load %arg18[%swap3A_677] {strides = array<i32>} : memref<80xf32, #tpu.memory_space<vmem>>, vector<16xf32>,
        tpu.vector_store %arg18[%swap3A_677], %neg3A_676 {strides = array<i32>} : memref<80xf32, #tpu.memory_space<vmem>>, vector<16xf32>,
        %add3A_679 = vector.broadcast %mul3A_286 : i32 to vector<16xi32>
        %add3A_680 = arith.addi %get3A_663, %add3A_679 : vector<16xi32>
        %swap3A_681 = arith.constant 0 : index
        %swap3A_682 = tpu.vector_load %arg16[%swap3A_681] {strides = array<i32>} : memref<80xi32, #tpu.memory_space<vmem>>, vector<16xi32>,
        tpu.vector_store %arg16[%swap3A_681], %add3A_680 {strides = array<i32>} : memref<80xi32, #tpu.memory_space<vmem>>, vector<16xi32>,
        %get3A_683 = arith.index_cast %add3A_660 : i32 to index
        %get3A_684 = arith.constant 16 : index
        %get3A_685 = tpu.vector_load %arg8[%get3A_683, %get3A_684] {strides = array<i32>} : memref<25x80xi32, #tpu.memory_space<vmem>>, vector<16xi32>,
        %get3A_686 = arith.index_cast %add3A_660 : i32 to index
        %get3A_687 = arith.constant 16 : index
        %get3A_688 = tpu.vector_load %arg9[%get3A_686, %get3A_687] {strides = array<i32>} : memref<25x80xi32, #tpu.memory_space<vmem>>, vector<16xi32>,
        %get3A_689 = arith.index_cast %add3A_660 : i32 to index
        %get3A_690 = arith.constant 16 : index
        %get3A_691 = tpu.vector_load %arg10[%get3A_689, %get3A_690] {strides = array<i32>} : memref<25x80xf32, #tpu.memory_space<vmem>>, vector<16xf32>,
        %gather3A_692 = tpu.vector_load_idx %arg11[%get3A_685] : memref<10240xf32, #tpu.memory_space<vmem>>[vector<16xi32>], vector<16xf32>,
        %gather3A_693 = tpu.vector_load_idx %arg11[%get3A_688] : memref<10240xf32, #tpu.memory_space<vmem>>[vector<16xi32>], vector<16xf32>,
        %mul3A_694 = arith.mulf %gather3A_692, %get3A_691 : vector<16xf32>
        %mul3A_695 = arith.mulf %mul3A_694, %gather3A_693 : vector<16xf32>
        %neg3A_696 = arith.constant 0.000000e+00 : f32
        %neg3A_697 = vector.broadcast %neg3A_696 : f32 to vector<16xf32>
        %neg3A_698 = arith.subf %neg3A_697, %mul3A_695 : vector<16xf32>
        %swap3A_699 = arith.constant 16 : index
        %swap3A_700 = tpu.vector_load %arg18[%swap3A_699] {strides = array<i32>} : memref<80xf32, #tpu.memory_space<vmem>>, vector<16xf32>,
        tpu.vector_store %arg18[%swap3A_699], %neg3A_698 {strides = array<i32>} : memref<80xf32, #tpu.memory_space<vmem>>, vector<16xf32>,
        %add3A_701 = vector.broadcast %mul3A_286 : i32 to vector<16xi32>
        %add3A_702 = arith.addi %get3A_685, %add3A_701 : vector<16xi32>
        %swap3A_703 = arith.constant 16 : index
        %swap3A_704 = tpu.vector_load %arg16[%swap3A_703] {strides = array<i32>} : memref<80xi32, #tpu.memory_space<vmem>>, vector<16xi32>,
        tpu.vector_store %arg16[%swap3A_703], %add3A_702 {strides = array<i32>} : memref<80xi32, #tpu.memory_space<vmem>>, vector<16xi32>,
        %get3A_705 = arith.index_cast %add3A_660 : i32 to index
        %get3A_706 = arith.constant 32 : index
        %get3A_707 = tpu.vector_load %arg8[%get3A_705, %get3A_706] {strides = array<i32>} : memref<25x80xi32, #tpu.memory_space<vmem>>, vector<16xi32>,
        %get3A_708 = arith.index_cast %add3A_660 : i32 to index
        %get3A_709 = arith.constant 32 : index
        %get3A_710 = tpu.vector_load %arg9[%get3A_708, %get3A_709] {strides = array<i32>} : memref<25x80xi32, #tpu.memory_space<vmem>>, vector<16xi32>,
        %get3A_711 = arith.index_cast %add3A_660 : i32 to index
        %get3A_712 = arith.constant 32 : index
        %get3A_713 = tpu.vector_load %arg10[%get3A_711, %get3A_712] {strides = array<i32>} : memref<25x80xf32, #tpu.memory_space<vmem>>, vector<16xf32>,
        %gather3A_714 = tpu.vector_load_idx %arg11[%get3A_707] : memref<10240xf32, #tpu.memory_space<vmem>>[vector<16xi32>], vector<16xf32>,
        %gather3A_715 = tpu.vector_load_idx %arg11[%get3A_710] : memref<10240xf32, #tpu.memory_space<vmem>>[vector<16xi32>], vector<16xf32>,
        %mul3A_716 = arith.mulf %gather3A_714, %get3A_713 : vector<16xf32>
        %mul3A_717 = arith.mulf %mul3A_716, %gather3A_715 : vector<16xf32>
        %neg3A_718 = arith.constant 0.000000e+00 : f32
        %neg3A_719 = vector.broadcast %neg3A_718 : f32 to vector<16xf32>
        %neg3A_720 = arith.subf %neg3A_719, %mul3A_717 : vector<16xf32>
        %swap3A_721 = arith.constant 32 : index
        %swap3A_722 = tpu.vector_load %arg18[%swap3A_721] {strides = array<i32>} : memref<80xf32, #tpu.memory_space<vmem>>, vector<16xf32>,
        tpu.vector_store %arg18[%swap3A_721], %neg3A_720 {strides = array<i32>} : memref<80xf32, #tpu.memory_space<vmem>>, vector<16xf32>,
        %add3A_723 = vector.broadcast %mul3A_286 : i32 to vector<16xi32>
        %add3A_724 = arith.addi %get3A_707, %add3A_723 : vector<16xi32>
        %swap3A_725 = arith.constant 32 : index
        %swap3A_726 = tpu.vector_load %arg16[%swap3A_725] {strides = array<i32>} : memref<80xi32, #tpu.memory_space<vmem>>, vector<16xi32>,
        tpu.vector_store %arg16[%swap3A_725], %add3A_724 {strides = array<i32>} : memref<80xi32, #tpu.memory_space<vmem>>, vector<16xi32>,
        %get3A_727 = arith.index_cast %add3A_660 : i32 to index
        %get3A_728 = arith.constant 48 : index
        %get3A_729 = tpu.vector_load %arg8[%get3A_727, %get3A_728] {strides = array<i32>} : memref<25x80xi32, #tpu.memory_space<vmem>>, vector<16xi32>,
        %get3A_730 = arith.index_cast %add3A_660 : i32 to index
        %get3A_731 = arith.constant 48 : index
        %get3A_732 = tpu.vector_load %arg9[%get3A_730, %get3A_731] {strides = array<i32>} : memref<25x80xi32, #tpu.memory_space<vmem>>, vector<16xi32>,
        %get3A_733 = arith.index_cast %add3A_660 : i32 to index
        %get3A_734 = arith.constant 48 : index
        %get3A_735 = tpu.vector_load %arg10[%get3A_733, %get3A_734] {strides = array<i32>} : memref<25x80xf32, #tpu.memory_space<vmem>>, vector<16xf32>,
        %gather3A_736 = tpu.vector_load_idx %arg11[%get3A_729] : memref<10240xf32, #tpu.memory_space<vmem>>[vector<16xi32>], vector<16xf32>,
        %gather3A_737 = tpu.vector_load_idx %arg11[%get3A_732] : memref<10240xf32, #tpu.memory_space<vmem>>[vector<16xi32>], vector<16xf32>,
        %mul3A_738 = arith.mulf %gather3A_736, %get3A_735 : vector<16xf32>
        %mul3A_739 = arith.mulf %mul3A_738, %gather3A_737 : vector<16xf32>
        %neg3A_740 = arith.constant 0.000000e+00 : f32
        %neg3A_741 = vector.broadcast %neg3A_740 : f32 to vector<16xf32>
        %neg3A_742 = arith.subf %neg3A_741, %mul3A_739 : vector<16xf32>
        %swap3A_743 = arith.constant 48 : index
        %swap3A_744 = tpu.vector_load %arg18[%swap3A_743] {strides = array<i32>} : memref<80xf32, #tpu.memory_space<vmem>>, vector<16xf32>,
        tpu.vector_store %arg18[%swap3A_743], %neg3A_742 {strides = array<i32>} : memref<80xf32, #tpu.memory_space<vmem>>, vector<16xf32>,
        %add3A_745 = vector.broadcast %mul3A_286 : i32 to vector<16xi32>
        %add3A_746 = arith.addi %get3A_729, %add3A_745 : vector<16xi32>
        %swap3A_747 = arith.constant 48 : index
        %swap3A_748 = tpu.vector_load %arg16[%swap3A_747] {strides = array<i32>} : memref<80xi32, #tpu.memory_space<vmem>>, vector<16xi32>,
        tpu.vector_store %arg16[%swap3A_747], %add3A_746 {strides = array<i32>} : memref<80xi32, #tpu.memory_space<vmem>>, vector<16xi32>,
        %get3A_749 = arith.index_cast %add3A_660 : i32 to index
        %get3A_750 = arith.constant 64 : index
        %get3A_751 = tpu.vector_load %arg8[%get3A_749, %get3A_750] {strides = array<i32>} : memref<25x80xi32, #tpu.memory_space<vmem>>, vector<16xi32>,
        %get3A_752 = arith.index_cast %add3A_660 : i32 to index
        %get3A_753 = arith.constant 64 : index
        %get3A_754 = tpu.vector_load %arg9[%get3A_752, %get3A_753] {strides = array<i32>} : memref<25x80xi32, #tpu.memory_space<vmem>>, vector<16xi32>,
        %get3A_755 = arith.index_cast %add3A_660 : i32 to index
        %get3A_756 = arith.constant 64 : index
        %get3A_757 = tpu.vector_load %arg10[%get3A_755, %get3A_756] {strides = array<i32>} : memref<25x80xf32, #tpu.memory_space<vmem>>, vector<16xf32>,
        %gather3A_758 = tpu.vector_load_idx %arg11[%get3A_751] : memref<10240xf32, #tpu.memory_space<vmem>>[vector<16xi32>], vector<16xf32>,
        %gather3A_759 = tpu.vector_load_idx %arg11[%get3A_754] : memref<10240xf32, #tpu.memory_space<vmem>>[vector<16xi32>], vector<16xf32>,
        %mul3A_760 = arith.mulf %gather3A_758, %get3A_757 : vector<16xf32>
        %mul3A_761 = arith.mulf %mul3A_760, %gather3A_759 : vector<16xf32>
        %neg3A_762 = arith.constant 0.000000e+00 : f32
        %neg3A_763 = vector.broadcast %neg3A_762 : f32 to vector<16xf32>
        %neg3A_764 = arith.subf %neg3A_763, %mul3A_761 : vector<16xf32>
        %swap3A_765 = arith.constant 64 : index
        %swap3A_766 = tpu.vector_load %arg18[%swap3A_765] {strides = array<i32>} : memref<80xf32, #tpu.memory_space<vmem>>, vector<16xf32>,
        tpu.vector_store %arg18[%swap3A_765], %neg3A_764 {strides = array<i32>} : memref<80xf32, #tpu.memory_space<vmem>>, vector<16xf32>,
        %add3A_767 = vector.broadcast %mul3A_286 : i32 to vector<16xi32>
        %add3A_768 = arith.addi %get3A_751, %add3A_767 : vector<16xi32>
        %swap3A_769 = arith.constant 64 : index
        %swap3A_770 = tpu.vector_load %arg16[%swap3A_769] {strides = array<i32>} : memref<80xi32, #tpu.memory_space<vmem>>, vector<16xi32>,
        tpu.vector_store %arg16[%swap3A_769], %add3A_768 {strides = array<i32>} : memref<80xi32, #tpu.memory_space<vmem>>, vector<16xi32>,
        %dma_wait3A_771 = arith.constant 0 : i32
        %dma_wait3A_772 = arith.constant 0 : i32
        %dma_wait3A_773 = tpu.memref_slice %arg2[%dma_wait3A_771, %dma_wait3A_772] : memref<20000x128xf32, #tpu.memory_space<hbm>> -> memref<80x128xf32, #tpu.memory_space<hbm>>
        %dma_wait3A_774 = arith.constant 0 : i32
        %dma_wait3A_775 = arith.constant 0 : i32
        %dma_wait3A_776 = tpu.memref_slice %arg2[%dma_wait3A_774, %dma_wait3A_775] : memref<20000x128xf32, #tpu.memory_space<hbm>> -> memref<80x128xf32, #tpu.memory_space<hbm>>
        tpu.wait_dma2 semaphore(%arg24 : memref<!tpu.dma_semaphore, #tpu.memory_space<semaphore_mem>>) src(%dma_wait3A_776 : memref<80x128xf32, #tpu.memory_space<hbm>>) dst(%arg13 : memref<80x128xf32, #tpu.memory_space<vmem>>)
        %dma_start3A_777 = arith.constant 0 : i32
        %dma_start3A_778 = arith.constant 0 : i32
        %dma_start3A_779 = tpu.memref_slice %arg2[%dma_start3A_777, %dma_start3A_778] : memref<20000x128xf32, #tpu.memory_space<hbm>> -> memref<20000x128xf32, #tpu.memory_space<hbm>>
        tpu.enqueue_indirect_dma source(%dma_start3A_779 : memref<20000x128xf32, #tpu.memory_space<hbm>>) target(%arg13 : memref<80x128xf32, #tpu.memory_space<vmem>>) offsets(%arg16 : memref<80xi32, #tpu.memory_space<vmem>>) semaphore(%arg22 : memref<!tpu.dma_semaphore, #tpu.memory_space<semaphore_mem>>)
        %dma_wait3A_780 = arith.constant 0 : i32
        %dma_wait3A_781 = arith.constant 0 : i32
        %dma_wait3A_782 = tpu.memref_slice %arg2[%dma_wait3A_780, %dma_wait3A_781] : memref<20000x128xf32, #tpu.memory_space<hbm>> -> memref<80x128xf32, #tpu.memory_space<hbm>>
        %dma_wait3A_783 = arith.constant 0 : i32
        %dma_wait3A_784 = arith.constant 0 : i32
        %dma_wait3A_785 = tpu.memref_slice %arg2[%dma_wait3A_783, %dma_wait3A_784] : memref<20000x128xf32, #tpu.memory_space<hbm>> -> memref<80x128xf32, #tpu.memory_space<hbm>>
        tpu.wait_dma2 semaphore(%arg23 : memref<!tpu.dma_semaphore, #tpu.memory_space<semaphore_mem>>) src(%dma_wait3A_785 : memref<80x128xf32, #tpu.memory_space<hbm>>) dst(%arg13 : memref<80x128xf32, #tpu.memory_space<vmem>>)
        %parallel_loop3A_786 = arith.constant 0 : i32
        %parallel_loop3A_787 = arith.constant 80 : i32
        %parallel_loop3A_788 = arith.constant 1 : i32
        scf.for %parallel_loop3A_800 = %parallel_loop3A_786 to %parallel_loop3A_787 step %parallel_loop3A_788  : i32 {
          %parallel_loop3A_801 = vector.broadcast %parallel_loop3A_800 : i32 to vector<16xi32>
          %parallel_loop3A_802 = tpu.vector_load_idx %arg19[%parallel_loop3A_801] : memref<80xf32, #tpu.memory_space<vmem>>[vector<16xi32>], vector<16xf32>,
          %parallel_loop3A_803 = arith.index_cast %parallel_loop3A_800 : i32 to index
          %parallel_loop3A_804 = arith.constant 0 : index
          %parallel_loop3A_805 = tpu.vector_load %arg14[%parallel_loop3A_803, %parallel_loop3A_804] {strides = array<i32>} : memref<80x128xf32, #tpu.memory_space<vmem>>, vector<16xf32>,
          %parallel_loop3A_806 = arith.mulf %parallel_loop3A_805, %parallel_loop3A_802 : vector<16xf32>
          %parallel_loop3A_807 = arith.index_cast %parallel_loop3A_800 : i32 to index
          %parallel_loop3A_808 = arith.constant 0 : index
          %parallel_loop3A_809 = tpu.vector_load %arg14[%parallel_loop3A_807, %parallel_loop3A_808] {strides = array<i32>} : memref<80x128xf32, #tpu.memory_space<vmem>>, vector<16xf32>,
          tpu.vector_store %arg14[%parallel_loop3A_807, %parallel_loop3A_808], %parallel_loop3A_806 {strides = array<i32>} : memref<80x128xf32, #tpu.memory_space<vmem>>, vector<16xf32>,
          %parallel_loop3A_810 = arith.index_cast %parallel_loop3A_800 : i32 to index
          %parallel_loop3A_811 = arith.constant 16 : index
          %parallel_loop3A_812 = tpu.vector_load %arg14[%parallel_loop3A_810, %parallel_loop3A_811] {strides = array<i32>} : memref<80x128xf32, #tpu.memory_space<vmem>>, vector<16xf32>,
          %parallel_loop3A_813 = arith.mulf %parallel_loop3A_812, %parallel_loop3A_802 : vector<16xf32>
          %parallel_loop3A_814 = arith.index_cast %parallel_loop3A_800 : i32 to index
          %parallel_loop3A_815 = arith.constant 16 : index
          %parallel_loop3A_816 = tpu.vector_load %arg14[%parallel_loop3A_814, %parallel_loop3A_815] {strides = array<i32>} : memref<80x128xf32, #tpu.memory_space<vmem>>, vector<16xf32>,
          tpu.vector_store %arg14[%parallel_loop3A_814, %parallel_loop3A_815], %parallel_loop3A_813 {strides = array<i32>} : memref<80x128xf32, #tpu.memory_space<vmem>>, vector<16xf32>,
          %parallel_loop3A_817 = arith.index_cast %parallel_loop3A_800 : i32 to index
          %parallel_loop3A_818 = arith.constant 32 : index
          %parallel_loop3A_819 = tpu.vector_load %arg14[%parallel_loop3A_817, %parallel_loop3A_818] {strides = array<i32>} : memref<80x128xf32, #tpu.memory_space<vmem>>, vector<16xf32>,
          %parallel_loop3A_820 = arith.mulf %parallel_loop3A_819, %parallel_loop3A_802 : vector<16xf32>
          %parallel_loop3A_821 = arith.index_cast %parallel_loop3A_800 : i32 to index
          %parallel_loop3A_822 = arith.constant 32 : index
          %parallel_loop3A_823 = tpu.vector_load %arg14[%parallel_loop3A_821, %parallel_loop3A_822] {strides = array<i32>} : memref<80x128xf32, #tpu.memory_space<vmem>>, vector<16xf32>,
          tpu.vector_store %arg14[%parallel_loop3A_821, %parallel_loop3A_822], %parallel_loop3A_820 {strides = array<i32>} : memref<80x128xf32, #tpu.memory_space<vmem>>, vector<16xf32>,
          %parallel_loop3A_824 = arith.index_cast %parallel_loop3A_800 : i32 to index
          %parallel_loop3A_825 = arith.constant 48 : index
          %parallel_loop3A_826 = tpu.vector_load %arg14[%parallel_loop3A_824, %parallel_loop3A_825] {strides = array<i32>} : memref<80x128xf32, #tpu.memory_space<vmem>>, vector<16xf32>,
          %parallel_loop3A_827 = arith.mulf %parallel_loop3A_826, %parallel_loop3A_802 : vector<16xf32>
          %parallel_loop3A_828 = arith.index_cast %parallel_loop3A_800 : i32 to index
          %parallel_loop3A_829 = arith.constant 48 : index
          %parallel_loop3A_830 = tpu.vector_load %arg14[%parallel_loop3A_828, %parallel_loop3A_829] {strides = array<i32>} : memref<80x128xf32, #tpu.memory_space<vmem>>, vector<16xf32>,
          tpu.vector_store %arg14[%parallel_loop3A_828, %parallel_loop3A_829], %parallel_loop3A_827 {strides = array<i32>} : memref<80x128xf32, #tpu.memory_space<vmem>>, vector<16xf32>,
          %parallel_loop3A_831 = arith.index_cast %parallel_loop3A_800 : i32 to index
          %parallel_loop3A_832 = arith.constant 64 : index
          %parallel_loop3A_833 = tpu.vector_load %arg14[%parallel_loop3A_831, %parallel_loop3A_832] {strides = array<i32>} : memref<80x128xf32, #tpu.memory_space<vmem>>, vector<16xf32>,
          %parallel_loop3A_834 = arith.mulf %parallel_loop3A_833, %parallel_loop3A_802 : vector<16xf32>
          %parallel_loop3A_835 = arith.index_cast %parallel_loop3A_800 : i32 to index
          %parallel_loop3A_836 = arith.constant 64 : index
          %parallel_loop3A_837 = tpu.vector_load %arg14[%parallel_loop3A_835, %parallel_loop3A_836] {strides = array<i32>} : memref<80x128xf32, #tpu.memory_space<vmem>>, vector<16xf32>,
          tpu.vector_store %arg14[%parallel_loop3A_835, %parallel_loop3A_836], %parallel_loop3A_834 {strides = array<i32>} : memref<80x128xf32, #tpu.memory_space<vmem>>, vector<16xf32>,
          %parallel_loop3A_838 = arith.index_cast %parallel_loop3A_800 : i32 to index
          %parallel_loop3A_839 = arith.constant 80 : index
          %parallel_loop3A_840 = tpu.vector_load %arg14[%parallel_loop3A_838, %parallel_loop3A_839] {strides = array<i32>} : memref<80x128xf32, #tpu.memory_space<vmem>>, vector<16xf32>,
          %parallel_loop3A_841 = arith.mulf %parallel_loop3A_840, %parallel_loop3A_802 : vector<16xf32>
          %parallel_loop3A_842 = arith.index_cast %parallel_loop3A_800 : i32 to index
          %parallel_loop3A_843 = arith.constant 80 : index
          %parallel_loop3A_844 = tpu.vector_load %arg14[%parallel_loop3A_842, %parallel_loop3A_843] {strides = array<i32>} : memref<80x128xf32, #tpu.memory_space<vmem>>, vector<16xf32>,
          tpu.vector_store %arg14[%parallel_loop3A_842, %parallel_loop3A_843], %parallel_loop3A_841 {strides = array<i32>} : memref<80x128xf32, #tpu.memory_space<vmem>>, vector<16xf32>,
          %parallel_loop3A_845 = arith.index_cast %parallel_loop3A_800 : i32 to index
          %parallel_loop3A_846 = arith.constant 96 : index
          %parallel_loop3A_847 = tpu.vector_load %arg14[%parallel_loop3A_845, %parallel_loop3A_846] {strides = array<i32>} : memref<80x128xf32, #tpu.memory_space<vmem>>, vector<16xf32>,
          %parallel_loop3A_848 = arith.mulf %parallel_loop3A_847, %parallel_loop3A_802 : vector<16xf32>
          %parallel_loop3A_849 = arith.index_cast %parallel_loop3A_800 : i32 to index
          %parallel_loop3A_850 = arith.constant 96 : index
          %parallel_loop3A_851 = tpu.vector_load %arg14[%parallel_loop3A_849, %parallel_loop3A_850] {strides = array<i32>} : memref<80x128xf32, #tpu.memory_space<vmem>>, vector<16xf32>,
          tpu.vector_store %arg14[%parallel_loop3A_849, %parallel_loop3A_850], %parallel_loop3A_848 {strides = array<i32>} : memref<80x128xf32, #tpu.memory_space<vmem>>, vector<16xf32>,
          %parallel_loop3A_852 = arith.index_cast %parallel_loop3A_800 : i32 to index
          %parallel_loop3A_853 = arith.constant 112 : index
          %parallel_loop3A_854 = tpu.vector_load %arg14[%parallel_loop3A_852, %parallel_loop3A_853] {strides = array<i32>} : memref<80x128xf32, #tpu.memory_space<vmem>>, vector<16xf32>,
          %parallel_loop3A_855 = arith.mulf %parallel_loop3A_854, %parallel_loop3A_802 : vector<16xf32>
          %parallel_loop3A_856 = arith.index_cast %parallel_loop3A_800 : i32 to index
          %parallel_loop3A_857 = arith.constant 112 : index
          %parallel_loop3A_858 = tpu.vector_load %arg14[%parallel_loop3A_856, %parallel_loop3A_857] {strides = array<i32>} : memref<80x128xf32, #tpu.memory_space<vmem>>, vector<16xf32>,
          tpu.vector_store %arg14[%parallel_loop3A_856, %parallel_loop3A_857], %parallel_loop3A_855 {strides = array<i32>} : memref<80x128xf32, #tpu.memory_space<vmem>>, vector<16xf32>,
        } {sc.loop_unroll_factor = 4 : i64, sc.parallel_access}
        %add3A_789 = arith.constant 1 : i32
        %add3A_790 = arith.addi %mul3A_643, %add3A_789 : i32
        %dma_start3A_791 = arith.constant 0 : i32
        %dma_start3A_792 = tpu.memref_slice %arg9[%add3A_790, %dma_start3A_791] : memref<25x80xi32, #tpu.memory_space<vmem>> -> memref<1x80xi32, #tpu.memory_space<vmem>>
        %dma_start3A_793 = tpu.memref_squeeze %dma_start3A_792 : memref<1x80xi32, #tpu.memory_space<vmem>> -> memref<80xi32, #tpu.memory_space<vmem>>
        %dma_start3A_794 = arith.constant 0 : i32
        %dma_start3A_795 = arith.constant 0 : i32
        %dma_start3A_796 = tpu.memref_slice %arg20[%dma_start3A_794, %dma_start3A_795] : memref<10240x128xf32, #tpu.memory_space<vmem_shared>> -> memref<10240x128xf32, #tpu.memory_space<vmem_shared>>
        tpu.enqueue_indirect_dma source(%arg14 : memref<80x128xf32, #tpu.memory_space<vmem>>) target(%dma_start3A_796 : memref<10240x128xf32, #tpu.memory_space<vmem_shared>>) offsets(%dma_start3A_793 : memref<80xi32, #tpu.memory_space<vmem>>) semaphore(%arg24 : memref<!tpu.dma_semaphore, #tpu.memory_space<semaphore_mem>>) {add = true}
        %lt3A = arith.constant 11 : i32
        %lt3A_797 = arith.cmpi slt, %scan3A_640, %lt3A : i32
        %convert_element_type3A = arith.extui %lt3A_797 : i1 to i32
        %cond3A = arith.constant 0 : i32
        %cond3A_798 = arith.cmpi ne, %convert_element_type3A, %cond3A : i32
        scf.if %cond3A_798 {
          %add3A_800 = arith.constant 3 : i32
          %add3A_801 = arith.addi %mul3A_643, %add3A_800 : i32
          %get3A_802 = arith.index_cast %add3A_801 : i32 to index
          %get3A_803 = arith.constant 0 : index
          %get3A_804 = tpu.vector_load %arg8[%get3A_802, %get3A_803] {strides = array<i32>} : memref<25x80xi32, #tpu.memory_space<vmem>>, vector<16xi32>,
          %get3A_805 = arith.index_cast %add3A_801 : i32 to index
          %get3A_806 = arith.constant 0 : index
          %get3A_807 = tpu.vector_load %arg9[%get3A_805, %get3A_806] {strides = array<i32>} : memref<25x80xi32, #tpu.memory_space<vmem>>, vector<16xi32>,
          %get3A_808 = arith.index_cast %add3A_801 : i32 to index
          %get3A_809 = arith.constant 0 : index
          %get3A_810 = tpu.vector_load %arg10[%get3A_808, %get3A_809] {strides = array<i32>} : memref<25x80xf32, #tpu.memory_space<vmem>>, vector<16xf32>,
          %gather3A_811 = tpu.vector_load_idx %arg11[%get3A_804] : memref<10240xf32, #tpu.memory_space<vmem>>[vector<16xi32>], vector<16xf32>,
          %gather3A_812 = tpu.vector_load_idx %arg11[%get3A_807] : memref<10240xf32, #tpu.memory_space<vmem>>[vector<16xi32>], vector<16xf32>,
          %mul3A_813 = arith.mulf %gather3A_811, %get3A_810 : vector<16xf32>
          %mul3A_814 = arith.mulf %mul3A_813, %gather3A_812 : vector<16xf32>
          %neg3A_815 = arith.constant 0.000000e+00 : f32
          %neg3A_816 = vector.broadcast %neg3A_815 : f32 to vector<16xf32>
          %neg3A_817 = arith.subf %neg3A_816, %mul3A_814 : vector<16xf32>
          %swap3A_818 = arith.constant 0 : index
          %swap3A_819 = tpu.vector_load %arg19[%swap3A_818] {strides = array<i32>} : memref<80xf32, #tpu.memory_space<vmem>>, vector<16xf32>,
          tpu.vector_store %arg19[%swap3A_818], %neg3A_817 {strides = array<i32>} : memref<80xf32, #tpu.memory_space<vmem>>, vector<16xf32>,
          %add3A_820 = vector.broadcast %mul3A_286 : i32 to vector<16xi32>
          %add3A_821 = arith.addi %get3A_804, %add3A_820 : vector<16xi32>
          %swap3A_822 = arith.constant 0 : index
          %swap3A_823 = tpu.vector_load %arg17[%swap3A_822] {strides = array<i32>} : memref<80xi32, #tpu.memory_space<vmem>>, vector<16xi32>,
          tpu.vector_store %arg17[%swap3A_822], %add3A_821 {strides = array<i32>} : memref<80xi32, #tpu.memory_space<vmem>>, vector<16xi32>,
          %get3A_824 = arith.index_cast %add3A_801 : i32 to index
          %get3A_825 = arith.constant 16 : index
          %get3A_826 = tpu.vector_load %arg8[%get3A_824, %get3A_825] {strides = array<i32>} : memref<25x80xi32, #tpu.memory_space<vmem>>, vector<16xi32>,
          %get3A_827 = arith.index_cast %add3A_801 : i32 to index
          %get3A_828 = arith.constant 16 : index
          %get3A_829 = tpu.vector_load %arg9[%get3A_827, %get3A_828] {strides = array<i32>} : memref<25x80xi32, #tpu.memory_space<vmem>>, vector<16xi32>,
          %get3A_830 = arith.index_cast %add3A_801 : i32 to index
          %get3A_831 = arith.constant 16 : index
          %get3A_832 = tpu.vector_load %arg10[%get3A_830, %get3A_831] {strides = array<i32>} : memref<25x80xf32, #tpu.memory_space<vmem>>, vector<16xf32>,
          %gather3A_833 = tpu.vector_load_idx %arg11[%get3A_826] : memref<10240xf32, #tpu.memory_space<vmem>>[vector<16xi32>], vector<16xf32>,
          %gather3A_834 = tpu.vector_load_idx %arg11[%get3A_829] : memref<10240xf32, #tpu.memory_space<vmem>>[vector<16xi32>], vector<16xf32>,
          %mul3A_835 = arith.mulf %gather3A_833, %get3A_832 : vector<16xf32>
          %mul3A_836 = arith.mulf %mul3A_835, %gather3A_834 : vector<16xf32>
          %neg3A_837 = arith.constant 0.000000e+00 : f32
          %neg3A_838 = vector.broadcast %neg3A_837 : f32 to vector<16xf32>
          %neg3A_839 = arith.subf %neg3A_838, %mul3A_836 : vector<16xf32>
          %swap3A_840 = arith.constant 16 : index
          %swap3A_841 = tpu.vector_load %arg19[%swap3A_840] {strides = array<i32>} : memref<80xf32, #tpu.memory_space<vmem>>, vector<16xf32>,
          tpu.vector_store %arg19[%swap3A_840], %neg3A_839 {strides = array<i32>} : memref<80xf32, #tpu.memory_space<vmem>>, vector<16xf32>,
          %add3A_842 = vector.broadcast %mul3A_286 : i32 to vector<16xi32>
          %add3A_843 = arith.addi %get3A_826, %add3A_842 : vector<16xi32>
          %swap3A_844 = arith.constant 16 : index
          %swap3A_845 = tpu.vector_load %arg17[%swap3A_844] {strides = array<i32>} : memref<80xi32, #tpu.memory_space<vmem>>, vector<16xi32>,
          tpu.vector_store %arg17[%swap3A_844], %add3A_843 {strides = array<i32>} : memref<80xi32, #tpu.memory_space<vmem>>, vector<16xi32>,
          %get3A_846 = arith.index_cast %add3A_801 : i32 to index
          %get3A_847 = arith.constant 32 : index
          %get3A_848 = tpu.vector_load %arg8[%get3A_846, %get3A_847] {strides = array<i32>} : memref<25x80xi32, #tpu.memory_space<vmem>>, vector<16xi32>,
          %get3A_849 = arith.index_cast %add3A_801 : i32 to index
          %get3A_850 = arith.constant 32 : index
          %get3A_851 = tpu.vector_load %arg9[%get3A_849, %get3A_850] {strides = array<i32>} : memref<25x80xi32, #tpu.memory_space<vmem>>, vector<16xi32>,
          %get3A_852 = arith.index_cast %add3A_801 : i32 to index
          %get3A_853 = arith.constant 32 : index
          %get3A_854 = tpu.vector_load %arg10[%get3A_852, %get3A_853] {strides = array<i32>} : memref<25x80xf32, #tpu.memory_space<vmem>>, vector<16xf32>,
          %gather3A_855 = tpu.vector_load_idx %arg11[%get3A_848] : memref<10240xf32, #tpu.memory_space<vmem>>[vector<16xi32>], vector<16xf32>,
          %gather3A_856 = tpu.vector_load_idx %arg11[%get3A_851] : memref<10240xf32, #tpu.memory_space<vmem>>[vector<16xi32>], vector<16xf32>,
          %mul3A_857 = arith.mulf %gather3A_855, %get3A_854 : vector<16xf32>
          %mul3A_858 = arith.mulf %mul3A_857, %gather3A_856 : vector<16xf32>
          %neg3A_859 = arith.constant 0.000000e+00 : f32
          %neg3A_860 = vector.broadcast %neg3A_859 : f32 to vector<16xf32>
          %neg3A_861 = arith.subf %neg3A_860, %mul3A_858 : vector<16xf32>
          %swap3A_862 = arith.constant 32 : index
          %swap3A_863 = tpu.vector_load %arg19[%swap3A_862] {strides = array<i32>} : memref<80xf32, #tpu.memory_space<vmem>>, vector<16xf32>,
          tpu.vector_store %arg19[%swap3A_862], %neg3A_861 {strides = array<i32>} : memref<80xf32, #tpu.memory_space<vmem>>, vector<16xf32>,
          %add3A_864 = vector.broadcast %mul3A_286 : i32 to vector<16xi32>
          %add3A_865 = arith.addi %get3A_848, %add3A_864 : vector<16xi32>
          %swap3A_866 = arith.constant 32 : index
          %swap3A_867 = tpu.vector_load %arg17[%swap3A_866] {strides = array<i32>} : memref<80xi32, #tpu.memory_space<vmem>>, vector<16xi32>,
          tpu.vector_store %arg17[%swap3A_866], %add3A_865 {strides = array<i32>} : memref<80xi32, #tpu.memory_space<vmem>>, vector<16xi32>,
          %get3A_868 = arith.index_cast %add3A_801 : i32 to index
          %get3A_869 = arith.constant 48 : index
          %get3A_870 = tpu.vector_load %arg8[%get3A_868, %get3A_869] {strides = array<i32>} : memref<25x80xi32, #tpu.memory_space<vmem>>, vector<16xi32>,
          %get3A_871 = arith.index_cast %add3A_801 : i32 to index
          %get3A_872 = arith.constant 48 : index
          %get3A_873 = tpu.vector_load %arg9[%get3A_871, %get3A_872] {strides = array<i32>} : memref<25x80xi32, #tpu.memory_space<vmem>>, vector<16xi32>,
          %get3A_874 = arith.index_cast %add3A_801 : i32 to index
          %get3A_875 = arith.constant 48 : index
          %get3A_876 = tpu.vector_load %arg10[%get3A_874, %get3A_875] {strides = array<i32>} : memref<25x80xf32, #tpu.memory_space<vmem>>, vector<16xf32>,
          %gather3A_877 = tpu.vector_load_idx %arg11[%get3A_870] : memref<10240xf32, #tpu.memory_space<vmem>>[vector<16xi32>], vector<16xf32>,
          %gather3A_878 = tpu.vector_load_idx %arg11[%get3A_873] : memref<10240xf32, #tpu.memory_space<vmem>>[vector<16xi32>], vector<16xf32>,
          %mul3A_879 = arith.mulf %gather3A_877, %get3A_876 : vector<16xf32>
          %mul3A_880 = arith.mulf %mul3A_879, %gather3A_878 : vector<16xf32>
          %neg3A_881 = arith.constant 0.000000e+00 : f32
          %neg3A_882 = vector.broadcast %neg3A_881 : f32 to vector<16xf32>
          %neg3A_883 = arith.subf %neg3A_882, %mul3A_880 : vector<16xf32>
          %swap3A_884 = arith.constant 48 : index
          %swap3A_885 = tpu.vector_load %arg19[%swap3A_884] {strides = array<i32>} : memref<80xf32, #tpu.memory_space<vmem>>, vector<16xf32>,
          tpu.vector_store %arg19[%swap3A_884], %neg3A_883 {strides = array<i32>} : memref<80xf32, #tpu.memory_space<vmem>>, vector<16xf32>,
          %add3A_886 = vector.broadcast %mul3A_286 : i32 to vector<16xi32>
          %add3A_887 = arith.addi %get3A_870, %add3A_886 : vector<16xi32>
          %swap3A_888 = arith.constant 48 : index
          %swap3A_889 = tpu.vector_load %arg17[%swap3A_888] {strides = array<i32>} : memref<80xi32, #tpu.memory_space<vmem>>, vector<16xi32>,
          tpu.vector_store %arg17[%swap3A_888], %add3A_887 {strides = array<i32>} : memref<80xi32, #tpu.memory_space<vmem>>, vector<16xi32>,
          %get3A_890 = arith.index_cast %add3A_801 : i32 to index
          %get3A_891 = arith.constant 64 : index
          %get3A_892 = tpu.vector_load %arg8[%get3A_890, %get3A_891] {strides = array<i32>} : memref<25x80xi32, #tpu.memory_space<vmem>>, vector<16xi32>,
          %get3A_893 = arith.index_cast %add3A_801 : i32 to index
          %get3A_894 = arith.constant 64 : index
          %get3A_895 = tpu.vector_load %arg9[%get3A_893, %get3A_894] {strides = array<i32>} : memref<25x80xi32, #tpu.memory_space<vmem>>, vector<16xi32>,
          %get3A_896 = arith.index_cast %add3A_801 : i32 to index
          %get3A_897 = arith.constant 64 : index
          %get3A_898 = tpu.vector_load %arg10[%get3A_896, %get3A_897] {strides = array<i32>} : memref<25x80xf32, #tpu.memory_space<vmem>>, vector<16xf32>,
          %gather3A_899 = tpu.vector_load_idx %arg11[%get3A_892] : memref<10240xf32, #tpu.memory_space<vmem>>[vector<16xi32>], vector<16xf32>,
          %gather3A_900 = tpu.vector_load_idx %arg11[%get3A_895] : memref<10240xf32, #tpu.memory_space<vmem>>[vector<16xi32>], vector<16xf32>,
          %mul3A_901 = arith.mulf %gather3A_899, %get3A_898 : vector<16xf32>
          %mul3A_902 = arith.mulf %mul3A_901, %gather3A_900 : vector<16xf32>
          %neg3A_903 = arith.constant 0.000000e+00 : f32
          %neg3A_904 = vector.broadcast %neg3A_903 : f32 to vector<16xf32>
          %neg3A_905 = arith.subf %neg3A_904, %mul3A_902 : vector<16xf32>
          %swap3A_906 = arith.constant 64 : index
          %swap3A_907 = tpu.vector_load %arg19[%swap3A_906] {strides = array<i32>} : memref<80xf32, #tpu.memory_space<vmem>>, vector<16xf32>,
          tpu.vector_store %arg19[%swap3A_906], %neg3A_905 {strides = array<i32>} : memref<80xf32, #tpu.memory_space<vmem>>, vector<16xf32>,
          %add3A_908 = vector.broadcast %mul3A_286 : i32 to vector<16xi32>
          %add3A_909 = arith.addi %get3A_892, %add3A_908 : vector<16xi32>
          %swap3A_910 = arith.constant 64 : index
          %swap3A_911 = tpu.vector_load %arg17[%swap3A_910] {strides = array<i32>} : memref<80xi32, #tpu.memory_space<vmem>>, vector<16xi32>,
          tpu.vector_store %arg17[%swap3A_910], %add3A_909 {strides = array<i32>} : memref<80xi32, #tpu.memory_space<vmem>>, vector<16xi32>,
          %dma_wait3A_912 = arith.constant 0 : i32
          %dma_wait3A_913 = arith.constant 0 : i32
          %dma_wait3A_914 = tpu.memref_slice %arg2[%dma_wait3A_912, %dma_wait3A_913] : memref<20000x128xf32, #tpu.memory_space<hbm>> -> memref<80x128xf32, #tpu.memory_space<hbm>>
          %dma_wait3A_915 = arith.constant 0 : i32
          %dma_wait3A_916 = arith.constant 0 : i32
          %dma_wait3A_917 = tpu.memref_slice %arg2[%dma_wait3A_915, %dma_wait3A_916] : memref<20000x128xf32, #tpu.memory_space<hbm>> -> memref<80x128xf32, #tpu.memory_space<hbm>>
          tpu.wait_dma2 semaphore(%arg24 : memref<!tpu.dma_semaphore, #tpu.memory_space<semaphore_mem>>) src(%dma_wait3A_917 : memref<80x128xf32, #tpu.memory_space<hbm>>) dst(%arg13 : memref<80x128xf32, #tpu.memory_space<vmem>>)
          %dma_start3A_918 = arith.constant 0 : i32
          %dma_start3A_919 = arith.constant 0 : i32
          %dma_start3A_920 = tpu.memref_slice %arg2[%dma_start3A_918, %dma_start3A_919] : memref<20000x128xf32, #tpu.memory_space<hbm>> -> memref<20000x128xf32, #tpu.memory_space<hbm>>
          tpu.enqueue_indirect_dma source(%dma_start3A_920 : memref<20000x128xf32, #tpu.memory_space<hbm>>) target(%arg14 : memref<80x128xf32, #tpu.memory_space<vmem>>) offsets(%arg17 : memref<80xi32, #tpu.memory_space<vmem>>) semaphore(%arg23 : memref<!tpu.dma_semaphore, #tpu.memory_space<semaphore_mem>>)
        } else {
        }
        %scan3A_799 = arith.constant 0 : i32
        scf.yield %scan3A_799 : i32
      }
      %scan3A_611 = arith.constant 12 : i32
      %dma_wait3A_612 = arith.constant 0 : i32
      %dma_wait3A_613 = arith.constant 0 : i32
      %dma_wait3A_614 = tpu.memref_slice %arg2[%dma_wait3A_612, %dma_wait3A_613] : memref<20000x128xf32, #tpu.memory_space<hbm>> -> memref<80x128xf32, #tpu.memory_space<hbm>>
      %dma_wait3A_615 = arith.constant 0 : i32
      %dma_wait3A_616 = arith.constant 0 : i32
      %dma_wait3A_617 = tpu.memref_slice %arg2[%dma_wait3A_615, %dma_wait3A_616] : memref<20000x128xf32, #tpu.memory_space<hbm>> -> memref<80x128xf32, #tpu.memory_space<hbm>>
      tpu.wait_dma2 semaphore(%arg22 : memref<!tpu.dma_semaphore, #tpu.memory_space<semaphore_mem>>) src(%dma_wait3A_617 : memref<80x128xf32, #tpu.memory_space<hbm>>) dst(%arg13 : memref<80x128xf32, #tpu.memory_space<vmem>>)
      %parallel_loop3A = arith.constant 0 : i32
      %parallel_loop3A_618 = arith.constant 80 : i32
      %parallel_loop3A_619 = arith.constant 1 : i32
      scf.for %parallel_loop3A_640 = %parallel_loop3A to %parallel_loop3A_618 step %parallel_loop3A_619  : i32 {
        %parallel_loop3A_641 = vector.broadcast %parallel_loop3A_640 : i32 to vector<16xi32>
        %parallel_loop3A_642 = tpu.vector_load_idx %arg18[%parallel_loop3A_641] : memref<80xf32, #tpu.memory_space<vmem>>[vector<16xi32>], vector<16xf32>,
        %parallel_loop3A_643 = arith.index_cast %parallel_loop3A_640 : i32 to index
        %parallel_loop3A_644 = arith.constant 0 : index
        %parallel_loop3A_645 = tpu.vector_load %arg13[%parallel_loop3A_643, %parallel_loop3A_644] {strides = array<i32>} : memref<80x128xf32, #tpu.memory_space<vmem>>, vector<16xf32>,
        %parallel_loop3A_646 = arith.mulf %parallel_loop3A_645, %parallel_loop3A_642 : vector<16xf32>
        %parallel_loop3A_647 = arith.index_cast %parallel_loop3A_640 : i32 to index
        %parallel_loop3A_648 = arith.constant 0 : index
        %parallel_loop3A_649 = tpu.vector_load %arg13[%parallel_loop3A_647, %parallel_loop3A_648] {strides = array<i32>} : memref<80x128xf32, #tpu.memory_space<vmem>>, vector<16xf32>,
        tpu.vector_store %arg13[%parallel_loop3A_647, %parallel_loop3A_648], %parallel_loop3A_646 {strides = array<i32>} : memref<80x128xf32, #tpu.memory_space<vmem>>, vector<16xf32>,
        %parallel_loop3A_650 = arith.index_cast %parallel_loop3A_640 : i32 to index
        %parallel_loop3A_651 = arith.constant 16 : index
        %parallel_loop3A_652 = tpu.vector_load %arg13[%parallel_loop3A_650, %parallel_loop3A_651] {strides = array<i32>} : memref<80x128xf32, #tpu.memory_space<vmem>>, vector<16xf32>,
        %parallel_loop3A_653 = arith.mulf %parallel_loop3A_652, %parallel_loop3A_642 : vector<16xf32>
        %parallel_loop3A_654 = arith.index_cast %parallel_loop3A_640 : i32 to index
        %parallel_loop3A_655 = arith.constant 16 : index
        %parallel_loop3A_656 = tpu.vector_load %arg13[%parallel_loop3A_654, %parallel_loop3A_655] {strides = array<i32>} : memref<80x128xf32, #tpu.memory_space<vmem>>, vector<16xf32>,
        tpu.vector_store %arg13[%parallel_loop3A_654, %parallel_loop3A_655], %parallel_loop3A_653 {strides = array<i32>} : memref<80x128xf32, #tpu.memory_space<vmem>>, vector<16xf32>,
        %parallel_loop3A_657 = arith.index_cast %parallel_loop3A_640 : i32 to index
        %parallel_loop3A_658 = arith.constant 32 : index
        %parallel_loop3A_659 = tpu.vector_load %arg13[%parallel_loop3A_657, %parallel_loop3A_658] {strides = array<i32>} : memref<80x128xf32, #tpu.memory_space<vmem>>, vector<16xf32>,
        %parallel_loop3A_660 = arith.mulf %parallel_loop3A_659, %parallel_loop3A_642 : vector<16xf32>
        %parallel_loop3A_661 = arith.index_cast %parallel_loop3A_640 : i32 to index
        %parallel_loop3A_662 = arith.constant 32 : index
        %parallel_loop3A_663 = tpu.vector_load %arg13[%parallel_loop3A_661, %parallel_loop3A_662] {strides = array<i32>} : memref<80x128xf32, #tpu.memory_space<vmem>>, vector<16xf32>,
        tpu.vector_store %arg13[%parallel_loop3A_661, %parallel_loop3A_662], %parallel_loop3A_660 {strides = array<i32>} : memref<80x128xf32, #tpu.memory_space<vmem>>, vector<16xf32>,
        %parallel_loop3A_664 = arith.index_cast %parallel_loop3A_640 : i32 to index
        %parallel_loop3A_665 = arith.constant 48 : index
        %parallel_loop3A_666 = tpu.vector_load %arg13[%parallel_loop3A_664, %parallel_loop3A_665] {strides = array<i32>} : memref<80x128xf32, #tpu.memory_space<vmem>>, vector<16xf32>,
        %parallel_loop3A_667 = arith.mulf %parallel_loop3A_666, %parallel_loop3A_642 : vector<16xf32>
        %parallel_loop3A_668 = arith.index_cast %parallel_loop3A_640 : i32 to index
        %parallel_loop3A_669 = arith.constant 48 : index
        %parallel_loop3A_670 = tpu.vector_load %arg13[%parallel_loop3A_668, %parallel_loop3A_669] {strides = array<i32>} : memref<80x128xf32, #tpu.memory_space<vmem>>, vector<16xf32>,
        tpu.vector_store %arg13[%parallel_loop3A_668, %parallel_loop3A_669], %parallel_loop3A_667 {strides = array<i32>} : memref<80x128xf32, #tpu.memory_space<vmem>>, vector<16xf32>,
        %parallel_loop3A_671 = arith.index_cast %parallel_loop3A_640 : i32 to index
        %parallel_loop3A_672 = arith.constant 64 : index
        %parallel_loop3A_673 = tpu.vector_load %arg13[%parallel_loop3A_671, %parallel_loop3A_672] {strides = array<i32>} : memref<80x128xf32, #tpu.memory_space<vmem>>, vector<16xf32>,
        %parallel_loop3A_674 = arith.mulf %parallel_loop3A_673, %parallel_loop3A_642 : vector<16xf32>
        %parallel_loop3A_675 = arith.index_cast %parallel_loop3A_640 : i32 to index
        %parallel_loop3A_676 = arith.constant 64 : index
        %parallel_loop3A_677 = tpu.vector_load %arg13[%parallel_loop3A_675, %parallel_loop3A_676] {strides = array<i32>} : memref<80x128xf32, #tpu.memory_space<vmem>>, vector<16xf32>,
        tpu.vector_store %arg13[%parallel_loop3A_675, %parallel_loop3A_676], %parallel_loop3A_674 {strides = array<i32>} : memref<80x128xf32, #tpu.memory_space<vmem>>, vector<16xf32>,
        %parallel_loop3A_678 = arith.index_cast %parallel_loop3A_640 : i32 to index
        %parallel_loop3A_679 = arith.constant 80 : index
        %parallel_loop3A_680 = tpu.vector_load %arg13[%parallel_loop3A_678, %parallel_loop3A_679] {strides = array<i32>} : memref<80x128xf32, #tpu.memory_space<vmem>>, vector<16xf32>,
        %parallel_loop3A_681 = arith.mulf %parallel_loop3A_680, %parallel_loop3A_642 : vector<16xf32>
        %parallel_loop3A_682 = arith.index_cast %parallel_loop3A_640 : i32 to index
        %parallel_loop3A_683 = arith.constant 80 : index
        %parallel_loop3A_684 = tpu.vector_load %arg13[%parallel_loop3A_682, %parallel_loop3A_683] {strides = array<i32>} : memref<80x128xf32, #tpu.memory_space<vmem>>, vector<16xf32>,
        tpu.vector_store %arg13[%parallel_loop3A_682, %parallel_loop3A_683], %parallel_loop3A_681 {strides = array<i32>} : memref<80x128xf32, #tpu.memory_space<vmem>>, vector<16xf32>,
        %parallel_loop3A_685 = arith.index_cast %parallel_loop3A_640 : i32 to index
        %parallel_loop3A_686 = arith.constant 96 : index
        %parallel_loop3A_687 = tpu.vector_load %arg13[%parallel_loop3A_685, %parallel_loop3A_686] {strides = array<i32>} : memref<80x128xf32, #tpu.memory_space<vmem>>, vector<16xf32>,
        %parallel_loop3A_688 = arith.mulf %parallel_loop3A_687, %parallel_loop3A_642 : vector<16xf32>
        %parallel_loop3A_689 = arith.index_cast %parallel_loop3A_640 : i32 to index
        %parallel_loop3A_690 = arith.constant 96 : index
        %parallel_loop3A_691 = tpu.vector_load %arg13[%parallel_loop3A_689, %parallel_loop3A_690] {strides = array<i32>} : memref<80x128xf32, #tpu.memory_space<vmem>>, vector<16xf32>,
        tpu.vector_store %arg13[%parallel_loop3A_689, %parallel_loop3A_690], %parallel_loop3A_688 {strides = array<i32>} : memref<80x128xf32, #tpu.memory_space<vmem>>, vector<16xf32>,
        %parallel_loop3A_692 = arith.index_cast %parallel_loop3A_640 : i32 to index
        %parallel_loop3A_693 = arith.constant 112 : index
        %parallel_loop3A_694 = tpu.vector_load %arg13[%parallel_loop3A_692, %parallel_loop3A_693] {strides = array<i32>} : memref<80x128xf32, #tpu.memory_space<vmem>>, vector<16xf32>,
        %parallel_loop3A_695 = arith.mulf %parallel_loop3A_694, %parallel_loop3A_642 : vector<16xf32>
        %parallel_loop3A_696 = arith.index_cast %parallel_loop3A_640 : i32 to index
        %parallel_loop3A_697 = arith.constant 112 : index
        %parallel_loop3A_698 = tpu.vector_load %arg13[%parallel_loop3A_696, %parallel_loop3A_697] {strides = array<i32>} : memref<80x128xf32, #tpu.memory_space<vmem>>, vector<16xf32>,
        tpu.vector_store %arg13[%parallel_loop3A_696, %parallel_loop3A_697], %parallel_loop3A_695 {strides = array<i32>} : memref<80x128xf32, #tpu.memory_space<vmem>>, vector<16xf32>,
      } {sc.loop_unroll_factor = 4 : i64, sc.parallel_access}
      %dma_start3A_620 = arith.constant 24 : i32
      %dma_start3A_621 = arith.constant 0 : i32
      %dma_start3A_622 = tpu.memref_slice %arg9[%dma_start3A_620, %dma_start3A_621] : memref<25x80xi32, #tpu.memory_space<vmem>> -> memref<1x80xi32, #tpu.memory_space<vmem>>
      %dma_start3A_623 = tpu.memref_squeeze %dma_start3A_622 : memref<1x80xi32, #tpu.memory_space<vmem>> -> memref<80xi32, #tpu.memory_space<vmem>>
      %dma_start3A_624 = arith.constant 0 : i32
      %dma_start3A_625 = arith.constant 0 : i32
      %dma_start3A_626 = tpu.memref_slice %arg20[%dma_start3A_624, %dma_start3A_625] : memref<10240x128xf32, #tpu.memory_space<vmem_shared>> -> memref<10240x128xf32, #tpu.memory_space<vmem_shared>>
      tpu.enqueue_indirect_dma source(%arg13 : memref<80x128xf32, #tpu.memory_space<vmem>>) target(%dma_start3A_626 : memref<10240x128xf32, #tpu.memory_space<vmem_shared>>) offsets(%dma_start3A_623 : memref<80xi32, #tpu.memory_space<vmem>>) semaphore(%arg24 : memref<!tpu.dma_semaphore, #tpu.memory_space<semaphore_mem>>) {add = true}
      %dma_wait3A_627 = arith.constant 0 : i32
      %dma_wait3A_628 = arith.constant 0 : i32
      %dma_wait3A_629 = tpu.memref_slice %arg2[%dma_wait3A_627, %dma_wait3A_628] : memref<20000x128xf32, #tpu.memory_space<hbm>> -> memref<80x128xf32, #tpu.memory_space<hbm>>
      %dma_wait3A_630 = arith.constant 0 : i32
      %dma_wait3A_631 = arith.constant 0 : i32
      %dma_wait3A_632 = tpu.memref_slice %arg2[%dma_wait3A_630, %dma_wait3A_631] : memref<20000x128xf32, #tpu.memory_space<hbm>> -> memref<80x128xf32, #tpu.memory_space<hbm>>
      tpu.wait_dma2 semaphore(%arg24 : memref<!tpu.dma_semaphore, #tpu.memory_space<semaphore_mem>>) src(%dma_wait3A_632 : memref<80x128xf32, #tpu.memory_space<hbm>>) dst(%arg13 : memref<80x128xf32, #tpu.memory_space<vmem>>)
      %dma_wait3A_633 = arith.constant 0 : i32
      %dma_wait3A_634 = arith.constant 0 : i32
      %dma_wait3A_635 = tpu.memref_slice %arg2[%dma_wait3A_633, %dma_wait3A_634] : memref<20000x128xf32, #tpu.memory_space<hbm>> -> memref<80x128xf32, #tpu.memory_space<hbm>>
      %dma_wait3A_636 = arith.constant 0 : i32
      %dma_wait3A_637 = arith.constant 0 : i32
      %dma_wait3A_638 = tpu.memref_slice %arg2[%dma_wait3A_636, %dma_wait3A_637] : memref<20000x128xf32, #tpu.memory_space<hbm>> -> memref<80x128xf32, #tpu.memory_space<hbm>>
      tpu.wait_dma2 semaphore(%arg24 : memref<!tpu.dma_semaphore, #tpu.memory_space<semaphore_mem>>) src(%dma_wait3A_638 : memref<80x128xf32, #tpu.memory_space<hbm>>) dst(%arg13 : memref<80x128xf32, #tpu.memory_space<vmem>>)
      %scan3A_639 = arith.constant 0 : i32
      scf.yield %scan3A_639 : i32
    }
    %scan3A_293 = arith.constant 10 : i32
    %barrier3A_294 = arith.constant 0 : index
    tpu.barrier barrier_id(%barrier3A_294)
    %mul3A_295 = arith.constant 640 : i32
    %mul3A_296 = arith.muli %arg1, %mul3A_295 : i32
    %mul3A_297 = arith.constant 640 : i32
    %mul3A_298 = arith.muli %arg1, %mul3A_297 : i32
    "tpu.region"() ({
      %run_scoped3A = tpu.sem_alloc : memref<!tpu.dma_semaphore, #tpu.memory_space<semaphore_mem>>
      %dma_start3A_299 = arith.constant 0 : i32
      %dma_start3A_300 = tpu.memref_slice %arg5[%arg0, %mul3A_298, %dma_start3A_299] : memref<2x10240x128xf32, #tpu.memory_space<hbm>> -> memref<1x640x128xf32, #tpu.memory_space<hbm>>
      %dma_start3A_301 = tpu.memref_squeeze %dma_start3A_300 : memref<1x640x128xf32, #tpu.memory_space<hbm>> -> memref<640x128xf32, #tpu.memory_space<hbm>>
      %dma_start3A_302 = arith.constant 0 : i32
      %dma_start3A_303 = tpu.memref_slice %arg20[%mul3A_296, %dma_start3A_302] : memref<10240x128xf32, #tpu.memory_space<vmem_shared>> -> memref<640x128xf32, #tpu.memory_space<vmem_shared>>
      tpu.enqueue_dma source(%dma_start3A_303 : memref<640x128xf32, #tpu.memory_space<vmem_shared>>) target(%dma_start3A_301 : memref<640x128xf32, #tpu.memory_space<hbm>>) target_semaphore(%run_scoped3A : memref<!tpu.dma_semaphore, #tpu.memory_space<semaphore_mem>>)
      %dma_wait3A_304 = arith.constant 0 : i32
      %dma_wait3A_305 = tpu.memref_slice %arg5[%arg0, %mul3A_298, %dma_wait3A_304] : memref<2x10240x128xf32, #tpu.memory_space<hbm>> -> memref<1x640x128xf32, #tpu.memory_space<hbm>>
      %dma_wait3A_306 = tpu.memref_squeeze %dma_wait3A_305 : memref<1x640x128xf32, #tpu.memory_space<hbm>> -> memref<640x128xf32, #tpu.memory_space<hbm>>
      %dma_wait3A_307 = arith.constant 0 : i32
      %dma_wait3A_308 = tpu.memref_slice %arg20[%mul3A_296, %dma_wait3A_307] : memref<10240x128xf32, #tpu.memory_space<vmem_shared>> -> memref<640x128xf32, #tpu.memory_space<vmem_shared>>
      tpu.wait_dma2 semaphore(%run_scoped3A : memref<!tpu.dma_semaphore, #tpu.memory_space<semaphore_mem>>) src(%dma_wait3A_308 : memref<640x128xf32, #tpu.memory_space<vmem_shared>>) dst(%dma_wait3A_306 : memref<640x128xf32, #tpu.memory_space<hbm>>)
      tpu.yield
    }) : () -> ()
    return
  }
}

module attributes {stable_mosaic.version = 14 : i64} {
  func.func @_tc_body(%arg0: i32, %arg1: memref<2000x128xf32, #tpu.memory_space<vmem>>, %arg2: memref<2000x128xf32, #tpu.memory_space<vmem>>, %arg3: memref<2x2000x128xf32, #tpu.memory_space<vmem>>, %arg4: memref<512x512xf32, #tpu.memory_space<vmem>>, %arg5: memref<1x512xf32, #tpu.memory_space<vmem>>, %arg6: memref<3x128xf32, #tpu.memory_space<vmem>>, %arg7: memref<2000x128xf32, #tpu.memory_space<vmem>>, %arg8: memref<2000x128xf32, #tpu.memory_space<vmem>>, %arg9: memref<2000x128xf32, #tpu.memory_space<vmem>>) attributes {dimension_semantics = [#tpu.dimension_semantics<arbitrary>], iteration_bounds = array<i64: 5>, scalar_prefetch = 0 : i64, scratch_operands = 0 : i64, tpu.core_type = #tpu.core_type<tc>, window_params = [{transform_indices = @transform_0, window_bounds = array<i64: 2000, 128>}, {transform_indices = @transform_1, window_bounds = array<i64: 2000, 128>}, {transform_indices = @transform_2, window_bounds = array<i64: 2, 2000, 128>}, {pipeline_mode = #tpu.pipeline_mode<synchronous>, transform_indices = @transform_3, window_bounds = array<i64: 512, 512>}, {pipeline_mode = #tpu.pipeline_mode<synchronous>, transform_indices = @transform_4, window_bounds = array<i64: 1, 512>}, {pipeline_mode = #tpu.pipeline_mode<synchronous>, transform_indices = @transform_5, window_bounds = array<i64: 3, 128>}, {transform_indices = @transform_6, window_bounds = array<i64: 2000, 128>}, {transform_indices = @transform_7, window_bounds = array<i64: 2000, 128>}, {transform_indices = @transform_8, window_bounds = array<i64: 2000, 128>}]} {
    %get3A = arith.constant 0 : index
    %get3A_0 = arith.constant 0 : index
    %get3A_1 = vector.load %arg4[%get3A, %get3A_0] : memref<512x512xf32, #tpu.memory_space<vmem>>, vector<512x512xf32>
    %get3A_2 = arith.constant 0 : index
    %get3A_3 = arith.constant 0 : index
    %get3A_4 = vector.load %arg1[%get3A_2, %get3A_3] : memref<2000x128xf32, #tpu.memory_space<vmem>>, vector<2000x128xf32>
    %slice3A = vector.extract_strided_slice %get3A_1 {offsets = [0, 0], sizes = [128, 512], strides = [1, 1]} : vector<512x512xf32> to vector<128x512xf32>
    %dot_general3A = arith.constant dense<0.000000e+00> : vector<2000x512xf32>
    %dot_general3A_5 = tpu.matmul %get3A_4, %slice3A, %dot_general3A {dimension_numbers = #tpu.dot_dimension_numbers<[1], [0], [0], [1], [0, 0, 1, 1], [], []>, transpose_lhs_hint = false} : vector<2000x128xf32>, vector<128x512xf32>, vector<2000x512xf32> -> vector<2000x512xf32>
    %get3A_6 = arith.constant 0 : index
    %get3A_7 = arith.constant 0 : index
    %get3A_8 = vector.load %arg2[%get3A_6, %get3A_7] : memref<2000x128xf32, #tpu.memory_space<vmem>>, vector<2000x128xf32>
    %slice3A_9 = vector.extract_strided_slice %get3A_1 {offsets = [128, 0], sizes = [128, 512], strides = [1, 1]} : vector<512x512xf32> to vector<128x512xf32>
    %dot_general3A_10 = arith.constant dense<0.000000e+00> : vector<2000x512xf32>
    %dot_general3A_11 = tpu.matmul %get3A_8, %slice3A_9, %dot_general3A_10 {dimension_numbers = #tpu.dot_dimension_numbers<[1], [0], [0], [1], [0, 0, 1, 1], [], []>, transpose_lhs_hint = false} : vector<2000x128xf32>, vector<128x512xf32>, vector<2000x512xf32> -> vector<2000x512xf32>
    %add3A = arith.addf %dot_general3A_5, %dot_general3A_11 : vector<2000x512xf32>
    %get3A_12 = arith.constant 0 : index
    %get3A_13 = arith.constant 0 : index
    %get3A_14 = arith.constant 0 : index
    %get3A_15 = vector.load %arg3[%get3A_12, %get3A_13, %get3A_14] : memref<2x2000x128xf32, #tpu.memory_space<vmem>>, vector<1x2000x128xf32>
    %get3A_16 = vector.shape_cast %get3A_15 : vector<1x2000x128xf32> to vector<2000x128xf32>
    %slice3A_17 = vector.extract_strided_slice %get3A_1 {offsets = [256, 0], sizes = [128, 512], strides = [1, 1]} : vector<512x512xf32> to vector<128x512xf32>
    %dot_general3A_18 = arith.constant dense<0.000000e+00> : vector<2000x512xf32>
    %dot_general3A_19 = tpu.matmul %get3A_16, %slice3A_17, %dot_general3A_18 {dimension_numbers = #tpu.dot_dimension_numbers<[1], [0], [0], [1], [0, 0, 1, 1], [], []>, transpose_lhs_hint = false} : vector<2000x128xf32>, vector<128x512xf32>, vector<2000x512xf32> -> vector<2000x512xf32>
    %add3A_20 = arith.addf %add3A, %dot_general3A_19 : vector<2000x512xf32>
    %get3A_21 = arith.constant 1 : index
    %get3A_22 = arith.constant 0 : index
    %get3A_23 = arith.constant 0 : index
    %get3A_24 = vector.load %arg3[%get3A_21, %get3A_22, %get3A_23] : memref<2x2000x128xf32, #tpu.memory_space<vmem>>, vector<1x2000x128xf32>
    %get3A_25 = vector.shape_cast %get3A_24 : vector<1x2000x128xf32> to vector<2000x128xf32>
    %slice3A_26 = vector.extract_strided_slice %get3A_1 {offsets = [384, 0], sizes = [128, 512], strides = [1, 1]} : vector<512x512xf32> to vector<128x512xf32>
    %dot_general3A_27 = arith.constant dense<0.000000e+00> : vector<2000x512xf32>
    %dot_general3A_28 = tpu.matmul %get3A_25, %slice3A_26, %dot_general3A_27 {dimension_numbers = #tpu.dot_dimension_numbers<[1], [0], [0], [1], [0, 0, 1, 1], [], []>, transpose_lhs_hint = false} : vector<2000x128xf32>, vector<128x512xf32>, vector<2000x512xf32> -> vector<2000x512xf32>
    %add3A_29 = arith.addf %add3A_20, %dot_general3A_28 : vector<2000x512xf32>
    %get3A_30 = arith.constant 0 : index
    %get3A_31 = arith.constant 0 : index
    %get3A_32 = vector.load %arg5[%get3A_30, %get3A_31] : memref<1x512xf32, #tpu.memory_space<vmem>>, vector<1x512xf32>
    %add3A_33 = vector.broadcast %get3A_32 : vector<1x512xf32> to vector<2000x512xf32>
    %add3A_34 = arith.addf %add3A_29, %add3A_33 : vector<2000x512xf32>
    %get3A_35 = arith.constant 0 : index
    %get3A_36 = arith.constant 0 : index
    %get3A_37 = vector.load %arg7[%get3A_35, %get3A_36] : memref<2000x128xf32, #tpu.memory_space<vmem>>, vector<2000x128xf32>
    %slice3A_38 = vector.extract_strided_slice %add3A_34 {offsets = [0, 0], sizes = [2000, 128], strides = [1, 1]} : vector<2000x512xf32> to vector<2000x128xf32>
    %get3A_39 = arith.constant 0 : index
    %get3A_40 = arith.constant 0 : index
    %get3A_41 = vector.load %arg6[%get3A_39, %get3A_40] : memref<3x128xf32, #tpu.memory_space<vmem>>, vector<1x128xf32>
    %mul3A = vector.broadcast %get3A_41 : vector<1x128xf32> to vector<2000x128xf32>
    %mul3A_42 = arith.mulf %mul3A, %get3A_37 : vector<2000x128xf32>
    %add3A_43 = arith.addf %slice3A_38, %mul3A_42 : vector<2000x128xf32>
    %logistic3A = arith.negf %add3A_43 : vector<2000x128xf32>
    %logistic3A_44 = math.exp %logistic3A : vector<2000x128xf32>
    %logistic3A_45 = arith.constant 1.000000e+00 : f32
    %logistic3A_46 = vector.broadcast %logistic3A_45 : f32 to vector<2000x128xf32>
    %logistic3A_47 = arith.addf %logistic3A_46, %logistic3A_44 : vector<2000x128xf32>
    %logistic3A_48 = arith.divf %logistic3A_46, %logistic3A_47 : vector<2000x128xf32>
    %slice3A_49 = vector.extract_strided_slice %add3A_34 {offsets = [0, 128], sizes = [2000, 128], strides = [1, 1]} : vector<2000x512xf32> to vector<2000x128xf32>
    %get3A_50 = arith.constant 1 : index
    %get3A_51 = arith.constant 0 : index
    %get3A_52 = vector.load %arg6[%get3A_50, %get3A_51] : memref<3x128xf32, #tpu.memory_space<vmem>>, vector<1x128xf32>
    %mul3A_53 = vector.broadcast %get3A_52 : vector<1x128xf32> to vector<2000x128xf32>
    %mul3A_54 = arith.mulf %mul3A_53, %get3A_37 : vector<2000x128xf32>
    %add3A_55 = arith.addf %slice3A_49, %mul3A_54 : vector<2000x128xf32>
    %logistic3A_56 = arith.negf %add3A_55 : vector<2000x128xf32>
    %logistic3A_57 = math.exp %logistic3A_56 : vector<2000x128xf32>
    %logistic3A_58 = arith.constant 1.000000e+00 : f32
    %logistic3A_59 = vector.broadcast %logistic3A_58 : f32 to vector<2000x128xf32>
    %logistic3A_60 = arith.addf %logistic3A_59, %logistic3A_57 : vector<2000x128xf32>
    %logistic3A_61 = arith.divf %logistic3A_59, %logistic3A_60 : vector<2000x128xf32>
    %slice3A_62 = vector.extract_strided_slice %add3A_34 {offsets = [0, 256], sizes = [2000, 128], strides = [1, 1]} : vector<2000x512xf32> to vector<2000x128xf32>
    %tanh3A = math.tanh %slice3A_62 : vector<2000x128xf32>
    %mul3A_63 = arith.mulf %logistic3A_61, %get3A_37 : vector<2000x128xf32>
    %mul3A_64 = arith.mulf %logistic3A_48, %tanh3A : vector<2000x128xf32>
    %add3A_65 = arith.addf %mul3A_63, %mul3A_64 : vector<2000x128xf32>
    %slice3A_66 = vector.extract_strided_slice %add3A_34 {offsets = [0, 384], sizes = [2000, 128], strides = [1, 1]} : vector<2000x512xf32> to vector<2000x128xf32>
    %get3A_67 = arith.constant 2 : index
    %get3A_68 = arith.constant 0 : index
    %get3A_69 = vector.load %arg6[%get3A_67, %get3A_68] : memref<3x128xf32, #tpu.memory_space<vmem>>, vector<1x128xf32>
    %mul3A_70 = vector.broadcast %get3A_69 : vector<1x128xf32> to vector<2000x128xf32>
    %mul3A_71 = arith.mulf %mul3A_70, %add3A_65 : vector<2000x128xf32>
    %add3A_72 = arith.addf %slice3A_66, %mul3A_71 : vector<2000x128xf32>
    %logistic3A_73 = arith.negf %add3A_72 : vector<2000x128xf32>
    %logistic3A_74 = math.exp %logistic3A_73 : vector<2000x128xf32>
    %logistic3A_75 = arith.constant 1.000000e+00 : f32
    %logistic3A_76 = vector.broadcast %logistic3A_75 : f32 to vector<2000x128xf32>
    %logistic3A_77 = arith.addf %logistic3A_76, %logistic3A_74 : vector<2000x128xf32>
    %logistic3A_78 = arith.divf %logistic3A_76, %logistic3A_77 : vector<2000x128xf32>
    %tanh3A_79 = math.tanh %add3A_65 : vector<2000x128xf32>
    %mul3A_80 = arith.mulf %logistic3A_78, %tanh3A_79 : vector<2000x128xf32>
    %swap3A = arith.constant 0 : index
    %swap3A_81 = arith.constant 0 : index
    %swap3A_82 = vector.load %arg8[%swap3A, %swap3A_81] : memref<2000x128xf32, #tpu.memory_space<vmem>>, vector<2000x128xf32>
    tpu.vector_store %arg8[%swap3A, %swap3A_81], %mul3A_80 {strides = array<i32>} : memref<2000x128xf32, #tpu.memory_space<vmem>>, vector<2000x128xf32>,
    %swap3A_83 = arith.constant 0 : index
    %swap3A_84 = arith.constant 0 : index
    %swap3A_85 = vector.load %arg9[%swap3A_83, %swap3A_84] : memref<2000x128xf32, #tpu.memory_space<vmem>>, vector<2000x128xf32>
    tpu.vector_store %arg9[%swap3A_83, %swap3A_84], %add3A_65 {strides = array<i32>} : memref<2000x128xf32, #tpu.memory_space<vmem>>, vector<2000x128xf32>,
    return
  }
  func.func @transform_0(%arg0: i32) -> (i32, i32) {
    %c0_i32 = arith.constant 0 : i32
    %c0_i32_0 = arith.constant 0 : i32
    return %arg0, %c0_i32 : i32, i32
  }
  func.func @transform_1(%arg0: i32) -> (i32, i32) {
    %c0_i32 = arith.constant 0 : i32
    %c0_i32_0 = arith.constant 0 : i32
    return %arg0, %c0_i32 : i32, i32
  }
  func.func @transform_2(%arg0: i32) -> (i32, i32, i32) {
    %c0_i32 = arith.constant 0 : i32
    %c0_i32_0 = arith.constant 0 : i32
    %c0_i32_1 = arith.constant 0 : i32
    return %c0_i32, %arg0, %c0_i32_0 : i32, i32, i32
  }
  func.func @transform_3(%arg0: i32) -> (i32, i32) {
    %c0_i32 = arith.constant 0 : i32
    %c0_i32_0 = arith.constant 0 : i32
    %c0_i32_1 = arith.constant 0 : i32
    return %c0_i32, %c0_i32_0 : i32, i32
  }
  func.func @transform_4(%arg0: i32) -> (i32, i32) {
    %c0_i32 = arith.constant 0 : i32
    %c0_i32_0 = arith.constant 0 : i32
    %c0_i32_1 = arith.constant 0 : i32
    return %c0_i32, %c0_i32_0 : i32, i32
  }
  func.func @transform_5(%arg0: i32) -> (i32, i32) {
    %c0_i32 = arith.constant 0 : i32
    %c0_i32_0 = arith.constant 0 : i32
    %c0_i32_1 = arith.constant 0 : i32
    return %c0_i32, %c0_i32_0 : i32, i32
  }
  func.func @transform_6(%arg0: i32) -> (i32, i32) {
    %c0_i32 = arith.constant 0 : i32
    %c0_i32_0 = arith.constant 0 : i32
    return %arg0, %c0_i32 : i32, i32
  }
  func.func @transform_7(%arg0: i32) -> (i32, i32) {
    %c0_i32 = arith.constant 0 : i32
    %c0_i32_0 = arith.constant 0 : i32
    return %arg0, %c0_i32 : i32, i32
  }
  func.func @transform_8(%arg0: i32) -> (i32, i32) {
    %c0_i32 = arith.constant 0 : i32
    %c0_i32_0 = arith.constant 0 : i32
    return %arg0, %c0_i32 : i32, i32
  }
}

</mosaic_0001>

<sc_bundles>
// kernel: kernel.4.cloned.1.call-start
scs
__scs_entry_jumppad:
0x0: {  	(pc) =	sbr.rel $0x88, $3  }
0x1: {  	(tag) =	ssettag $0x0;
	lr =	simm.s32 $0x1  }
0x2: {  	[smem:$0x3F96] =	sst lr;
	_ =	strace $0xD0000000  }
0x3: {  	_ = 	snop  }
0x4: {  	_ = 	snop  }
0x5: {  	_ = 	snop  }
0x6: {  	_ = 	snop  }
0x7: {  	_ = 	snop  }
__scs_overlays_trampoline_lowered:
0x8: {  	[smem:$0x3FA5] =	sst s0  }
0x9: {  	[smem:$0x3FA6] =	sst s1  }
0xa: {  	[smem:$0x3FA7] =	sst s2  }
0xb: {  	[smem:$0x3FA8] =	sst s3  }
0xc: {  	[smem:$0x3FA9] =	sst s4  }
0xd: {  	[smem:$0x3FAA] =	sst s5  }
0xe: {  	[smem:$0x3FAB] =	sst s6  }
0xf: {  	[smem:$0x3FAC] =	sst s7  }
0x10: {  	[smem:$0x3FAD] =	sst s8  }
0x11: {  	[smem:$0x3FAE] =	sst s9;
	s0 =	simm.s32 @!p0 $0x0  }
0x12: {  	s1 =	sld [smem:$0x3F94];
	s0 =	simm.s32 @p0 $0x1  }
0x13: {  	[smem:$0x3FAF] =	sst s0;
	s0 =	simm.s32 @!p1 $0x0  }
0x14: {  	s2 =	sld [smem:$0x3F93];
	s0 =	simm.s32 @p1 $0x1  }
0x15: {  	[smem:$0x3FB0] =	sst s0;
	s0 =	simm.s32 @!p2 $0x0  }
0x16: {  	s3 =	sld [smem:$0x3FDB];
	s0 =	simm.s32 @p2 $0x1  }
0x17: {  	s4 =	simm.s32 $0x1BF5;
	[smem:$0x3FB2] =	sst s0  }
0x18: {  	s0 =	sld [smem:$0x3F95];
	_ =	swait.ge [sflag:s4], $0x0  }
0x19: {  	s7 =	sld [smem:$0x3F96]  }
0x1a: {  	s8 =	sadd.s32 $0xFFFFE003, lr  }
0x1b: {  	s9 =	sadd.s32 $0xFFFFFEF7, lr;
	s5 =	simm.s32 $0xFFFFFFFF;
	p2 =	slt.u32 s8, $0xFFFFF086  }
0x1c: {  	p1 =	slt.u32 s9, $0xF7A;
	s5 =	simm.s32 @!p2 $0x0  }
0x1d: {  	s5 =	simm.s32 @p1 $0x1;
	p0 =	seq.s32 s7, s2  }
0x1e: {  	s7 =	smul.u32 @!p0 $0xF7A, s2;
	p2 =	seq.s32 @!p0 s5, $0x0  }
0x1f: {  	s9 =	smul.u32 $0xF7A, s1;
	s8 =	simm.s32 @!p0 $0x1BF5;
	p2 =	por !p2, p0  }
0x20: {  	[sflag:s8] =	ssyncset.s32 @!p0 $0xFFFFF086;
	s6 =	sadd.s32 @!p0 s3, s7;
	s7 =	simm.s32 @!p0 $0x108  }
0x21: {  	s3 =	sadd.s32 s3, s9;
	s6 =	sadd.s32 @!p0 $0x88, s6;
	s7 =	simm.s32 @p2 $0x1082  }
0x22: {  	[simem:s7], [sflag:s8] =	dma.local @!p0 [hbm:s6], $0xF7A  }
0x23: {  	s9 =	sor.u32 $0xD0000000, s2;
	s6 =	simm.s32 $0x108;
	_ =	swait.ge @!p0 [sflag:s8], $0x0  }
0x24: {  	s3 =	sadd.s32 $0x88, s3;
	s6 =	simm.s32 @!p1 $0x1082;
	[sflag:s4] =	ssyncset.s32 $0xFFFFF086  }
0x25: {  	[simem:s6], [sflag:s4] =	dma.local [hbm:s3], $0xF7A  }
0x26: {  	[smem:$0x3F96] =	sst s1;
	(tag) =	ssettag s2;
	_ =	strace s9  }
0x27: {  	s1 =	sld [smem:$0x3FA6]  }
0x28: {  	s2 =	sld [smem:$0x3FA7]  }
0x29: {  	s4 =	sld [smem:$0x3FA9]  }
0x2a: {  	p0 =	seq.s32 s5, $0x0;
	s5 =	sld [smem:$0x3FAA]  }
0x2b: {  	s6 =	sld [smem:$0x3FAB]  }
0x2c: {  	s7 =	sld [smem:$0x3FAC]  }
0x2d: {  	s3 =	simm.s32 $0x108;
	s8 =	sld [smem:$0x3FAD]  }
0x2e: {  	s3 =	simm.s32 @!p0 $0x1082;
	s9 =	sld [smem:$0x3FAE]  }
0x2f: {  	lr =	sadd.s32 s0, s3;
	s0 =	sld [smem:$0x3FA5]  }
0x30: {  	s3 =	sld [smem:$0x3FA8]  }
0x31: {  	[smem:$0x3FB1] =	sst s10  }
0x32: {  	s10 =	sld [smem:$0x3FAF];
	_ =	sdelay $0x3  }
0x33: {  	p0 =	seq.s32 s10, $0x1;
	s10 =	sld [smem:$0x3FB1];
	_ =	sdelay $0x3  }
0x34: {  	[smem:$0x3FB1] =	sst s10  }
0x35: {  	s10 =	sld [smem:$0x3FB0];
	_ =	sdelay $0x3  }
0x36: {  	p1 =	seq.s32 s10, $0x1;
	s10 =	sld [smem:$0x3FB1];
	_ =	sdelay $0x3  }
0x37: {  	[smem:$0x3FB1] =	sst s10  }
0x38: {  	s10 =	sld [smem:$0x3FB2]  }
0x39: {  	_ = 	snop;
	(pc) =	sbr.ind lr, $3  }
0x3a: {  	_ = 	snop  }
0x3b: {  	_ = 	snop  }
0x3c: {  	p2 =	seq.s32 s10, $0x1;
	s10 =	sld [smem:$0x3FB1]  }
0x3d: {  	_ =	shalt  }
0x3e: {  	_ =	shalt  }
0x3f: {  	_ =	shalt  }
0x40: {  	_ =	shalt  }
0x41: {  	_ =	shalt  }
0x42: {  	_ =	shalt  }
0x43: {  	_ =	shalt  }
0x44: {  	_ =	shalt  }
0x45: {  	_ =	shalt  }
0x46: {  	_ =	shalt  }
0x47: {  	_ =	shalt  }
0x48: {  	_ =	shalt  }
0x49: {  	_ =	shalt  }
0x4a: {  	_ =	shalt  }
0x4b: {  	_ =	shalt  }
0x4c: {  	_ =	shalt  }
0x4d: {  	_ =	shalt  }
0x4e: {  	_ =	shalt  }
0x4f: {  	_ =	shalt  }
0x50: {  	_ =	shalt  }
0x51: {  	_ =	shalt  }
0x52: {  	_ =	shalt  }
0x53: {  	_ =	shalt  }
0x54: {  	_ =	shalt  }
0x55: {  	_ =	shalt  }
0x56: {  	_ =	shalt  }
0x57: {  	_ =	shalt  }
0x58: {  	_ =	shalt  }
0x59: {  	_ =	shalt  }
0x5a: {  	_ =	shalt  }
0x5b: {  	_ =	shalt  }
0x5c: {  	_ =	shalt  }
0x5d: {  	_ =	shalt  }
0x5e: {  	_ =	shalt  }
0x5f: {  	_ =	shalt  }
0x60: {  	_ =	shalt  }
0x61: {  	_ =	shalt  }
0x62: {  	_ =	shalt  }
0x63: {  	_ =	shalt  }
0x64: {  	_ =	shalt  }
0x65: {  	_ =	shalt  }
0x66: {  	_ =	shalt  }
0x67: {  	_ =	shalt  }
0x68: {  	_ =	shalt  }
0x69: {  	_ =	shalt  }
0x6a: {  	_ =	shalt  }
0x6b: {  	_ =	shalt  }
0x6c: {  	_ =	shalt  }
0x6d: {  	_ =	shalt  }
0x6e: {  	_ =	shalt  }
0x6f: {  	_ =	shalt  }
0x70: {  	_ =	shalt  }
0x71: {  	_ =	shalt  }
0x72: {  	_ =	shalt  }
0x73: {  	_ =	shalt  }
0x74: {  	_ =	shalt  }
0x75: {  	_ =	shalt  }
0x76: {  	_ =	shalt  }
0x77: {  	_ =	shalt  }
0x78: {  	_ =	shalt  }
0x79: {  	_ =	shalt  }
0x7a: {  	_ =	shalt  }
0x7b: {  	_ =	shalt  }
0x7c: {  	_ =	shalt  }
0x7d: {  	_ =	shalt  }
0x7e: {  	_ =	shalt  }
0x7f: {  	_ =	shalt  }
0x80: {  	_ =	shalt  }
0x81: {  	_ =	shalt  }
0x82: {  	_ =	shalt  }
0x83: {  	_ =	shalt  }
0x84: {  	_ =	shalt  }
0x85: {  	_ =	shalt  }
0x86: {  	_ =	shalt  }
0x87: {  	_ =	shalt  }
.Lfunc_end0:
.L_simem_size_0:
called_computation_lowered:
.L_overlay_start_0:
0x88: {  	s2 =	sld [smem:$0x3FD9]  }
0x89: {  	s3 =	sld [smem:$0x3FFE];
	_ =	sdelay $0x1  }
0x8a: {  	s1 =	srdreg.scid  }
0x8b: {  	s0 =	sand.u32 $0x1, s1  }
0x8c: {  	s14 =	sshll.u32 s0, $0xA;
	s2 =	sadd.s32 s3, s2  }
0x8d: {  	s2 =	sadd.s32 s2, s14  }
0x8e: {  	[smem:$0x3FBD] =	sst s2  }
0x8f: {  	_ = 	snop  }
0x90: {  	s2 =	sld [smem:$0x3FD0];
	_ =	sdelay $0x2  }
0x91: {  	s15 =	simm.s32 $0xA;
	s4 =	simm.s32 $0x10  }
0x92: {  	[smem:s4], [sflag:s15] =	dma.local [hbm:s2], $0x1  }
0x93: {  	_ =	swait.eq [sflag:s15], $0x1  }
0x94: {  	s16 =	sld [smem:$0x10];
	[sflag:s15] =	ssyncset.done $0x0  }
0x95: {  	s17 =	sld [smem:$0x11];
	[sflag:s15] =	ssyncadd.s32 $0xFFFFFFFF  }
0x96: {  	s18 =	sld [smem:$0x12];
	(tm) =	ssettm $0x1  }
0x97: {  	s5 =	sld [smem:$0x3FFB];
	_ =	sdelay $0x3  }
0x98: {  	_ =	strace s5  }
0x99: {  	s5 =	sld [smem:$0x3FFC];
	_ =	sdelay $0x3  }
0x9a: {  	_ =	strace s5  }
0x9b: {  	s5 =	sld [smem:$0x3FFD];
	_ =	sdelay $0x3  }
0x9c: {  	_ =	strace s5  }
0x9d: {  	_ =	strace $0x8FFFFFFF  }
0x9e: {  	s19 =	sld [smem:$0x3FDB];
	_ =	sdelay $0x1  }
0x9f: {  	s6 =	simm.s32 $_scs_section_size  }
0xa0: {  	s7 =	simm.s32 $_size__tile_overlayer_lowered;
	s8 =	simm.s32 $_tile_overlayer_lowered  }
0xa1: {  	s22 =	simm.s32 $0x1BFF;
	s21 =	sshll.u32 s8, $0x1;
	s5 =	sadd.s32 s6, s19  }
0xa2: {  	s9 =	simm.s32 $0x0;
	s20 =	sshll.u32 s7, $0x1;
	s7 =	sadd.s32 s21, s5  }
0xa3: {  	[timem:s9], [sflag:s22] =	dma.local [hbm:s7], s20  }
0xa4: {  	_ =	swait.ge [sflag:s22], s20  }
0xa5: {  	s6 =	ssub.s32 $0x0, s20;
	[sflag:s22] =	ssyncset.done $0x0  }
0xa6: {  	[sflag:s22] =	ssyncadd.s32 s6;
	_ =	sdelay $0x1  }
0xa7: {  	s23 =	simm.s32 $0x1B8B  }
0xa8: {  	_ =	swait.ge [sflag:s23], $0x1  }
0xa9: {  	[sflag:s23] =	ssyncset.done $0x0  }
0xaa: {  	s25 =	simm.s32 $0x1B8E;
	s24 =	sld [smem:$0x3FFE];
	[sflag:s23] =	ssyncadd.s32 $0xFFFFFFFF  }
0xab: {  	s26 =	simm.s32 $execute0_lowered;
	[smem:$0x3FD2] =	sst s25  }
0xac: {  	s7 =	sshll.u32 s26, $0x1;
	_ =	strace $0x80000046;
	[dreg:$0x1] =	wrdreg $0xFFFFFFFF  }
0xad: {  	s28 =	simm.s32 $_size_execute0_lowered;
	s5 =	sadd.s32 s5, s7;
	[dreg:$0x0] =	wrdreg $0x0  }
0xae: {  	s7 =	sshll.u32 s28, $0x1;
	[dreg:$0x2] =	wrdreg s5  }
0xaf: {  	[dreg:$0x3] =	wrdreg s7  }
0xb0: {  	[dreg:$0x4] =	wrdreg $0xC0  }
0xb1: {  	_ =	task [dreg:s9], $0x5FFFF  }
0xb2: {  	[dreg:$0x1] =	wrdreg $0xFFFFFFFF  }
0xb3: {  	[dreg:$0x0] =	wrdreg $0x60  }
0xb4: {  	[dreg:$0x2] =	wrdreg s24  }
0xb5: {  	[dreg:$0x3] =	wrdreg s17  }
0xb6: {  	[dreg:$0x4] =	wrdreg s18  }
0xb7: {  	[dreg:$0x5] =	wrdreg s16  }
0xb8: {  	[dreg:$0x6] =	wrdreg $0xB2800  }
0xb9: {  	[dreg:$0x7] =	wrdreg $0x9  }
0xba: {  	_ =	task.clear_ibuf [dreg:s9], $0x8FFFF;
	_ =	strace $0x90000046  }
0xbb: {  	s29 =	simm.s32 $0x9;
	_ =	strace $0x80000048  }
0xbc: {  	_ =	swait.ge [sflag:s29], $0x1  }
0xbd: {  	[sflag:s29] =	ssyncadd.s32 $0xFFFFFFFF  }
0xbe: {  	_ =	strace $0x90000048  }
0xbf: {  	_ =	sfence  }
0xc0: {  	s30 =	sld [smem:$0x0];
	_ =	sdelay $0x2  }
0xc1: {  	s31 =	sshll.u32 s1, $0xD;
	s1 =	sshrl.u32 s1, $0x2  }
0xc2: {  	s3 =	sand.u32 $0x4000, s31;
	s1 =	sadd.s32 s1, s30  }
0xc3: {  	s0 =	sor.u32 s3, s0;
	s1 =	sshll.u32 s1, $0x11  }
0xc4: {  	s0 =	sor.u32 s1, s0  }
0xc5: {  	s0 =	sadd.s32 $0x8F2B, s0  }
0xc6: {  	[sflag:s0] =	ssyncadd.remote.s32 $0x1  }
0xc7: {  	_ =	sfence.sel $0xFFFF  }
0xc8: {  	[dreg:$0x0] =	wrdreg $0xFFFFFFFF;
	(pc) =	sbr.abs _section_cstart, $3  }
0xc9: {  	[dreg:$0x1] =	wrdreg $0xFFFFFFFF  }
0xca: {  	_ =	task.clear_ibuf [dreg:s9], $0x2FFFF;
	_ =	strace $0x9FFFFFFF  }
0xcb: {  	(tm) =	ssettm $0x7FFFFFFF  }
tec
execute0_lowered:
.L_overlay_start_1:
0x0: {  	(tag) =	ssettag $0x1  }
0x1: {  	s7 =	rddreg [dreg:$0x0]  }
0x2: {  	s1 =	rddreg [dreg:$0x1]  }
0x3: {  	s8 =	rddreg [dreg:$0x2]  }
0x4: {  	s0 =	rddreg [dreg:$0x3];
	s4 =	stileid.u32  }
0x5: {  	s2 =	rddreg [dreg:$0x4];
	s9 =	smul.u32 $0x14000, s4  }
0x6: {  	s3 =	srdreg.scid;
	s16 =	smul.u32 $0x1400, s4  }
0x7: {  	s19 =	simm.s32 $0x0;
	s31 =	simm.s32 $0x2000;
	s17 =	smul.u32 $0x500, s4  }
0x8: {  	s3 =	sand.u32 $0x1, s3;
	[smem:$0x7FF] =	sst s19;
	s15 =	smul.u32 $0x280, s4  }
0x9: {  	s5 =	sadd.s32 $0x2AC00, s7;
	s11 =	sshrl.u32 s4, $0x3;
	s6 =	smul.u32 $0x140000, s3  }
0xa: {  	s13 =	sshll.u32 s4, $0x7;
	_ =	strace $0x80000047;
	s10 =	smul.u32 $0x28000, s3  }
0xb: {  	s11 =	smul.u32 $0x14000, s11;
	s12 =	ssub.s32 $0x2, s3;
	s13 =	sand.u32 $0x380, s13  }
0xc: {  	s14 =	sshrl.u32 s12, $0x1;
	s22 =	sadd.s32 $0x80, s15;
	s28 =	sadd.s32 $0x180, s15  }
0xd: {  	s9 =	sadd.s32 s9, s6;
	s6 =	sadd.s32 $0x2C00, s7;
	s11 =	sadd.s32 s10, s11  }
0xe: {  	s12 =	ssub.s32 s12, s14;
	s23 =	sshll.u32 s22, $0x1;
	s30 =	sshll.u32 s28, $0x1  }
0xf: {  	s9 =	sshrl.u32 s9, $0x3;
	s11 =	sor.u32 s13, s11;
	s13 =	sadd.s32 s16, s10  }
0x10: {  	s16 =	sshll.u32 s3, $0x7;
	s10 =	sshrl.u32 s10, $0x3;
	s9 =	sadd.s32 s9, s7  }
0x11: {  	s7 =	smul.u32 $0xA000, s4;
	s11 =	sshrl.u32 s11, $0x3;
	s18 =	sshrl.u32 s13, $0x3  }
0x12: {  	s20 =	sor.u32 s16, s17;
	s24 =	sadd.s32 s8, s10;
	s17 =	sadd.s32 $0x100, s15  }
0x13: {  	s11 =	sadd.s32 s8, s11;
	s21 =	sshrl.u32 s20, $0x3;
	s13 =	sadd.s32 s22, s24  }
0x14: {  	s25 =	sshll.u32 s17, $0x1;
	s29 =	sadd.s32 s8, s17;
	s17 =	sor.u32 s16, s30  }
0x15: {  	s20 =	smul.u32 $0x50000, s4;
	[dreg:$0x7] =	wrdreg s11;
	s11 =	sadd.s32 s8, s18  }
0x16: {  	[dreg:$0xa] =	wrdreg s13;
	s26 =	sor.u32 s16, s25;
	s14 =	sadd.s32 s10, s29  }
0x17: {  	s13 =	sadd.s32 s8, s28;
	s18 =	sadd.s32 $0x200, s15;
	s29 =	sshll.u32 s3, $0x4  }
0x18: {  	s15 =	simm.s32 $0x1000;
	[dreg:$0x8] =	wrdreg s11;
	s11 =	sadd.s32 s0, s21  }
0x19: {  	[dreg:$0xc] =	wrdreg s14;
	s8 =	sadd.s32 s8, s18;
	s14 =	sshll.u32 s18, $0x1  }
0x1a: {  	s21 =	sadd.s32 s10, s13;
	s13 =	simm.s32 $0x6000;
	[dreg:$0x9] =	wrdreg s11  }
0x1b: {  	s18 =	simm.s32 $0xB100;
	s11 =	sor.u32 s16, s23;
	[dreg:$0xe] =	wrdreg s21  }
0x1c: {  	s23 =	sor.u32 s16, s14;
	s24 =	sadd.s32 s10, s8;
	s14 =	simm.s32 $0x8800  }
0x1d: {  	[dreg:$0x10] =	wrdreg s24;
	s25 =	sshrl.u32 s23, $0x3;
	s23 =	sadd.s32 $0x78E00, s9  }
0x1e: {  	s11 =	sshrl.u32 s11, $0x3;
	s24 =	smax.u32 s12, $0x1;
	[dreg:$0x16] =	wrdreg s23  }
0x1f: {  	s16 =	simm.s32 $0x50;
	s11 =	sadd.s32 s0, s11;
	[dreg:$0x17] =	wrdreg s24  }
0x20: {  	s28 =	sadd.s32 s0, s25;
	[dreg:$0xb] =	wrdreg s11;
	s11 =	sshrl.u32 s26, $0x3  }
0x21: {  	s26 =	sshrl.u32 s20, $0x2;
	[dreg:$0x11] =	wrdreg s28;
	s11 =	sadd.s32 s0, s11  }
0x22: {  	s21 =	simm.s32 $0xB180;
	s30 =	sadd.s32 s26, s2;
	[dreg:$0xd] =	wrdreg s11  }
0x23: {  	s9 =	simm.s32 $0x5;
	s8 =	sadd.s32 $0x2800, s30;
	[dreg:$0x12] =	wrdreg s30  }
0x24: {  	s23 =	simm.s32 $0x3;
	s10 =	sadd.s32 $0x5000, s30;
	[dreg:$0x14] =	wrdreg s8  }
0x25: {  	s24 =	simm.s32 $0xB200;
	s25 =	sadd.s32 $0x7800, s30;
	[dreg:$0x15] =	wrdreg s10  }
0x26: {  	s20 =	simm.s32 $0x2;
	s26 =	sadd.s32 $0xA000, s30;
	[dreg:$0x18] =	wrdreg s25  }
0x27: {  	s11 =	sshrl.u32 s17, $0x3;
	s28 =	sadd.s32 $0xC800, s30;
	[dreg:$0x19] =	wrdreg s26  }
0x28: {  	s17 =	simm.s32 $0xB080;
	s22 =	sadd.s32 s0, s11;
	[dreg:$0x1a] =	wrdreg s28  }
0x29: {  	s0 =	sadd.s32 s0, s29;
	s11 =	smul.u32 $0x2710, s3;
	[dreg:$0xf] =	wrdreg s22  }
0x2a: {  	s29 =	sadd.s32 $0xF000, s30;
	s30 =	sadd.s32 $0x11800, s30;
	[dreg:$0x13] =	wrdreg s0  }
0x2b: {  	s3 =	simm.s32 $0x3000;
	s25 =	simm.s32 $0x1C00;
	[dreg:$0x1b] =	wrdreg s29  }
0x2c: {  	v1 =	vimm.f32 $0.0e+00;
	[dreg:$0x1c] =	wrdreg s30;
	s0 =	simm.s32 $0x1;
	s22 =	simm.s32 $0x4;
	v0 =	vmov s11  }
.LBB2_1:
0x2d: {  	s8 =	simm.s32 $0x40;
	s10 =	simm.s32 $0x0  }
.LBB2_2:
0x2e: {  	p0 =	sne.s32 s8, $0x9FC0;
	[tilespmem:s10+$0x3000] =	vst v1;
	s10 =	smov.u32 s8;
	s8 =	sadd.s32 $0x40, s8  }
.Ltmp0:
0x2f: {  	(pc) =	sbr.rel @p0 .LBB2_2-.Ltmp0, $2  }
0x30: {  	_ =	sdelay $0x2  }
0x31: {  	s10 =	sshra.s32 s10, $0x2  }
0x32: {  	[tilespmem:s10+$0x3000] =	vst v1;
	s10 =	simm.s32 $0x0;
	s11 =	simm.s32 $0x0  }
.LBB2_4:
0x33: {  	s8 =	sshll.u32 s11, $0xC  }
0x34: {  	s8 =	sadd.s32 s7, s8  }
0x35: {  	s8 =	sshrl.u32 s8, $0x3  }
0x36: {  	s12 =	sadd.s32 s6, s8  }
0x37: {  	[tilespmem:s10], [sflag:$0x1] =	stream.linear.gather [hbm4b:s12+s10], $0xC80, $0x38;
	[tilespmem:$0x1F280] =	vst v63  }
0x38: {  	s8 =	sadd.s32 s1, s8  }
0x39: {  	[tilespmem:s31], [sflag:$0x1] =	stream.linear.gather [hbm4b:s8+s10], $0xC80, $0x38;
	[tilespmem:$0x1F280] =	vst v63  }
0x3a: {  	_ =	swait.ge [sflag:s0], $0xC80  }
0x3b: {  	[sflag:s0] =	ssyncset.done $0x0  }
0x3c: {  	[sflag:s0] =	ssyncadd.s32 $0xFFFFF380  }
0x3d: {  	_ =	swait.ge [sflag:s0], $0xC80  }
0x3e: {  	[sflag:s0] =	ssyncset.done $0x0  }
0x3f: {  	s12 =	simm.s32 $0x0;
	[sflag:s0] =	ssyncadd.s32 $0xFFFFF380  }
.LBB2_5:
0x40: {  	s8 =	sshra.s32 s12, $0x2  }
0x41: {  	v2 =	vld [tilespmem:s8+$0x0];
	_ =	sdelay $0x2  }
0x42: {  	v3 =	vld [tilespmem:s8+$0x2000];
	_ =	sdelay $0x4  }
0x43: {  	[tilespmem:v2+s3+$0x0] =	vst.idx.add.f32.msk $0xffff, v3  }
0x44: {  	v2 =	vld [tilespmem:s8+$0x10];
	_ =	sdelay $0x2  }
0x45: {  	v3 =	vld [tilespmem:s8+$0x2010];
	_ =	sdelay $0x4  }
0x46: {  	[tilespmem:v2+s3+$0x0] =	vst.idx.add.f32.msk $0xffff, v3  }
0x47: {  	v2 =	vld [tilespmem:s8+$0x20];
	_ =	sdelay $0x2  }
0x48: {  	v3 =	vld [tilespmem:s8+$0x2020];
	_ =	sdelay $0x4  }
0x49: {  	[tilespmem:v2+s3+$0x0] =	vst.idx.add.f32.msk $0xffff, v3  }
0x4a: {  	v2 =	vld [tilespmem:s8+$0x30];
	_ =	sdelay $0x2  }
0x4b: {  	v3 =	vld [tilespmem:s8+$0x2030];
	_ =	sdelay $0x4  }
0x4c: {  	[tilespmem:v2+s3+$0x0] =	vst.idx.add.f32.msk $0xffff, v3  }
0x4d: {  	v2 =	vld [tilespmem:s8+$0x40];
	_ =	sdelay $0x2  }
0x4e: {  	p0 =	sne.s32 s12, $0x3000;
	v3 =	vld [tilespmem:s8+$0x2040]  }
.Ltmp1:
0x4f: {  	_ = 	snop;
	(pc) =	sbr.rel @p0 .LBB2_5-.Ltmp1, $2  }
0x50: {  	_ =	sdelay $0x2  }
0x51: {  	s12 =	sadd.s32 $0x200, s12;
	[tilespmem:v2+s3+$0x0] =	vst.idx.add.f32.msk $0xffff, v3  }
0x52: {  	s11 =	sadd.s32 $0x1, s11  }
0x53: {  	p0 =	sne.s32 s11, $0xA  }
.Ltmp2:
0x54: {  	_ = 	snop;
	(pc) =	sbr.rel @p0 .LBB2_4-.Ltmp2, $1  }
0x55: {  	_ =	sdelay $0x3  }
0x56: {  	[dreg:$0x6] =	wrdreg s19  }
0x57: {  	s4 =	rddreg [dreg:$0x7];
	s8 =	simm.s32 $0x80;
	s12 =	simm.s32 $0x400  }
0x58: {  	[hbm4b:s4+s8] =	stream.strided.scatter [tilespmem:s3], [sflag:$0x5], $0x2800, s12, s8, $0x38;
	[tilespmem:$0x1F280] =	vst v63  }
0x59: {  	_ =	swait.ge [sflag:s9], $0x2800  }
0x5a: {  	[sflag:s9] =	ssyncset.done $0x0  }
0x5b: {  	[sflag:s9] =	ssyncadd.s32 $0xFFFFD800  }
0x5c: {  	[bflag:$0x0] =	sbarrier.arrive $0xFFFF  }
0x5d: {  	s30 =	simm.s32 $0x14000;
	s10 =	simm.s32 $0x5800;
	s26 =	rddreg [dreg:$0x8]  }
0x5e: {  	[tilespmem:s10], [sflag:$0x5] =	stream.strided.gather [hbm4b:s26+s12], $0x800, s30, s12, $0x38;
	[tilespmem:$0x1F280] =	vst v63  }
0x5f: {  	_ =	swait.ge [sflag:s9], $0x800  }
0x60: {  	[sflag:s9] =	ssyncset.done $0x0  }
0x61: {  	s28 =	simm.s32 $0x0;
	[sflag:s9] =	ssyncadd.s32 $0xFFFFF800  }
0x62: {  	v2 =	vld [tilespmem:s28+$0x5800]  }
0x63: {  	v3 =	vld [tilespmem:s28+$0x5880];
	_ =	sdelay $0x1  }
0x64: {  	v4 =	vld [tilespmem:s28+$0x5900];
	_ =	sdelay $0x1  }
0x65: {  	v5 =	vld [tilespmem:s28+$0x5980]  }
0x66: {  	v2 =	vadd.f32 v3, v2  }
0x67: {  	v3 =	vld [tilespmem:s28+$0x5A00]  }
0x68: {  	v2 =	vadd.f32 v4, v2  }
0x69: {  	v4 =	vld [tilespmem:s28+$0x5A80]  }
0x6a: {  	v6 =	vld [tilespmem:s28+$0x5C00];
	v2 =	vadd.f32 v5, v2  }
0x6b: {  	s26 =	simm.s32 $0x10;
	v5 =	vld [tilespmem:s28+$0x5B00]  }
0x6c: {  	v7 =	vld [tilespmem:s26+$0x5800];
	v2 =	vadd.f32 v3, v2  }
0x6d: {  	v3 =	vld [tilespmem:s28+$0x5B80]  }
0x6e: {  	v8 =	vld [tilespmem:s28+$0x5F80];
	v2 =	vadd.f32 v4, v2  }
0x6f: {  	v9 =	vld [tilespmem:s28+$0x5D00]  }
0x70: {  	v4 =	vld [tilespmem:s26+$0x5880];
	v2 =	vadd.f32 v5, v2  }
0x71: {  	v5 =	vld [tilespmem:s28+$0x5C80]  }
0x72: {  	v10 =	vld [tilespmem:s28+$0x5D80];
	v2 =	vadd.f32 v3, v2  }
0x73: {  	v3 =	vld [tilespmem:s26+$0x5900]  }
0x74: {  	v11 =	vld [tilespmem:s28+$0x5E00];
	v2 =	vadd.f32 v6, v2  }
0x75: {  	s10 =	simm.s32 $0x30;
	v6 =	vld [tilespmem:s26+$0x5980]  }
0x76: {  	v16 =	vld [tilespmem:s10+$0x5980];
	v4 =	vadd.f32 v4, v7;
	v2 =	vadd.f32 v5, v2  }
0x77: {  	v5 =	vld [tilespmem:s26+$0x5A00]  }
0x78: {  	v7 =	vld [tilespmem:s28+$0x5E80];
	v3 =	vadd.f32 v3, v4;
	v2 =	vadd.f32 v9, v2  }
0x79: {  	v4 =	vld [tilespmem:s26+$0x5A80]  }
0x7a: {  	v9 =	vld [tilespmem:s28+$0x5F00];
	v3 =	vadd.f32 v6, v3;
	v2 =	vadd.f32 v10, v2  }
0x7b: {  	v6 =	vld [tilespmem:s26+$0x5B00]  }
0x7c: {  	v10 =	vld [tilespmem:s26+$0x5C00];
	v3 =	vadd.f32 v5, v3;
	v2 =	vadd.f32 v11, v2  }
0x7d: {  	s19 =	simm.s32 $0x20;
	v5 =	vld [tilespmem:s26+$0x5B80]  }
0x7e: {  	v11 =	vld [tilespmem:s19+$0x5800];
	v3 =	vadd.f32 v4, v3;
	v2 =	vadd.f32 v7, v2  }
0x7f: {  	v4 =	vld [tilespmem:s19+$0x5880]  }
0x80: {  	v7 =	vld [tilespmem:s26+$0x5F80];
	v3 =	vadd.f32 v6, v3;
	v2 =	vadd.f32 v9, v2  }
0x81: {  	v6 =	vld [tilespmem:s26+$0x5C80]  }
0x82: {  	v3 =	vadd.f32 v5, v3;
	v5 =	vld [tilespmem:s19+$0x5900];
	v2 =	vadd.f32 v8, v2  }
0x83: {  	v9 =	vld [tilespmem:s26+$0x5D00]  }
0x84: {  	v3 =	vadd.f32 v10, v3;
	v10 =	vld [tilespmem:s19+$0x5980];
	v14 =	vmul.f32 $5.000000000e-01, v2;
	v12 =	vshra.s32 v2, $0x1  }
0x85: {  	v8 =	vld [tilespmem:s26+$0x5D80];
	v4 =	vadd.f32 v4, v11;
	v12 =	vsub.s32 $0x5F3759DF, v12  }
0x86: {  	v3 =	vadd.f32 v6, v3;
	v6 =	vld [tilespmem:s19+$0x5A00];
	v13 =	vmul.f32 v12, v14  }
0x87: {  	v11 =	vld [tilespmem:s26+$0x5E00];
	v4 =	vadd.f32 v5, v4  }
0x88: {  	v3 =	vadd.f32 v9, v3;
	v9 =	vld [tilespmem:s19+$0x5A80];
	v13 =	vmul.f32 v12, v13  }
0x89: {  	v5 =	vld [tilespmem:s26+$0x5E80];
	v4 =	vadd.f32 v10, v4  }
0x8a: {  	v3 =	vadd.f32 v8, v3;
	v8 =	vld [tilespmem:s19+$0x5B00];
	v13 =	vsub.f32 $1.500000000e+00, v13  }
0x8b: {  	v10 =	vld [tilespmem:s26+$0x5F00];
	v4 =	vadd.f32 v6, v4  }
0x8c: {  	v3 =	vadd.f32 v11, v3;
	v11 =	vld [tilespmem:s19+$0x5B80];
	v12 =	vmul.f32 v12, v13  }
0x8d: {  	v6 =	vld [tilespmem:s19+$0x5C00];
	v4 =	vadd.f32 v9, v4  }
0x8e: {  	v13 =	vld [tilespmem:s10+$0x5800];
	v5 =	vadd.f32 v5, v3;
	v15 =	vmul.f32 v12, v14  }
0x8f: {  	v9 =	vld [tilespmem:s10+$0x5880];
	v4 =	vadd.f32 v8, v4  }
0x90: {  	v8 =	vld [tilespmem:s19+$0x5C80];
	v5 =	vadd.f32 v10, v5;
	v10 =	vmul.f32 v15, v12  }
0x91: {  	v11 =	vadd.f32 v11, v4;
	v15 =	vld [tilespmem:s19+$0x5D00]  }
0x92: {  	v4 =	vadd.f32 v7, v5;
	v7 =	vld [tilespmem:s10+$0x5900];
	v10 =	vsub.f32 $1.500000000e+00, v10  }
0x93: {  	v19 =	vld [tilespmem:s10+$0x5A80];
	v6 =	vadd.f32 v6, v11  }
0x94: {  	v11 =	vld [tilespmem:s19+$0x5D80];
	v5 =	vmul.f32 $5.000000000e-01, v4;
	v17 =	vshra.s32 v4, $0x1;
	v12 =	vmul.f32 v10, v12  }
0x95: {  	v9 =	vadd.f32 v9, v13;
	v13 =	vld [tilespmem:s10+$0x5A00];
	v6 =	vadd.f32 v8, v6;
	v10 =	vsub.s32 $0x5F3759DF, v17  }
0x96: {  	v8 =	vld [tilespmem:s19+$0x5E00];
	v17 =	vmul.f32 v10, v5;
	v18 =	vmul.f32 v12, v14  }
0x97: {  	v3 =	vld [tilespmem:s19+$0x5F80];
	v7 =	vadd.f32 v7, v9;
	v6 =	vadd.f32 v15, v6  }
0x98: {  	v15 =	vld [tilespmem:s19+$0x5E80];
	v9 =	vmul.f32 v10, v17;
	v17 =	vmul.f32 v18, v12  }
0x99: {  	v7 =	vadd.f32 v16, v7;
	v6 =	vadd.f32 v11, v6;
	v11 =	vld [tilespmem:s19+$0x5F00]  }
0x9a: {  	v16 =	vld [tilespmem:s10+$0x5B00];
	v18 =	vsub.f32 $1.500000000e+00, v9;
	v17 =	vsub.f32 $1.500000000e+00, v17  }
0x9b: {  	v9 =	vld [tilespmem:s10+$0x5B80];
	v20 =	vadd.f32 v13, v7;
	v6 =	vadd.f32 v8, v6  }
0x9c: {  	s29 =	simm.s32 $0x40;
	v7 =	vld [tilespmem:s10+$0x5C00];
	v10 =	vmul.f32 v10, v18;
	v12 =	vmul.f32 v17, v12  }
0x9d: {  	v13 =	vld [tilespmem:s29+$0x5800];
	v8 =	vadd.f32 v19, v20;
	v17 =	vadd.f32 v15, v6  }
0x9e: {  	v15 =	vld [tilespmem:s29+$0x5880];
	v18 =	vmul.f32 v10, v5;
	v19 =	vmul.f32 v12, v14  }
0x9f: {  	v6 =	vld [tilespmem:s10+$0x5F80];
	v14 =	vadd.f32 v16, v8;
	v8 =	vadd.f32 v11, v17  }
0xa0: {  	s11 =	simm.s32 $0x140;
	v11 =	vld [tilespmem:s10+$0x5C80];
	v16 =	vmul.f32 v18, v10;
	v17 =	vmul.f32 v19, v12  }
.LBB2_8:
0xa1: {  	p0 =	sne.s32 s11, $0x1C0;
	v9 =	vadd.f32 v9, v14;
	v14 =	vld [tilespmem:s10+$0x5D00];
	v8 =	vadd.f32 v3, v8  }
0xa2: {  	v18 =	vld [tilespmem:s29+$0x5900];
	v21 =	vsub.f32 $1.500000000e+00, v16;
	v16 =	vsub.f32 $1.500000000e+00, v17  }
0xa3: {  	v13 =	vadd.f32 v15, v13;
	v7 =	vadd.f32 v7, v9;
	v9 =	vld [tilespmem:s10+$0x5D80];
	v17 =	vmul.f32 $5.000000000e-01, v8  }
0xa4: {  	v19 =	vshra.s32 v8, $0x1;
	v15 =	vld [tilespmem:s29+$0x5980];
	v20 =	vmul.f32 v21, v10;
	v10 =	vmul.f32 v16, v12;
	v3 =	vmovc v6  }
0xa5: {  	vm0 =	vgt.f32 v2, $0.0e+00;
	v2 =	vmovc v4;
	v4 =	vmovc v8;
	v12 =	vsub.s32 $0x5F3759DF, v19;
	v6 =	vadd.f32 v11, v7;
	v11 =	vld [tilespmem:s10+$0x5E00]  }
0xa6: {  	v8 =	vmul.f32 v12, v17;
	v7 =	vld [tilespmem:s29+$0x5A00];
	v16 =	vmul.f32 v20, v5;
	v10 =	vnsel vm0, $0x0, v10  }
0xa7: {  	v13 =	vadd.f32 v18, v13;
	v6 =	vadd.f32 v14, v6;
	v14 =	vld [tilespmem:s10+$0x5E80];
	[tilespmem:s28+$0xB000] =	vst v10;
	s28 =	smov.u32 s26;
	s26 =	smov.u32 s19;
	s19 =	smov.u32 s10  }
0xa8: {  	v8 =	vmul.f32 v12, v8;
	s10 =	smov.u32 s29;
	v18 =	vld [tilespmem:s29+$0x5A80];
	v10 =	vmul.f32 v16, v20  }
0xa9: {  	v13 =	vadd.f32 v15, v13;
	v6 =	vadd.f32 v9, v6;
	v16 =	vld [tilespmem:s19+$0x5F00]  }
0xaa: {  	v8 =	vsub.f32 $1.500000000e+00, v8;
	v19 =	vld [tilespmem:s10+$0x5B00];
	v15 =	vsub.f32 $1.500000000e+00, v10  }
0xab: {  	v21 =	vadd.f32 v7, v13;
	v7 =	vld [tilespmem:s10+$0x5C00];
	v6 =	vadd.f32 v11, v6  }
.Ltmp3:
0xac: {  	s29 =	sshra.s32 s11, $0x2;
	v10 =	vmul.f32 v12, v8;
	v9 =	vld [tilespmem:s10+$0x5B80];
	v12 =	vmul.f32 v15, v20;
	(pc) =	sbr.rel @p0 .LBB2_8-.Ltmp3, $4  }
0xad: {  	v13 =	vld [tilespmem:s29+$0x5800];
	v8 =	vadd.f32 v18, v21;
	v11 =	vadd.f32 v14, v6  }
0xae: {  	v18 =	vmul.f32 v10, v17;
	v15 =	vld [tilespmem:s29+$0x5880];
	v20 =	vmul.f32 v12, v5;
	v5 =	vmov v17  }
0xaf: {  	v14 =	vadd.f32 v19, v8;
	v6 =	vld [tilespmem:s10+$0x5F80];
	v8 =	vadd.f32 v16, v11  }
0xb0: {  	s11 =	sadd.s32 $0x40, s11;
	v16 =	vmul.f32 v18, v10;
	v11 =	vld [tilespmem:s10+$0x5C80];
	v17 =	vmul.f32 v20, v12  }
0xb1: {  	v18 =	vld [tilespmem:s10+$0x5D00]  }
0xb2: {  	v19 =	vld [tilespmem:s29+$0x5900];
	v17 =	vsub.f32 $1.500000000e+00, v17  }
0xb3: {  	v20 =	vld [tilespmem:s10+$0x5D80]  }
0xb4: {  	v21 =	vld [tilespmem:s29+$0x5980];
	v16 =	vsub.f32 $1.500000000e+00, v16;
	v12 =	vmul.f32 v17, v12  }
0xb5: {  	vm0 =	vgt.f32 v2, $0.0e+00;
	v2 =	vld [tilespmem:s29+$0x5A00];
	v13 =	vadd.f32 v15, v13  }
0xb6: {  	v15 =	vld [tilespmem:s10+$0x5E80];
	v10 =	vmul.f32 v16, v10;
	v12 =	vnsel vm0, $0x0, v12  }
0xb7: {  	v17 =	vld [tilespmem:s10+$0x5E00];
	v13 =	vadd.f32 v19, v13;
	[tilespmem:s28+$0xB000] =	vst v12  }
0xb8: {  	v12 =	vmul.f32 v10, v5;
	v16 =	vld [tilespmem:s29+$0x5A80]  }
0xb9: {  	v13 =	vadd.f32 v21, v13  }
0xba: {  	v19 =	vld [tilespmem:s29+$0x5B00];
	v12 =	vmul.f32 v12, v10  }
0xbb: {  	v2 =	vadd.f32 v2, v13  }
0xbc: {  	v13 =	vld [tilespmem:s29+$0x5B80];
	v12 =	vsub.f32 $1.500000000e+00, v12  }
0xbd: {  	v2 =	vadd.f32 v16, v2  }
0xbe: {  	v9 =	vadd.f32 v9, v14;
	v10 =	vmul.f32 v12, v10;
	v12 =	vld [tilespmem:s29+$0x5C00]  }
0xbf: {  	v2 =	vadd.f32 v19, v2  }
0xc0: {  	v7 =	vadd.f32 v7, v9;
	v14 =	vld [tilespmem:s29+$0x5C80];
	v5 =	vmul.f32 v10, v5  }
0xc1: {  	v2 =	vadd.f32 v13, v2  }
0xc2: {  	v7 =	vadd.f32 v11, v7;
	v9 =	vld [tilespmem:s29+$0x5D00];
	v5 =	vmul.f32 v5, v10  }
0xc3: {  	v2 =	vadd.f32 v12, v2  }
0xc4: {  	v7 =	vadd.f32 v18, v7;
	v11 =	vld [tilespmem:s29+$0x5D80];
	v5 =	vsub.f32 $1.500000000e+00, v5  }
0xc5: {  	v2 =	vadd.f32 v14, v2  }
0xc6: {  	vm12 =	vgt.f32 v4, $0.0e+00;
	v4 =	vadd.f32 v20, v7;
	v5 =	vmul.f32 v5, v10;
	v10 =	vld [tilespmem:s29+$0x5E00]  }
0xc7: {  	v12 =	vld [tilespmem:s10+$0x5F00];
	v2 =	vadd.f32 v9, v2  }
0xc8: {  	v7 =	vld [tilespmem:s29+$0x5E80];
	v4 =	vadd.f32 v17, v4;
	v5 =	vnsel vm12, $0x0, v5  }
0xc9: {  	v13 =	vld [tilespmem:s29+$0x5F80];
	[tilespmem:s26+$0xB000] =	vst v5;
	v2 =	vadd.f32 v11, v2  }
0xca: {  	v4 =	vadd.f32 v15, v4;
	v5 =	vld [tilespmem:s29+$0x5F00]  }
0xcb: {  	v2 =	vadd.f32 v10, v2  }
0xcc: {  	v4 =	vadd.f32 v12, v4  }
0xcd: {  	v2 =	vadd.f32 v7, v2  }
0xce: {  	v4 =	vadd.f32 v6, v4  }
0xcf: {  	v3 =	vadd.f32 v3, v8;
	v2 =	vadd.f32 v5, v2  }
0xd0: {  	v9 =	vshra.s32 v4, $0x1  }
0xd1: {  	v7 =	vshra.s32 v3, $0x1;
	v5 =	vmul.f32 $5.000000000e-01, v3;
	v2 =	vadd.f32 v13, v2  }
0xd2: {  	v8 =	vmul.f32 $5.000000000e-01, v4;
	v9 =	vsub.s32 $0x5F3759DF, v9;
	v6 =	vsub.s32 $0x5F3759DF, v7  }
0xd3: {  	v7 =	vmul.f32 v6, v5;
	v10 =	vmul.f32 $5.000000000e-01, v2;
	v11 =	vshra.s32 v2, $0x1  }
0xd4: {  	v12 =	vmul.f32 v9, v8;
	v11 =	vsub.s32 $0x5F3759DF, v11  }
0xd5: {  	v7 =	vmul.f32 v6, v7;
	v13 =	vmul.f32 v11, v10  }
0xd6: {  	v12 =	vmul.f32 v9, v12  }
0xd7: {  	v7 =	vsub.f32 $1.500000000e+00, v7;
	v13 =	vmul.f32 v11, v13  }
0xd8: {  	v12 =	vsub.f32 $1.500000000e+00, v12  }
0xd9: {  	v6 =	vmul.f32 v6, v7;
	v7 =	vsub.f32 $1.500000000e+00, v13  }
0xda: {  	v9 =	vmul.f32 v9, v12  }
0xdb: {  	v12 =	vmul.f32 v6, v5;
	v7 =	vmul.f32 v11, v7  }
0xdc: {  	v11 =	vmul.f32 v9, v8  }
0xdd: {  	v12 =	vmul.f32 v12, v6;
	v13 =	vmul.f32 v7, v10  }
0xde: {  	v11 =	vmul.f32 v11, v9  }
0xdf: {  	v12 =	vsub.f32 $1.500000000e+00, v12;
	v13 =	vmul.f32 v13, v7  }
0xe0: {  	v11 =	vsub.f32 $1.500000000e+00, v11  }
0xe1: {  	v6 =	vmul.f32 v12, v6;
	v12 =	vsub.f32 $1.500000000e+00, v13  }
0xe2: {  	v9 =	vmul.f32 v11, v9  }
0xe3: {  	v11 =	vmul.f32 v6, v5;
	v7 =	vmul.f32 v12, v7  }
0xe4: {  	v12 =	vmul.f32 v9, v8  }
0xe5: {  	v11 =	vmul.f32 v11, v6;
	v13 =	vmul.f32 v7, v10  }
0xe6: {  	v12 =	vmul.f32 v12, v9  }
0xe7: {  	v11 =	vsub.f32 $1.500000000e+00, v11;
	v13 =	vmul.f32 v13, v7  }
0xe8: {  	v12 =	vsub.f32 $1.500000000e+00, v12  }
0xe9: {  	v6 =	vmul.f32 v11, v6;
	v11 =	vsub.f32 $1.500000000e+00, v13  }
0xea: {  	v9 =	vmul.f32 v12, v9  }
0xeb: {  	v5 =	vmul.f32 v6, v5;
	v7 =	vmul.f32 v11, v7  }
0xec: {  	v8 =	vmul.f32 v9, v8  }
0xed: {  	v5 =	vmul.f32 v5, v6;
	v10 =	vmul.f32 v7, v10  }
0xee: {  	v8 =	vmul.f32 v8, v9  }
0xef: {  	v5 =	vsub.f32 $1.500000000e+00, v5;
	v10 =	vmul.f32 v10, v7  }
0xf0: {  	v8 =	vsub.f32 $1.500000000e+00, v8  }
0xf1: {  	v5 =	vmul.f32 v5, v6;
	v6 =	vsub.f32 $1.500000000e+00, v10  }
0xf2: {  	vm13 =	vgt.f32 v3, $0.0e+00;
	v3 =	vmul.f32 v8, v9  }
0xf3: {  	vm14 =	vgt.f32 v4, $0.0e+00;
	v5 =	vnsel vm13, $0x0, v5;
	v4 =	vmul.f32 v6, v7  }
0xf4: {  	vm15 =	vgt.f32 v2, $0.0e+00;
	[tilespmem:s19+$0xB000] =	vst v5;
	v3 =	vnsel vm14, $0x0, v3  }
0xf5: {  	[tilespmem:s10+$0xB000] =	vst v3;
	v2 =	vnsel vm15, $0x0, v4  }
0xf6: {  	s8 =	simm.s32 $0x0;
	s4 =	rddreg [dreg:$0x9];
	s11 =	simm.s32 $0xB000;
	[tilespmem:s29+$0xB000] =	vst v2  }
0xf7: {  	[hbm4b:s4+s8] =	stream.linear.scatter [tilespmem:s11], [sflag:$0x5], $0x80, $0x38;
	[tilespmem:$0x1F280] =	vst v63  }
0xf8: {  	_ =	swait.ge [sflag:s9], $0x80  }
0xf9: {  	s30 =	simm.s32 $0x5800;
	[sflag:s9] =	ssyncset.done $0x0  }
0xfa: {  	s26 =	simm.s32 $0x14000;
	s19 =	rddreg [dreg:$0xa];
	[sflag:s9] =	ssyncadd.s32 $0xFFFFFF80  }
0xfb: {  	[tilespmem:s30], [sflag:$0x5] =	stream.strided.gather [hbm4b:s19+s12], $0x800, s26, s12, $0x38;
	[tilespmem:$0x1F280] =	vst v63  }
0xfc: {  	_ =	swait.ge [sflag:s9], $0x800  }
0xfd: {  	[sflag:s9] =	ssyncset.done $0x0  }
0xfe: {  	s28 =	simm.s32 $0x0;
	[sflag:s9] =	ssyncadd.s32 $0xFFFFF800  }
0xff: {  	v2 =	vld [tilespmem:s28+$0x5800]  }
0x100: {  	v3 =	vld [tilespmem:s28+$0x5880];
	_ =	sdelay $0x1  }
0x101: {  	v4 =	vld [tilespmem:s28+$0x5900];
	_ =	sdelay $0x1  }
0x102: {  	v5 =	vld [tilespmem:s28+$0x5980]  }
0x103: {  	v2 =	vadd.f32 v3, v2  }
0x104: {  	v3 =	vld [tilespmem:s28+$0x5A00]  }
0x105: {  	v2 =	vadd.f32 v4, v2  }
0x106: {  	v4 =	vld [tilespmem:s28+$0x5A80]  }
0x107: {  	v6 =	vld [tilespmem:s28+$0x5C00];
	v2 =	vadd.f32 v5, v2  }
0x108: {  	s26 =	simm.s32 $0x10;
	v5 =	vld [tilespmem:s28+$0x5B00]  }
0x109: {  	v7 =	vld [tilespmem:s26+$0x5800];
	v2 =	vadd.f32 v3, v2  }
0x10a: {  	v3 =	vld [tilespmem:s28+$0x5B80]  }
0x10b: {  	v8 =	vld [tilespmem:s28+$0x5F80];
	v2 =	vadd.f32 v4, v2  }
0x10c: {  	v9 =	vld [tilespmem:s28+$0x5D00]  }
0x10d: {  	v4 =	vld [tilespmem:s26+$0x5880];
	v2 =	vadd.f32 v5, v2  }
0x10e: {  	v5 =	vld [tilespmem:s28+$0x5C80]  }
0x10f: {  	v10 =	vld [tilespmem:s28+$0x5D80];
	v2 =	vadd.f32 v3, v2  }
0x110: {  	v3 =	vld [tilespmem:s26+$0x5900]  }
0x111: {  	v11 =	vld [tilespmem:s28+$0x5E00];
	v2 =	vadd.f32 v6, v2  }
0x112: {  	s10 =	simm.s32 $0x30;
	v6 =	vld [tilespmem:s26+$0x5980]  }
0x113: {  	v16 =	vld [tilespmem:s10+$0x5980];
	v4 =	vadd.f32 v4, v7;
	v2 =	vadd.f32 v5, v2  }
0x114: {  	v5 =	vld [tilespmem:s26+$0x5A00]  }
0x115: {  	v7 =	vld [tilespmem:s28+$0x5E80];
	v3 =	vadd.f32 v3, v4;
	v2 =	vadd.f32 v9, v2  }
0x116: {  	v4 =	vld [tilespmem:s26+$0x5A80]  }
0x117: {  	v9 =	vld [tilespmem:s28+$0x5F00];
	v3 =	vadd.f32 v6, v3;
	v2 =	vadd.f32 v10, v2  }
0x118: {  	v6 =	vld [tilespmem:s26+$0x5B00]  }
0x119: {  	v10 =	vld [tilespmem:s26+$0x5C00];
	v3 =	vadd.f32 v5, v3;
	v2 =	vadd.f32 v11, v2  }
0x11a: {  	s19 =	simm.s32 $0x20;
	v5 =	vld [tilespmem:s26+$0x5B80]  }
0x11b: {  	v11 =	vld [tilespmem:s19+$0x5800];
	v3 =	vadd.f32 v4, v3;
	v2 =	vadd.f32 v7, v2  }
0x11c: {  	v4 =	vld [tilespmem:s19+$0x5880]  }
0x11d: {  	v7 =	vld [tilespmem:s26+$0x5F80];
	v3 =	vadd.f32 v6, v3;
	v2 =	vadd.f32 v9, v2  }
0x11e: {  	v6 =	vld [tilespmem:s26+$0x5C80]  }
0x11f: {  	v3 =	vadd.f32 v5, v3;
	v5 =	vld [tilespmem:s19+$0x5900];
	v2 =	vadd.f32 v8, v2  }
0x120: {  	v9 =	vld [tilespmem:s26+$0x5D00]  }
0x121: {  	v3 =	vadd.f32 v10, v3;
	v10 =	vld [tilespmem:s19+$0x5980];
	v14 =	vmul.f32 $5.000000000e-01, v2;
	v12 =	vshra.s32 v2, $0x1  }
0x122: {  	v8 =	vld [tilespmem:s26+$0x5D80];
	v4 =	vadd.f32 v4, v11;
	v12 =	vsub.s32 $0x5F3759DF, v12  }
0x123: {  	v3 =	vadd.f32 v6, v3;
	v6 =	vld [tilespmem:s19+$0x5A00];
	v13 =	vmul.f32 v12, v14  }
0x124: {  	v11 =	vld [tilespmem:s26+$0x5E00];
	v4 =	vadd.f32 v5, v4  }
0x125: {  	v3 =	vadd.f32 v9, v3;
	v9 =	vld [tilespmem:s19+$0x5A80];
	v13 =	vmul.f32 v12, v13  }
0x126: {  	v5 =	vld [tilespmem:s26+$0x5E80];
	v4 =	vadd.f32 v10, v4  }
0x127: {  	v3 =	vadd.f32 v8, v3;
	v8 =	vld [tilespmem:s19+$0x5B00];
	v13 =	vsub.f32 $1.500000000e+00, v13  }
0x128: {  	v10 =	vld [tilespmem:s26+$0x5F00];
	v4 =	vadd.f32 v6, v4  }
0x129: {  	v3 =	vadd.f32 v11, v3;
	v11 =	vld [tilespmem:s19+$0x5B80];
	v12 =	vmul.f32 v12, v13  }
0x12a: {  	v6 =	vld [tilespmem:s19+$0x5C00];
	v4 =	vadd.f32 v9, v4  }
0x12b: {  	v13 =	vld [tilespmem:s10+$0x5800];
	v5 =	vadd.f32 v5, v3;
	v15 =	vmul.f32 v12, v14  }
0x12c: {  	v9 =	vld [tilespmem:s10+$0x5880];
	v4 =	vadd.f32 v8, v4  }
0x12d: {  	v8 =	vld [tilespmem:s19+$0x5C80];
	v5 =	vadd.f32 v10, v5;
	v10 =	vmul.f32 v15, v12  }
0x12e: {  	v11 =	vadd.f32 v11, v4;
	v15 =	vld [tilespmem:s19+$0x5D00]  }
0x12f: {  	v4 =	vadd.f32 v7, v5;
	v7 =	vld [tilespmem:s10+$0x5900];
	v10 =	vsub.f32 $1.500000000e+00, v10  }
0x130: {  	v19 =	vld [tilespmem:s10+$0x5A80];
	v6 =	vadd.f32 v6, v11  }
0x131: {  	v11 =	vld [tilespmem:s19+$0x5D80];
	v5 =	vmul.f32 $5.000000000e-01, v4;
	v17 =	vshra.s32 v4, $0x1;
	v12 =	vmul.f32 v10, v12  }
0x132: {  	v9 =	vadd.f32 v9, v13;
	v13 =	vld [tilespmem:s10+$0x5A00];
	v6 =	vadd.f32 v8, v6;
	v10 =	vsub.s32 $0x5F3759DF, v17  }
0x133: {  	v8 =	vld [tilespmem:s19+$0x5E00];
	v17 =	vmul.f32 v10, v5;
	v18 =	vmul.f32 v12, v14  }
0x134: {  	v3 =	vld [tilespmem:s19+$0x5F80];
	v7 =	vadd.f32 v7, v9;
	v6 =	vadd.f32 v15, v6  }
0x135: {  	v15 =	vld [tilespmem:s19+$0x5E80];
	v9 =	vmul.f32 v10, v17;
	v17 =	vmul.f32 v18, v12  }
0x136: {  	v7 =	vadd.f32 v16, v7;
	v6 =	vadd.f32 v11, v6;
	v11 =	vld [tilespmem:s19+$0x5F00]  }
0x137: {  	v16 =	vld [tilespmem:s10+$0x5B00];
	v18 =	vsub.f32 $1.500000000e+00, v9;
	v17 =	vsub.f32 $1.500000000e+00, v17  }
0x138: {  	v9 =	vld [tilespmem:s10+$0x5B80];
	v63 =	vadd.f32 v13, v7;
	v6 =	vadd.f32 v8, v6  }
0x139: {  	s29 =	simm.s32 $0x40;
	v7 =	vld [tilespmem:s10+$0x5C00];
	v10 =	vmul.f32 v10, v18;
	v12 =	vmul.f32 v17, v12  }
0x13a: {  	v13 =	vld [tilespmem:s29+$0x5800];
	v8 =	vadd.f32 v19, v63;
	v17 =	vadd.f32 v15, v6  }
0x13b: {  	v15 =	vld [tilespmem:s29+$0x5880];
	v18 =	vmul.f32 v10, v5;
	v19 =	vmul.f32 v12, v14  }
0x13c: {  	v6 =	vld [tilespmem:s10+$0x5F80];
	v14 =	vadd.f32 v16, v8;
	v8 =	vadd.f32 v11, v17  }
0x13d: {  	s11 =	simm.s32 $0x140;
	v11 =	vld [tilespmem:s10+$0x5C80];
	v16 =	vmul.f32 v18, v10;
	v17 =	vmul.f32 v19, v12  }
.LBB2_10:
0x13e: {  	p0 =	sne.s32 s11, $0x1C0;
	v9 =	vadd.f32 v9, v14;
	v14 =	vld [tilespmem:s10+$0x5D00];
	v8 =	vadd.f32 v3, v8  }
0x13f: {  	v18 =	vld [tilespmem:s29+$0x5900];
	v21 =	vsub.f32 $1.500000000e+00, v16;
	v16 =	vsub.f32 $1.500000000e+00, v17  }
0x140: {  	v13 =	vadd.f32 v15, v13;
	v7 =	vadd.f32 v7, v9;
	v9 =	vld [tilespmem:s10+$0x5D80];
	v17 =	vmul.f32 $5.000000000e-01, v8  }
0x141: {  	v19 =	vshra.s32 v8, $0x1;
	v15 =	vld [tilespmem:s29+$0x5980];
	v20 =	vmul.f32 v21, v10;
	v10 =	vmul.f32 v16, v12;
	v3 =	vmovc v6  }
0x142: {  	vm0 =	vgt.f32 v2, $0.0e+00;
	v2 =	vmovc v4;
	v4 =	vmovc v8;
	v12 =	vsub.s32 $0x5F3759DF, v19;
	v6 =	vadd.f32 v11, v7;
	v11 =	vld [tilespmem:s10+$0x5E00]  }
0x143: {  	v8 =	vmul.f32 v12, v17;
	v7 =	vld [tilespmem:s29+$0x5A00];
	v16 =	vmul.f32 v20, v5;
	v10 =	vnsel vm0, $0x0, v10  }
0x144: {  	v13 =	vadd.f32 v18, v13;
	v6 =	vadd.f32 v14, v6;
	v14 =	vld [tilespmem:s10+$0x5E80];
	[tilespmem:s28+$0xB000] =	vst v10;
	s28 =	smov.u32 s26;
	s26 =	smov.u32 s19;
	s19 =	smov.u32 s10  }
0x145: {  	v8 =	vmul.f32 v12, v8;
	s10 =	smov.u32 s29;
	v18 =	vld [tilespmem:s29+$0x5A80];
	v10 =	vmul.f32 v16, v20  }
0x146: {  	v13 =	vadd.f32 v15, v13;
	v6 =	vadd.f32 v9, v6;
	v16 =	vld [tilespmem:s19+$0x5F00]  }
0x147: {  	v8 =	vsub.f32 $1.500000000e+00, v8;
	v19 =	vld [tilespmem:s10+$0x5B00];
	v15 =	vsub.f32 $1.500000000e+00, v10  }
0x148: {  	v21 =	vadd.f32 v7, v13;
	v7 =	vld [tilespmem:s10+$0x5C00];
	v6 =	vadd.f32 v11, v6  }
.Ltmp4:
0x149: {  	s29 =	sshra.s32 s11, $0x2;
	v10 =	vmul.f32 v12, v8;
	v9 =	vld [tilespmem:s10+$0x5B80];
	v12 =	vmul.f32 v15, v20;
	(pc) =	sbr.rel @p0 .LBB2_10-.Ltmp4, $4  }
0x14a: {  	v13 =	vld [tilespmem:s29+$0x5800];
	v8 =	vadd.f32 v18, v21;
	v11 =	vadd.f32 v14, v6  }
0x14b: {  	v18 =	vmul.f32 v10, v17;
	v15 =	vld [tilespmem:s29+$0x5880];
	v20 =	vmul.f32 v12, v5;
	v5 =	vmov v17  }
0x14c: {  	v14 =	vadd.f32 v19, v8;
	v6 =	vld [tilespmem:s10+$0x5F80];
	v8 =	vadd.f32 v16, v11  }
0x14d: {  	s11 =	sadd.s32 $0x40, s11;
	v16 =	vmul.f32 v18, v10;
	v11 =	vld [tilespmem:s10+$0x5C80];
	v17 =	vmul.f32 v20, v12  }
0x14e: {  	v18 =	vld [tilespmem:s10+$0x5D00]  }
0x14f: {  	v19 =	vld [tilespmem:s29+$0x5900];
	v17 =	vsub.f32 $1.500000000e+00, v17  }
0x150: {  	v20 =	vld [tilespmem:s10+$0x5D80]  }
0x151: {  	v21 =	vld [tilespmem:s29+$0x5980];
	v16 =	vsub.f32 $1.500000000e+00, v16;
	v12 =	vmul.f32 v17, v12  }
0x152: {  	vm0 =	vgt.f32 v2, $0.0e+00;
	v2 =	vld [tilespmem:s29+$0x5A00];
	v13 =	vadd.f32 v15, v13  }
0x153: {  	v15 =	vld [tilespmem:s10+$0x5E80];
	v10 =	vmul.f32 v16, v10;
	v12 =	vnsel vm0, $0x0, v12  }
0x154: {  	v17 =	vld [tilespmem:s10+$0x5E00];
	v13 =	vadd.f32 v19, v13;
	[tilespmem:s28+$0xB000] =	vst v12  }
0x155: {  	v12 =	vmul.f32 v10, v5;
	v16 =	vld [tilespmem:s29+$0x5A80]  }
0x156: {  	v13 =	vadd.f32 v21, v13  }
0x157: {  	v19 =	vld [tilespmem:s29+$0x5B00];
	v12 =	vmul.f32 v12, v10  }
0x158: {  	v2 =	vadd.f32 v2, v13  }
0x159: {  	v13 =	vld [tilespmem:s29+$0x5B80];
	v12 =	vsub.f32 $1.500000000e+00, v12  }
0x15a: {  	v2 =	vadd.f32 v16, v2  }
0x15b: {  	v9 =	vadd.f32 v9, v14;
	v10 =	vmul.f32 v12, v10;
	v12 =	vld [tilespmem:s29+$0x5C00]  }
0x15c: {  	v2 =	vadd.f32 v19, v2  }
0x15d: {  	v7 =	vadd.f32 v7, v9;
	v14 =	vld [tilespmem:s29+$0x5C80];
	v5 =	vmul.f32 v10, v5  }
0x15e: {  	v2 =	vadd.f32 v13, v2  }
0x15f: {  	v7 =	vadd.f32 v11, v7;
	v9 =	vld [tilespmem:s29+$0x5D00];
	v5 =	vmul.f32 v5, v10  }
0x160: {  	v2 =	vadd.f32 v12, v2  }
0x161: {  	v7 =	vadd.f32 v18, v7;
	v11 =	vld [tilespmem:s29+$0x5D80];
	v5 =	vsub.f32 $1.500000000e+00, v5  }
0x162: {  	v2 =	vadd.f32 v14, v2  }
0x163: {  	vm12 =	vgt.f32 v4, $0.0e+00;
	v4 =	vadd.f32 v20, v7;
	v5 =	vmul.f32 v5, v10;
	v10 =	vld [tilespmem:s29+$0x5E00]  }
0x164: {  	v12 =	vld [tilespmem:s10+$0x5F00];
	v2 =	vadd.f32 v9, v2  }
0x165: {  	v7 =	vld [tilespmem:s29+$0x5E80];
	v4 =	vadd.f32 v17, v4;
	v5 =	vnsel vm12, $0x0, v5  }
0x166: {  	v13 =	vld [tilespmem:s29+$0x5F80];
	[tilespmem:s26+$0xB000] =	vst v5;
	v2 =	vadd.f32 v11, v2  }
0x167: {  	v4 =	vadd.f32 v15, v4;
	v5 =	vld [tilespmem:s29+$0x5F00]  }
0x168: {  	v2 =	vadd.f32 v10, v2  }
0x169: {  	v4 =	vadd.f32 v12, v4  }
0x16a: {  	v2 =	vadd.f32 v7, v2  }
0x16b: {  	v4 =	vadd.f32 v6, v4  }
0x16c: {  	v3 =	vadd.f32 v3, v8;
	v2 =	vadd.f32 v5, v2  }
0x16d: {  	v9 =	vshra.s32 v4, $0x1  }
0x16e: {  	v7 =	vshra.s32 v3, $0x1;
	v5 =	vmul.f32 $5.000000000e-01, v3;
	v2 =	vadd.f32 v13, v2  }
0x16f: {  	v8 =	vmul.f32 $5.000000000e-01, v4;
	v9 =	vsub.s32 $0x5F3759DF, v9;
	v6 =	vsub.s32 $0x5F3759DF, v7  }
0x170: {  	v7 =	vmul.f32 v6, v5;
	v10 =	vmul.f32 $5.000000000e-01, v2;
	v11 =	vshra.s32 v2, $0x1  }
0x171: {  	v12 =	vmul.f32 v9, v8;
	v11 =	vsub.s32 $0x5F3759DF, v11  }
0x172: {  	v7 =	vmul.f32 v6, v7;
	v13 =	vmul.f32 v11, v10  }
0x173: {  	v12 =	vmul.f32 v9, v12  }
0x174: {  	v7 =	vsub.f32 $1.500000000e+00, v7;
	v13 =	vmul.f32 v11, v13  }
0x175: {  	v12 =	vsub.f32 $1.500000000e+00, v12  }
0x176: {  	v6 =	vmul.f32 v6, v7;
	v7 =	vsub.f32 $1.500000000e+00, v13  }
0x177: {  	v9 =	vmul.f32 v9, v12  }
0x178: {  	v12 =	vmul.f32 v6, v5;
	v7 =	vmul.f32 v11, v7  }
0x179: {  	v11 =	vmul.f32 v9, v8  }
0x17a: {  	v12 =	vmul.f32 v12, v6;
	v13 =	vmul.f32 v7, v10  }
0x17b: {  	v11 =	vmul.f32 v11, v9  }
0x17c: {  	v12 =	vsub.f32 $1.500000000e+00, v12;
	v13 =	vmul.f32 v13, v7  }
0x17d: {  	v11 =	vsub.f32 $1.500000000e+00, v11  }
0x17e: {  	v6 =	vmul.f32 v12, v6;
	v12 =	vsub.f32 $1.500000000e+00, v13  }
0x17f: {  	v9 =	vmul.f32 v11, v9  }
0x180: {  	v11 =	vmul.f32 v6, v5;
	v7 =	vmul.f32 v12, v7  }
0x181: {  	v12 =	vmul.f32 v9, v8  }
0x182: {  	v11 =	vmul.f32 v11, v6;
	v13 =	vmul.f32 v7, v10  }
0x183: {  	v12 =	vmul.f32 v12, v9  }
0x184: {  	v11 =	vsub.f32 $1.500000000e+00, v11;
	v13 =	vmul.f32 v13, v7  }
0x185: {  	v12 =	vsub.f32 $1.500000000e+00, v12  }
0x186: {  	v6 =	vmul.f32 v11, v6;
	v11 =	vsub.f32 $1.500000000e+00, v13  }
0x187: {  	v9 =	vmul.f32 v12, v9  }
0x188: {  	v5 =	vmul.f32 v6, v5;
	v7 =	vmul.f32 v11, v7  }
0x189: {  	v8 =	vmul.f32 v9, v8  }
0x18a: {  	v5 =	vmul.f32 v5, v6;
	v10 =	vmul.f32 v7, v10  }
0x18b: {  	v8 =	vmul.f32 v8, v9  }
0x18c: {  	v5 =	vsub.f32 $1.500000000e+00, v5;
	v10 =	vmul.f32 v10, v7  }
0x18d: {  	v8 =	vsub.f32 $1.500000000e+00, v8  }
0x18e: {  	v5 =	vmul.f32 v5, v6;
	v6 =	vsub.f32 $1.500000000e+00, v10  }
0x18f: {  	vm13 =	vgt.f32 v3, $0.0e+00;
	v3 =	vmul.f32 v8, v9  }
0x190: {  	vm14 =	vgt.f32 v4, $0.0e+00;
	v5 =	vnsel vm13, $0x0, v5;
	v4 =	vmul.f32 v6, v7  }
0x191: {  	vm15 =	vgt.f32 v2, $0.0e+00;
	[tilespmem:s19+$0xB000] =	vst v5;
	v3 =	vnsel vm14, $0x0, v3  }
0x192: {  	[tilespmem:s10+$0xB000] =	vst v3;
	v2 =	vnsel vm15, $0x0, v4  }
0x193: {  	s8 =	simm.s32 $0x0;
	s4 =	rddreg [dreg:$0xb];
	s11 =	simm.s32 $0xB000;
	[tilespmem:s29+$0xB000] =	vst v2  }
0x194: {  	[hbm4b:s4+s8] =	stream.linear.scatter [tilespmem:s11], [sflag:$0x5], $0x80, $0x38;
	[tilespmem:$0x1F280] =	vst v63  }
0x195: {  	_ =	swait.ge [sflag:s9], $0x80  }
0x196: {  	s30 =	simm.s32 $0x5800;
	[sflag:s9] =	ssyncset.done $0x0  }
0x197: {  	s26 =	simm.s32 $0x14000;
	s19 =	rddreg [dreg:$0xc];
	[sflag:s9] =	ssyncadd.s32 $0xFFFFFF80  }
0x198: {  	[tilespmem:s30], [sflag:$0x5] =	stream.strided.gather [hbm4b:s19+s12], $0x800, s26, s12, $0x38;
	[tilespmem:$0x1F280] =	vst v63  }
0x199: {  	_ =	swait.ge [sflag:s9], $0x800  }
0x19a: {  	[sflag:s9] =	ssyncset.done $0x0  }
0x19b: {  	s28 =	simm.s32 $0x0;
	[sflag:s9] =	ssyncadd.s32 $0xFFFFF800  }
0x19c: {  	v2 =	vld [tilespmem:s28+$0x5800]  }
0x19d: {  	v3 =	vld [tilespmem:s28+$0x5880];
	_ =	sdelay $0x1  }
0x19e: {  	v4 =	vld [tilespmem:s28+$0x5900];
	_ =	sdelay $0x1  }
0x19f: {  	v5 =	vld [tilespmem:s28+$0x5980]  }
0x1a0: {  	v2 =	vadd.f32 v3, v2  }
0x1a1: {  	v3 =	vld [tilespmem:s28+$0x5A00]  }
0x1a2: {  	v2 =	vadd.f32 v4, v2  }
0x1a3: {  	v4 =	vld [tilespmem:s28+$0x5A80]  }
0x1a4: {  	v6 =	vld [tilespmem:s28+$0x5C00];
	v2 =	vadd.f32 v5, v2  }
0x1a5: {  	s26 =	simm.s32 $0x10;
	v5 =	vld [tilespmem:s28+$0x5B00]  }
0x1a6: {  	v7 =	vld [tilespmem:s26+$0x5800];
	v2 =	vadd.f32 v3, v2  }
0x1a7: {  	v3 =	vld [tilespmem:s28+$0x5B80]  }
0x1a8: {  	v8 =	vld [tilespmem:s28+$0x5F80];
	v2 =	vadd.f32 v4, v2  }
0x1a9: {  	v9 =	vld [tilespmem:s28+$0x5D00]  }
0x1aa: {  	v4 =	vld [tilespmem:s26+$0x5880];
	v2 =	vadd.f32 v5, v2  }
0x1ab: {  	v5 =	vld [tilespmem:s28+$0x5C80]  }
0x1ac: {  	v10 =	vld [tilespmem:s28+$0x5D80];
	v2 =	vadd.f32 v3, v2  }
0x1ad: {  	v3 =	vld [tilespmem:s26+$0x5900]  }
0x1ae: {  	v11 =	vld [tilespmem:s28+$0x5E00];
	v2 =	vadd.f32 v6, v2  }
0x1af: {  	s10 =	simm.s32 $0x30;
	v6 =	vld [tilespmem:s26+$0x5980]  }
0x1b0: {  	v16 =	vld [tilespmem:s10+$0x5980];
	v4 =	vadd.f32 v4, v7;
	v2 =	vadd.f32 v5, v2  }
0x1b1: {  	v5 =	vld [tilespmem:s26+$0x5A00]  }
0x1b2: {  	v7 =	vld [tilespmem:s28+$0x5E80];
	v3 =	vadd.f32 v3, v4;
	v2 =	vadd.f32 v9, v2  }
0x1b3: {  	v4 =	vld [tilespmem:s26+$0x5A80]  }
0x1b4: {  	v9 =	vld [tilespmem:s28+$0x5F00];
	v3 =	vadd.f32 v6, v3;
	v2 =	vadd.f32 v10, v2  }
0x1b5: {  	v6 =	vld [tilespmem:s26+$0x5B00]  }
0x1b6: {  	v10 =	vld [tilespmem:s26+$0x5C00];
	v3 =	vadd.f32 v5, v3;
	v2 =	vadd.f32 v11, v2  }
0x1b7: {  	s19 =	simm.s32 $0x20;
	v5 =	vld [tilespmem:s26+$0x5B80]  }
0x1b8: {  	v11 =	vld [tilespmem:s19+$0x5800];
	v3 =	vadd.f32 v4, v3;
	v2 =	vadd.f32 v7, v2  }
0x1b9: {  	v4 =	vld [tilespmem:s19+$0x5880]  }
0x1ba: {  	v7 =	vld [tilespmem:s26+$0x5F80];
	v3 =	vadd.f32 v6, v3;
	v2 =	vadd.f32 v9, v2  }
0x1bb: {  	v6 =	vld [tilespmem:s26+$0x5C80]  }
0x1bc: {  	v3 =	vadd.f32 v5, v3;
	v5 =	vld [tilespmem:s19+$0x5900];
	v2 =	vadd.f32 v8, v2  }
0x1bd: {  	v9 =	vld [tilespmem:s26+$0x5D00]  }
0x1be: {  	v3 =	vadd.f32 v10, v3;
	v10 =	vld [tilespmem:s19+$0x5980];
	v14 =	vmul.f32 $5.000000000e-01, v2;
	v12 =	vshra.s32 v2, $0x1  }
0x1bf: {  	v8 =	vld [tilespmem:s26+$0x5D80];
	v4 =	vadd.f32 v4, v11;
	v12 =	vsub.s32 $0x5F3759DF, v12  }
0x1c0: {  	v3 =	vadd.f32 v6, v3;
	v6 =	vld [tilespmem:s19+$0x5A00];
	v13 =	vmul.f32 v12, v14  }
0x1c1: {  	v11 =	vld [tilespmem:s26+$0x5E00];
	v4 =	vadd.f32 v5, v4  }
0x1c2: {  	v3 =	vadd.f32 v9, v3;
	v9 =	vld [tilespmem:s19+$0x5A80];
	v13 =	vmul.f32 v12, v13  }
0x1c3: {  	v5 =	vld [tilespmem:s26+$0x5E80];
	v4 =	vadd.f32 v10, v4  }
0x1c4: {  	v3 =	vadd.f32 v8, v3;
	v8 =	vld [tilespmem:s19+$0x5B00];
	v13 =	vsub.f32 $1.500000000e+00, v13  }
0x1c5: {  	v10 =	vld [tilespmem:s26+$0x5F00];
	v4 =	vadd.f32 v6, v4  }
0x1c6: {  	v3 =	vadd.f32 v11, v3;
	v11 =	vld [tilespmem:s19+$0x5B80];
	v12 =	vmul.f32 v12, v13  }
0x1c7: {  	v6 =	vld [tilespmem:s19+$0x5C00];
	v4 =	vadd.f32 v9, v4  }
0x1c8: {  	v13 =	vld [tilespmem:s10+$0x5800];
	v5 =	vadd.f32 v5, v3;
	v15 =	vmul.f32 v12, v14  }
0x1c9: {  	v9 =	vld [tilespmem:s10+$0x5880];
	v4 =	vadd.f32 v8, v4  }
0x1ca: {  	v8 =	vld [tilespmem:s19+$0x5C80];
	v5 =	vadd.f32 v10, v5;
	v10 =	vmul.f32 v15, v12  }
0x1cb: {  	v11 =	vadd.f32 v11, v4;
	v15 =	vld [tilespmem:s19+$0x5D00]  }
0x1cc: {  	v4 =	vadd.f32 v7, v5;
	v7 =	vld [tilespmem:s10+$0x5900];
	v10 =	vsub.f32 $1.500000000e+00, v10  }
0x1cd: {  	v19 =	vld [tilespmem:s10+$0x5A80];
	v6 =	vadd.f32 v6, v11  }
0x1ce: {  	v11 =	vld [tilespmem:s19+$0x5D80];
	v5 =	vmul.f32 $5.000000000e-01, v4;
	v17 =	vshra.s32 v4, $0x1;
	v12 =	vmul.f32 v10, v12  }
0x1cf: {  	v9 =	vadd.f32 v9, v13;
	v13 =	vld [tilespmem:s10+$0x5A00];
	v6 =	vadd.f32 v8, v6;
	v10 =	vsub.s32 $0x5F3759DF, v17  }
0x1d0: {  	v8 =	vld [tilespmem:s19+$0x5E00];
	v17 =	vmul.f32 v10, v5;
	v18 =	vmul.f32 v12, v14  }
0x1d1: {  	v3 =	vld [tilespmem:s19+$0x5F80];
	v7 =	vadd.f32 v7, v9;
	v6 =	vadd.f32 v15, v6  }
0x1d2: {  	v15 =	vld [tilespmem:s19+$0x5E80];
	v9 =	vmul.f32 v10, v17;
	v17 =	vmul.f32 v18, v12  }
0x1d3: {  	v7 =	vadd.f32 v16, v7;
	v6 =	vadd.f32 v11, v6;
	v11 =	vld [tilespmem:s19+$0x5F00]  }
0x1d4: {  	v16 =	vld [tilespmem:s10+$0x5B00];
	v18 =	vsub.f32 $1.500000000e+00, v9;
	v17 =	vsub.f32 $1.500000000e+00, v17  }
0x1d5: {  	v9 =	vld [tilespmem:s10+$0x5B80];
	v63 =	vadd.f32 v13, v7;
	v6 =	vadd.f32 v8, v6  }
0x1d6: {  	s29 =	simm.s32 $0x40;
	v7 =	vld [tilespmem:s10+$0x5C00];
	v10 =	vmul.f32 v10, v18;
	v12 =	vmul.f32 v17, v12  }
0x1d7: {  	v13 =	vld [tilespmem:s29+$0x5800];
	v8 =	vadd.f32 v19, v63;
	v17 =	vadd.f32 v15, v6  }
0x1d8: {  	v15 =	vld [tilespmem:s29+$0x5880];
	v18 =	vmul.f32 v10, v5;
	v19 =	vmul.f32 v12, v14  }
0x1d9: {  	v6 =	vld [tilespmem:s10+$0x5F80];
	v14 =	vadd.f32 v16, v8;
	v8 =	vadd.f32 v11, v17  }
0x1da: {  	s11 =	simm.s32 $0x140;
	v11 =	vld [tilespmem:s10+$0x5C80];
	v16 =	vmul.f32 v18, v10;
	v17 =	vmul.f32 v19, v12  }
.LBB2_12:
0x1db: {  	p0 =	sne.s32 s11, $0x1C0;
	v9 =	vadd.f32 v9, v14;
	v14 =	vld [tilespmem:s10+$0x5D00];
	v8 =	vadd.f32 v3, v8  }
0x1dc: {  	v18 =	vld [tilespmem:s29+$0x5900];
	v21 =	vsub.f32 $1.500000000e+00, v16;
	v16 =	vsub.f32 $1.500000000e+00, v17  }
0x1dd: {  	v13 =	vadd.f32 v15, v13;
	v7 =	vadd.f32 v7, v9;
	v9 =	vld [tilespmem:s10+$0x5D80];
	v17 =	vmul.f32 $5.000000000e-01, v8  }
0x1de: {  	v19 =	vshra.s32 v8, $0x1;
	v15 =	vld [tilespmem:s29+$0x5980];
	v20 =	vmul.f32 v21, v10;
	v10 =	vmul.f32 v16, v12;
	v3 =	vmovc v6  }
0x1df: {  	vm0 =	vgt.f32 v2, $0.0e+00;
	v2 =	vmovc v4;
	v4 =	vmovc v8;
	v12 =	vsub.s32 $0x5F3759DF, v19;
	v6 =	vadd.f32 v11, v7;
	v11 =	vld [tilespmem:s10+$0x5E00]  }
0x1e0: {  	v8 =	vmul.f32 v12, v17;
	v7 =	vld [tilespmem:s29+$0x5A00];
	v16 =	vmul.f32 v20, v5;
	v10 =	vnsel vm0, $0x0, v10  }
0x1e1: {  	v13 =	vadd.f32 v18, v13;
	v6 =	vadd.f32 v14, v6;
	v14 =	vld [tilespmem:s10+$0x5E80];
	[tilespmem:s28+$0xB000] =	vst v10;
	s28 =	smov.u32 s26;
	s26 =	smov.u32 s19;
	s19 =	smov.u32 s10  }
0x1e2: {  	v8 =	vmul.f32 v12, v8;
	s10 =	smov.u32 s29;
	v18 =	vld [tilespmem:s29+$0x5A80];
	v10 =	vmul.f32 v16, v20  }
0x1e3: {  	v13 =	vadd.f32 v15, v13;
	v6 =	vadd.f32 v9, v6;
	v16 =	vld [tilespmem:s19+$0x5F00]  }
0x1e4: {  	v8 =	vsub.f32 $1.500000000e+00, v8;
	v19 =	vld [tilespmem:s10+$0x5B00];
	v15 =	vsub.f32 $1.500000000e+00, v10  }
0x1e5: {  	v21 =	vadd.f32 v7, v13;
	v7 =	vld [tilespmem:s10+$0x5C00];
	v6 =	vadd.f32 v11, v6  }
.Ltmp5:
0x1e6: {  	s29 =	sshra.s32 s11, $0x2;
	v10 =	vmul.f32 v12, v8;
	v9 =	vld [tilespmem:s10+$0x5B80];
	v12 =	vmul.f32 v15, v20;
	(pc) =	sbr.rel @p0 .LBB2_12-.Ltmp5, $4  }
0x1e7: {  	v13 =	vld [tilespmem:s29+$0x5800];
	v8 =	vadd.f32 v18, v21;
	v11 =	vadd.f32 v14, v6  }
0x1e8: {  	v18 =	vmul.f32 v10, v17;
	v15 =	vld [tilespmem:s29+$0x5880];
	v20 =	vmul.f32 v12, v5;
	v5 =	vmov v17  }
0x1e9: {  	v14 =	vadd.f32 v19, v8;
	v6 =	vld [tilespmem:s10+$0x5F80];
	v8 =	vadd.f32 v16, v11  }
0x1ea: {  	s11 =	sadd.s32 $0x40, s11;
	v16 =	vmul.f32 v18, v10;
	v11 =	vld [tilespmem:s10+$0x5C80];
	v17 =	vmul.f32 v20, v12  }
0x1eb: {  	v18 =	vld [tilespmem:s10+$0x5D00]  }
0x1ec: {  	v19 =	vld [tilespmem:s29+$0x5900];
	v17 =	vsub.f32 $1.500000000e+00, v17  }
0x1ed: {  	v20 =	vld [tilespmem:s10+$0x5D80]  }
0x1ee: {  	v21 =	vld [tilespmem:s29+$0x5980];
	v16 =	vsub.f32 $1.500000000e+00, v16;
	v12 =	vmul.f32 v17, v12  }
0x1ef: {  	vm0 =	vgt.f32 v2, $0.0e+00;
	v2 =	vld [tilespmem:s29+$0x5A00];
	v13 =	vadd.f32 v15, v13  }
0x1f0: {  	v15 =	vld [tilespmem:s10+$0x5E80];
	v10 =	vmul.f32 v16, v10;
	v12 =	vnsel vm0, $0x0, v12  }
0x1f1: {  	v17 =	vld [tilespmem:s10+$0x5E00];
	v13 =	vadd.f32 v19, v13;
	[tilespmem:s28+$0xB000] =	vst v12  }
0x1f2: {  	v12 =	vmul.f32 v10, v5;
	v16 =	vld [tilespmem:s29+$0x5A80]  }
0x1f3: {  	v13 =	vadd.f32 v21, v13  }
0x1f4: {  	v19 =	vld [tilespmem:s29+$0x5B00];
	v12 =	vmul.f32 v12, v10  }
0x1f5: {  	v2 =	vadd.f32 v2, v13  }
0x1f6: {  	v13 =	vld [tilespmem:s29+$0x5B80];
	v12 =	vsub.f32 $1.500000000e+00, v12  }
0x1f7: {  	v2 =	vadd.f32 v16, v2  }
0x1f8: {  	v9 =	vadd.f32 v9, v14;
	v10 =	vmul.f32 v12, v10;
	v12 =	vld [tilespmem:s29+$0x5C00]  }
0x1f9: {  	v2 =	vadd.f32 v19, v2  }
0x1fa: {  	v7 =	vadd.f32 v7, v9;
	v14 =	vld [tilespmem:s29+$0x5C80];
	v5 =	vmul.f32 v10, v5  }
0x1fb: {  	v2 =	vadd.f32 v13, v2  }
0x1fc: {  	v7 =	vadd.f32 v11, v7;
	v9 =	vld [tilespmem:s29+$0x5D00];
	v5 =	vmul.f32 v5, v10  }
0x1fd: {  	v2 =	vadd.f32 v12, v2  }
0x1fe: {  	v7 =	vadd.f32 v18, v7;
	v11 =	vld [tilespmem:s29+$0x5D80];
	v5 =	vsub.f32 $1.500000000e+00, v5  }
0x1ff: {  	v2 =	vadd.f32 v14, v2  }
0x200: {  	vm12 =	vgt.f32 v4, $0.0e+00;
	v4 =	vadd.f32 v20, v7;
	v5 =	vmul.f32 v5, v10;
	v10 =	vld [tilespmem:s29+$0x5E00]  }
0x201: {  	v12 =	vld [tilespmem:s10+$0x5F00];
	v2 =	vadd.f32 v9, v2  }
0x202: {  	v7 =	vld [tilespmem:s29+$0x5E80];
	v4 =	vadd.f32 v17, v4;
	v5 =	vnsel vm12, $0x0, v5  }
0x203: {  	v13 =	vld [tilespmem:s29+$0x5F80];
	[tilespmem:s26+$0xB000] =	vst v5;
	v2 =	vadd.f32 v11, v2  }
0x204: {  	v4 =	vadd.f32 v15, v4;
	v5 =	vld [tilespmem:s29+$0x5F00]  }
0x205: {  	v2 =	vadd.f32 v10, v2  }
0x206: {  	v4 =	vadd.f32 v12, v4  }
0x207: {  	v2 =	vadd.f32 v7, v2  }
0x208: {  	v4 =	vadd.f32 v6, v4  }
0x209: {  	v3 =	vadd.f32 v3, v8;
	v2 =	vadd.f32 v5, v2  }
0x20a: {  	v9 =	vshra.s32 v4, $0x1  }
0x20b: {  	v7 =	vshra.s32 v3, $0x1;
	v5 =	vmul.f32 $5.000000000e-01, v3;
	v2 =	vadd.f32 v13, v2  }
0x20c: {  	v8 =	vmul.f32 $5.000000000e-01, v4;
	v9 =	vsub.s32 $0x5F3759DF, v9;
	v6 =	vsub.s32 $0x5F3759DF, v7  }
0x20d: {  	v7 =	vmul.f32 v6, v5;
	v10 =	vmul.f32 $5.000000000e-01, v2;
	v11 =	vshra.s32 v2, $0x1  }
0x20e: {  	v12 =	vmul.f32 v9, v8;
	v11 =	vsub.s32 $0x5F3759DF, v11  }
0x20f: {  	v7 =	vmul.f32 v6, v7;
	v13 =	vmul.f32 v11, v10  }
0x210: {  	v12 =	vmul.f32 v9, v12  }
0x211: {  	v7 =	vsub.f32 $1.500000000e+00, v7;
	v13 =	vmul.f32 v11, v13  }
0x212: {  	v12 =	vsub.f32 $1.500000000e+00, v12  }
0x213: {  	v6 =	vmul.f32 v6, v7;
	v7 =	vsub.f32 $1.500000000e+00, v13  }
0x214: {  	v9 =	vmul.f32 v9, v12  }
0x215: {  	v12 =	vmul.f32 v6, v5;
	v7 =	vmul.f32 v11, v7  }
0x216: {  	v11 =	vmul.f32 v9, v8  }
0x217: {  	v12 =	vmul.f32 v12, v6;
	v13 =	vmul.f32 v7, v10  }
0x218: {  	v11 =	vmul.f32 v11, v9  }
0x219: {  	v12 =	vsub.f32 $1.500000000e+00, v12;
	v13 =	vmul.f32 v13, v7  }
0x21a: {  	v11 =	vsub.f32 $1.500000000e+00, v11  }
0x21b: {  	v6 =	vmul.f32 v12, v6;
	v12 =	vsub.f32 $1.500000000e+00, v13  }
0x21c: {  	v9 =	vmul.f32 v11, v9  }
0x21d: {  	v11 =	vmul.f32 v6, v5;
	v7 =	vmul.f32 v12, v7  }
0x21e: {  	v12 =	vmul.f32 v9, v8  }
0x21f: {  	v11 =	vmul.f32 v11, v6;
	v13 =	vmul.f32 v7, v10  }
0x220: {  	v12 =	vmul.f32 v12, v9  }
0x221: {  	v11 =	vsub.f32 $1.500000000e+00, v11;
	v13 =	vmul.f32 v13, v7  }
0x222: {  	v12 =	vsub.f32 $1.500000000e+00, v12  }
0x223: {  	v6 =	vmul.f32 v11, v6;
	v11 =	vsub.f32 $1.500000000e+00, v13  }
0x224: {  	v9 =	vmul.f32 v12, v9  }
0x225: {  	v5 =	vmul.f32 v6, v5;
	v7 =	vmul.f32 v11, v7  }
0x226: {  	v8 =	vmul.f32 v9, v8  }
0x227: {  	v5 =	vmul.f32 v5, v6;
	v10 =	vmul.f32 v7, v10  }
0x228: {  	v8 =	vmul.f32 v8, v9  }
0x229: {  	v5 =	vsub.f32 $1.500000000e+00, v5;
	v10 =	vmul.f32 v10, v7  }
0x22a: {  	v8 =	vsub.f32 $1.500000000e+00, v8  }
0x22b: {  	v5 =	vmul.f32 v5, v6;
	v6 =	vsub.f32 $1.500000000e+00, v10  }
0x22c: {  	vm13 =	vgt.f32 v3, $0.0e+00;
	v3 =	vmul.f32 v8, v9  }
0x22d: {  	vm14 =	vgt.f32 v4, $0.0e+00;
	v5 =	vnsel vm13, $0x0, v5;
	v4 =	vmul.f32 v6, v7  }
0x22e: {  	vm15 =	vgt.f32 v2, $0.0e+00;
	[tilespmem:s19+$0xB000] =	vst v5;
	v3 =	vnsel vm14, $0x0, v3  }
0x22f: {  	[tilespmem:s10+$0xB000] =	vst v3;
	v2 =	vnsel vm15, $0x0, v4  }
0x230: {  	s8 =	simm.s32 $0x0;
	s4 =	rddreg [dreg:$0xd];
	s11 =	simm.s32 $0xB000;
	[tilespmem:s29+$0xB000] =	vst v2  }
0x231: {  	[hbm4b:s4+s8] =	stream.linear.scatter [tilespmem:s11], [sflag:$0x5], $0x80, $0x38;
	[tilespmem:$0x1F280] =	vst v63  }
0x232: {  	_ =	swait.ge [sflag:s9], $0x80  }
0x233: {  	s30 =	simm.s32 $0x5800;
	[sflag:s9] =	ssyncset.done $0x0  }
0x234: {  	s26 =	simm.s32 $0x14000;
	s19 =	rddreg [dreg:$0xe];
	[sflag:s9] =	ssyncadd.s32 $0xFFFFFF80  }
0x235: {  	[tilespmem:s30], [sflag:$0x5] =	stream.strided.gather [hbm4b:s19+s12], $0x800, s26, s12, $0x38;
	[tilespmem:$0x1F280] =	vst v63  }
0x236: {  	_ =	swait.ge [sflag:s9], $0x800  }
0x237: {  	[sflag:s9] =	ssyncset.done $0x0  }
0x238: {  	s28 =	simm.s32 $0x0;
	[sflag:s9] =	ssyncadd.s32 $0xFFFFF800  }
0x239: {  	v2 =	vld [tilespmem:s28+$0x5800]  }
0x23a: {  	v3 =	vld [tilespmem:s28+$0x5880];
	_ =	sdelay $0x1  }
0x23b: {  	v4 =	vld [tilespmem:s28+$0x5900];
	_ =	sdelay $0x1  }
0x23c: {  	v5 =	vld [tilespmem:s28+$0x5980]  }
0x23d: {  	v2 =	vadd.f32 v3, v2  }
0x23e: {  	v3 =	vld [tilespmem:s28+$0x5A00]  }
0x23f: {  	v2 =	vadd.f32 v4, v2  }
0x240: {  	v4 =	vld [tilespmem:s28+$0x5A80]  }
0x241: {  	v6 =	vld [tilespmem:s28+$0x5C00];
	v2 =	vadd.f32 v5, v2  }
0x242: {  	s26 =	simm.s32 $0x10;
	v5 =	vld [tilespmem:s28+$0x5B00]  }
0x243: {  	v7 =	vld [tilespmem:s26+$0x5800];
	v2 =	vadd.f32 v3, v2  }
0x244: {  	v3 =	vld [tilespmem:s28+$0x5B80]  }
0x245: {  	v8 =	vld [tilespmem:s28+$0x5F80];
	v2 =	vadd.f32 v4, v2  }
0x246: {  	v9 =	vld [tilespmem:s28+$0x5D00]  }
0x247: {  	v4 =	vld [tilespmem:s26+$0x5880];
	v2 =	vadd.f32 v5, v2  }
0x248: {  	v5 =	vld [tilespmem:s28+$0x5C80]  }
0x249: {  	v10 =	vld [tilespmem:s28+$0x5D80];
	v2 =	vadd.f32 v3, v2  }
0x24a: {  	v3 =	vld [tilespmem:s26+$0x5900]  }
0x24b: {  	v11 =	vld [tilespmem:s28+$0x5E00];
	v2 =	vadd.f32 v6, v2  }
0x24c: {  	s10 =	simm.s32 $0x30;
	v6 =	vld [tilespmem:s26+$0x5980]  }
0x24d: {  	v16 =	vld [tilespmem:s10+$0x5980];
	v4 =	vadd.f32 v4, v7;
	v2 =	vadd.f32 v5, v2  }
0x24e: {  	v5 =	vld [tilespmem:s26+$0x5A00]  }
0x24f: {  	v7 =	vld [tilespmem:s28+$0x5E80];
	v3 =	vadd.f32 v3, v4;
	v2 =	vadd.f32 v9, v2  }
0x250: {  	v4 =	vld [tilespmem:s26+$0x5A80]  }
0x251: {  	v9 =	vld [tilespmem:s28+$0x5F00];
	v3 =	vadd.f32 v6, v3;
	v2 =	vadd.f32 v10, v2  }
0x252: {  	v6 =	vld [tilespmem:s26+$0x5B00]  }
0x253: {  	v10 =	vld [tilespmem:s26+$0x5C00];
	v3 =	vadd.f32 v5, v3;
	v2 =	vadd.f32 v11, v2  }
0x254: {  	s19 =	simm.s32 $0x20;
	v5 =	vld [tilespmem:s26+$0x5B80]  }
0x255: {  	v11 =	vld [tilespmem:s19+$0x5800];
	v3 =	vadd.f32 v4, v3;
	v2 =	vadd.f32 v7, v2  }
0x256: {  	v4 =	vld [tilespmem:s19+$0x5880]  }
0x257: {  	v7 =	vld [tilespmem:s26+$0x5F80];
	v3 =	vadd.f32 v6, v3;
	v2 =	vadd.f32 v9, v2  }
0x258: {  	v6 =	vld [tilespmem:s26+$0x5C80]  }
0x259: {  	v3 =	vadd.f32 v5, v3;
	v5 =	vld [tilespmem:s19+$0x5900];
	v2 =	vadd.f32 v8, v2  }
0x25a: {  	v9 =	vld [tilespmem:s26+$0x5D00]  }
0x25b: {  	v3 =	vadd.f32 v10, v3;
	v10 =	vld [tilespmem:s19+$0x5980];
	v14 =	vmul.f32 $5.000000000e-01, v2;
	v12 =	vshra.s32 v2, $0x1  }
0x25c: {  	v8 =	vld [tilespmem:s26+$0x5D80];
	v4 =	vadd.f32 v4, v11;
	v12 =	vsub.s32 $0x5F3759DF, v12  }
0x25d: {  	v3 =	vadd.f32 v6, v3;
	v6 =	vld [tilespmem:s19+$0x5A00];
	v13 =	vmul.f32 v12, v14  }
0x25e: {  	v11 =	vld [tilespmem:s26+$0x5E00];
	v4 =	vadd.f32 v5, v4  }
0x25f: {  	v3 =	vadd.f32 v9, v3;
	v9 =	vld [tilespmem:s19+$0x5A80];
	v13 =	vmul.f32 v12, v13  }
0x260: {  	v5 =	vld [tilespmem:s26+$0x5E80];
	v4 =	vadd.f32 v10, v4  }
0x261: {  	v3 =	vadd.f32 v8, v3;
	v8 =	vld [tilespmem:s19+$0x5B00];
	v13 =	vsub.f32 $1.500000000e+00, v13  }
0x262: {  	v10 =	vld [tilespmem:s26+$0x5F00];
	v4 =	vadd.f32 v6, v4  }
0x263: {  	v3 =	vadd.f32 v11, v3;
	v11 =	vld [tilespmem:s19+$0x5B80];
	v12 =	vmul.f32 v12, v13  }
0x264: {  	v6 =	vld [tilespmem:s19+$0x5C00];
	v4 =	vadd.f32 v9, v4  }
0x265: {  	v13 =	vld [tilespmem:s10+$0x5800];
	v5 =	vadd.f32 v5, v3;
	v15 =	vmul.f32 v12, v14  }
0x266: {  	v9 =	vld [tilespmem:s10+$0x5880];
	v4 =	vadd.f32 v8, v4  }
0x267: {  	v8 =	vld [tilespmem:s19+$0x5C80];
	v5 =	vadd.f32 v10, v5;
	v10 =	vmul.f32 v15, v12  }
0x268: {  	v11 =	vadd.f32 v11, v4;
	v15 =	vld [tilespmem:s19+$0x5D00]  }
0x269: {  	v4 =	vadd.f32 v7, v5;
	v7 =	vld [tilespmem:s10+$0x5900];
	v10 =	vsub.f32 $1.500000000e+00, v10  }
0x26a: {  	v19 =	vld [tilespmem:s10+$0x5A80];
	v6 =	vadd.f32 v6, v11  }
0x26b: {  	v11 =	vld [tilespmem:s19+$0x5D80];
	v5 =	vmul.f32 $5.000000000e-01, v4;
	v17 =	vshra.s32 v4, $0x1;
	v12 =	vmul.f32 v10, v12  }
0x26c: {  	v9 =	vadd.f32 v9, v13;
	v13 =	vld [tilespmem:s10+$0x5A00];
	v6 =	vadd.f32 v8, v6;
	v10 =	vsub.s32 $0x5F3759DF, v17  }
0x26d: {  	v8 =	vld [tilespmem:s19+$0x5E00];
	v17 =	vmul.f32 v10, v5;
	v18 =	vmul.f32 v12, v14  }
0x26e: {  	v3 =	vld [tilespmem:s19+$0x5F80];
	v7 =	vadd.f32 v7, v9;
	v6 =	vadd.f32 v15, v6  }
0x26f: {  	v15 =	vld [tilespmem:s19+$0x5E80];
	v9 =	vmul.f32 v10, v17;
	v17 =	vmul.f32 v18, v12  }
0x270: {  	v7 =	vadd.f32 v16, v7;
	v6 =	vadd.f32 v11, v6;
	v11 =	vld [tilespmem:s19+$0x5F00]  }
0x271: {  	v16 =	vld [tilespmem:s10+$0x5B00];
	v18 =	vsub.f32 $1.500000000e+00, v9;
	v17 =	vsub.f32 $1.500000000e+00, v17  }
0x272: {  	v9 =	vld [tilespmem:s10+$0x5B80];
	v63 =	vadd.f32 v13, v7;
	v6 =	vadd.f32 v8, v6  }
0x273: {  	s29 =	simm.s32 $0x40;
	v7 =	vld [tilespmem:s10+$0x5C00];
	v10 =	vmul.f32 v10, v18;
	v12 =	vmul.f32 v17, v12  }
0x274: {  	v13 =	vld [tilespmem:s29+$0x5800];
	v8 =	vadd.f32 v19, v63;
	v17 =	vadd.f32 v15, v6  }
0x275: {  	v15 =	vld [tilespmem:s29+$0x5880];
	v18 =	vmul.f32 v10, v5;
	v19 =	vmul.f32 v12, v14  }
0x276: {  	v6 =	vld [tilespmem:s10+$0x5F80];
	v14 =	vadd.f32 v16, v8;
	v8 =	vadd.f32 v11, v17  }
0x277: {  	s11 =	simm.s32 $0x140;
	v11 =	vld [tilespmem:s10+$0x5C80];
	v16 =	vmul.f32 v18, v10;
	v17 =	vmul.f32 v19, v12  }
.LBB2_14:
0x278: {  	p0 =	sne.s32 s11, $0x1C0;
	v9 =	vadd.f32 v9, v14;
	v14 =	vld [tilespmem:s10+$0x5D00];
	v8 =	vadd.f32 v3, v8  }
0x279: {  	v18 =	vld [tilespmem:s29+$0x5900];
	v21 =	vsub.f32 $1.500000000e+00, v16;
	v16 =	vsub.f32 $1.500000000e+00, v17  }
0x27a: {  	v13 =	vadd.f32 v15, v13;
	v7 =	vadd.f32 v7, v9;
	v9 =	vld [tilespmem:s10+$0x5D80];
	v17 =	vmul.f32 $5.000000000e-01, v8  }
0x27b: {  	v19 =	vshra.s32 v8, $0x1;
	v15 =	vld [tilespmem:s29+$0x5980];
	v20 =	vmul.f32 v21, v10;
	v10 =	vmul.f32 v16, v12;
	v3 =	vmovc v6  }
0x27c: {  	vm0 =	vgt.f32 v2, $0.0e+00;
	v2 =	vmovc v4;
	v4 =	vmovc v8;
	v12 =	vsub.s32 $0x5F3759DF, v19;
	v6 =	vadd.f32 v11, v7;
	v11 =	vld [tilespmem:s10+$0x5E00]  }
0x27d: {  	v8 =	vmul.f32 v12, v17;
	v7 =	vld [tilespmem:s29+$0x5A00];
	v16 =	vmul.f32 v20, v5;
	v10 =	vnsel vm0, $0x0, v10  }
0x27e: {  	v13 =	vadd.f32 v18, v13;
	v6 =	vadd.f32 v14, v6;
	v14 =	vld [tilespmem:s10+$0x5E80];
	[tilespmem:s28+$0xB000] =	vst v10;
	s28 =	smov.u32 s26;
	s26 =	smov.u32 s19;
	s19 =	smov.u32 s10  }
0x27f: {  	v8 =	vmul.f32 v12, v8;
	s10 =	smov.u32 s29;
	v18 =	vld [tilespmem:s29+$0x5A80];
	v10 =	vmul.f32 v16, v20  }
0x280: {  	v13 =	vadd.f32 v15, v13;
	v6 =	vadd.f32 v9, v6;
	v16 =	vld [tilespmem:s19+$0x5F00]  }
0x281: {  	v8 =	vsub.f32 $1.500000000e+00, v8;
	v19 =	vld [tilespmem:s10+$0x5B00];
	v15 =	vsub.f32 $1.500000000e+00, v10  }
0x282: {  	v21 =	vadd.f32 v7, v13;
	v7 =	vld [tilespmem:s10+$0x5C00];
	v6 =	vadd.f32 v11, v6  }
.Ltmp6:
0x283: {  	s29 =	sshra.s32 s11, $0x2;
	v10 =	vmul.f32 v12, v8;
	v9 =	vld [tilespmem:s10+$0x5B80];
	v12 =	vmul.f32 v15, v20;
	(pc) =	sbr.rel @p0 .LBB2_14-.Ltmp6, $4  }
0x284: {  	v13 =	vld [tilespmem:s29+$0x5800];
	v8 =	vadd.f32 v18, v21;
	v11 =	vadd.f32 v14, v6  }
0x285: {  	v18 =	vmul.f32 v10, v17;
	v15 =	vld [tilespmem:s29+$0x5880];
	v20 =	vmul.f32 v12, v5;
	v5 =	vmov v17  }
0x286: {  	v14 =	vadd.f32 v19, v8;
	v6 =	vld [tilespmem:s10+$0x5F80];
	v8 =	vadd.f32 v16, v11  }
0x287: {  	s11 =	sadd.s32 $0x40, s11;
	v16 =	vmul.f32 v18, v10;
	v11 =	vld [tilespmem:s10+$0x5C80];
	v17 =	vmul.f32 v20, v12  }
0x288: {  	v18 =	vld [tilespmem:s10+$0x5D00]  }
0x289: {  	v19 =	vld [tilespmem:s29+$0x5900];
	v17 =	vsub.f32 $1.500000000e+00, v17  }
0x28a: {  	v20 =	vld [tilespmem:s10+$0x5D80]  }
0x28b: {  	v21 =	vld [tilespmem:s29+$0x5980];
	v16 =	vsub.f32 $1.500000000e+00, v16;
	v12 =	vmul.f32 v17, v12  }
0x28c: {  	vm0 =	vgt.f32 v2, $0.0e+00;
	v2 =	vld [tilespmem:s29+$0x5A00];
	v13 =	vadd.f32 v15, v13  }
0x28d: {  	v15 =	vld [tilespmem:s10+$0x5E80];
	v10 =	vmul.f32 v16, v10;
	v12 =	vnsel vm0, $0x0, v12  }
0x28e: {  	v17 =	vld [tilespmem:s10+$0x5E00];
	v13 =	vadd.f32 v19, v13;
	[tilespmem:s28+$0xB000] =	vst v12  }
0x28f: {  	v12 =	vmul.f32 v10, v5;
	v16 =	vld [tilespmem:s29+$0x5A80]  }
0x290: {  	v13 =	vadd.f32 v21, v13  }
0x291: {  	v19 =	vld [tilespmem:s29+$0x5B00];
	v12 =	vmul.f32 v12, v10  }
0x292: {  	v2 =	vadd.f32 v2, v13  }
0x293: {  	v13 =	vld [tilespmem:s29+$0x5B80];
	v12 =	vsub.f32 $1.500000000e+00, v12  }
0x294: {  	v2 =	vadd.f32 v16, v2  }
0x295: {  	v9 =	vadd.f32 v9, v14;
	v10 =	vmul.f32 v12, v10;
	v12 =	vld [tilespmem:s29+$0x5C00]  }
0x296: {  	v2 =	vadd.f32 v19, v2  }
0x297: {  	v7 =	vadd.f32 v7, v9;
	v14 =	vld [tilespmem:s29+$0x5C80];
	v5 =	vmul.f32 v10, v5  }
0x298: {  	v2 =	vadd.f32 v13, v2  }
0x299: {  	v7 =	vadd.f32 v11, v7;
	v9 =	vld [tilespmem:s29+$0x5D00];
	v5 =	vmul.f32 v5, v10  }
0x29a: {  	v2 =	vadd.f32 v12, v2  }
0x29b: {  	v7 =	vadd.f32 v18, v7;
	v11 =	vld [tilespmem:s29+$0x5D80];
	v5 =	vsub.f32 $1.500000000e+00, v5  }
0x29c: {  	v2 =	vadd.f32 v14, v2  }
0x29d: {  	vm12 =	vgt.f32 v4, $0.0e+00;
	v4 =	vadd.f32 v20, v7;
	v5 =	vmul.f32 v5, v10;
	v10 =	vld [tilespmem:s29+$0x5E00]  }
0x29e: {  	v12 =	vld [tilespmem:s10+$0x5F00];
	v2 =	vadd.f32 v9, v2  }
0x29f: {  	v7 =	vld [tilespmem:s29+$0x5E80];
	v4 =	vadd.f32 v17, v4;
	v5 =	vnsel vm12, $0x0, v5  }
0x2a0: {  	v13 =	vld [tilespmem:s29+$0x5F80];
	[tilespmem:s26+$0xB000] =	vst v5;
	v2 =	vadd.f32 v11, v2  }
0x2a1: {  	v4 =	vadd.f32 v15, v4;
	v5 =	vld [tilespmem:s29+$0x5F00]  }
0x2a2: {  	v2 =	vadd.f32 v10, v2  }
0x2a3: {  	v4 =	vadd.f32 v12, v4  }
0x2a4: {  	v2 =	vadd.f32 v7, v2  }
0x2a5: {  	v4 =	vadd.f32 v6, v4  }
0x2a6: {  	v3 =	vadd.f32 v3, v8;
	v2 =	vadd.f32 v5, v2  }
0x2a7: {  	v9 =	vshra.s32 v4, $0x1  }
0x2a8: {  	v7 =	vshra.s32 v3, $0x1;
	v5 =	vmul.f32 $5.000000000e-01, v3;
	v2 =	vadd.f32 v13, v2  }
0x2a9: {  	v8 =	vmul.f32 $5.000000000e-01, v4;
	v9 =	vsub.s32 $0x5F3759DF, v9;
	v6 =	vsub.s32 $0x5F3759DF, v7  }
0x2aa: {  	v7 =	vmul.f32 v6, v5;
	v10 =	vmul.f32 $5.000000000e-01, v2;
	v11 =	vshra.s32 v2, $0x1  }
0x2ab: {  	v12 =	vmul.f32 v9, v8;
	v11 =	vsub.s32 $0x5F3759DF, v11  }
0x2ac: {  	v7 =	vmul.f32 v6, v7;
	v13 =	vmul.f32 v11, v10  }
0x2ad: {  	v12 =	vmul.f32 v9, v12  }
0x2ae: {  	v7 =	vsub.f32 $1.500000000e+00, v7;
	v13 =	vmul.f32 v11, v13  }
0x2af: {  	v12 =	vsub.f32 $1.500000000e+00, v12  }
0x2b0: {  	v6 =	vmul.f32 v6, v7;
	v7 =	vsub.f32 $1.500000000e+00, v13  }
0x2b1: {  	v9 =	vmul.f32 v9, v12  }
0x2b2: {  	v12 =	vmul.f32 v6, v5;
	v7 =	vmul.f32 v11, v7  }
0x2b3: {  	v11 =	vmul.f32 v9, v8  }
0x2b4: {  	v12 =	vmul.f32 v12, v6;
	v13 =	vmul.f32 v7, v10  }
0x2b5: {  	v11 =	vmul.f32 v11, v9  }
0x2b6: {  	v12 =	vsub.f32 $1.500000000e+00, v12;
	v13 =	vmul.f32 v13, v7  }
0x2b7: {  	v11 =	vsub.f32 $1.500000000e+00, v11  }
0x2b8: {  	v6 =	vmul.f32 v12, v6;
	v12 =	vsub.f32 $1.500000000e+00, v13  }
0x2b9: {  	v9 =	vmul.f32 v11, v9  }
0x2ba: {  	v11 =	vmul.f32 v6, v5;
	v7 =	vmul.f32 v12, v7  }
0x2bb: {  	v12 =	vmul.f32 v9, v8  }
0x2bc: {  	v11 =	vmul.f32 v11, v6;
	v13 =	vmul.f32 v7, v10  }
0x2bd: {  	v12 =	vmul.f32 v12, v9  }
0x2be: {  	v11 =	vsub.f32 $1.500000000e+00, v11;
	v13 =	vmul.f32 v13, v7  }
0x2bf: {  	v12 =	vsub.f32 $1.500000000e+00, v12  }
0x2c0: {  	v6 =	vmul.f32 v11, v6;
	v11 =	vsub.f32 $1.500000000e+00, v13  }
0x2c1: {  	v9 =	vmul.f32 v12, v9  }
0x2c2: {  	v5 =	vmul.f32 v6, v5;
	v7 =	vmul.f32 v11, v7  }
0x2c3: {  	v8 =	vmul.f32 v9, v8  }
0x2c4: {  	v5 =	vmul.f32 v5, v6;
	v10 =	vmul.f32 v7, v10  }
0x2c5: {  	v8 =	vmul.f32 v8, v9  }
0x2c6: {  	v5 =	vsub.f32 $1.500000000e+00, v5;
	v10 =	vmul.f32 v10, v7  }
0x2c7: {  	v8 =	vsub.f32 $1.500000000e+00, v8  }
0x2c8: {  	v5 =	vmul.f32 v5, v6;
	v6 =	vsub.f32 $1.500000000e+00, v10  }
0x2c9: {  	vm13 =	vgt.f32 v3, $0.0e+00;
	v3 =	vmul.f32 v8, v9  }
0x2ca: {  	vm14 =	vgt.f32 v4, $0.0e+00;
	v5 =	vnsel vm13, $0x0, v5;
	v4 =	vmul.f32 v6, v7  }
0x2cb: {  	vm15 =	vgt.f32 v2, $0.0e+00;
	[tilespmem:s19+$0xB000] =	vst v5;
	v3 =	vnsel vm14, $0x0, v3  }
0x2cc: {  	[tilespmem:s10+$0xB000] =	vst v3;
	v2 =	vnsel vm15, $0x0, v4  }
0x2cd: {  	s8 =	simm.s32 $0x0;
	s4 =	rddreg [dreg:$0xf];
	s11 =	simm.s32 $0xB000;
	[tilespmem:s29+$0xB000] =	vst v2  }
0x2ce: {  	[hbm4b:s4+s8] =	stream.linear.scatter [tilespmem:s11], [sflag:$0x5], $0x80, $0x38;
	[tilespmem:$0x1F280] =	vst v63  }
0x2cf: {  	_ =	swait.ge [sflag:s9], $0x80  }
0x2d0: {  	s30 =	simm.s32 $0x5800;
	[sflag:s9] =	ssyncset.done $0x0  }
0x2d1: {  	s26 =	simm.s32 $0x14000;
	s19 =	rddreg [dreg:$0x10];
	[sflag:s9] =	ssyncadd.s32 $0xFFFFFF80  }
0x2d2: {  	[tilespmem:s30], [sflag:$0x5] =	stream.strided.gather [hbm4b:s19+s12], $0x800, s26, s12, $0x38;
	[tilespmem:$0x1F280] =	vst v63  }
0x2d3: {  	_ =	swait.ge [sflag:s9], $0x800  }
0x2d4: {  	[sflag:s9] =	ssyncset.done $0x0  }
0x2d5: {  	s28 =	simm.s32 $0x0;
	[sflag:s9] =	ssyncadd.s32 $0xFFFFF800  }
0x2d6: {  	v2 =	vld [tilespmem:s28+$0x5800]  }
0x2d7: {  	v3 =	vld [tilespmem:s28+$0x5880];
	_ =	sdelay $0x1  }
0x2d8: {  	v4 =	vld [tilespmem:s28+$0x5900];
	_ =	sdelay $0x1  }
0x2d9: {  	v5 =	vld [tilespmem:s28+$0x5980]  }
0x2da: {  	v2 =	vadd.f32 v3, v2  }
0x2db: {  	v3 =	vld [tilespmem:s28+$0x5A00]  }
0x2dc: {  	v2 =	vadd.f32 v4, v2  }
0x2dd: {  	v4 =	vld [tilespmem:s28+$0x5A80]  }
0x2de: {  	v6 =	vld [tilespmem:s28+$0x5C00];
	v2 =	vadd.f32 v5, v2  }
0x2df: {  	s26 =	simm.s32 $0x10;
	v5 =	vld [tilespmem:s28+$0x5B00]  }
0x2e0: {  	v7 =	vld [tilespmem:s26+$0x5800];
	v2 =	vadd.f32 v3, v2  }
0x2e1: {  	v3 =	vld [tilespmem:s28+$0x5B80]  }
0x2e2: {  	v8 =	vld [tilespmem:s28+$0x5F80];
	v2 =	vadd.f32 v4, v2  }
0x2e3: {  	v9 =	vld [tilespmem:s28+$0x5D00]  }
0x2e4: {  	v4 =	vld [tilespmem:s26+$0x5880];
	v2 =	vadd.f32 v5, v2  }
0x2e5: {  	v5 =	vld [tilespmem:s28+$0x5C80]  }
0x2e6: {  	v10 =	vld [tilespmem:s28+$0x5D80];
	v2 =	vadd.f32 v3, v2  }
0x2e7: {  	v3 =	vld [tilespmem:s26+$0x5900]  }
0x2e8: {  	v11 =	vld [tilespmem:s28+$0x5E00];
	v2 =	vadd.f32 v6, v2  }
0x2e9: {  	s10 =	simm.s32 $0x30;
	v6 =	vld [tilespmem:s26+$0x5980]  }
0x2ea: {  	v16 =	vld [tilespmem:s10+$0x5980];
	v4 =	vadd.f32 v4, v7;
	v2 =	vadd.f32 v5, v2  }
0x2eb: {  	v5 =	vld [tilespmem:s26+$0x5A00]  }
0x2ec: {  	v7 =	vld [tilespmem:s28+$0x5E80];
	v3 =	vadd.f32 v3, v4;
	v2 =	vadd.f32 v9, v2  }
0x2ed: {  	v4 =	vld [tilespmem:s26+$0x5A80]  }
0x2ee: {  	v9 =	vld [tilespmem:s28+$0x5F00];
	v3 =	vadd.f32 v6, v3;
	v2 =	vadd.f32 v10, v2  }
0x2ef: {  	v6 =	vld [tilespmem:s26+$0x5B00]  }
0x2f0: {  	v10 =	vld [tilespmem:s26+$0x5C00];
	v3 =	vadd.f32 v5, v3;
	v2 =	vadd.f32 v11, v2  }
0x2f1: {  	s19 =	simm.s32 $0x20;
	v5 =	vld [tilespmem:s26+$0x5B80]  }
0x2f2: {  	v11 =	vld [tilespmem:s19+$0x5800];
	v3 =	vadd.f32 v4, v3;
	v2 =	vadd.f32 v7, v2  }
0x2f3: {  	v4 =	vld [tilespmem:s19+$0x5880]  }
0x2f4: {  	v7 =	vld [tilespmem:s26+$0x5F80];
	v3 =	vadd.f32 v6, v3;
	v2 =	vadd.f32 v9, v2  }
0x2f5: {  	v6 =	vld [tilespmem:s26+$0x5C80]  }
0x2f6: {  	v3 =	vadd.f32 v5, v3;
	v5 =	vld [tilespmem:s19+$0x5900];
	v2 =	vadd.f32 v8, v2  }
0x2f7: {  	v9 =	vld [tilespmem:s26+$0x5D00]  }
0x2f8: {  	v3 =	vadd.f32 v10, v3;
	v10 =	vld [tilespmem:s19+$0x5980];
	v14 =	vmul.f32 $5.000000000e-01, v2;
	v12 =	vshra.s32 v2, $0x1  }
0x2f9: {  	v8 =	vld [tilespmem:s26+$0x5D80];
	v4 =	vadd.f32 v4, v11;
	v12 =	vsub.s32 $0x5F3759DF, v12  }
0x2fa: {  	v3 =	vadd.f32 v6, v3;
	v6 =	vld [tilespmem:s19+$0x5A00];
	v13 =	vmul.f32 v12, v14  }
0x2fb: {  	v11 =	vld [tilespmem:s26+$0x5E00];
	v4 =	vadd.f32 v5, v4  }
0x2fc: {  	v3 =	vadd.f32 v9, v3;
	v9 =	vld [tilespmem:s19+$0x5A80];
	v13 =	vmul.f32 v12, v13  }
0x2fd: {  	v5 =	vld [tilespmem:s26+$0x5E80];
	v4 =	vadd.f32 v10, v4  }
0x2fe: {  	v3 =	vadd.f32 v8, v3;
	v8 =	vld [tilespmem:s19+$0x5B00];
	v13 =	vsub.f32 $1.500000000e+00, v13  }
0x2ff: {  	v10 =	vld [tilespmem:s26+$0x5F00];
	v4 =	vadd.f32 v6, v4  }
0x300: {  	v3 =	vadd.f32 v11, v3;
	v11 =	vld [tilespmem:s19+$0x5B80];
	v12 =	vmul.f32 v12, v13  }
0x301: {  	v6 =	vld [tilespmem:s19+$0x5C00];
	v4 =	vadd.f32 v9, v4  }
0x302: {  	v13 =	vld [tilespmem:s10+$0x5800];
	v5 =	vadd.f32 v5, v3;
	v15 =	vmul.f32 v12, v14  }
0x303: {  	v9 =	vld [tilespmem:s10+$0x5880];
	v4 =	vadd.f32 v8, v4  }
0x304: {  	v8 =	vld [tilespmem:s19+$0x5C80];
	v5 =	vadd.f32 v10, v5;
	v10 =	vmul.f32 v15, v12  }
0x305: {  	v11 =	vadd.f32 v11, v4;
	v15 =	vld [tilespmem:s19+$0x5D00]  }
0x306: {  	v4 =	vadd.f32 v7, v5;
	v7 =	vld [tilespmem:s10+$0x5900];
	v10 =	vsub.f32 $1.500000000e+00, v10  }
0x307: {  	v19 =	vld [tilespmem:s10+$0x5A80];
	v6 =	vadd.f32 v6, v11  }
0x308: {  	v11 =	vld [tilespmem:s19+$0x5D80];
	v5 =	vmul.f32 $5.000000000e-01, v4;
	v17 =	vshra.s32 v4, $0x1;
	v12 =	vmul.f32 v10, v12  }
0x309: {  	v9 =	vadd.f32 v9, v13;
	v13 =	vld [tilespmem:s10+$0x5A00];
	v6 =	vadd.f32 v8, v6;
	v10 =	vsub.s32 $0x5F3759DF, v17  }
0x30a: {  	v8 =	vld [tilespmem:s19+$0x5E00];
	v17 =	vmul.f32 v10, v5;
	v18 =	vmul.f32 v12, v14  }
0x30b: {  	v3 =	vld [tilespmem:s19+$0x5F80];
	v7 =	vadd.f32 v7, v9;
	v6 =	vadd.f32 v15, v6  }
0x30c: {  	v15 =	vld [tilespmem:s19+$0x5E80];
	v9 =	vmul.f32 v10, v17;
	v17 =	vmul.f32 v18, v12  }
0x30d: {  	v7 =	vadd.f32 v16, v7;
	v6 =	vadd.f32 v11, v6;
	v11 =	vld [tilespmem:s19+$0x5F00]  }
0x30e: {  	v16 =	vld [tilespmem:s10+$0x5B00];
	v18 =	vsub.f32 $1.500000000e+00, v9;
	v17 =	vsub.f32 $1.500000000e+00, v17  }
0x30f: {  	v9 =	vld [tilespmem:s10+$0x5B80];
	v63 =	vadd.f32 v13, v7;
	v6 =	vadd.f32 v8, v6  }
0x310: {  	s29 =	simm.s32 $0x40;
	v7 =	vld [tilespmem:s10+$0x5C00];
	v10 =	vmul.f32 v10, v18;
	v12 =	vmul.f32 v17, v12  }
0x311: {  	v13 =	vld [tilespmem:s29+$0x5800];
	v8 =	vadd.f32 v19, v63;
	v17 =	vadd.f32 v15, v6  }
0x312: {  	v15 =	vld [tilespmem:s29+$0x5880];
	v18 =	vmul.f32 v10, v5;
	v19 =	vmul.f32 v12, v14  }
0x313: {  	v6 =	vld [tilespmem:s10+$0x5F80];
	v14 =	vadd.f32 v16, v8;
	v8 =	vadd.f32 v11, v17  }
0x314: {  	s11 =	simm.s32 $0x140;
	v11 =	vld [tilespmem:s10+$0x5C80];
	v16 =	vmul.f32 v18, v10;
	v17 =	vmul.f32 v19, v12  }
.LBB2_16:
0x315: {  	p0 =	sne.s32 s11, $0x1C0;
	v9 =	vadd.f32 v9, v14;
	v14 =	vld [tilespmem:s10+$0x5D00];
	v8 =	vadd.f32 v3, v8  }
0x316: {  	v18 =	vld [tilespmem:s29+$0x5900];
	v21 =	vsub.f32 $1.500000000e+00, v16;
	v16 =	vsub.f32 $1.500000000e+00, v17  }
0x317: {  	v13 =	vadd.f32 v15, v13;
	v7 =	vadd.f32 v7, v9;
	v9 =	vld [tilespmem:s10+$0x5D80];
	v17 =	vmul.f32 $5.000000000e-01, v8  }
0x318: {  	v19 =	vshra.s32 v8, $0x1;
	v15 =	vld [tilespmem:s29+$0x5980];
	v20 =	vmul.f32 v21, v10;
	v10 =	vmul.f32 v16, v12;
	v3 =	vmovc v6  }
0x319: {  	vm0 =	vgt.f32 v2, $0.0e+00;
	v2 =	vmovc v4;
	v4 =	vmovc v8;
	v12 =	vsub.s32 $0x5F3759DF, v19;
	v6 =	vadd.f32 v11, v7;
	v11 =	vld [tilespmem:s10+$0x5E00]  }
0x31a: {  	v8 =	vmul.f32 v12, v17;
	v7 =	vld [tilespmem:s29+$0x5A00];
	v16 =	vmul.f32 v20, v5;
	v10 =	vnsel vm0, $0x0, v10  }
0x31b: {  	v13 =	vadd.f32 v18, v13;
	v6 =	vadd.f32 v14, v6;
	v14 =	vld [tilespmem:s10+$0x5E80];
	[tilespmem:s28+$0xB000] =	vst v10;
	s28 =	smov.u32 s26;
	s26 =	smov.u32 s19;
	s19 =	smov.u32 s10  }
0x31c: {  	v8 =	vmul.f32 v12, v8;
	s10 =	smov.u32 s29;
	v18 =	vld [tilespmem:s29+$0x5A80];
	v10 =	vmul.f32 v16, v20  }
0x31d: {  	v13 =	vadd.f32 v15, v13;
	v6 =	vadd.f32 v9, v6;
	v16 =	vld [tilespmem:s19+$0x5F00]  }
0x31e: {  	v8 =	vsub.f32 $1.500000000e+00, v8;
	v19 =	vld [tilespmem:s10+$0x5B00];
	v15 =	vsub.f32 $1.500000000e+00, v10  }
0x31f: {  	v21 =	vadd.f32 v7, v13;
	v7 =	vld [tilespmem:s10+$0x5C00];
	v6 =	vadd.f32 v11, v6  }
.Ltmp7:
0x320: {  	s29 =	sshra.s32 s11, $0x2;
	v10 =	vmul.f32 v12, v8;
	v9 =	vld [tilespmem:s10+$0x5B80];
	v12 =	vmul.f32 v15, v20;
	(pc) =	sbr.rel @p0 .LBB2_16-.Ltmp7, $4  }
0x321: {  	v13 =	vld [tilespmem:s29+$0x5800];
	v8 =	vadd.f32 v18, v21;
	v11 =	vadd.f32 v14, v6  }
0x322: {  	v18 =	vmul.f32 v10, v17;
	v15 =	vld [tilespmem:s29+$0x5880];
	v20 =	vmul.f32 v12, v5;
	v5 =	vmov v17  }
0x323: {  	v14 =	vadd.f32 v19, v8;
	v6 =	vld [tilespmem:s10+$0x5F80];
	v8 =	vadd.f32 v16, v11  }
0x324: {  	s11 =	sadd.s32 $0x40, s11;
	v16 =	vmul.f32 v18, v10;
	v11 =	vld [tilespmem:s10+$0x5C80];
	v17 =	vmul.f32 v20, v12  }
0x325: {  	v18 =	vld [tilespmem:s10+$0x5D00]  }
0x326: {  	v19 =	vld [tilespmem:s29+$0x5900];
	v17 =	vsub.f32 $1.500000000e+00, v17  }
0x327: {  	v20 =	vld [tilespmem:s10+$0x5D80]  }
0x328: {  	v21 =	vld [tilespmem:s29+$0x5980];
	v16 =	vsub.f32 $1.500000000e+00, v16;
	v12 =	vmul.f32 v17, v12  }
0x329: {  	v28 =	vld [tilespmem:s10+$0x5E00];
	vm0 =	vgt.f32 v2, $0.0e+00;
	v13 =	vadd.f32 v15, v13  }
0x32a: {  	v2 =	vld [tilespmem:s29+$0x5A00];
	v10 =	vmul.f32 v16, v10;
	v12 =	vnsel vm0, $0x0, v12  }
0x32b: {  	v29 =	vld [tilespmem:s10+$0x5E80];
	v13 =	vadd.f32 v19, v13;
	[tilespmem:s28+$0xB000] =	vst v12  }
0x32c: {  	v30 =	vmul.f32 v10, v5;
	v31 =	vld [tilespmem:s29+$0x5A80]  }
0x32d: {  	v13 =	vadd.f32 v21, v13  }
0x32e: {  	v12 =	vmul.f32 v30, v10;
	v32 =	vld [tilespmem:s29+$0x5B00]  }
0x32f: {  	v2 =	vadd.f32 v2, v13  }
0x330: {  	v33 =	vld [tilespmem:s29+$0x5B80];
	v12 =	vsub.f32 $1.500000000e+00, v12  }
0x331: {  	v2 =	vadd.f32 v31, v2  }
0x332: {  	v34 =	vld [tilespmem:s29+$0x5C00];
	v10 =	vmul.f32 v12, v10  }
0x333: {  	v2 =	vadd.f32 v32, v2  }
0x334: {  	v9 =	vadd.f32 v9, v14;
	v36 =	vld [tilespmem:s29+$0x5C80];
	v35 =	vmul.f32 v10, v5  }
0x335: {  	v2 =	vadd.f32 v33, v2  }
0x336: {  	v7 =	vadd.f32 v7, v9;
	v37 =	vld [tilespmem:s29+$0x5D00];
	v5 =	vmul.f32 v35, v10  }
0x337: {  	v2 =	vadd.f32 v34, v2  }
0x338: {  	v7 =	vadd.f32 v11, v7;
	v38 =	vld [tilespmem:s29+$0x5D80];
	v5 =	vsub.f32 $1.500000000e+00, v5  }
0x339: {  	v2 =	vadd.f32 v36, v2  }
0x33a: {  	v7 =	vadd.f32 v18, v7;
	v40 =	vld [tilespmem:s29+$0x5E00];
	v5 =	vmul.f32 v5, v10  }
0x33b: {  	vm12 =	vgt.f32 v4, $0.0e+00;
	v39 =	vld [tilespmem:s10+$0x5F00];
	v2 =	vadd.f32 v37, v2  }
0x33c: {  	v43 =	vld [tilespmem:s29+$0x5E80];
	v42 =	vadd.f32 v20, v7;
	v5 =	vnsel vm12, $0x0, v5  }
0x33d: {  	v41 =	vld [tilespmem:s29+$0x5F80];
	[tilespmem:s26+$0xB000] =	vst v5;
	v2 =	vadd.f32 v38, v2  }
0x33e: {  	v4 =	vadd.f32 v28, v42;
	v5 =	vld [tilespmem:s29+$0x5F00]  }
0x33f: {  	v2 =	vadd.f32 v40, v2  }
0x340: {  	v4 =	vadd.f32 v29, v4  }
0x341: {  	v2 =	vadd.f32 v43, v2  }
0x342: {  	v3 =	vadd.f32 v3, v8;
	v4 =	vadd.f32 v39, v4  }
0x343: {  	v2 =	vadd.f32 v5, v2  }
0x344: {  	v44 =	vmul.f32 $5.000000000e-01, v3;
	v45 =	vshra.s32 v3, $0x1;
	v4 =	vadd.f32 v6, v4  }
0x345: {  	v46 =	vsub.s32 $0x5F3759DF, v45;
	v2 =	vadd.f32 v41, v2  }
0x346: {  	v7 =	vmul.f32 v46, v44;
	v47 =	vmul.f32 $5.000000000e-01, v4;
	v48 =	vshra.s32 v4, $0x1  }
0x347: {  	v9 =	vsub.s32 $0x5F3759DF, v48;
	v49 =	vmul.f32 $5.000000000e-01, v2;
	v50 =	vshra.s32 v2, $0x1  }
0x348: {  	v51 =	vmul.f32 v9, v47;
	v11 =	vsub.s32 $0x5F3759DF, v50  }
0x349: {  	v7 =	vmul.f32 v46, v7;
	v52 =	vmul.f32 v11, v49  }
0x34a: {  	v12 =	vmul.f32 v9, v51  }
0x34b: {  	v7 =	vsub.f32 $1.500000000e+00, v7;
	v13 =	vmul.f32 v11, v52  }
0x34c: {  	v12 =	vsub.f32 $1.500000000e+00, v12  }
0x34d: {  	v6 =	vmul.f32 v46, v7;
	v53 =	vsub.f32 $1.500000000e+00, v13  }
0x34e: {  	v9 =	vmul.f32 v9, v12  }
0x34f: {  	v54 =	vmul.f32 v6, v44;
	v7 =	vmul.f32 v11, v53  }
0x350: {  	v55 =	vmul.f32 v9, v47  }
0x351: {  	v12 =	vmul.f32 v54, v6;
	v56 =	vmul.f32 v7, v49  }
0x352: {  	v11 =	vmul.f32 v55, v9  }
0x353: {  	v12 =	vsub.f32 $1.500000000e+00, v12;
	v13 =	vmul.f32 v56, v7  }
0x354: {  	v11 =	vsub.f32 $1.500000000e+00, v11  }
0x355: {  	v6 =	vmul.f32 v12, v6;
	v57 =	vsub.f32 $1.500000000e+00, v13  }
0x356: {  	v9 =	vmul.f32 v11, v9  }
0x357: {  	v58 =	vmul.f32 v6, v44;
	v7 =	vmul.f32 v57, v7  }
0x358: {  	v59 =	vmul.f32 v9, v47  }
0x359: {  	v11 =	vmul.f32 v58, v6;
	v60 =	vmul.f32 v7, v49  }
0x35a: {  	v12 =	vmul.f32 v59, v9  }
0x35b: {  	v11 =	vsub.f32 $1.500000000e+00, v11;
	v13 =	vmul.f32 v60, v7  }
0x35c: {  	v12 =	vsub.f32 $1.500000000e+00, v12  }
0x35d: {  	v6 =	vmul.f32 v11, v6;
	v61 =	vsub.f32 $1.500000000e+00, v13  }
0x35e: {  	v9 =	vmul.f32 v12, v9  }
0x35f: {  	v5 =	vmul.f32 v6, v44;
	v7 =	vmul.f32 v61, v7  }
0x360: {  	v8 =	vmul.f32 v9, v47  }
0x361: {  	v5 =	vmul.f32 v5, v6;
	v10 =	vmul.f32 v7, v49  }
0x362: {  	v8 =	vmul.f32 v8, v9  }
0x363: {  	v5 =	vsub.f32 $1.500000000e+00, v5;
	v10 =	vmul.f32 v10, v7  }
0x364: {  	v8 =	vsub.f32 $1.500000000e+00, v8  }
0x365: {  	v5 =	vmul.f32 v5, v6;
	v62 =	vsub.f32 $1.500000000e+00, v10  }
0x366: {  	vm13 =	vgt.f32 v3, $0.0e+00;
	v3 =	vmul.f32 v8, v9  }
0x367: {  	vm14 =	vgt.f32 v4, $0.0e+00;
	v5 =	vnsel vm13, $0x0, v5;
	v63 =	vmul.f32 v62, v7  }
0x368: {  	vm15 =	vgt.f32 v2, $0.0e+00;
	[tilespmem:s19+$0xB000] =	vst v5;
	v3 =	vnsel vm14, $0x0, v3  }
0x369: {  	[tilespmem:s10+$0xB000] =	vst v3;
	v2 =	vnsel vm15, $0x0, v63  }
0x36a: {  	s8 =	simm.s32 $0x0;
	s4 =	rddreg [dreg:$0x11];
	s26 =	simm.s32 $0xB000;
	[tilespmem:s29+$0xB000] =	vst v2  }
0x36b: {  	[hbm4b:s4+s8] =	stream.linear.scatter [tilespmem:s26], [sflag:$0x5], $0x80, $0x38;
	[tilespmem:$0x1F280] =	vst v63  }
0x36c: {  	_ =	swait.ge [sflag:s9], $0x80  }
0x36d: {  	[sflag:s9] =	ssyncset.done $0x0  }
0x36e: {  	[sflag:s9] =	ssyncadd.s32 $0xFFFFFF80  }
0x36f: {  	[bflag:$0x0] =	sbarrier.arrive $0xFFFF  }
0x370: {  	s30 =	simm.s32 $0x100;
	s29 =	simm.s32 $0x80;
	s28 =	rddreg [dreg:$0x13]  }
0x371: {  	[tilespmem:s3], [sflag:$0x5] =	stream.strided.gather [hbm4b:s28+s29], $0x2800, s30, s29, $0x38;
	[tilespmem:$0x1F280] =	vst v63  }
0x372: {  	_ =	swait.ge [sflag:s9], $0x2800  }
0x373: {  	[sflag:s9] =	ssyncset.done $0x0  }
0x374: {  	s11 =	simm.s32 $0x200;
	s10 =	simm.s32 $0x0;
	[sflag:s9] =	ssyncadd.s32 $0xFFFFD800  }
.LBB2_18:
0x375: {  	p0 =	sne.s32 s11, $0x9E00;
	[tilespmem:s10+$0x8870] =	vst v1  }
0x376: {  	[tilespmem:s10+$0x6000] =	vst v1  }
0x377: {  	[tilespmem:s10+$0x8800] =	vst v1  }
0x378: {  	[tilespmem:s10+$0x6010] =	vst v1  }
0x379: {  	[tilespmem:s10+$0x8810] =	vst v1  }
0x37a: {  	[tilespmem:s10+$0x6020] =	vst v1  }
0x37b: {  	[tilespmem:s10+$0x8820] =	vst v1  }
0x37c: {  	[tilespmem:s10+$0x6030] =	vst v1  }
0x37d: {  	[tilespmem:s10+$0x8830] =	vst v1  }
0x37e: {  	[tilespmem:s10+$0x6040] =	vst v1  }
0x37f: {  	[tilespmem:s10+$0x8840] =	vst v1  }
.Ltmp8:
0x380: {  	[tilespmem:s10+$0x6050] =	vst v1;
	(pc) =	sbr.rel @p0 .LBB2_18-.Ltmp8, $4  }
0x381: {  	[tilespmem:s10+$0x8850] =	vst v1  }
0x382: {  	[tilespmem:s10+$0x6060] =	vst v1  }
0x383: {  	[tilespmem:s10+$0x8860] =	vst v1  }
0x384: {  	[tilespmem:s10+$0x6070] =	vst v1;
	s10 =	sshra.s32 s11, $0x2;
	s11 =	sadd.s32 $0x200, s11  }
0x385: {  	[tilespmem:s10+$0x8870] =	vst v1  }
0x386: {  	[tilespmem:s10+$0x6000] =	vst v1  }
0x387: {  	[tilespmem:s10+$0x8800] =	vst v1  }
0x388: {  	[tilespmem:s10+$0x6010] =	vst v1  }
0x389: {  	[tilespmem:s10+$0x8810] =	vst v1  }
0x38a: {  	[tilespmem:s10+$0x6020] =	vst v1  }
0x38b: {  	[tilespmem:s10+$0x8820] =	vst v1  }
0x38c: {  	[tilespmem:s10+$0x6030] =	vst v1  }
0x38d: {  	[tilespmem:s10+$0x8830] =	vst v1  }
0x38e: {  	[tilespmem:s10+$0x6040] =	vst v1  }
0x38f: {  	[tilespmem:s10+$0x8840] =	vst v1  }
0x390: {  	[tilespmem:s10+$0x6050] =	vst v1  }
0x391: {  	[tilespmem:s10+$0x8850] =	vst v1  }
0x392: {  	[tilespmem:s10+$0x6060] =	vst v1  }
0x393: {  	[tilespmem:s10+$0x8860] =	vst v1  }
0x394: {  	[tilespmem:s10+$0x6070] =	vst v1;
	s4 =	rddreg [dreg:$0x12]  }
0x395: {  	[spmem:s4] =	stream.linear.scatter [tilespmem:s13], [sflag:$0x1], $0x2800, $0x38;
	[tilespmem:$0x1F280] =	vst v63  }
0x396: {  	s10 =	rddreg [dreg:$0x14]  }
0x397: {  	[spmem:s10] =	stream.linear.scatter [tilespmem:s14], [sflag:$0x1], $0x2800, $0x38;
	[tilespmem:$0x1F280] =	vst v63  }
0x398: {  	s11 =	rddreg [dreg:$0x15]  }
0x399: {  	[spmem:s11] =	stream.linear.scatter [tilespmem:s13], [sflag:$0x1], $0x2800, $0x38;
	[tilespmem:$0x1F280] =	vst v63  }
0x39a: {  	s12 =	rddreg [dreg:$0x18]  }
0x39b: {  	[spmem:s12] =	stream.linear.scatter [tilespmem:s14], [sflag:$0x1], $0x2800, $0x38;
	[tilespmem:$0x1F280] =	vst v63  }
0x39c: {  	s19 =	rddreg [dreg:$0x19]  }
0x39d: {  	[spmem:s19] =	stream.linear.scatter [tilespmem:s13], [sflag:$0x1], $0x2800, $0x38;
	[tilespmem:$0x1F280] =	vst v63  }
0x39e: {  	s26 =	rddreg [dreg:$0x1a]  }
0x39f: {  	[spmem:s26] =	stream.linear.scatter [tilespmem:s14], [sflag:$0x1], $0x2800, $0x38;
	[tilespmem:$0x1F280] =	vst v63  }
0x3a0: {  	s29 =	rddreg [dreg:$0x1b]  }
0x3a1: {  	[spmem:s29] =	stream.linear.scatter [tilespmem:s13], [sflag:$0x1], $0x2800, $0x38;
	[tilespmem:$0x1F280] =	vst v63  }
0x3a2: {  	s30 =	rddreg [dreg:$0x1c]  }
0x3a3: {  	[spmem:s30] =	stream.linear.scatter [tilespmem:s14], [sflag:$0x1], $0x2800, $0x38;
	[tilespmem:$0x1F280] =	vst v63  }
0x3a4: {  	_ =	swait.ge [sflag:s0], $0x2800  }
0x3a5: {  	[sflag:s0] =	ssyncset.done $0x0  }
0x3a6: {  	[sflag:s0] =	ssyncadd.s32 $0xFFFFD800  }
0x3a7: {  	_ =	swait.ge [sflag:s0], $0x2800  }
0x3a8: {  	[sflag:s0] =	ssyncset.done $0x0  }
0x3a9: {  	[sflag:s0] =	ssyncadd.s32 $0xFFFFD800  }
0x3aa: {  	_ =	swait.ge [sflag:s0], $0x2800  }
0x3ab: {  	[sflag:s0] =	ssyncset.done $0x0  }
0x3ac: {  	[sflag:s0] =	ssyncadd.s32 $0xFFFFD800  }
0x3ad: {  	_ =	swait.ge [sflag:s0], $0x2800  }
0x3ae: {  	[sflag:s0] =	ssyncset.done $0x0  }
0x3af: {  	[sflag:s0] =	ssyncadd.s32 $0xFFFFD800  }
0x3b0: {  	_ =	swait.ge [sflag:s0], $0x2800  }
0x3b1: {  	[sflag:s0] =	ssyncset.done $0x0  }
0x3b2: {  	[sflag:s0] =	ssyncadd.s32 $0xFFFFD800  }
0x3b3: {  	_ =	swait.ge [sflag:s0], $0x2800  }
0x3b4: {  	[sflag:s0] =	ssyncset.done $0x0  }
0x3b5: {  	[sflag:s0] =	ssyncadd.s32 $0xFFFFD800  }
0x3b6: {  	_ =	swait.ge [sflag:s0], $0x2800  }
0x3b7: {  	[sflag:s0] =	ssyncset.done $0x0  }
0x3b8: {  	[sflag:s0] =	ssyncadd.s32 $0xFFFFD800  }
0x3b9: {  	_ =	swait.ge [sflag:s0], $0x2800  }
0x3ba: {  	[sflag:s0] =	ssyncset.done $0x0  }
0x3bb: {  	[sflag:s0] =	ssyncadd.s32 $0xFFFFD800  }
0x3bc: {  	s28 =	simm.s32 $0x0;
	s26 =	simm.s32 $0x0;
	[bflag:$0x0] =	sbarrier.arrive $0xFFFF  }
.LBB2_20:
0x3bd: {  	s8 =	sshll.u32 s28, $0xC  }
0x3be: {  	s8 =	sadd.s32 s7, s8  }
0x3bf: {  	s8 =	sshrl.u32 s8, $0x3  }
0x3c0: {  	s10 =	sadd.s32 s6, s8  }
0x3c1: {  	[tilespmem:s26], [sflag:$0x1] =	stream.linear.gather [hbm4b:s10+s26], $0xC80, $0x38;
	[tilespmem:$0x1F280] =	vst v63  }
0x3c2: {  	s10 =	sadd.s32 $0x14000, s10  }
0x3c3: {  	[tilespmem:s15], [sflag:$0x1] =	stream.linear.gather [hbm4b:s10+s26], $0xC80, $0x38;
	[tilespmem:$0x1F280] =	vst v63  }
0x3c4: {  	s8 =	sadd.s32 s1, s8  }
0x3c5: {  	[tilespmem:s31], [sflag:$0x1] =	stream.linear.gather [hbm4b:s8+s26], $0xC80, $0x38;
	[tilespmem:$0x1F280] =	vst v63  }
0x3c6: {  	_ =	swait.ge [sflag:s0], $0xC80  }
0x3c7: {  	[sflag:s0] =	ssyncset.done $0x0  }
0x3c8: {  	[sflag:s0] =	ssyncadd.s32 $0xFFFFF380  }
0x3c9: {  	_ =	swait.ge [sflag:s0], $0xC80  }
0x3ca: {  	[sflag:s0] =	ssyncset.done $0x0  }
0x3cb: {  	[sflag:s0] =	ssyncadd.s32 $0xFFFFF380  }
0x3cc: {  	_ =	swait.ge [sflag:s0], $0xC80  }
0x3cd: {  	[sflag:s0] =	ssyncset.done $0x0  }
0x3ce: {  	[sflag:s0] =	ssyncadd.s32 $0xFFFFF380  }
0x3cf: {  	v2 =	vld [tilespmem:$0x0];
	_ =	sdelay $0x1  }
0x3d0: {  	v3 =	vld [tilespmem:$0x1000];
	_ =	sdelay $0x4  }
0x3d1: {  	v4 =	vld [tilespmem:$0x2000]  }
0x3d2: {  	v5 =	vld.idx.msk [tilespmem:v2+s3+$0x0], $0xffff;
	_ =	sdelay $0x1  }
0x3d3: {  	v3 =	vld.idx.msk [tilespmem:v3+s3+$0x0], $0xffff;
	_ =	sdelay $0x1  }
0x3d4: {  	v46 =	vld [tilespmem:$0x10]  }
0x3d5: {  	v4 =	vmul.f32 v5, v4  }
0x3d6: {  	v47 =	vld [tilespmem:$0x1010]  }
0x3d7: {  	v3 =	vmul.f32 v3, v4;
	_ =	sdelay $0x1  }
0x3d8: {  	v2 =	vadd.s32 v0, v2;
	v3 =	vsub.f32 $0.0e+00, v3  }
0x3d9: {  	[tilespmem:$0xB080] =	vst v2  }
0x3da: {  	v2 =	vld [tilespmem:$0x2010];
	[tilespmem:$0xB180] =	vst v3  }
0x3db: {  	v3 =	vld.idx.msk [tilespmem:v46+s3+$0x0], $0xffff;
	_ =	sdelay $0x1  }
0x3dc: {  	v4 =	vld.idx.msk [tilespmem:v47+s3+$0x0], $0xffff;
	_ =	sdelay $0x2  }
0x3dd: {  	v2 =	vmul.f32 v3, v2;
	v3 =	vld [tilespmem:$0x20];
	_ =	sdelay $0x1  }
0x3de: {  	v48 =	vld [tilespmem:$0x1020];
	v2 =	vmul.f32 v4, v2;
	_ =	sdelay $0x1  }
0x3df: {  	v2 =	vsub.f32 $0.0e+00, v2;
	_ =	sdelay $0x1  }
0x3e0: {  	[tilespmem:$0xB190] =	vst v2;
	v2 =	vadd.s32 v0, v46  }
0x3e1: {  	[tilespmem:$0xB090] =	vst v2;
	v2 =	vld [tilespmem:$0x2020]  }
0x3e2: {  	v49 =	vld.idx.msk [tilespmem:v3+s3+$0x0], $0xffff;
	_ =	sdelay $0x1  }
0x3e3: {  	v4 =	vld.idx.msk [tilespmem:v48+s3+$0x0], $0xffff;
	_ =	sdelay $0x2  }
0x3e4: {  	v50 =	vld [tilespmem:$0x30];
	v2 =	vmul.f32 v49, v2;
	_ =	sdelay $0x1  }
0x3e5: {  	v51 =	vld [tilespmem:$0x1030];
	v2 =	vmul.f32 v4, v2;
	_ =	sdelay $0x1  }
0x3e6: {  	v2 =	vsub.f32 $0.0e+00, v2;
	_ =	sdelay $0x1  }
0x3e7: {  	[tilespmem:$0xB1A0] =	vst v2;
	v2 =	vadd.s32 v0, v3  }
0x3e8: {  	[tilespmem:$0xB0A0] =	vst v2;
	v2 =	vld [tilespmem:$0x2030]  }
0x3e9: {  	v3 =	vld.idx.msk [tilespmem:v50+s3+$0x0], $0xffff;
	_ =	sdelay $0x1  }
0x3ea: {  	v4 =	vld.idx.msk [tilespmem:v51+s3+$0x0], $0xffff;
	_ =	sdelay $0x2  }
0x3eb: {  	v2 =	vmul.f32 v3, v2;
	v3 =	vld [tilespmem:$0x40];
	_ =	sdelay $0x1  }
0x3ec: {  	v52 =	vld [tilespmem:$0x1040];
	v2 =	vmul.f32 v4, v2;
	_ =	sdelay $0x1  }
0x3ed: {  	v2 =	vsub.f32 $0.0e+00, v2;
	_ =	sdelay $0x1  }
0x3ee: {  	[tilespmem:$0xB1B0] =	vst v2;
	v2 =	vadd.s32 v0, v50  }
0x3ef: {  	[tilespmem:$0xB0B0] =	vst v2;
	v2 =	vld [tilespmem:$0x2040]  }
0x3f0: {  	v53 =	vld.idx.msk [tilespmem:v3+s3+$0x0], $0xffff;
	_ =	sdelay $0x1  }
0x3f1: {  	v4 =	vld.idx.msk [tilespmem:v52+s3+$0x0], $0xffff;
	_ =	sdelay $0x2  }
0x3f2: {  	v2 =	vmul.f32 v53, v2;
	_ =	sdelay $0x1  }
0x3f3: {  	v2 =	vmul.f32 v4, v2;
	_ =	sdelay $0x1  }
0x3f4: {  	v2 =	vsub.f32 $0.0e+00, v2;
	_ =	sdelay $0x1  }
0x3f5: {  	[tilespmem:$0xB1C0] =	vst v2;
	v2 =	vadd.s32 v0, v3  }
0x3f6: {  	[tilespmem:$0xB0C0] =	vst v2  }
0x3f7: {  	[tilespmem:s13], [sflag:$0x2] =	stream.indirect.gather [hbm4b:s5+s16], $0x80, s17, s16, $0xb8;
	[tilespmem:$0x1F280] =	vst v63  }
0x3f8: {  	v2 =	vld [tilespmem:$0x80];
	_ =	sdelay $0x1  }
0x3f9: {  	v3 =	vld [tilespmem:$0x1080];
	_ =	sdelay $0x4  }
0x3fa: {  	v54 =	vld [tilespmem:$0x2080]  }
0x3fb: {  	v55 =	vld.idx.msk [tilespmem:v2+s3+$0x0], $0xffff;
	_ =	sdelay $0x1  }
0x3fc: {  	v3 =	vld.idx.msk [tilespmem:v3+s3+$0x0], $0xffff;
	_ =	sdelay $0x1  }
0x3fd: {  	v56 =	vld [tilespmem:$0x90]  }
0x3fe: {  	v4 =	vmul.f32 v55, v54  }
0x3ff: {  	v57 =	vld [tilespmem:$0x1090]  }
0x400: {  	v3 =	vmul.f32 v3, v4;
	_ =	sdelay $0x1  }
0x401: {  	v2 =	vadd.s32 v0, v2;
	v3 =	vsub.f32 $0.0e+00, v3  }
0x402: {  	[tilespmem:$0xB100] =	vst v2  }
0x403: {  	v2 =	vld [tilespmem:$0x2090];
	[tilespmem:$0xB200] =	vst v3  }
0x404: {  	v3 =	vld.idx.msk [tilespmem:v56+s3+$0x0], $0xffff;
	_ =	sdelay $0x1  }
0x405: {  	v4 =	vld.idx.msk [tilespmem:v57+s3+$0x0], $0xffff;
	_ =	sdelay $0x2  }
0x406: {  	v2 =	vmul.f32 v3, v2;
	v3 =	vld [tilespmem:$0xA0];
	_ =	sdelay $0x1  }
0x407: {  	v58 =	vld [tilespmem:$0x10A0];
	v2 =	vmul.f32 v4, v2;
	_ =	sdelay $0x1  }
0x408: {  	v2 =	vsub.f32 $0.0e+00, v2;
	_ =	sdelay $0x1  }
0x409: {  	[tilespmem:$0xB210] =	vst v2;
	v2 =	vadd.s32 v0, v56  }
0x40a: {  	[tilespmem:$0xB110] =	vst v2;
	v2 =	vld [tilespmem:$0x20A0]  }
0x40b: {  	v59 =	vld.idx.msk [tilespmem:v3+s3+$0x0], $0xffff;
	_ =	sdelay $0x1  }
0x40c: {  	v4 =	vld.idx.msk [tilespmem:v58+s3+$0x0], $0xffff;
	_ =	sdelay $0x2  }
0x40d: {  	v60 =	vld [tilespmem:$0xB0];
	v2 =	vmul.f32 v59, v2;
	_ =	sdelay $0x1  }
0x40e: {  	v61 =	vld [tilespmem:$0x10B0];
	v2 =	vmul.f32 v4, v2;
	_ =	sdelay $0x1  }
0x40f: {  	v2 =	vsub.f32 $0.0e+00, v2;
	_ =	sdelay $0x1  }
0x410: {  	[tilespmem:$0xB220] =	vst v2;
	v2 =	vadd.s32 v0, v3  }
0x411: {  	[tilespmem:$0xB120] =	vst v2;
	v2 =	vld [tilespmem:$0x20B0]  }
0x412: {  	v3 =	vld.idx.msk [tilespmem:v60+s3+$0x0], $0xffff;
	_ =	sdelay $0x1  }
0x413: {  	v4 =	vld.idx.msk [tilespmem:v61+s3+$0x0], $0xffff;
	_ =	sdelay $0x2  }
0x414: {  	v2 =	vmul.f32 v3, v2;
	v3 =	vld [tilespmem:$0xC0];
	_ =	sdelay $0x1  }
0x415: {  	v62 =	vld [tilespmem:$0x10C0];
	v2 =	vmul.f32 v4, v2;
	_ =	sdelay $0x1  }
0x416: {  	v2 =	vsub.f32 $0.0e+00, v2;
	_ =	sdelay $0x1  }
0x417: {  	[tilespmem:$0xB230] =	vst v2;
	v2 =	vadd.s32 v0, v60  }
0x418: {  	[tilespmem:$0xB130] =	vst v2;
	v2 =	vld [tilespmem:$0x20C0]  }
0x419: {  	v63 =	vld.idx.msk [tilespmem:v3+s3+$0x0], $0xffff;
	_ =	sdelay $0x1  }
0x41a: {  	v4 =	vld.idx.msk [tilespmem:v62+s3+$0x0], $0xffff;
	_ =	sdelay $0x2  }
0x41b: {  	v2 =	vmul.f32 v63, v2;
	_ =	sdelay $0x1  }
0x41c: {  	v2 =	vmul.f32 v4, v2;
	_ =	sdelay $0x1  }
0x41d: {  	v2 =	vsub.f32 $0.0e+00, v2;
	_ =	sdelay $0x1  }
0x41e: {  	[tilespmem:$0xB240] =	vst v2;
	v2 =	vadd.s32 v0, v3  }
0x41f: {  	s29 =	simm.s32 $0x0;
	[tilespmem:$0xB140] =	vst v2  }
0x420: {  	[tilespmem:s14], [sflag:$0x3] =	stream.indirect.gather [hbm4b:s5+s16], $0x80, s18, s16, $0xb8;
	[tilespmem:$0x1F280] =	vst v63  }
.LBB2_21:
0x421: {  	s8 =	simm.s32 $0x0  }
0x422: {  	s4 =	simm.s32 $0x2;
	v2 =	vmov s8  }
0x423: {  	_ =	swait.ge [sflag:s20], $0x2800;
	v3 =	vmov s4;
	v2 =	vand.u32 $0xFFFFFFFC, v2  }
0x424: {  	[sflag:s20] =	ssyncset.done $0x0;
	v3 =	vand.u32 $0xFFFFFFFE, v3;
	v2 =	vbroadcast v2, $0x0  }
0x425: {  	s19 =	simm.s32 $0x6100;
	[sflag:s20] =	ssyncadd.s32 $0xFFFFD800;
	v3 =	vbroadcast v3, $0x0  }
0x426: {  	v5 =	vld [tilespmem:s19+$0x70]  }
0x427: {  	v6 =	vld [tilespmem:s19+$0xFFFFFF00]  }
0x428: {  	s10 =	simm.s32 $0x1;
	v7 =	vld [tilespmem:s19+$0xFFFFFF10]  }
0x429: {  	v4 =	vmov s10;
	v8 =	vld [tilespmem:s19+$0xFFFFFF20]  }
0x42a: {  	v4 =	vand.u32 $0xFFFFFFFD, v4;
	v2 =	vld.idx.msk [tilespmem:v2+s21+$0x0], $0xffff  }
0x42b: {  	v4 =	vbroadcast v4, $0x0;
	v3 =	vld.idx.msk [tilespmem:v3+s21+$0x0], $0xffff  }
0x42c: {  	v9 =	vld [tilespmem:s19+$0xFFFFFF30]  }
0x42d: {  	v10 =	vld [tilespmem:s19+$0xFFFFFF40]  }
0x42e: {  	v11 =	vld [tilespmem:s19+$0xFFFFFF50]  }
0x42f: {  	v12 =	vld [tilespmem:s19+$0xFFFFFF60];
	v6 =	vmul.f32 v6, v2  }
0x430: {  	v14 =	vld [tilespmem:s19+$0x40];
	v5 =	vmul.f32 v5, v3  }
0x431: {  	v4 =	vld.idx.msk [tilespmem:v4+s21+$0x0], $0xffff;
	[tilespmem:s19+$0xFFFFFF00] =	vst v6;
	v6 =	vmul.f32 v7, v2  }
0x432: {  	v7 =	vld [tilespmem:s19+$0xFFFFFF70];
	[tilespmem:s19+$0x70] =	vst v5;
	v5 =	vmul.f32 v8, v2  }
0x433: {  	v8 =	vld [tilespmem:s19+$0xFFFFFF80];
	[tilespmem:s19+$0xFFFFFF10] =	vst v6;
	v6 =	vmul.f32 v9, v2  }
0x434: {  	v9 =	vld [tilespmem:s19+$0xFFFFFF90];
	[tilespmem:s19+$0xFFFFFF20] =	vst v5;
	v5 =	vmul.f32 v10, v2  }
0x435: {  	v10 =	vld [tilespmem:s19+$0xFFFFFFA0];
	[tilespmem:s19+$0xFFFFFF30] =	vst v6;
	v6 =	vmul.f32 v11, v2  }
0x436: {  	v11 =	vld [tilespmem:s19+$0xFFFFFFB0];
	[tilespmem:s19+$0xFFFFFF40] =	vst v5;
	v5 =	vmul.f32 v12, v2  }
0x437: {  	v12 =	vld [tilespmem:s19+$0xFFFFFFC0];
	v7 =	vmul.f32 v7, v2;
	[tilespmem:s19+$0xFFFFFF50] =	vst v6  }
0x438: {  	v6 =	vmul.f32 v8, v4;
	v8 =	vld [tilespmem:s19+$0xFFFFFFD0];
	[tilespmem:s19+$0xFFFFFF60] =	vst v5  }
0x439: {  	s11 =	simm.s32 $0x3;
	v5 =	vld [tilespmem:s19+$0xFFFFFFE0];
	v9 =	vmul.f32 v9, v4;
	[tilespmem:s19+$0xFFFFFF70] =	vst v7  }
0x43a: {  	v13 =	vmov s11;
	v7 =	vld [tilespmem:s19+$0xFFFFFFF0];
	[tilespmem:s19+$0xFFFFFF80] =	vst v6;
	v6 =	vmul.f32 v10, v4  }
0x43b: {  	v10 =	vld [tilespmem:s19+$0x0];
	[tilespmem:s19+$0xFFFFFF90] =	vst v9;
	v9 =	vmul.f32 v11, v4  }
0x43c: {  	v11 =	vld [tilespmem:s19+$0x10];
	[tilespmem:s19+$0xFFFFFFA0] =	vst v6;
	v6 =	vmul.f32 v12, v4  }
0x43d: {  	[tilespmem:s19+$0xFFFFFFB0] =	vst v9;
	v8 =	vmul.f32 v8, v4;
	v9 =	vld [tilespmem:s19+$0x20]  }
0x43e: {  	v12 =	vld [tilespmem:s19+$0x30];
	v5 =	vmul.f32 v5, v4;
	[tilespmem:s19+$0xFFFFFFC0] =	vst v6  }
0x43f: {  	v2 =	vld.idx.msk [tilespmem:v13+s21+$0x0], $0xffff;
	v4 =	vmul.f32 v7, v4;
	[tilespmem:s19+$0xFFFFFFD0] =	vst v8  }
0x440: {  	[tilespmem:s19+$0xFFFFFFE0] =	vst v5;
	v6 =	vmul.f32 v10, v3;
	v5 =	vld [tilespmem:s19+$0x50]  }
0x441: {  	s12 =	simm.s32 $0x4;
	[tilespmem:s19+$0xFFFFFFF0] =	vst v4;
	v7 =	vmul.f32 v11, v3;
	v4 =	vld [tilespmem:s19+$0x60]  }
0x442: {  	s30 =	simm.s32 $0x7;
	v8 =	vmov s12;
	[tilespmem:s19+$0x0] =	vst v6;
	v10 =	vmul.f32 v9, v3;
	v9 =	vld [tilespmem:s19+$0x80]  }
0x443: {  	s10 =	simm.s32 $0x5;
	v13 =	vand.u32 $0xFFFFFFFC, v8;
	v8 =	vld [tilespmem:s19+$0x90];
	v6 =	vmov s30;
	v11 =	vmul.f32 v12, v3;
	[tilespmem:s19+$0x10] =	vst v7  }
0x444: {  	s11 =	simm.s32 $0x8;
	s12 =	simm.s32 $0x6;
	v12 =	vmul.f32 v14, v3;
	v7 =	vbroadcast v13, $0x0;
	v13 =	vmov s10;
	s10 =	simm.s32 $0x6100;
	[tilespmem:s19+$0x20] =	vst v10;
	v10 =	vld [tilespmem:s19+$0xA0]  }
.LBB2_22:
0x445: {  	p0 =	slt.u32 s11, $0x4C;
	v13 =	vand.u32 $0xFFFFFFFD, v13;
	v14 =	vmov s12;
	[tilespmem:s19+$0x30] =	vst v11;
	v5 =	vmul.f32 v5, v3;
	v11 =	vld [tilespmem:s19+$0xB0]  }
0x446: {  	v13 =	vbroadcast v13, $0x0;
	v14 =	vand.u32 $0xFFFFFFFE, v14;
	[tilespmem:s19+$0x40] =	vst v12;
	v3 =	vmul.f32 v4, v3;
	v4 =	vld [tilespmem:s19+$0xC0]  }
0x447: {  	v12 =	vbroadcast v14, $0x0;
	[tilespmem:s19+$0x50] =	vst v5;
	v5 =	vmul.f32 v9, v2;
	v9 =	vld [tilespmem:s19+$0xD0]  }
0x448: {  	[tilespmem:s19+$0x60] =	vst v3;
	v3 =	vmul.f32 v8, v2;
	v8 =	vld [tilespmem:s19+$0xE0]  }
0x449: {  	[tilespmem:s19+$0x80] =	vst v5;
	v5 =	vmul.f32 v10, v2;
	v10 =	vld [tilespmem:s19+$0xF0]  }
0x44a: {  	v6 =	vld.idx.msk [tilespmem:v6+s21+$0x0], $0xffff;
	[tilespmem:s19+$0x90] =	vst v3;
	v3 =	vmul.f32 v11, v2  }
0x44b: {  	v7 =	vld.idx.msk [tilespmem:v7+s21+$0x0], $0xffff;
	[tilespmem:s19+$0xA0] =	vst v5;
	v4 =	vmul.f32 v4, v2  }
0x44c: {  	v5 =	vld.idx.msk [tilespmem:v13+s21+$0x0], $0xffff;
	[tilespmem:s19+$0xB0] =	vst v3;
	v9 =	vmul.f32 v9, v2  }
0x44d: {  	s19 =	sadd.s32 $0x200, s19;
	v3 =	vld.idx.msk [tilespmem:v12+s21+$0x0], $0xffff;
	[tilespmem:s10+$0xC0] =	vst v4;
	v4 =	vmul.f32 v8, v2  }
0x44e: {  	v8 =	vld [tilespmem:s19+$0x70];
	[tilespmem:s10+$0xD0] =	vst v9;
	v10 =	vmul.f32 v10, v2  }
0x44f: {  	v9 =	vld [tilespmem:s19+$0xFFFFFF00];
	[tilespmem:s10+$0xE0] =	vst v4  }
0x450: {  	v2 =	vmov v6;
	v4 =	vld [tilespmem:s19+$0xFFFFFF10];
	[tilespmem:s10+$0xF0] =	vst v10;
	s10 =	smov.u32 s19  }
0x451: {  	v6 =	vld [tilespmem:s19+$0xFFFFFF20]  }
0x452: {  	v10 =	vld [tilespmem:s19+$0xFFFFFF30]  }
0x453: {  	v11 =	vld [tilespmem:s19+$0xFFFFFF40];
	v8 =	vmul.f32 v8, v3  }
0x454: {  	v9 =	vmul.f32 v9, v7;
	v12 =	vld [tilespmem:s19+$0xFFFFFF50]  }
0x455: {  	v4 =	vmul.f32 v4, v7;
	v13 =	vld [tilespmem:s19+$0xFFFFFF60];
	[tilespmem:s19+$0x70] =	vst v8  }
0x456: {  	[tilespmem:s19+$0xFFFFFF00] =	vst v9;
	v6 =	vmul.f32 v6, v7;
	v8 =	vld [tilespmem:s19+$0xFFFFFF70]  }
0x457: {  	[tilespmem:s19+$0xFFFFFF10] =	vst v4;
	v4 =	vmul.f32 v10, v7;
	v9 =	vld [tilespmem:s19+$0xFFFFFF80]  }
0x458: {  	[tilespmem:s19+$0xFFFFFF20] =	vst v6;
	v6 =	vmul.f32 v11, v7;
	v10 =	vld [tilespmem:s19+$0xFFFFFF90]  }
0x459: {  	[tilespmem:s19+$0xFFFFFF30] =	vst v4;
	v4 =	vmul.f32 v12, v7;
	v11 =	vld [tilespmem:s19+$0xFFFFFFA0]  }
0x45a: {  	[tilespmem:s19+$0xFFFFFF40] =	vst v6;
	v6 =	vmul.f32 v13, v7;
	v12 =	vld [tilespmem:s19+$0xFFFFFFB0]  }
0x45b: {  	[tilespmem:s19+$0xFFFFFF50] =	vst v4;
	v4 =	vmul.f32 v8, v7;
	v7 =	vld [tilespmem:s19+$0xFFFFFFC0]  }
0x45c: {  	[tilespmem:s19+$0xFFFFFF60] =	vst v6;
	v6 =	vmul.f32 v9, v5;
	v8 =	vld [tilespmem:s19+$0xFFFFFFD0]  }
0x45d: {  	[tilespmem:s19+$0xFFFFFF70] =	vst v4;
	v4 =	vmul.f32 v10, v5;
	v9 =	vld [tilespmem:s19+$0xFFFFFFE0]  }
0x45e: {  	[tilespmem:s19+$0xFFFFFF80] =	vst v6;
	v6 =	vmul.f32 v11, v5;
	v10 =	vld [tilespmem:s19+$0xFFFFFFF0]  }
0x45f: {  	[tilespmem:s19+$0xFFFFFF90] =	vst v4;
	v4 =	vmul.f32 v12, v5;
	v11 =	vld [tilespmem:s19+$0x0]  }
0x460: {  	[tilespmem:s19+$0xFFFFFFA0] =	vst v6;
	v6 =	vmul.f32 v7, v5;
	v7 =	vld [tilespmem:s19+$0x10]  }
0x461: {  	[tilespmem:s19+$0xFFFFFFB0] =	vst v4;
	v4 =	vmul.f32 v8, v5;
	v8 =	vld [tilespmem:s19+$0x20]  }
0x462: {  	[tilespmem:s19+$0xFFFFFFC0] =	vst v6;
	v6 =	vmul.f32 v9, v5;
	v12 =	vld [tilespmem:s19+$0x30]  }
0x463: {  	[tilespmem:s19+$0xFFFFFFD0] =	vst v4;
	v4 =	vmul.f32 v10, v5;
	v10 =	vld [tilespmem:s19+$0x40]  }
.Ltmp9:
0x464: {  	[tilespmem:s19+$0xFFFFFFE0] =	vst v6;
	v6 =	vmul.f32 v11, v3;
	v5 =	vld [tilespmem:s19+$0x50];
	(pc) =	sbr.rel @p0 .LBB2_22-.Ltmp9, $4  }
0x465: {  	[tilespmem:s19+$0xFFFFFFF0] =	vst v4;
	v7 =	vmul.f32 v7, v3;
	v4 =	vld [tilespmem:s19+$0x60]  }
0x466: {  	s8 =	sadd.s32 $0x3, s11;
	v11 =	vmov s11;
	[tilespmem:s19+$0x0] =	vst v6;
	v14 =	vmul.f32 v8, v3;
	v9 =	vld [tilespmem:s19+$0x80]  }
0x467: {  	s12 =	sadd.s32 $0x1, s11;
	v13 =	vand.u32 $0xFFFFFFFC, v11;
	v6 =	vmov s8;
	[tilespmem:s19+$0x10] =	vst v7;
	v11 =	vmul.f32 v12, v3;
	v8 =	vld [tilespmem:s19+$0x90]  }
0x468: {  	v7 =	vbroadcast v13, $0x0;
	v13 =	vmov s12;
	s12 =	sadd.s32 $0x2, s11;
	s11 =	sadd.s32 $0x4, s11;
	[tilespmem:s19+$0x20] =	vst v14;
	v12 =	vmul.f32 v10, v3;
	v10 =	vld [tilespmem:s19+$0xA0]  }
0x469: {  	v14 =	vld [tilespmem:s19+$0xB0]  }
0x46a: {  	v16 =	vld [tilespmem:s19+$0xC0]  }
0x46b: {  	v15 =	vmov s12;
	v17 =	vld [tilespmem:s19+$0xD0]  }
0x46c: {  	v18 =	vld [tilespmem:s19+$0xE0];
	[tilespmem:s19+$0x30] =	vst v11;
	v5 =	vmul.f32 v5, v3;
	v15 =	vand.u32 $0xFFFFFFFE, v15  }
0x46d: {  	v13 =	vand.u32 $0xFFFFFFFD, v13;
	v6 =	vld.idx.msk [tilespmem:v6+s21+$0x0], $0xffff;
	[tilespmem:s19+$0x40] =	vst v12;
	v3 =	vmul.f32 v4, v3;
	v15 =	vbroadcast v15, $0x0  }
0x46e: {  	s11 =	sadd.s32 $0x200, s19;
	v13 =	vbroadcast v13, $0x0;
	v4 =	vld.idx.msk [tilespmem:v7+s21+$0x0], $0xffff;
	v9 =	vmul.f32 v9, v2;
	[tilespmem:s19+$0x50] =	vst v5  }
0x46f: {  	v11 =	vld [tilespmem:s11+$0xFFFFFF00];
	v5 =	vmul.f32 v8, v2;
	[tilespmem:s19+$0x60] =	vst v3  }
0x470: {  	[tilespmem:s19+$0x80] =	vst v9;
	v9 =	vld [tilespmem:s19+$0xF0];
	v3 =	vmul.f32 v10, v2  }
0x471: {  	v12 =	vld [tilespmem:s11+$0xFFFFFF10];
	[tilespmem:s19+$0x90] =	vst v5;
	v5 =	vmul.f32 v14, v2  }
0x472: {  	v10 =	vld [tilespmem:s11+$0x70];
	[tilespmem:s19+$0xA0] =	vst v3;
	v3 =	vmul.f32 v16, v2  }
0x473: {  	[tilespmem:s19+$0xB0] =	vst v5;
	v5 =	vmul.f32 v17, v2;
	v8 =	vld.idx.msk [tilespmem:v15+s21+$0x0], $0xffff  }
0x474: {  	v7 =	vld.idx.msk [tilespmem:v13+s21+$0x0], $0xffff;
	[tilespmem:s10+$0xC0] =	vst v3;
	v3 =	vmul.f32 v18, v2  }
0x475: {  	v13 =	vld [tilespmem:s11+$0xFFFFFF20];
	[tilespmem:s10+$0xD0] =	vst v5;
	v2 =	vmul.f32 v9, v2  }
0x476: {  	v5 =	vld [tilespmem:s11+$0xFFFFFF30];
	[tilespmem:s10+$0xE0] =	vst v3  }
0x477: {  	v3 =	vld [tilespmem:s11+$0xFFFFFF40];
	[tilespmem:s10+$0xF0] =	vst v2;
	v2 =	vmul.f32 v11, v4  }
0x478: {  	v9 =	vmul.f32 v10, v8;
	v10 =	vld [tilespmem:s11+$0xFFFFFF50]  }
0x479: {  	v11 =	vmul.f32 v12, v4;
	v12 =	vld [tilespmem:s11+$0xFFFFFF60];
	[tilespmem:s11+$0xFFFFFF00] =	vst v2  }
0x47a: {  	v2 =	vmul.f32 v13, v4;
	[tilespmem:s11+$0x70] =	vst v9;
	v9 =	vld [tilespmem:s11+$0xFFFFFF70]  }
0x47b: {  	[tilespmem:s11+$0xFFFFFF10] =	vst v11;
	v11 =	vld [tilespmem:s11+$0xFFFFFF80];
	v5 =	vmul.f32 v5, v4  }
0x47c: {  	[tilespmem:s11+$0xFFFFFF20] =	vst v2;
	v2 =	vmul.f32 v3, v4;
	v3 =	vld [tilespmem:s11+$0xFFFFFF90]  }
0x47d: {  	[tilespmem:s11+$0xFFFFFF30] =	vst v5;
	v5 =	vmul.f32 v10, v4;
	v10 =	vld [tilespmem:s11+$0xFFFFFFA0]  }
0x47e: {  	[tilespmem:s11+$0xFFFFFF40] =	vst v2;
	v2 =	vmul.f32 v12, v4;
	v12 =	vld [tilespmem:s11+$0xFFFFFFB0]  }
0x47f: {  	[tilespmem:s11+$0xFFFFFF50] =	vst v5;
	v4 =	vmul.f32 v9, v4;
	v5 =	vld [tilespmem:s11+$0xFFFFFFC0]  }
0x480: {  	[tilespmem:s11+$0xFFFFFF60] =	vst v2;
	v2 =	vmul.f32 v11, v7;
	v9 =	vld [tilespmem:s11+$0xFFFFFFD0]  }
0x481: {  	v3 =	vmul.f32 v3, v7;
	[tilespmem:s11+$0xFFFFFF70] =	vst v4;
	v4 =	vld [tilespmem:s11+$0xFFFFFFE0]  }
0x482: {  	[tilespmem:s11+$0xFFFFFF80] =	vst v2;
	v2 =	vmul.f32 v10, v7;
	v10 =	vld [tilespmem:s11+$0xFFFFFFF0]  }
0x483: {  	v11 =	vld [tilespmem:s11+$0x0];
	[tilespmem:s11+$0xFFFFFF90] =	vst v3;
	v3 =	vmul.f32 v12, v7  }
0x484: {  	[tilespmem:s11+$0xFFFFFFA0] =	vst v2;
	v2 =	vmul.f32 v5, v7;
	v5 =	vld [tilespmem:s11+$0x10]  }
0x485: {  	[tilespmem:s11+$0xFFFFFFB0] =	vst v3;
	v3 =	vmul.f32 v9, v7;
	v9 =	vld [tilespmem:s11+$0x20]  }
0x486: {  	[tilespmem:s11+$0xFFFFFFC0] =	vst v2;
	v2 =	vmul.f32 v4, v7;
	v4 =	vld [tilespmem:s11+$0x30]  }
0x487: {  	[tilespmem:s11+$0xFFFFFFD0] =	vst v3;
	v3 =	vmul.f32 v10, v7;
	v7 =	vld [tilespmem:s11+$0x40]  }
0x488: {  	v10 =	vld [tilespmem:s11+$0x50];
	[tilespmem:s11+$0xFFFFFFE0] =	vst v2;
	v2 =	vmul.f32 v11, v8  }
0x489: {  	[tilespmem:s11+$0xFFFFFFF0] =	vst v3;
	v3 =	vmul.f32 v5, v8;
	v5 =	vld [tilespmem:s11+$0x60]  }
0x48a: {  	[tilespmem:s11+$0x0] =	vst v2;
	v2 =	vmul.f32 v9, v8;
	v9 =	vld [tilespmem:s11+$0x80]  }
0x48b: {  	[tilespmem:s11+$0x10] =	vst v3;
	v3 =	vmul.f32 v4, v8;
	v4 =	vld [tilespmem:s11+$0x90]  }
0x48c: {  	[tilespmem:s11+$0x20] =	vst v2;
	v2 =	vmul.f32 v7, v8;
	v7 =	vld [tilespmem:s11+$0xA0]  }
0x48d: {  	[tilespmem:s11+$0x30] =	vst v3;
	v3 =	vmul.f32 v10, v8;
	v10 =	vld [tilespmem:s11+$0xB0]  }
0x48e: {  	[tilespmem:s11+$0x40] =	vst v2;
	v2 =	vmul.f32 v5, v8;
	v5 =	vld [tilespmem:s11+$0xC0]  }
0x48f: {  	v8 =	vld [tilespmem:s11+$0xD0];
	[tilespmem:s11+$0x50] =	vst v3;
	v3 =	vmul.f32 v9, v6  }
0x490: {  	[tilespmem:s11+$0x60] =	vst v2;
	v2 =	vmul.f32 v4, v6;
	v4 =	vld [tilespmem:s11+$0xE0]  }
0x491: {  	[tilespmem:s11+$0x80] =	vst v3;
	v3 =	vmul.f32 v7, v6;
	v7 =	vld [tilespmem:s11+$0xF0]  }
0x492: {  	[tilespmem:s11+$0x90] =	vst v2;
	v2 =	vmul.f32 v10, v6  }
0x493: {  	[tilespmem:s11+$0xA0] =	vst v3;
	v3 =	vmul.f32 v5, v6  }
0x494: {  	[tilespmem:s11+$0xB0] =	vst v2;
	v2 =	vmul.f32 v8, v6  }
0x495: {  	[tilespmem:s11+$0xC0] =	vst v3;
	v3 =	vmul.f32 v4, v6  }
0x496: {  	s30 =	sshll.u32 s29, $0x8;
	[tilespmem:s11+$0xD0] =	vst v2;
	v2 =	vmul.f32 v7, v6  }
0x497: {  	s19 =	sand.u32 $0x3FFFFF00, s30;
	[tilespmem:s11+$0xE0] =	vst v3  }
0x498: {  	s8 =	sadd.s32 $0x1000, s19;
	[tilespmem:s11+$0xF0] =	vst v2  }
0x499: {  	[spmem:s2] =	stream.indirect.scatter.add.f32 [tilespmem:s13], [sflag:$0x4], $0x80, s8, s16, $0xb8;
	[tilespmem:$0x1F280] =	vst v63  }
0x49a: {  	v2 =	vld [tilespmem:s30+$0x100];
	_ =	sdelay $0x1  }
0x49b: {  	v3 =	vld [tilespmem:s30+$0x1100];
	_ =	sdelay $0x4  }
0x49c: {  	v4 =	vld [tilespmem:s30+$0x2100]  }
0x49d: {  	v5 =	vld.idx.msk [tilespmem:v2+s3+$0x0], $0xffff;
	_ =	sdelay $0x1  }
0x49e: {  	v3 =	vld.idx.msk [tilespmem:v3+s3+$0x0], $0xffff;
	_ =	sdelay $0x2  }
0x49f: {  	v4 =	vmul.f32 v5, v4;
	_ =	sdelay $0x1  }
0x4a0: {  	v3 =	vmul.f32 v3, v4;
	_ =	sdelay $0x1  }
0x4a1: {  	v2 =	vadd.s32 v0, v2;
	v3 =	vsub.f32 $0.0e+00, v3  }
0x4a2: {  	[tilespmem:$0xB080] =	vst v2  }
0x4a3: {  	[tilespmem:$0xB180] =	vst v3  }
0x4a4: {  	v2 =	vld [tilespmem:s30+$0x110];
	_ =	sdelay $0x1  }
0x4a5: {  	v3 =	vld [tilespmem:s30+$0x1110];
	_ =	sdelay $0x4  }
0x4a6: {  	v4 =	vld [tilespmem:s30+$0x2110]  }
0x4a7: {  	v5 =	vld.idx.msk [tilespmem:v2+s3+$0x0], $0xffff;
	_ =	sdelay $0x1  }
0x4a8: {  	v3 =	vld.idx.msk [tilespmem:v3+s3+$0x0], $0xffff;
	_ =	sdelay $0x2  }
0x4a9: {  	v4 =	vmul.f32 v5, v4;
	_ =	sdelay $0x1  }
0x4aa: {  	v3 =	vmul.f32 v3, v4;
	_ =	sdelay $0x1  }
0x4ab: {  	v2 =	vadd.s32 v0, v2;
	v3 =	vsub.f32 $0.0e+00, v3  }
0x4ac: {  	[tilespmem:$0xB090] =	vst v2  }
0x4ad: {  	[tilespmem:$0xB190] =	vst v3  }
0x4ae: {  	v2 =	vld [tilespmem:s30+$0x120];
	_ =	sdelay $0x1  }
0x4af: {  	v3 =	vld [tilespmem:s30+$0x1120];
	_ =	sdelay $0x4  }
0x4b0: {  	v4 =	vld [tilespmem:s30+$0x2120]  }
0x4b1: {  	v5 =	vld.idx.msk [tilespmem:v2+s3+$0x0], $0xffff;
	_ =	sdelay $0x1  }
0x4b2: {  	v3 =	vld.idx.msk [tilespmem:v3+s3+$0x0], $0xffff;
	_ =	sdelay $0x2  }
0x4b3: {  	v4 =	vmul.f32 v5, v4;
	_ =	sdelay $0x1  }
0x4b4: {  	v3 =	vmul.f32 v3, v4;
	_ =	sdelay $0x1  }
0x4b5: {  	v2 =	vadd.s32 v0, v2;
	v3 =	vsub.f32 $0.0e+00, v3  }
0x4b6: {  	[tilespmem:$0xB0A0] =	vst v2  }
0x4b7: {  	[tilespmem:$0xB1A0] =	vst v3  }
0x4b8: {  	v2 =	vld [tilespmem:s30+$0x130];
	_ =	sdelay $0x1  }
0x4b9: {  	v3 =	vld [tilespmem:s30+$0x1130];
	_ =	sdelay $0x4  }
0x4ba: {  	v4 =	vld [tilespmem:s30+$0x2130]  }
0x4bb: {  	v5 =	vld.idx.msk [tilespmem:v2+s3+$0x0], $0xffff;
	_ =	sdelay $0x1  }
0x4bc: {  	v3 =	vld.idx.msk [tilespmem:v3+s3+$0x0], $0xffff;
	_ =	sdelay $0x2  }
0x4bd: {  	v4 =	vmul.f32 v5, v4;
	_ =	sdelay $0x1  }
0x4be: {  	v3 =	vmul.f32 v3, v4;
	_ =	sdelay $0x1  }
0x4bf: {  	v2 =	vadd.s32 v0, v2;
	v3 =	vsub.f32 $0.0e+00, v3  }
0x4c0: {  	[tilespmem:$0xB0B0] =	vst v2  }
0x4c1: {  	[tilespmem:$0xB1B0] =	vst v3  }
0x4c2: {  	v2 =	vld [tilespmem:s30+$0x140];
	_ =	sdelay $0x1  }
0x4c3: {  	v3 =	vld [tilespmem:s30+$0x1140];
	_ =	sdelay $0x4  }
0x4c4: {  	v4 =	vld [tilespmem:s30+$0x2140]  }
0x4c5: {  	v5 =	vld.idx.msk [tilespmem:v2+s3+$0x0], $0xffff;
	_ =	sdelay $0x1  }
0x4c6: {  	v3 =	vld.idx.msk [tilespmem:v3+s3+$0x0], $0xffff;
	_ =	sdelay $0x2  }
0x4c7: {  	v4 =	vmul.f32 v5, v4;
	_ =	sdelay $0x1  }
0x4c8: {  	v3 =	vmul.f32 v3, v4;
	_ =	sdelay $0x1  }
0x4c9: {  	v2 =	vadd.s32 v0, v2;
	v3 =	vsub.f32 $0.0e+00, v3  }
0x4ca: {  	s4 =	simm.s32 $0x0;
	[tilespmem:$0xB0C0] =	vst v2  }
0x4cb: {  	s10 =	simm.s32 $0x2;
	v2 =	vmov s4;
	[tilespmem:$0xB1C0] =	vst v3  }
0x4cc: {  	v2 =	vand.u32 $0xFFFFFFFC, v2;
	v3 =	vmov s10;
	_ =	swait.ge [sflag:s22], $0x2800  }
0x4cd: {  	v2 =	vbroadcast v2, $0x0;
	v3 =	vand.u32 $0xFFFFFFFE, v3;
	[sflag:s22] =	ssyncset.done $0x0  }
0x4ce: {  	v3 =	vbroadcast v3, $0x0;
	[sflag:s22] =	ssyncadd.s32 $0xFFFFD800  }
0x4cf: {  	[tilespmem:s13], [sflag:$0x2] =	stream.indirect.gather [hbm4b:s5+s16], $0x80, s17, s16, $0xb8;
	[tilespmem:$0x1F280] =	vst v63  }
0x4d0: {  	_ =	swait.ge [sflag:s23], $0x2800  }
0x4d1: {  	[sflag:s23] =	ssyncset.done $0x0  }
0x4d2: {  	[sflag:s23] =	ssyncadd.s32 $0xFFFFD800  }
0x4d3: {  	v2 =	vld.idx.msk [tilespmem:v2+s24+$0x0], $0xffff  }
0x4d4: {  	s11 =	simm.s32 $0x1;
	s10 =	simm.s32 $0x8900;
	v3 =	vld.idx.msk [tilespmem:v3+s24+$0x0], $0xffff  }
0x4d5: {  	v4 =	vmov s11;
	v5 =	vld [tilespmem:s10+$0x70]  }
0x4d6: {  	v4 =	vand.u32 $0xFFFFFFFD, v4;
	v6 =	vld [tilespmem:s10+$0xFFFFFF00]  }
0x4d7: {  	v4 =	vbroadcast v4, $0x0;
	v7 =	vld [tilespmem:s10+$0xFFFFFF10]  }
0x4d8: {  	v8 =	vld [tilespmem:s10+$0xFFFFFF20]  }
0x4d9: {  	v9 =	vld [tilespmem:s10+$0xFFFFFF30]  }
0x4da: {  	v10 =	vld [tilespmem:s10+$0xFFFFFF40]  }
0x4db: {  	v11 =	vld [tilespmem:s10+$0xFFFFFF50]  }
0x4dc: {  	v12 =	vld [tilespmem:s10+$0xFFFFFF60];
	v6 =	vmul.f32 v6, v2  }
0x4dd: {  	v4 =	vld.idx.msk [tilespmem:v4+s24+$0x0], $0xffff;
	v5 =	vmul.f32 v5, v3  }
0x4de: {  	v14 =	vld [tilespmem:s10+$0x40];
	[tilespmem:s10+$0xFFFFFF00] =	vst v6;
	v6 =	vmul.f32 v7, v2  }
0x4df: {  	v7 =	vld [tilespmem:s10+$0xFFFFFF70];
	[tilespmem:s10+$0x70] =	vst v5;
	v5 =	vmul.f32 v8, v2  }
0x4e0: {  	v8 =	vld [tilespmem:s10+$0xFFFFFF80];
	[tilespmem:s10+$0xFFFFFF10] =	vst v6;
	v6 =	vmul.f32 v9, v2  }
0x4e1: {  	v9 =	vld [tilespmem:s10+$0xFFFFFF90];
	[tilespmem:s10+$0xFFFFFF20] =	vst v5;
	v5 =	vmul.f32 v10, v2  }
0x4e2: {  	v10 =	vld [tilespmem:s10+$0xFFFFFFA0];
	[tilespmem:s10+$0xFFFFFF30] =	vst v6;
	v6 =	vmul.f32 v11, v2  }
0x4e3: {  	v11 =	vld [tilespmem:s10+$0xFFFFFFB0];
	[tilespmem:s10+$0xFFFFFF40] =	vst v5;
	v5 =	vmul.f32 v12, v2  }
0x4e4: {  	v12 =	vld [tilespmem:s10+$0xFFFFFFC0];
	v7 =	vmul.f32 v7, v2;
	[tilespmem:s10+$0xFFFFFF50] =	vst v6  }
0x4e5: {  	v6 =	vmul.f32 v8, v4;
	v8 =	vld [tilespmem:s10+$0xFFFFFFD0];
	[tilespmem:s10+$0xFFFFFF60] =	vst v5  }
0x4e6: {  	s12 =	simm.s32 $0x3;
	v5 =	vld [tilespmem:s10+$0xFFFFFFE0];
	v9 =	vmul.f32 v9, v4;
	[tilespmem:s10+$0xFFFFFF70] =	vst v7  }
0x4e7: {  	v13 =	vmov s12;
	v7 =	vld [tilespmem:s10+$0xFFFFFFF0];
	[tilespmem:s10+$0xFFFFFF80] =	vst v6;
	v6 =	vmul.f32 v10, v4  }
0x4e8: {  	v10 =	vld [tilespmem:s10+$0x0];
	[tilespmem:s10+$0xFFFFFF90] =	vst v9;
	v9 =	vmul.f32 v11, v4  }
0x4e9: {  	v11 =	vld [tilespmem:s10+$0x10];
	[tilespmem:s10+$0xFFFFFFA0] =	vst v6;
	v6 =	vmul.f32 v12, v4  }
0x4ea: {  	[tilespmem:s10+$0xFFFFFFB0] =	vst v9;
	v8 =	vmul.f32 v8, v4;
	v9 =	vld [tilespmem:s10+$0x20]  }
0x4eb: {  	v12 =	vld [tilespmem:s10+$0x30];
	v5 =	vmul.f32 v5, v4;
	[tilespmem:s10+$0xFFFFFFC0] =	vst v6  }
0x4ec: {  	v2 =	vld.idx.msk [tilespmem:v13+s24+$0x0], $0xffff;
	v4 =	vmul.f32 v7, v4;
	[tilespmem:s10+$0xFFFFFFD0] =	vst v8  }
0x4ed: {  	[tilespmem:s10+$0xFFFFFFE0] =	vst v5;
	v6 =	vmul.f32 v10, v3;
	v5 =	vld [tilespmem:s10+$0x50]  }
0x4ee: {  	s4 =	simm.s32 $0x4;
	[tilespmem:s10+$0xFFFFFFF0] =	vst v4;
	v7 =	vmul.f32 v11, v3;
	v4 =	vld [tilespmem:s10+$0x60]  }
0x4ef: {  	s11 =	simm.s32 $0x7;
	v8 =	vmov s4;
	[tilespmem:s10+$0x0] =	vst v6;
	v10 =	vmul.f32 v9, v3;
	v9 =	vld [tilespmem:s10+$0x80]  }
0x4f0: {  	s12 =	simm.s32 $0x5;
	v13 =	vand.u32 $0xFFFFFFFC, v8;
	v8 =	vld [tilespmem:s10+$0x90];
	v6 =	vmov s11;
	v11 =	vmul.f32 v12, v3;
	[tilespmem:s10+$0x10] =	vst v7  }
0x4f1: {  	s8 =	simm.s32 $0x6;
	v12 =	vmul.f32 v14, v3;
	s11 =	simm.s32 $0x8900;
	v7 =	vbroadcast v13, $0x0;
	v13 =	vmov s12;
	s12 =	simm.s32 $0x8;
	[tilespmem:s10+$0x20] =	vst v10;
	v10 =	vld [tilespmem:s10+$0xA0]  }
.LBB2_24:
0x4f2: {  	p0 =	slt.u32 s12, $0x4C;
	v13 =	vand.u32 $0xFFFFFFFD, v13;
	v14 =	vmov s8;
	[tilespmem:s10+$0x30] =	vst v11;
	v5 =	vmul.f32 v5, v3;
	v11 =	vld [tilespmem:s10+$0xB0]  }
0x4f3: {  	v13 =	vbroadcast v13, $0x0;
	v14 =	vand.u32 $0xFFFFFFFE, v14;
	[tilespmem:s10+$0x40] =	vst v12;
	v3 =	vmul.f32 v4, v3;
	v4 =	vld [tilespmem:s10+$0xC0]  }
0x4f4: {  	v12 =	vbroadcast v14, $0x0;
	[tilespmem:s10+$0x50] =	vst v5;
	v5 =	vmul.f32 v9, v2;
	v9 =	vld [tilespmem:s10+$0xD0]  }
0x4f5: {  	[tilespmem:s10+$0x60] =	vst v3;
	v3 =	vmul.f32 v8, v2;
	v8 =	vld [tilespmem:s10+$0xE0]  }
0x4f6: {  	[tilespmem:s10+$0x80] =	vst v5;
	v5 =	vmul.f32 v10, v2;
	v10 =	vld [tilespmem:s10+$0xF0]  }
0x4f7: {  	v6 =	vld.idx.msk [tilespmem:v6+s24+$0x0], $0xffff;
	[tilespmem:s10+$0x90] =	vst v3;
	v3 =	vmul.f32 v11, v2  }
0x4f8: {  	v7 =	vld.idx.msk [tilespmem:v7+s24+$0x0], $0xffff;
	[tilespmem:s10+$0xA0] =	vst v5;
	v4 =	vmul.f32 v4, v2  }
0x4f9: {  	v5 =	vld.idx.msk [tilespmem:v13+s24+$0x0], $0xffff;
	[tilespmem:s10+$0xB0] =	vst v3;
	v9 =	vmul.f32 v9, v2  }
0x4fa: {  	s10 =	sadd.s32 $0x200, s10;
	v3 =	vld.idx.msk [tilespmem:v12+s24+$0x0], $0xffff;
	[tilespmem:s11+$0xC0] =	vst v4;
	v4 =	vmul.f32 v8, v2  }
0x4fb: {  	v8 =	vld [tilespmem:s10+$0x70];
	[tilespmem:s11+$0xD0] =	vst v9;
	v10 =	vmul.f32 v10, v2  }
0x4fc: {  	v9 =	vld [tilespmem:s10+$0xFFFFFF00];
	[tilespmem:s11+$0xE0] =	vst v4  }
0x4fd: {  	v2 =	vmov v6;
	v4 =	vld [tilespmem:s10+$0xFFFFFF10];
	[tilespmem:s11+$0xF0] =	vst v10;
	s11 =	smov.u32 s10  }
0x4fe: {  	v6 =	vld [tilespmem:s10+$0xFFFFFF20]  }
0x4ff: {  	v10 =	vld [tilespmem:s10+$0xFFFFFF30]  }
0x500: {  	v11 =	vld [tilespmem:s10+$0xFFFFFF40];
	v8 =	vmul.f32 v8, v3  }
0x501: {  	v9 =	vmul.f32 v9, v7;
	v12 =	vld [tilespmem:s10+$0xFFFFFF50]  }
0x502: {  	v4 =	vmul.f32 v4, v7;
	v13 =	vld [tilespmem:s10+$0xFFFFFF60];
	[tilespmem:s10+$0x70] =	vst v8  }
0x503: {  	[tilespmem:s10+$0xFFFFFF00] =	vst v9;
	v6 =	vmul.f32 v6, v7;
	v8 =	vld [tilespmem:s10+$0xFFFFFF70]  }
0x504: {  	[tilespmem:s10+$0xFFFFFF10] =	vst v4;
	v4 =	vmul.f32 v10, v7;
	v9 =	vld [tilespmem:s10+$0xFFFFFF80]  }
0x505: {  	[tilespmem:s10+$0xFFFFFF20] =	vst v6;
	v6 =	vmul.f32 v11, v7;
	v10 =	vld [tilespmem:s10+$0xFFFFFF90]  }
0x506: {  	[tilespmem:s10+$0xFFFFFF30] =	vst v4;
	v4 =	vmul.f32 v12, v7;
	v11 =	vld [tilespmem:s10+$0xFFFFFFA0]  }
0x507: {  	[tilespmem:s10+$0xFFFFFF40] =	vst v6;
	v6 =	vmul.f32 v13, v7;
	v12 =	vld [tilespmem:s10+$0xFFFFFFB0]  }
0x508: {  	[tilespmem:s10+$0xFFFFFF50] =	vst v4;
	v4 =	vmul.f32 v8, v7;
	v7 =	vld [tilespmem:s10+$0xFFFFFFC0]  }
0x509: {  	[tilespmem:s10+$0xFFFFFF60] =	vst v6;
	v6 =	vmul.f32 v9, v5;
	v8 =	vld [tilespmem:s10+$0xFFFFFFD0]  }
0x50a: {  	[tilespmem:s10+$0xFFFFFF70] =	vst v4;
	v4 =	vmul.f32 v10, v5;
	v9 =	vld [tilespmem:s10+$0xFFFFFFE0]  }
0x50b: {  	[tilespmem:s10+$0xFFFFFF80] =	vst v6;
	v6 =	vmul.f32 v11, v5;
	v10 =	vld [tilespmem:s10+$0xFFFFFFF0]  }
0x50c: {  	[tilespmem:s10+$0xFFFFFF90] =	vst v4;
	v4 =	vmul.f32 v12, v5;
	v11 =	vld [tilespmem:s10+$0x0]  }
0x50d: {  	[tilespmem:s10+$0xFFFFFFA0] =	vst v6;
	v6 =	vmul.f32 v7, v5;
	v7 =	vld [tilespmem:s10+$0x10]  }
0x50e: {  	[tilespmem:s10+$0xFFFFFFB0] =	vst v4;
	v4 =	vmul.f32 v8, v5;
	v8 =	vld [tilespmem:s10+$0x20]  }
0x50f: {  	[tilespmem:s10+$0xFFFFFFC0] =	vst v6;
	v6 =	vmul.f32 v9, v5;
	v12 =	vld [tilespmem:s10+$0x30]  }
0x510: {  	[tilespmem:s10+$0xFFFFFFD0] =	vst v4;
	v4 =	vmul.f32 v10, v5;
	v10 =	vld [tilespmem:s10+$0x40]  }
.Ltmp10:
0x511: {  	[tilespmem:s10+$0xFFFFFFE0] =	vst v6;
	v6 =	vmul.f32 v11, v3;
	v5 =	vld [tilespmem:s10+$0x50];
	(pc) =	sbr.rel @p0 .LBB2_24-.Ltmp10, $4  }
0x512: {  	[tilespmem:s10+$0xFFFFFFF0] =	vst v4;
	v7 =	vmul.f32 v7, v3;
	v4 =	vld [tilespmem:s10+$0x60]  }
0x513: {  	s8 =	sadd.s32 $0x3, s12;
	v11 =	vmov s12;
	[tilespmem:s10+$0x0] =	vst v6;
	v14 =	vmul.f32 v8, v3;
	v9 =	vld [tilespmem:s10+$0x80]  }
0x514: {  	s4 =	sadd.s32 $0x1, s12;
	v13 =	vand.u32 $0xFFFFFFFC, v11;
	v6 =	vmov s8;
	[tilespmem:s10+$0x10] =	vst v7;
	v11 =	vmul.f32 v12, v3;
	v8 =	vld [tilespmem:s10+$0x90]  }
0x515: {  	s8 =	sadd.s32 $0x2, s12;
	s12 =	sadd.s32 $0x4, s12;
	v7 =	vbroadcast v13, $0x0;
	v13 =	vmov s4;
	[tilespmem:s10+$0x20] =	vst v14;
	v12 =	vmul.f32 v10, v3;
	v10 =	vld [tilespmem:s10+$0xA0]  }
0x516: {  	v14 =	vld [tilespmem:s10+$0xB0]  }
0x517: {  	v16 =	vld [tilespmem:s10+$0xC0]  }
0x518: {  	v17 =	vld [tilespmem:s10+$0xD0]  }
0x519: {  	v18 =	vld [tilespmem:s10+$0xE0]  }
0x51a: {  	v24 =	vld [tilespmem:s10+$0xF0];
	[tilespmem:s10+$0x30] =	vst v11;
	v5 =	vmul.f32 v5, v3  }
0x51b: {  	v6 =	vld.idx.msk [tilespmem:v6+s24+$0x0], $0xffff;
	[tilespmem:s10+$0x40] =	vst v12;
	v3 =	vmul.f32 v4, v3  }
0x51c: {  	s12 =	sadd.s32 $0x200, s10;
	v25 =	vld.idx.msk [tilespmem:v7+s24+$0x0], $0xffff;
	v9 =	vmul.f32 v9, v2;
	[tilespmem:s10+$0x50] =	vst v5  }
0x51d: {  	v30 =	vld [tilespmem:s12+$0x70];
	v26 =	vmul.f32 v8, v2;
	[tilespmem:s10+$0x60] =	vst v3  }
0x51e: {  	v31 =	vld [tilespmem:s12+$0xFFFFFF00];
	[tilespmem:s10+$0x80] =	vst v9;
	v3 =	vmul.f32 v10, v2  }
0x51f: {  	v15 =	vmov s8;
	v33 =	vld [tilespmem:s12+$0xFFFFFF10];
	[tilespmem:s10+$0x90] =	vst v26;
	v29 =	vmul.f32 v14, v2  }
0x520: {  	v15 =	vand.u32 $0xFFFFFFFE, v15;
	v34 =	vld [tilespmem:s12+$0xFFFFFF20];
	[tilespmem:s10+$0xA0] =	vst v3;
	v3 =	vmul.f32 v16, v2  }
0x521: {  	v13 =	vand.u32 $0xFFFFFFFD, v13;
	v35 =	vld [tilespmem:s12+$0xFFFFFF30];
	v15 =	vbroadcast v15, $0x0;
	v32 =	vmul.f32 v17, v2;
	[tilespmem:s10+$0xB0] =	vst v29  }
0x522: {  	v13 =	vbroadcast v13, $0x0;
	v37 =	vld [tilespmem:s12+$0xFFFFFF50];
	[tilespmem:s11+$0xC0] =	vst v3;
	v3 =	vmul.f32 v18, v2  }
0x523: {  	v39 =	vld [tilespmem:s12+$0xFFFFFF60];
	[tilespmem:s11+$0xD0] =	vst v32;
	v2 =	vmul.f32 v24, v2  }
0x524: {  	v38 =	vmul.f32 v33, v25;
	[tilespmem:s11+$0xE0] =	vst v3;
	v3 =	vld [tilespmem:s12+$0xFFFFFF40]  }
0x525: {  	v40 =	vld [tilespmem:s12+$0xFFFFFF70];
	[tilespmem:s11+$0xF0] =	vst v2;
	v2 =	vmul.f32 v31, v25  }
0x526: {  	v41 =	vld [tilespmem:s12+$0xFFFFFF80];
	v5 =	vmul.f32 v35, v25;
	[tilespmem:s12+$0xFFFFFF10] =	vst v38  }
0x527: {  	v28 =	vld.idx.msk [tilespmem:v15+s24+$0x0], $0xffff;
	[tilespmem:s12+$0xFFFFFF00] =	vst v2;
	v2 =	vmul.f32 v34, v25  }
0x528: {  	v42 =	vmul.f32 v37, v25;
	v27 =	vld.idx.msk [tilespmem:v13+s24+$0x0], $0xffff;
	[tilespmem:s12+$0xFFFFFF30] =	vst v5  }
0x529: {  	[tilespmem:s12+$0xFFFFFF20] =	vst v2;
	v2 =	vmul.f32 v3, v25;
	v3 =	vld [tilespmem:s12+$0xFFFFFF90]  }
0x52a: {  	v43 =	vld [tilespmem:s12+$0xFFFFFFA0];
	v4 =	vmul.f32 v40, v25;
	[tilespmem:s12+$0xFFFFFF50] =	vst v42  }
0x52b: {  	v44 =	vld [tilespmem:s12+$0xFFFFFFB0];
	[tilespmem:s12+$0xFFFFFF40] =	vst v2;
	v2 =	vmul.f32 v39, v25  }
0x52c: {  	v45 =	vld [tilespmem:s12+$0xFFFFFFC0];
	[tilespmem:s12+$0xFFFFFF70] =	vst v4;
	v36 =	vmul.f32 v30, v28  }
0x52d: {  	v46 =	vld [tilespmem:s12+$0xFFFFFFD0];
	[tilespmem:s12+$0xFFFFFF60] =	vst v2;
	v2 =	vmul.f32 v41, v27  }
0x52e: {  	v47 =	vld [tilespmem:s12+$0xFFFFFFE0];
	[tilespmem:s12+$0x70] =	vst v36;
	v3 =	vmul.f32 v3, v27  }
0x52f: {  	v48 =	vld [tilespmem:s12+$0xFFFFFFF0];
	[tilespmem:s12+$0xFFFFFF80] =	vst v2;
	v2 =	vmul.f32 v43, v27  }
0x530: {  	v49 =	vld [tilespmem:s12+$0x0];
	[tilespmem:s12+$0xFFFFFF90] =	vst v3;
	v3 =	vmul.f32 v44, v27  }
0x531: {  	v50 =	vld [tilespmem:s12+$0x10];
	[tilespmem:s12+$0xFFFFFFA0] =	vst v2;
	v2 =	vmul.f32 v45, v27  }
0x532: {  	v51 =	vld [tilespmem:s12+$0x20];
	[tilespmem:s12+$0xFFFFFFB0] =	vst v3;
	v3 =	vmul.f32 v46, v27  }
0x533: {  	v52 =	vld [tilespmem:s12+$0x30];
	[tilespmem:s12+$0xFFFFFFC0] =	vst v2;
	v2 =	vmul.f32 v47, v27  }
0x534: {  	v53 =	vld [tilespmem:s12+$0x40];
	[tilespmem:s12+$0xFFFFFFD0] =	vst v3;
	v3 =	vmul.f32 v48, v27  }
0x535: {  	v54 =	vld [tilespmem:s12+$0x50];
	[tilespmem:s12+$0xFFFFFFE0] =	vst v2;
	v2 =	vmul.f32 v49, v28  }
0x536: {  	v55 =	vld [tilespmem:s12+$0x60];
	[tilespmem:s12+$0xFFFFFFF0] =	vst v3;
	v3 =	vmul.f32 v50, v28  }
0x537: {  	v56 =	vld [tilespmem:s12+$0x80];
	[tilespmem:s12+$0x0] =	vst v2;
	v2 =	vmul.f32 v51, v28  }
0x538: {  	v57 =	vld [tilespmem:s12+$0x90];
	[tilespmem:s12+$0x10] =	vst v3;
	v3 =	vmul.f32 v52, v28  }
0x539: {  	v58 =	vld [tilespmem:s12+$0xA0];
	[tilespmem:s12+$0x20] =	vst v2;
	v2 =	vmul.f32 v53, v28  }
0x53a: {  	v59 =	vld [tilespmem:s12+$0xB0];
	[tilespmem:s12+$0x30] =	vst v3;
	v3 =	vmul.f32 v54, v28  }
0x53b: {  	v60 =	vld [tilespmem:s12+$0xC0];
	[tilespmem:s12+$0x40] =	vst v2;
	v2 =	vmul.f32 v55, v28  }
0x53c: {  	v61 =	vld [tilespmem:s12+$0xD0];
	[tilespmem:s12+$0x50] =	vst v3;
	v3 =	vmul.f32 v56, v6  }
0x53d: {  	v62 =	vld [tilespmem:s12+$0xE0];
	[tilespmem:s12+$0x60] =	vst v2;
	v2 =	vmul.f32 v57, v6  }
0x53e: {  	v63 =	vld [tilespmem:s12+$0xF0];
	[tilespmem:s12+$0x80] =	vst v3;
	v3 =	vmul.f32 v58, v6  }
0x53f: {  	[tilespmem:s12+$0x90] =	vst v2;
	v2 =	vmul.f32 v59, v6  }
0x540: {  	[tilespmem:s12+$0xA0] =	vst v3;
	v3 =	vmul.f32 v60, v6  }
0x541: {  	p0 =	seq.s32 s29, $0xB;
	[tilespmem:s12+$0xB0] =	vst v2;
	v2 =	vmul.f32 v61, v6  }
.Ltmp11:
0x542: {  	[tilespmem:s12+$0xC0] =	vst v3;
	v3 =	vmul.f32 v62, v6;
	(pc) =	sbr.rel @p0 .LBB2_27-.Ltmp11, $4  }
0x543: {  	[tilespmem:s12+$0xD0] =	vst v2;
	v2 =	vmul.f32 v63, v6  }
0x544: {  	[tilespmem:s12+$0xE0] =	vst v3  }
0x545: {  	s4 =	sadd.s32 $0x1080, s19;
	[tilespmem:s12+$0xF0] =	vst v2  }
0x546: {  	[spmem:s2] =	stream.indirect.scatter.add.f32 [tilespmem:s14], [sflag:$0x4], $0x80, s4, s16, $0xb8;
	[tilespmem:$0x1F280] =	vst v63  }
0x547: {  	v2 =	vld [tilespmem:s30+$0x180];
	_ =	sdelay $0x1  }
0x548: {  	v3 =	vld [tilespmem:s30+$0x1180];
	_ =	sdelay $0x4  }
0x549: {  	v4 =	vld [tilespmem:s30+$0x2180]  }
0x54a: {  	v5 =	vld.idx.msk [tilespmem:v2+s3+$0x0], $0xffff;
	_ =	sdelay $0x1  }
0x54b: {  	v3 =	vld.idx.msk [tilespmem:v3+s3+$0x0], $0xffff;
	_ =	sdelay $0x2  }
0x54c: {  	v4 =	vmul.f32 v5, v4;
	_ =	sdelay $0x1  }
0x54d: {  	v3 =	vmul.f32 v3, v4;
	_ =	sdelay $0x1  }
0x54e: {  	v2 =	vadd.s32 v0, v2;
	v3 =	vsub.f32 $0.0e+00, v3  }
0x54f: {  	[tilespmem:$0xB100] =	vst v2  }
0x550: {  	[tilespmem:$0xB200] =	vst v3  }
0x551: {  	v2 =	vld [tilespmem:s30+$0x190];
	_ =	sdelay $0x1  }
0x552: {  	v3 =	vld [tilespmem:s30+$0x1190];
	_ =	sdelay $0x4  }
0x553: {  	v56 =	vld [tilespmem:s30+$0x2190]  }
0x554: {  	v57 =	vld.idx.msk [tilespmem:v2+s3+$0x0], $0xffff;
	_ =	sdelay $0x1  }
0x555: {  	v3 =	vld.idx.msk [tilespmem:v3+s3+$0x0], $0xffff;
	_ =	sdelay $0x2  }
0x556: {  	v4 =	vmul.f32 v57, v56;
	_ =	sdelay $0x1  }
0x557: {  	v3 =	vmul.f32 v3, v4;
	_ =	sdelay $0x1  }
0x558: {  	v2 =	vadd.s32 v0, v2;
	v3 =	vsub.f32 $0.0e+00, v3  }
0x559: {  	[tilespmem:$0xB110] =	vst v2  }
0x55a: {  	[tilespmem:$0xB210] =	vst v3  }
0x55b: {  	v2 =	vld [tilespmem:s30+$0x1A0];
	_ =	sdelay $0x1  }
0x55c: {  	v3 =	vld [tilespmem:s30+$0x11A0];
	_ =	sdelay $0x4  }
0x55d: {  	v58 =	vld [tilespmem:s30+$0x21A0]  }
0x55e: {  	v59 =	vld.idx.msk [tilespmem:v2+s3+$0x0], $0xffff;
	_ =	sdelay $0x1  }
0x55f: {  	v3 =	vld.idx.msk [tilespmem:v3+s3+$0x0], $0xffff;
	_ =	sdelay $0x2  }
0x560: {  	v4 =	vmul.f32 v59, v58;
	_ =	sdelay $0x1  }
0x561: {  	v3 =	vmul.f32 v3, v4;
	_ =	sdelay $0x1  }
0x562: {  	v2 =	vadd.s32 v0, v2;
	v3 =	vsub.f32 $0.0e+00, v3  }
0x563: {  	[tilespmem:$0xB120] =	vst v2  }
0x564: {  	[tilespmem:$0xB220] =	vst v3  }
0x565: {  	v2 =	vld [tilespmem:s30+$0x1B0];
	_ =	sdelay $0x1  }
0x566: {  	v3 =	vld [tilespmem:s30+$0x11B0];
	_ =	sdelay $0x4  }
0x567: {  	v60 =	vld [tilespmem:s30+$0x21B0]  }
0x568: {  	v61 =	vld.idx.msk [tilespmem:v2+s3+$0x0], $0xffff;
	_ =	sdelay $0x1  }
0x569: {  	v3 =	vld.idx.msk [tilespmem:v3+s3+$0x0], $0xffff;
	_ =	sdelay $0x2  }
0x56a: {  	v4 =	vmul.f32 v61, v60;
	_ =	sdelay $0x1  }
0x56b: {  	v3 =	vmul.f32 v3, v4;
	_ =	sdelay $0x1  }
0x56c: {  	v2 =	vadd.s32 v0, v2;
	v3 =	vsub.f32 $0.0e+00, v3  }
0x56d: {  	[tilespmem:$0xB130] =	vst v2  }
0x56e: {  	[tilespmem:$0xB230] =	vst v3  }
0x56f: {  	v2 =	vld [tilespmem:s30+$0x1C0];
	_ =	sdelay $0x1  }
0x570: {  	v3 =	vld [tilespmem:s30+$0x11C0];
	_ =	sdelay $0x4  }
0x571: {  	v62 =	vld [tilespmem:s30+$0x21C0]  }
0x572: {  	v63 =	vld.idx.msk [tilespmem:v2+s3+$0x0], $0xffff;
	_ =	sdelay $0x1  }
0x573: {  	v3 =	vld.idx.msk [tilespmem:v3+s3+$0x0], $0xffff;
	_ =	sdelay $0x2  }
0x574: {  	v4 =	vmul.f32 v63, v62;
	_ =	sdelay $0x1  }
0x575: {  	v3 =	vmul.f32 v3, v4;
	_ =	sdelay $0x1  }
0x576: {  	v2 =	vadd.s32 v0, v2;
	v3 =	vsub.f32 $0.0e+00, v3  }
0x577: {  	[tilespmem:$0xB140] =	vst v2  }
.Ltmp12:
0x578: {  	[tilespmem:$0xB240] =	vst v3;
	(pc) =	sbr.rel .LBB2_21-.Ltmp12, $4  }
0x579: {  	_ =	swait.ge [sflag:s22], $0x2800  }
0x57a: {  	[sflag:s22] =	ssyncset.done $0x0  }
0x57b: {  	s29 =	sadd.s32 $0x1, s29;
	[sflag:s22] =	ssyncadd.s32 $0xFFFFD800  }
0x57c: {  	[tilespmem:s14], [sflag:$0x3] =	stream.indirect.gather [hbm4b:s5+s16], $0x80, s18, s16, $0xb8;
	[tilespmem:$0x1F280] =	vst v63  }
.LBB2_27:
0x57d: {  	s4 =	simm.s32 $0x0  }
0x57e: {  	s11 =	simm.s32 $0x2;
	v2 =	vmov s4  }
0x57f: {  	_ =	swait.ge [sflag:s20], $0x2800;
	v3 =	vmov s11;
	v2 =	vand.u32 $0xFFFFFFFC, v2  }
0x580: {  	[sflag:s20] =	ssyncset.done $0x0;
	v3 =	vand.u32 $0xFFFFFFFE, v3;
	v2 =	vbroadcast v2, $0x0  }
0x581: {  	s10 =	simm.s32 $0x6100;
	[sflag:s20] =	ssyncadd.s32 $0xFFFFD800;
	v3 =	vbroadcast v3, $0x0  }
0x582: {  	v5 =	vld [tilespmem:s10+$0x70]  }
0x583: {  	v6 =	vld [tilespmem:s10+$0xFFFFFF00]  }
0x584: {  	s12 =	simm.s32 $0x1;
	v7 =	vld [tilespmem:s10+$0xFFFFFF10]  }
0x585: {  	v4 =	vmov s12;
	v8 =	vld [tilespmem:s10+$0xFFFFFF20]  }
0x586: {  	v4 =	vand.u32 $0xFFFFFFFD, v4;
	v2 =	vld.idx.msk [tilespmem:v2+s21+$0x0], $0xffff  }
0x587: {  	v4 =	vbroadcast v4, $0x0;
	v3 =	vld.idx.msk [tilespmem:v3+s21+$0x0], $0xffff  }
0x588: {  	v9 =	vld [tilespmem:s10+$0xFFFFFF30]  }
0x589: {  	v10 =	vld [tilespmem:s10+$0xFFFFFF40]  }
0x58a: {  	v11 =	vld [tilespmem:s10+$0xFFFFFF50]  }
0x58b: {  	v12 =	vld [tilespmem:s10+$0xFFFFFF60];
	v6 =	vmul.f32 v6, v2  }
0x58c: {  	v14 =	vld [tilespmem:s10+$0x40];
	v5 =	vmul.f32 v5, v3  }
0x58d: {  	v4 =	vld.idx.msk [tilespmem:v4+s21+$0x0], $0xffff;
	[tilespmem:s10+$0xFFFFFF00] =	vst v6;
	v6 =	vmul.f32 v7, v2  }
0x58e: {  	v7 =	vld [tilespmem:s10+$0xFFFFFF70];
	[tilespmem:s10+$0x70] =	vst v5;
	v5 =	vmul.f32 v8, v2  }
0x58f: {  	v8 =	vld [tilespmem:s10+$0xFFFFFF80];
	[tilespmem:s10+$0xFFFFFF10] =	vst v6;
	v6 =	vmul.f32 v9, v2  }
0x590: {  	v9 =	vld [tilespmem:s10+$0xFFFFFF90];
	[tilespmem:s10+$0xFFFFFF20] =	vst v5;
	v5 =	vmul.f32 v10, v2  }
0x591: {  	v10 =	vld [tilespmem:s10+$0xFFFFFFA0];
	[tilespmem:s10+$0xFFFFFF30] =	vst v6;
	v6 =	vmul.f32 v11, v2  }
0x592: {  	v11 =	vld [tilespmem:s10+$0xFFFFFFB0];
	[tilespmem:s10+$0xFFFFFF40] =	vst v5;
	v5 =	vmul.f32 v12, v2  }
0x593: {  	v12 =	vld [tilespmem:s10+$0xFFFFFFC0];
	v7 =	vmul.f32 v7, v2;
	[tilespmem:s10+$0xFFFFFF50] =	vst v6  }
0x594: {  	v6 =	vmul.f32 v8, v4;
	v8 =	vld [tilespmem:s10+$0xFFFFFFD0];
	[tilespmem:s10+$0xFFFFFF60] =	vst v5  }
0x595: {  	s19 =	simm.s32 $0x3;
	v5 =	vld [tilespmem:s10+$0xFFFFFFE0];
	v9 =	vmul.f32 v9, v4;
	[tilespmem:s10+$0xFFFFFF70] =	vst v7  }
0x596: {  	v13 =	vmov s19;
	v7 =	vld [tilespmem:s10+$0xFFFFFFF0];
	[tilespmem:s10+$0xFFFFFF80] =	vst v6;
	v6 =	vmul.f32 v10, v4  }
0x597: {  	v10 =	vld [tilespmem:s10+$0x0];
	[tilespmem:s10+$0xFFFFFF90] =	vst v9;
	v9 =	vmul.f32 v11, v4  }
0x598: {  	v11 =	vld [tilespmem:s10+$0x10];
	[tilespmem:s10+$0xFFFFFFA0] =	vst v6;
	v6 =	vmul.f32 v12, v4  }
0x599: {  	[tilespmem:s10+$0xFFFFFFB0] =	vst v9;
	v8 =	vmul.f32 v8, v4;
	v9 =	vld [tilespmem:s10+$0x20]  }
0x59a: {  	v12 =	vld [tilespmem:s10+$0x30];
	v5 =	vmul.f32 v5, v4;
	[tilespmem:s10+$0xFFFFFFC0] =	vst v6  }
0x59b: {  	v2 =	vld.idx.msk [tilespmem:v13+s21+$0x0], $0xffff;
	v4 =	vmul.f32 v7, v4;
	[tilespmem:s10+$0xFFFFFFD0] =	vst v8  }
0x59c: {  	[tilespmem:s10+$0xFFFFFFE0] =	vst v5;
	v6 =	vmul.f32 v10, v3;
	v5 =	vld [tilespmem:s10+$0x50]  }
0x59d: {  	s29 =	simm.s32 $0x4;
	[tilespmem:s10+$0xFFFFFFF0] =	vst v4;
	v7 =	vmul.f32 v11, v3;
	v4 =	vld [tilespmem:s10+$0x60]  }
0x59e: {  	s30 =	simm.s32 $0x7;
	v8 =	vmov s29;
	[tilespmem:s10+$0x0] =	vst v6;
	v10 =	vmul.f32 v9, v3;
	v9 =	vld [tilespmem:s10+$0x80]  }
0x59f: {  	s8 =	simm.s32 $0x5;
	v13 =	vand.u32 $0xFFFFFFFC, v8;
	v8 =	vld [tilespmem:s10+$0x90];
	v6 =	vmov s30;
	v11 =	vmul.f32 v12, v3;
	[tilespmem:s10+$0x10] =	vst v7  }
0x5a0: {  	s12 =	simm.s32 $0x8;
	s11 =	simm.s32 $0x6100;
	v12 =	vmul.f32 v14, v3;
	v7 =	vbroadcast v13, $0x0;
	v13 =	vmov s8;
	s8 =	simm.s32 $0x6;
	[tilespmem:s10+$0x20] =	vst v10;
	v10 =	vld [tilespmem:s10+$0xA0]  }
.LBB2_28:
0x5a1: {  	p0 =	slt.u32 s12, $0x4C;
	v13 =	vand.u32 $0xFFFFFFFD, v13;
	v14 =	vmov s8;
	[tilespmem:s10+$0x30] =	vst v11;
	v5 =	vmul.f32 v5, v3;
	v11 =	vld [tilespmem:s10+$0xB0]  }
0x5a2: {  	v13 =	vbroadcast v13, $0x0;
	v14 =	vand.u32 $0xFFFFFFFE, v14;
	[tilespmem:s10+$0x40] =	vst v12;
	v3 =	vmul.f32 v4, v3;
	v4 =	vld [tilespmem:s10+$0xC0]  }
0x5a3: {  	v12 =	vbroadcast v14, $0x0;
	[tilespmem:s10+$0x50] =	vst v5;
	v5 =	vmul.f32 v9, v2;
	v9 =	vld [tilespmem:s10+$0xD0]  }
0x5a4: {  	[tilespmem:s10+$0x60] =	vst v3;
	v3 =	vmul.f32 v8, v2;
	v8 =	vld [tilespmem:s10+$0xE0]  }
0x5a5: {  	[tilespmem:s10+$0x80] =	vst v5;
	v5 =	vmul.f32 v10, v2;
	v10 =	vld [tilespmem:s10+$0xF0]  }
0x5a6: {  	v6 =	vld.idx.msk [tilespmem:v6+s21+$0x0], $0xffff;
	[tilespmem:s10+$0x90] =	vst v3;
	v3 =	vmul.f32 v11, v2  }
0x5a7: {  	v7 =	vld.idx.msk [tilespmem:v7+s21+$0x0], $0xffff;
	[tilespmem:s10+$0xA0] =	vst v5;
	v4 =	vmul.f32 v4, v2  }
0x5a8: {  	v5 =	vld.idx.msk [tilespmem:v13+s21+$0x0], $0xffff;
	[tilespmem:s10+$0xB0] =	vst v3;
	v9 =	vmul.f32 v9, v2  }
0x5a9: {  	s10 =	sadd.s32 $0x200, s10;
	v3 =	vld.idx.msk [tilespmem:v12+s21+$0x0], $0xffff;
	[tilespmem:s11+$0xC0] =	vst v4;
	v4 =	vmul.f32 v8, v2  }
0x5aa: {  	v8 =	vld [tilespmem:s10+$0x70];
	[tilespmem:s11+$0xD0] =	vst v9;
	v10 =	vmul.f32 v10, v2  }
0x5ab: {  	v9 =	vld [tilespmem:s10+$0xFFFFFF00];
	[tilespmem:s11+$0xE0] =	vst v4  }
0x5ac: {  	v2 =	vmov v6;
	v4 =	vld [tilespmem:s10+$0xFFFFFF10];
	[tilespmem:s11+$0xF0] =	vst v10;
	s11 =	smov.u32 s10  }
0x5ad: {  	v6 =	vld [tilespmem:s10+$0xFFFFFF20]  }
0x5ae: {  	v10 =	vld [tilespmem:s10+$0xFFFFFF30]  }
0x5af: {  	v11 =	vld [tilespmem:s10+$0xFFFFFF40];
	v8 =	vmul.f32 v8, v3  }
0x5b0: {  	v9 =	vmul.f32 v9, v7;
	v12 =	vld [tilespmem:s10+$0xFFFFFF50]  }
0x5b1: {  	v4 =	vmul.f32 v4, v7;
	v13 =	vld [tilespmem:s10+$0xFFFFFF60];
	[tilespmem:s10+$0x70] =	vst v8  }
0x5b2: {  	[tilespmem:s10+$0xFFFFFF00] =	vst v9;
	v6 =	vmul.f32 v6, v7;
	v8 =	vld [tilespmem:s10+$0xFFFFFF70]  }
0x5b3: {  	[tilespmem:s10+$0xFFFFFF10] =	vst v4;
	v4 =	vmul.f32 v10, v7;
	v9 =	vld [tilespmem:s10+$0xFFFFFF80]  }
0x5b4: {  	[tilespmem:s10+$0xFFFFFF20] =	vst v6;
	v6 =	vmul.f32 v11, v7;
	v10 =	vld [tilespmem:s10+$0xFFFFFF90]  }
0x5b5: {  	[tilespmem:s10+$0xFFFFFF30] =	vst v4;
	v4 =	vmul.f32 v12, v7;
	v11 =	vld [tilespmem:s10+$0xFFFFFFA0]  }
0x5b6: {  	[tilespmem:s10+$0xFFFFFF40] =	vst v6;
	v6 =	vmul.f32 v13, v7;
	v12 =	vld [tilespmem:s10+$0xFFFFFFB0]  }
0x5b7: {  	[tilespmem:s10+$0xFFFFFF50] =	vst v4;
	v4 =	vmul.f32 v8, v7;
	v7 =	vld [tilespmem:s10+$0xFFFFFFC0]  }
0x5b8: {  	[tilespmem:s10+$0xFFFFFF60] =	vst v6;
	v6 =	vmul.f32 v9, v5;
	v8 =	vld [tilespmem:s10+$0xFFFFFFD0]  }
0x5b9: {  	[tilespmem:s10+$0xFFFFFF70] =	vst v4;
	v4 =	vmul.f32 v10, v5;
	v9 =	vld [tilespmem:s10+$0xFFFFFFE0]  }
0x5ba: {  	[tilespmem:s10+$0xFFFFFF80] =	vst v6;
	v6 =	vmul.f32 v11, v5;
	v10 =	vld [tilespmem:s10+$0xFFFFFFF0]  }
0x5bb: {  	[tilespmem:s10+$0xFFFFFF90] =	vst v4;
	v4 =	vmul.f32 v12, v5;
	v11 =	vld [tilespmem:s10+$0x0]  }
0x5bc: {  	[tilespmem:s10+$0xFFFFFFA0] =	vst v6;
	v6 =	vmul.f32 v7, v5;
	v7 =	vld [tilespmem:s10+$0x10]  }
0x5bd: {  	[tilespmem:s10+$0xFFFFFFB0] =	vst v4;
	v4 =	vmul.f32 v8, v5;
	v8 =	vld [tilespmem:s10+$0x20]  }
0x5be: {  	[tilespmem:s10+$0xFFFFFFC0] =	vst v6;
	v6 =	vmul.f32 v9, v5;
	v12 =	vld [tilespmem:s10+$0x30]  }
0x5bf: {  	[tilespmem:s10+$0xFFFFFFD0] =	vst v4;
	v4 =	vmul.f32 v10, v5;
	v10 =	vld [tilespmem:s10+$0x40]  }
.Ltmp13:
0x5c0: {  	[tilespmem:s10+$0xFFFFFFE0] =	vst v6;
	v6 =	vmul.f32 v11, v3;
	v5 =	vld [tilespmem:s10+$0x50];
	(pc) =	sbr.rel @p0 .LBB2_28-.Ltmp13, $4  }
0x5c1: {  	[tilespmem:s10+$0xFFFFFFF0] =	vst v4;
	v7 =	vmul.f32 v7, v3;
	v4 =	vld [tilespmem:s10+$0x60]  }
0x5c2: {  	s4 =	sadd.s32 $0x3, s12;
	v11 =	vmov s12;
	[tilespmem:s10+$0x0] =	vst v6;
	v14 =	vmul.f32 v8, v3;
	v9 =	vld [tilespmem:s10+$0x80]  }
0x5c3: {  	s8 =	sadd.s32 $0x1, s12;
	v13 =	vand.u32 $0xFFFFFFFC, v11;
	v6 =	vmov s4;
	[tilespmem:s10+$0x10] =	vst v7;
	v11 =	vmul.f32 v12, v3;
	v8 =	vld [tilespmem:s10+$0x90]  }
0x5c4: {  	v7 =	vbroadcast v13, $0x0;
	v13 =	vmov s8;
	s8 =	sadd.s32 $0x2, s12;
	s12 =	sadd.s32 $0x4, s12;
	[tilespmem:s10+$0x20] =	vst v14;
	v12 =	vmul.f32 v10, v3;
	v10 =	vld [tilespmem:s10+$0xA0]  }
0x5c5: {  	v14 =	vld [tilespmem:s10+$0xB0]  }
0x5c6: {  	v16 =	vld [tilespmem:s10+$0xC0]  }
0x5c7: {  	v17 =	vld [tilespmem:s10+$0xD0]  }
0x5c8: {  	v18 =	vld [tilespmem:s10+$0xE0]  }
0x5c9: {  	v24 =	vld [tilespmem:s10+$0xF0];
	[tilespmem:s10+$0x30] =	vst v11;
	v5 =	vmul.f32 v5, v3  }
0x5ca: {  	v6 =	vld.idx.msk [tilespmem:v6+s21+$0x0], $0xffff;
	[tilespmem:s10+$0x40] =	vst v12;
	v3 =	vmul.f32 v4, v3  }
0x5cb: {  	s12 =	sadd.s32 $0x200, s10;
	v25 =	vld.idx.msk [tilespmem:v7+s21+$0x0], $0xffff;
	v9 =	vmul.f32 v9, v2;
	[tilespmem:s10+$0x50] =	vst v5  }
0x5cc: {  	v30 =	vld [tilespmem:s12+$0x70];
	v26 =	vmul.f32 v8, v2;
	[tilespmem:s10+$0x60] =	vst v3  }
0x5cd: {  	v31 =	vld [tilespmem:s12+$0xFFFFFF00];
	[tilespmem:s10+$0x80] =	vst v9;
	v3 =	vmul.f32 v10, v2  }
0x5ce: {  	v15 =	vmov s8;
	v33 =	vld [tilespmem:s12+$0xFFFFFF10];
	[tilespmem:s10+$0x90] =	vst v26;
	v29 =	vmul.f32 v14, v2  }
0x5cf: {  	v15 =	vand.u32 $0xFFFFFFFE, v15;
	v34 =	vld [tilespmem:s12+$0xFFFFFF20];
	[tilespmem:s10+$0xA0] =	vst v3;
	v3 =	vmul.f32 v16, v2  }
0x5d0: {  	v13 =	vand.u32 $0xFFFFFFFD, v13;
	v35 =	vld [tilespmem:s12+$0xFFFFFF30];
	v15 =	vbroadcast v15, $0x0;
	v32 =	vmul.f32 v17, v2;
	[tilespmem:s10+$0xB0] =	vst v29  }
0x5d1: {  	v13 =	vbroadcast v13, $0x0;
	v37 =	vld [tilespmem:s12+$0xFFFFFF50];
	[tilespmem:s11+$0xC0] =	vst v3;
	v3 =	vmul.f32 v18, v2  }
0x5d2: {  	v39 =	vld [tilespmem:s12+$0xFFFFFF60];
	[tilespmem:s11+$0xD0] =	vst v32;
	v2 =	vmul.f32 v24, v2  }
0x5d3: {  	v38 =	vmul.f32 v33, v25;
	[tilespmem:s11+$0xE0] =	vst v3;
	v3 =	vld [tilespmem:s12+$0xFFFFFF40]  }
0x5d4: {  	v40 =	vld [tilespmem:s12+$0xFFFFFF70];
	[tilespmem:s11+$0xF0] =	vst v2;
	v2 =	vmul.f32 v31, v25  }
0x5d5: {  	v41 =	vld [tilespmem:s12+$0xFFFFFF80];
	v5 =	vmul.f32 v35, v25;
	[tilespmem:s12+$0xFFFFFF10] =	vst v38  }
0x5d6: {  	v28 =	vld.idx.msk [tilespmem:v15+s21+$0x0], $0xffff;
	[tilespmem:s12+$0xFFFFFF00] =	vst v2;
	v2 =	vmul.f32 v34, v25  }
0x5d7: {  	v42 =	vmul.f32 v37, v25;
	v27 =	vld.idx.msk [tilespmem:v13+s21+$0x0], $0xffff;
	[tilespmem:s12+$0xFFFFFF30] =	vst v5  }
0x5d8: {  	[tilespmem:s12+$0xFFFFFF20] =	vst v2;
	v2 =	vmul.f32 v3, v25;
	v3 =	vld [tilespmem:s12+$0xFFFFFF90]  }
0x5d9: {  	v43 =	vld [tilespmem:s12+$0xFFFFFFA0];
	v4 =	vmul.f32 v40, v25;
	[tilespmem:s12+$0xFFFFFF50] =	vst v42  }
0x5da: {  	v44 =	vld [tilespmem:s12+$0xFFFFFFB0];
	[tilespmem:s12+$0xFFFFFF40] =	vst v2;
	v2 =	vmul.f32 v39, v25  }
0x5db: {  	v45 =	vld [tilespmem:s12+$0xFFFFFFC0];
	[tilespmem:s12+$0xFFFFFF70] =	vst v4;
	v36 =	vmul.f32 v30, v28  }
0x5dc: {  	v46 =	vld [tilespmem:s12+$0xFFFFFFD0];
	[tilespmem:s12+$0xFFFFFF60] =	vst v2;
	v2 =	vmul.f32 v41, v27  }
0x5dd: {  	v47 =	vld [tilespmem:s12+$0xFFFFFFE0];
	[tilespmem:s12+$0x70] =	vst v36;
	v3 =	vmul.f32 v3, v27  }
0x5de: {  	v48 =	vld [tilespmem:s12+$0xFFFFFFF0];
	[tilespmem:s12+$0xFFFFFF80] =	vst v2;
	v2 =	vmul.f32 v43, v27  }
0x5df: {  	v49 =	vld [tilespmem:s12+$0x0];
	[tilespmem:s12+$0xFFFFFF90] =	vst v3;
	v3 =	vmul.f32 v44, v27  }
0x5e0: {  	v50 =	vld [tilespmem:s12+$0x10];
	[tilespmem:s12+$0xFFFFFFA0] =	vst v2;
	v2 =	vmul.f32 v45, v27  }
0x5e1: {  	v51 =	vld [tilespmem:s12+$0x20];
	[tilespmem:s12+$0xFFFFFFB0] =	vst v3;
	v3 =	vmul.f32 v46, v27  }
0x5e2: {  	v52 =	vld [tilespmem:s12+$0x30];
	[tilespmem:s12+$0xFFFFFFC0] =	vst v2;
	v2 =	vmul.f32 v47, v27  }
0x5e3: {  	v53 =	vld [tilespmem:s12+$0x40];
	[tilespmem:s12+$0xFFFFFFD0] =	vst v3;
	v3 =	vmul.f32 v48, v27  }
0x5e4: {  	v54 =	vld [tilespmem:s12+$0x50];
	[tilespmem:s12+$0xFFFFFFE0] =	vst v2;
	v2 =	vmul.f32 v49, v28  }
0x5e5: {  	v55 =	vld [tilespmem:s12+$0x60];
	[tilespmem:s12+$0xFFFFFFF0] =	vst v3;
	v3 =	vmul.f32 v50, v28  }
0x5e6: {  	v56 =	vld [tilespmem:s12+$0x80];
	[tilespmem:s12+$0x0] =	vst v2;
	v2 =	vmul.f32 v51, v28  }
0x5e7: {  	v57 =	vld [tilespmem:s12+$0x90];
	[tilespmem:s12+$0x10] =	vst v3;
	v3 =	vmul.f32 v52, v28  }
0x5e8: {  	v58 =	vld [tilespmem:s12+$0xA0];
	[tilespmem:s12+$0x20] =	vst v2;
	v2 =	vmul.f32 v53, v28  }
0x5e9: {  	v59 =	vld [tilespmem:s12+$0xB0];
	[tilespmem:s12+$0x30] =	vst v3;
	v3 =	vmul.f32 v54, v28  }
0x5ea: {  	v60 =	vld [tilespmem:s12+$0xC0];
	[tilespmem:s12+$0x40] =	vst v2;
	v2 =	vmul.f32 v55, v28  }
0x5eb: {  	v61 =	vld [tilespmem:s12+$0xD0];
	[tilespmem:s12+$0x50] =	vst v3;
	v3 =	vmul.f32 v56, v6  }
0x5ec: {  	v62 =	vld [tilespmem:s12+$0xE0];
	[tilespmem:s12+$0x60] =	vst v2;
	v2 =	vmul.f32 v57, v6  }
0x5ed: {  	v63 =	vld [tilespmem:s12+$0xF0];
	[tilespmem:s12+$0x80] =	vst v3;
	v3 =	vmul.f32 v58, v6  }
0x5ee: {  	[tilespmem:s12+$0x90] =	vst v2;
	v2 =	vmul.f32 v59, v6  }
0x5ef: {  	[tilespmem:s12+$0xA0] =	vst v3;
	v3 =	vmul.f32 v60, v6  }
0x5f0: {  	[tilespmem:s12+$0xB0] =	vst v2;
	v2 =	vmul.f32 v61, v6  }
0x5f1: {  	[tilespmem:s12+$0xC0] =	vst v3;
	v3 =	vmul.f32 v62, v6  }
0x5f2: {  	[tilespmem:s12+$0xD0] =	vst v2;
	v2 =	vmul.f32 v63, v6  }
0x5f3: {  	[tilespmem:s12+$0xE0] =	vst v3  }
0x5f4: {  	s28 =	sadd.s32 $0x1, s28;
	[tilespmem:s12+$0xF0] =	vst v2  }
0x5f5: {  	[spmem:s2] =	stream.indirect.scatter.add.f32 [tilespmem:s13], [sflag:$0x4], $0x80, s25, s16, $0xb8;
	[tilespmem:$0x1F280] =	vst v63  }
0x5f6: {  	p0 =	sne.s32 s28, $0xA;
	_ =	swait.ge [sflag:s22], $0x2800  }
.Ltmp14:
0x5f7: {  	[sflag:s22] =	ssyncset.done $0x0;
	(pc) =	sbr.rel @p0 .LBB2_20-.Ltmp14, $4  }
0x5f8: {  	[sflag:s22] =	ssyncadd.s32 $0xFFFFD800  }
0x5f9: {  	_ =	swait.ge [sflag:s22], $0x2800  }
0x5fa: {  	[sflag:s22] =	ssyncset.done $0x0  }
0x5fb: {  	[sflag:s22] =	ssyncadd.s32 $0xFFFFD800  }
0x5fc: {  	s4 =	stileid.u32;
	[bflag:$0x0] =	sbarrier.arrive $0xFFFF  }
0x5fd: {  	s4 =	sshll.u32 s4, $0x6;
	s8 =	rddreg [dreg:$0x12]  }
0x5fe: {  	s10 =	rddreg [dreg:$0x16];
	s4 =	sor.u32 $0x1C05, s4;
	s8 =	sshrl.u32 s8, $0x3  }
0x5ff: {  	[hbm:s10], [sflag:s4] =	dma.local [spmem:s8], $0x2800  }
0x600: {  	_ =	swait.ge [sflag:s9], $0x2800  }
0x601: {  	s19 =	rddreg [dreg:$0x6]  }
0x602: {  	s30 =	rddreg [dreg:$0x17];
	s19 =	sadd.s32 $0x1, s19  }
0x603: {  	p0 =	sne.s32 s19, s30  }
.Ltmp15:
0x604: {  	_ = 	snop;
	(pc) =	sbr.rel @p0 .LBB2_1-.Ltmp15, $3  }
0x605: {  	_ =	sdelay $0x1  }
0x606: {  	[sflag:s9] =	ssyncset.done $0x0  }
0x607: {  	[sflag:s9] =	ssyncadd.s32 $0xFFFFD800  }
0x608: {  	_ =	sfence.sel $0x180000  }
0x609: {  	[bflag:$0x0] =	sbarrier.arrive $0xFFFF  }
0x60a: {  	_ =	strace $0x90000047  }
0x60b: {  	s0 =	stileid.u32;
	[bflag:$0x2] =	sbarrier.arrive $0xFFFF  }
0x60c: {  	p0 =	sne.s32 s0, $0x0;
	s0 =	rddreg [dreg:$0x5]  }
0x60d: {  	s0 =	sadd.s32 @!p0 $0x100000, s0  }
0x60e: {  	[sflag:s0] =	ssyncadd.tile.s32 @!p0 $0x1;
	_ =	shalt  }
.Lfunc_end2:
_tile_overlayer_lowered:
.L_overlay_start_2:
0x60f: {  	(tag) =	ssettag $0x2  }
0x610: {  	s0 =	rddreg [dreg:$0x0];
	s2 =	stileid.u32  }
0x611: {  	s1 =	rddreg [dreg:$0x1];
	p0 =	sne.s32 s2, $0x0  }
0x612: {  	s3 =	rddreg [dreg:$0x2];
	[bflag:$0x3] =	sbarrier.arrive $0xFFFF;
	s2 =	simm.s32 @!p0 $0x1C05  }
0x613: {  	[timem:s3], [sflag:s2] =	dma.local @!p0 [hbm:s0], s1  }
0x614: {  	s0 =	simm.s32 @!p0 $0x5  }
0x615: {  	_ =	swait.ge @!p0 [sflag:s0], s1  }
0x616: {  	s1 =	ssub.s32 @!p0 $0x0, s1;
	[sflag:s0] =	ssyncset.done @!p0 $0x0  }
0x617: {  	[sflag:s0] =	ssyncadd.s32 @!p0 s1  }
0x618: {  	[bflag:$0x3] =	sbarrier.arrive $0xFFFF  }
0x619: {  	_ =	shalt  }

</sc_bundles>
